<compile_context>
chip_gen: v7x
topology: tpu7x:2x2x1
jax: 0.10.2.dev20260603
libtpu: 0.0.44.dev20260713+nightly
codegen_flags: <defaults>
</compile_context>

<pallas_src>
import functools

import jax
import jax.numpy as jnp
from jax import lax
from jax.experimental import pallas as pl
from jax.experimental.pallas import tpu as pltpu
from jax.experimental.pallas import tpu_sc as plsc

_BATCH = 1024
_TOTAL = 100000
_CONN = 128
_L = 16
_NW = 32
_BPW = _BATCH // _NW


@functools.lru_cache(maxsize=1)
def _build_sc_call():
    mesh = plsc.VectorSubcoreMesh(core_axis_name="c", subcore_axis_name="s")

    @functools.partial(
        pl.kernel,
        mesh=mesh,
        compiler_params=pltpu.CompilerParams(needs_layout_passes=False),
        out_type=jax.ShapeDtypeStruct((_BATCH,), jnp.float32),
        scratch_types=[
            pltpu.VMEM((_CONN,), jnp.int32),
            pltpu.VMEM((_CONN,), jnp.float32),
            pltpu.VMEM((_L,), jnp.float32),
            pltpu.VMEM((_BPW * _CONN,), jnp.int32),
            pltpu.VMEM((_BPW * _CONN,), jnp.float32),
            pltpu.VMEM((_BPW,), jnp.float32),
            pltpu.SemaphoreType.DMA,
        ],
    )
    def sc_call(act_hbm, w_hbm, params_hbm, idx_hbm, out_hbm,
                idx_v, w_v, params_v, rows_v, buf_v, out_v, sem):
        wid = lax.axis_index("s") * 2 + lax.axis_index("c")
        base = wid * _BPW
        pltpu.sync_copy(idx_hbm, idx_v)
        pltpu.sync_copy(w_hbm, w_v)
        pltpu.sync_copy(params_hbm, params_v)
        for g in range(_CONN // _L):
            col = idx_v[pl.ds(g * _L, _L)]
            for b in range(_BPW):
                rows_v[pl.ds(b * _CONN + g * _L, _L)] = col + (base + b) * _TOTAL
        pltpu.async_copy(act_hbm.at[rows_v], buf_v, sem).wait()
        pv = params_v[pl.ds(0, _L)]
        sens = pv[0]
        thr = pv[1]
        wgs = [w_v[pl.ds(g * _L, _L)] for g in range(_CONN // _L)]
        for grp in range(_BPW // _L):
            sums = []
            for bb in range(_L):
                b = grp * _L + bb
                acc = buf_v[pl.ds(b * _CONN, _L)] * wgs[0]
                for g in range(1, _CONN // _L):
                    acc = acc + buf_v[pl.ds(b * _CONN + g * _L, _L)] * wgs[g]
                sums.append(jnp.sum(acc))
            lanes = lax.iota(jnp.int32, _L)
            z = jnp.zeros((_L,), jnp.float32)
            for bb, s in enumerate(sums):
                z = jnp.where(lanes == bb, s, z)
            z = z * sens - thr
            out_v[pl.ds(grp * _L, _L)] = 1.0 / (1.0 + jnp.exp(-z))
        pltpu.sync_copy(out_v, out_hbm.at[pl.ds(base, _BPW)])

    return sc_call


def kernel(x, all_activations, connection_weights, sensitivity, threshold, connection_indices):
    del x
    act_flat = all_activations.reshape(-1)
    params = jnp.concatenate(
        [sensitivity, threshold, jnp.zeros((_L - 2,), jnp.float32)])
    return _build_sc_call()(act_flat, connection_weights, params, connection_indices)

# --- scband reference (transcript-rebuilt; emitter-appended) ---
"""Pipeline reference for scband-sparse-technical-neuron-28441273434821 (READ-ONLY COPY).

The authoritative reference and input builder live on the scoring server;
editing this copy changes nothing except your own understanding.
"""

import jax, jax.numpy as jnp
import numpy as np

BATCH = 1024
TOTAL_NEURONS = 100000
CONNECTIONS = 128


def setup_inputs(seed: int = 0) -> dict:
    key = jax.random.key(seed)
    k1, k2, k3, k4, k5, k6 = jax.random.split(key, 6)
    x = jax.random.normal(k1, (BATCH, 60, 5), dtype=jnp.float32)
    all_activations = jax.random.normal(k2, (BATCH, TOTAL_NEURONS), dtype=jnp.float32)
    # learned parameters (per SparseTechnicalNeuron.__init__)
    connection_weights = jax.random.normal(k3, (CONNECTIONS,), dtype=jnp.float32) * 0.1
    sensitivity = jax.random.normal(k4, (1,), dtype=jnp.float32) * 0.1 + 1.0
    threshold = jax.random.normal(k5, (1,), dtype=jnp.float32) * 0.1 + 0.6
    # sparse connection indices (set via set_connections in the torch module)
    connection_indices = jax.random.randint(k6, (CONNECTIONS,), 0, TOTAL_NEURONS, dtype=jnp.int32)
    return {
        "x": x,
        "all_activations": all_activations,
        "connection_weights": connection_weights,
        "sensitivity": sensitivity,
        "threshold": threshold,
        "connection_indices": connection_indices,
    }


def reference(x, all_activations, connection_weights, sensitivity, threshold, connection_indices):
    # connected_activations = all_activations[:, self.connection_indices]  (sparse gather)
    connected_activations = jnp.take(all_activations, connection_indices, axis=1)
    # weighted_input = sum(connected * connection_weights, dim=1)
    weighted_input = jnp.sum(connected_activations * connection_weights, axis=1)
    # specialty == 'support_resistance'
    output = jax.nn.sigmoid(weighted_input * sensitivity - threshold)
    return output

if __name__ == "__main__":
    import jax
    _d = setup_inputs()
    print(jax.jit(kernel)(*tuple(_d.values())))

</pallas_src>

<mosaic_0001>
#map = affine_map<(d0, d1) -> (0)>
module attributes {stable_mosaic.version = 14 : i64} {
  func.func @sc_call(%arg0: i32, %arg1: i32, %arg2: memref<102400000xf32, #tpu.memory_space<hbm>>, %arg3: memref<128xf32, #tpu.memory_space<hbm>>, %arg4: memref<16xf32, #tpu.memory_space<hbm>>, %arg5: memref<128xi32, #tpu.memory_space<hbm>>, %arg6: memref<1024xf32, #tpu.memory_space<hbm>>, %arg7: memref<128xi32, #tpu.memory_space<vmem>>, %arg8: memref<128xf32, #tpu.memory_space<vmem>>, %arg9: memref<16xf32, #tpu.memory_space<vmem>>, %arg10: memref<4096xi32, #tpu.memory_space<vmem>>, %arg11: memref<4096xf32, #tpu.memory_space<vmem>>, %arg12: memref<32xf32, #tpu.memory_space<vmem>>, %arg13: memref<!tpu.dma_semaphore, #tpu.memory_space<semaphore_mem>>) attributes {dimension_semantics = [#tpu.dimension_semantics<core_parallel>, #tpu.dimension_semantics<subcore_parallel>], iteration_bounds = array<i64: 2, 16>, scalar_prefetch = 0 : i64, scratch_operands = 7 : i64, tpu.core_type = #tpu.core_type<sc_vector_subcore>, window_params = [{transform_indices = #map}, {transform_indices = #map}, {transform_indices = #map}, {transform_indices = #map}, {transform_indices = #map}]} {
    %mul3A = arith.constant 2 : i32
    %mul3A_0 = arith.muli %arg1, %mul3A : i32
    %add3A = arith.addi %mul3A_0, %arg0 : i32
    %mul3A_1 = arith.constant 32 : i32
    %mul3A_2 = arith.muli %add3A, %mul3A_1 : i32
    "tpu.region"() ({
      %run_scoped3A = tpu.sem_alloc : memref<!tpu.dma_semaphore, #tpu.memory_space<semaphore_mem>>
      tpu.enqueue_dma source(%arg5 : memref<128xi32, #tpu.memory_space<hbm>>) target(%arg7 : memref<128xi32, #tpu.memory_space<vmem>>) target_semaphore(%run_scoped3A : memref<!tpu.dma_semaphore, #tpu.memory_space<semaphore_mem>>)
      tpu.wait_dma2 semaphore(%run_scoped3A : memref<!tpu.dma_semaphore, #tpu.memory_space<semaphore_mem>>) src(%arg5 : memref<128xi32, #tpu.memory_space<hbm>>) dst(%arg7 : memref<128xi32, #tpu.memory_space<vmem>>)
      tpu.yield
    }) : () -> ()
    "tpu.region"() ({
      %run_scoped3A = tpu.sem_alloc : memref<!tpu.dma_semaphore, #tpu.memory_space<semaphore_mem>>
      tpu.enqueue_dma source(%arg3 : memref<128xf32, #tpu.memory_space<hbm>>) target(%arg8 : memref<128xf32, #tpu.memory_space<vmem>>) target_semaphore(%run_scoped3A : memref<!tpu.dma_semaphore, #tpu.memory_space<semaphore_mem>>)
      tpu.wait_dma2 semaphore(%run_scoped3A : memref<!tpu.dma_semaphore, #tpu.memory_space<semaphore_mem>>) src(%arg3 : memref<128xf32, #tpu.memory_space<hbm>>) dst(%arg8 : memref<128xf32, #tpu.memory_space<vmem>>)
      tpu.yield
    }) : () -> ()
    "tpu.region"() ({
      %run_scoped3A = tpu.sem_alloc : memref<!tpu.dma_semaphore, #tpu.memory_space<semaphore_mem>>
      tpu.enqueue_dma source(%arg4 : memref<16xf32, #tpu.memory_space<hbm>>) target(%arg9 : memref<16xf32, #tpu.memory_space<vmem>>) target_semaphore(%run_scoped3A : memref<!tpu.dma_semaphore, #tpu.memory_space<semaphore_mem>>)
      tpu.wait_dma2 semaphore(%run_scoped3A : memref<!tpu.dma_semaphore, #tpu.memory_space<semaphore_mem>>) src(%arg4 : memref<16xf32, #tpu.memory_space<hbm>>) dst(%arg9 : memref<16xf32, #tpu.memory_space<vmem>>)
      tpu.yield
    }) : () -> ()
    %get3A = arith.constant 0 : index
    %get3A_3 = tpu.vector_load %arg7[%get3A] {strides = array<i32>} : memref<128xi32, #tpu.memory_space<vmem>>, vector<16xi32>,
    %add3A_4 = arith.constant 0 : i32
    %add3A_5 = arith.addi %mul3A_2, %add3A_4 : i32
    %mul3A_6 = arith.constant 100000 : i32
    %mul3A_7 = arith.muli %add3A_5, %mul3A_6 : i32
    %add3A_8 = vector.broadcast %mul3A_7 : i32 to vector<16xi32>
    %add3A_9 = arith.addi %get3A_3, %add3A_8 : vector<16xi32>
    %swap3A = arith.constant 0 : index
    %swap3A_10 = tpu.vector_load %arg10[%swap3A] {strides = array<i32>} : memref<4096xi32, #tpu.memory_space<vmem>>, vector<16xi32>,
    tpu.vector_store %arg10[%swap3A], %add3A_9 {strides = array<i32>} : memref<4096xi32, #tpu.memory_space<vmem>>, vector<16xi32>,
    %add3A_11 = arith.constant 1 : i32
    %add3A_12 = arith.addi %mul3A_2, %add3A_11 : i32
    %mul3A_13 = arith.constant 100000 : i32
    %mul3A_14 = arith.muli %add3A_12, %mul3A_13 : i32
    %add3A_15 = vector.broadcast %mul3A_14 : i32 to vector<16xi32>
    %add3A_16 = arith.addi %get3A_3, %add3A_15 : vector<16xi32>
    %swap3A_17 = arith.constant 128 : index
    %swap3A_18 = tpu.vector_load %arg10[%swap3A_17] {strides = array<i32>} : memref<4096xi32, #tpu.memory_space<vmem>>, vector<16xi32>,
    tpu.vector_store %arg10[%swap3A_17], %add3A_16 {strides = array<i32>} : memref<4096xi32, #tpu.memory_space<vmem>>, vector<16xi32>,
    %add3A_19 = arith.constant 2 : i32
    %add3A_20 = arith.addi %mul3A_2, %add3A_19 : i32
    %mul3A_21 = arith.constant 100000 : i32
    %mul3A_22 = arith.muli %add3A_20, %mul3A_21 : i32
    %add3A_23 = vector.broadcast %mul3A_22 : i32 to vector<16xi32>
    %add3A_24 = arith.addi %get3A_3, %add3A_23 : vector<16xi32>
    %swap3A_25 = arith.constant 256 : index
    %swap3A_26 = tpu.vector_load %arg10[%swap3A_25] {strides = array<i32>} : memref<4096xi32, #tpu.memory_space<vmem>>, vector<16xi32>,
    tpu.vector_store %arg10[%swap3A_25], %add3A_24 {strides = array<i32>} : memref<4096xi32, #tpu.memory_space<vmem>>, vector<16xi32>,
    %add3A_27 = arith.constant 3 : i32
    %add3A_28 = arith.addi %mul3A_2, %add3A_27 : i32
    %mul3A_29 = arith.constant 100000 : i32
    %mul3A_30 = arith.muli %add3A_28, %mul3A_29 : i32
    %add3A_31 = vector.broadcast %mul3A_30 : i32 to vector<16xi32>
    %add3A_32 = arith.addi %get3A_3, %add3A_31 : vector<16xi32>
    %swap3A_33 = arith.constant 384 : index
    %swap3A_34 = tpu.vector_load %arg10[%swap3A_33] {strides = array<i32>} : memref<4096xi32, #tpu.memory_space<vmem>>, vector<16xi32>,
    tpu.vector_store %arg10[%swap3A_33], %add3A_32 {strides = array<i32>} : memref<4096xi32, #tpu.memory_space<vmem>>, vector<16xi32>,
    %add3A_35 = arith.constant 4 : i32
    %add3A_36 = arith.addi %mul3A_2, %add3A_35 : i32
    %mul3A_37 = arith.constant 100000 : i32
    %mul3A_38 = arith.muli %add3A_36, %mul3A_37 : i32
    %add3A_39 = vector.broadcast %mul3A_38 : i32 to vector<16xi32>
    %add3A_40 = arith.addi %get3A_3, %add3A_39 : vector<16xi32>
    %swap3A_41 = arith.constant 512 : index
    %swap3A_42 = tpu.vector_load %arg10[%swap3A_41] {strides = array<i32>} : memref<4096xi32, #tpu.memory_space<vmem>>, vector<16xi32>,
    tpu.vector_store %arg10[%swap3A_41], %add3A_40 {strides = array<i32>} : memref<4096xi32, #tpu.memory_space<vmem>>, vector<16xi32>,
    %add3A_43 = arith.constant 5 : i32
    %add3A_44 = arith.addi %mul3A_2, %add3A_43 : i32
    %mul3A_45 = arith.constant 100000 : i32
    %mul3A_46 = arith.muli %add3A_44, %mul3A_45 : i32
    %add3A_47 = vector.broadcast %mul3A_46 : i32 to vector<16xi32>
    %add3A_48 = arith.addi %get3A_3, %add3A_47 : vector<16xi32>
    %swap3A_49 = arith.constant 640 : index
    %swap3A_50 = tpu.vector_load %arg10[%swap3A_49] {strides = array<i32>} : memref<4096xi32, #tpu.memory_space<vmem>>, vector<16xi32>,
    tpu.vector_store %arg10[%swap3A_49], %add3A_48 {strides = array<i32>} : memref<4096xi32, #tpu.memory_space<vmem>>, vector<16xi32>,
    %add3A_51 = arith.constant 6 : i32
    %add3A_52 = arith.addi %mul3A_2, %add3A_51 : i32
    %mul3A_53 = arith.constant 100000 : i32
    %mul3A_54 = arith.muli %add3A_52, %mul3A_53 : i32
    %add3A_55 = vector.broadcast %mul3A_54 : i32 to vector<16xi32>
    %add3A_56 = arith.addi %get3A_3, %add3A_55 : vector<16xi32>
    %swap3A_57 = arith.constant 768 : index
    %swap3A_58 = tpu.vector_load %arg10[%swap3A_57] {strides = array<i32>} : memref<4096xi32, #tpu.memory_space<vmem>>, vector<16xi32>,
    tpu.vector_store %arg10[%swap3A_57], %add3A_56 {strides = array<i32>} : memref<4096xi32, #tpu.memory_space<vmem>>, vector<16xi32>,
    %add3A_59 = arith.constant 7 : i32
    %add3A_60 = arith.addi %mul3A_2, %add3A_59 : i32
    %mul3A_61 = arith.constant 100000 : i32
    %mul3A_62 = arith.muli %add3A_60, %mul3A_61 : i32
    %add3A_63 = vector.broadcast %mul3A_62 : i32 to vector<16xi32>
    %add3A_64 = arith.addi %get3A_3, %add3A_63 : vector<16xi32>
    %swap3A_65 = arith.constant 896 : index
    %swap3A_66 = tpu.vector_load %arg10[%swap3A_65] {strides = array<i32>} : memref<4096xi32, #tpu.memory_space<vmem>>, vector<16xi32>,
    tpu.vector_store %arg10[%swap3A_65], %add3A_64 {strides = array<i32>} : memref<4096xi32, #tpu.memory_space<vmem>>, vector<16xi32>,
    %add3A_67 = arith.constant 8 : i32
    %add3A_68 = arith.addi %mul3A_2, %add3A_67 : i32
    %mul3A_69 = arith.constant 100000 : i32
    %mul3A_70 = arith.muli %add3A_68, %mul3A_69 : i32
    %add3A_71 = vector.broadcast %mul3A_70 : i32 to vector<16xi32>
    %add3A_72 = arith.addi %get3A_3, %add3A_71 : vector<16xi32>
    %swap3A_73 = arith.constant 1024 : index
    %swap3A_74 = tpu.vector_load %arg10[%swap3A_73] {strides = array<i32>} : memref<4096xi32, #tpu.memory_space<vmem>>, vector<16xi32>,
    tpu.vector_store %arg10[%swap3A_73], %add3A_72 {strides = array<i32>} : memref<4096xi32, #tpu.memory_space<vmem>>, vector<16xi32>,
    %add3A_75 = arith.constant 9 : i32
    %add3A_76 = arith.addi %mul3A_2, %add3A_75 : i32
    %mul3A_77 = arith.constant 100000 : i32
    %mul3A_78 = arith.muli %add3A_76, %mul3A_77 : i32
    %add3A_79 = vector.broadcast %mul3A_78 : i32 to vector<16xi32>
    %add3A_80 = arith.addi %get3A_3, %add3A_79 : vector<16xi32>
    %swap3A_81 = arith.constant 1152 : index
    %swap3A_82 = tpu.vector_load %arg10[%swap3A_81] {strides = array<i32>} : memref<4096xi32, #tpu.memory_space<vmem>>, vector<16xi32>,
    tpu.vector_store %arg10[%swap3A_81], %add3A_80 {strides = array<i32>} : memref<4096xi32, #tpu.memory_space<vmem>>, vector<16xi32>,
    %add3A_83 = arith.constant 10 : i32
    %add3A_84 = arith.addi %mul3A_2, %add3A_83 : i32
    %mul3A_85 = arith.constant 100000 : i32
    %mul3A_86 = arith.muli %add3A_84, %mul3A_85 : i32
    %add3A_87 = vector.broadcast %mul3A_86 : i32 to vector<16xi32>
    %add3A_88 = arith.addi %get3A_3, %add3A_87 : vector<16xi32>
    %swap3A_89 = arith.constant 1280 : index
    %swap3A_90 = tpu.vector_load %arg10[%swap3A_89] {strides = array<i32>} : memref<4096xi32, #tpu.memory_space<vmem>>, vector<16xi32>,
    tpu.vector_store %arg10[%swap3A_89], %add3A_88 {strides = array<i32>} : memref<4096xi32, #tpu.memory_space<vmem>>, vector<16xi32>,
    %add3A_91 = arith.constant 11 : i32
    %add3A_92 = arith.addi %mul3A_2, %add3A_91 : i32
    %mul3A_93 = arith.constant 100000 : i32
    %mul3A_94 = arith.muli %add3A_92, %mul3A_93 : i32
    %add3A_95 = vector.broadcast %mul3A_94 : i32 to vector<16xi32>
    %add3A_96 = arith.addi %get3A_3, %add3A_95 : vector<16xi32>
    %swap3A_97 = arith.constant 1408 : index
    %swap3A_98 = tpu.vector_load %arg10[%swap3A_97] {strides = array<i32>} : memref<4096xi32, #tpu.memory_space<vmem>>, vector<16xi32>,
    tpu.vector_store %arg10[%swap3A_97], %add3A_96 {strides = array<i32>} : memref<4096xi32, #tpu.memory_space<vmem>>, vector<16xi32>,
    %add3A_99 = arith.constant 12 : i32
    %add3A_100 = arith.addi %mul3A_2, %add3A_99 : i32
    %mul3A_101 = arith.constant 100000 : i32
    %mul3A_102 = arith.muli %add3A_100, %mul3A_101 : i32
    %add3A_103 = vector.broadcast %mul3A_102 : i32 to vector<16xi32>
    %add3A_104 = arith.addi %get3A_3, %add3A_103 : vector<16xi32>
    %swap3A_105 = arith.constant 1536 : index
    %swap3A_106 = tpu.vector_load %arg10[%swap3A_105] {strides = array<i32>} : memref<4096xi32, #tpu.memory_space<vmem>>, vector<16xi32>,
    tpu.vector_store %arg10[%swap3A_105], %add3A_104 {strides = array<i32>} : memref<4096xi32, #tpu.memory_space<vmem>>, vector<16xi32>,
    %add3A_107 = arith.constant 13 : i32
    %add3A_108 = arith.addi %mul3A_2, %add3A_107 : i32
    %mul3A_109 = arith.constant 100000 : i32
    %mul3A_110 = arith.muli %add3A_108, %mul3A_109 : i32
    %add3A_111 = vector.broadcast %mul3A_110 : i32 to vector<16xi32>
    %add3A_112 = arith.addi %get3A_3, %add3A_111 : vector<16xi32>
    %swap3A_113 = arith.constant 1664 : index
    %swap3A_114 = tpu.vector_load %arg10[%swap3A_113] {strides = array<i32>} : memref<4096xi32, #tpu.memory_space<vmem>>, vector<16xi32>,
    tpu.vector_store %arg10[%swap3A_113], %add3A_112 {strides = array<i32>} : memref<4096xi32, #tpu.memory_space<vmem>>, vector<16xi32>,
    %add3A_115 = arith.constant 14 : i32
    %add3A_116 = arith.addi %mul3A_2, %add3A_115 : i32
    %mul3A_117 = arith.constant 100000 : i32
    %mul3A_118 = arith.muli %add3A_116, %mul3A_117 : i32
    %add3A_119 = vector.broadcast %mul3A_118 : i32 to vector<16xi32>
    %add3A_120 = arith.addi %get3A_3, %add3A_119 : vector<16xi32>
    %swap3A_121 = arith.constant 1792 : index
    %swap3A_122 = tpu.vector_load %arg10[%swap3A_121] {strides = array<i32>} : memref<4096xi32, #tpu.memory_space<vmem>>, vector<16xi32>,
    tpu.vector_store %arg10[%swap3A_121], %add3A_120 {strides = array<i32>} : memref<4096xi32, #tpu.memory_space<vmem>>, vector<16xi32>,
    %add3A_123 = arith.constant 15 : i32
    %add3A_124 = arith.addi %mul3A_2, %add3A_123 : i32
    %mul3A_125 = arith.constant 100000 : i32
    %mul3A_126 = arith.muli %add3A_124, %mul3A_125 : i32
    %add3A_127 = vector.broadcast %mul3A_126 : i32 to vector<16xi32>
    %add3A_128 = arith.addi %get3A_3, %add3A_127 : vector<16xi32>
    %swap3A_129 = arith.constant 1920 : index
    %swap3A_130 = tpu.vector_load %arg10[%swap3A_129] {strides = array<i32>} : memref<4096xi32, #tpu.memory_space<vmem>>, vector<16xi32>,
    tpu.vector_store %arg10[%swap3A_129], %add3A_128 {strides = array<i32>} : memref<4096xi32, #tpu.memory_space<vmem>>, vector<16xi32>,
    %add3A_131 = arith.constant 16 : i32
    %add3A_132 = arith.addi %mul3A_2, %add3A_131 : i32
    %mul3A_133 = arith.constant 100000 : i32
    %mul3A_134 = arith.muli %add3A_132, %mul3A_133 : i32
    %add3A_135 = vector.broadcast %mul3A_134 : i32 to vector<16xi32>
    %add3A_136 = arith.addi %get3A_3, %add3A_135 : vector<16xi32>
    %swap3A_137 = arith.constant 2048 : index
    %swap3A_138 = tpu.vector_load %arg10[%swap3A_137] {strides = array<i32>} : memref<4096xi32, #tpu.memory_space<vmem>>, vector<16xi32>,
    tpu.vector_store %arg10[%swap3A_137], %add3A_136 {strides = array<i32>} : memref<4096xi32, #tpu.memory_space<vmem>>, vector<16xi32>,
    %add3A_139 = arith.constant 17 : i32
    %add3A_140 = arith.addi %mul3A_2, %add3A_139 : i32
    %mul3A_141 = arith.constant 100000 : i32
    %mul3A_142 = arith.muli %add3A_140, %mul3A_141 : i32
    %add3A_143 = vector.broadcast %mul3A_142 : i32 to vector<16xi32>
    %add3A_144 = arith.addi %get3A_3, %add3A_143 : vector<16xi32>
    %swap3A_145 = arith.constant 2176 : index
    %swap3A_146 = tpu.vector_load %arg10[%swap3A_145] {strides = array<i32>} : memref<4096xi32, #tpu.memory_space<vmem>>, vector<16xi32>,
    tpu.vector_store %arg10[%swap3A_145], %add3A_144 {strides = array<i32>} : memref<4096xi32, #tpu.memory_space<vmem>>, vector<16xi32>,
    %add3A_147 = arith.constant 18 : i32
    %add3A_148 = arith.addi %mul3A_2, %add3A_147 : i32
    %mul3A_149 = arith.constant 100000 : i32
    %mul3A_150 = arith.muli %add3A_148, %mul3A_149 : i32
    %add3A_151 = vector.broadcast %mul3A_150 : i32 to vector<16xi32>
    %add3A_152 = arith.addi %get3A_3, %add3A_151 : vector<16xi32>
    %swap3A_153 = arith.constant 2304 : index
    %swap3A_154 = tpu.vector_load %arg10[%swap3A_153] {strides = array<i32>} : memref<4096xi32, #tpu.memory_space<vmem>>, vector<16xi32>,
    tpu.vector_store %arg10[%swap3A_153], %add3A_152 {strides = array<i32>} : memref<4096xi32, #tpu.memory_space<vmem>>, vector<16xi32>,
    %add3A_155 = arith.constant 19 : i32
    %add3A_156 = arith.addi %mul3A_2, %add3A_155 : i32
    %mul3A_157 = arith.constant 100000 : i32
    %mul3A_158 = arith.muli %add3A_156, %mul3A_157 : i32
    %add3A_159 = vector.broadcast %mul3A_158 : i32 to vector<16xi32>
    %add3A_160 = arith.addi %get3A_3, %add3A_159 : vector<16xi32>
    %swap3A_161 = arith.constant 2432 : index
    %swap3A_162 = tpu.vector_load %arg10[%swap3A_161] {strides = array<i32>} : memref<4096xi32, #tpu.memory_space<vmem>>, vector<16xi32>,
    tpu.vector_store %arg10[%swap3A_161], %add3A_160 {strides = array<i32>} : memref<4096xi32, #tpu.memory_space<vmem>>, vector<16xi32>,
    %add3A_163 = arith.constant 20 : i32
    %add3A_164 = arith.addi %mul3A_2, %add3A_163 : i32
    %mul3A_165 = arith.constant 100000 : i32
    %mul3A_166 = arith.muli %add3A_164, %mul3A_165 : i32
    %add3A_167 = vector.broadcast %mul3A_166 : i32 to vector<16xi32>
    %add3A_168 = arith.addi %get3A_3, %add3A_167 : vector<16xi32>
    %swap3A_169 = arith.constant 2560 : index
    %swap3A_170 = tpu.vector_load %arg10[%swap3A_169] {strides = array<i32>} : memref<4096xi32, #tpu.memory_space<vmem>>, vector<16xi32>,
    tpu.vector_store %arg10[%swap3A_169], %add3A_168 {strides = array<i32>} : memref<4096xi32, #tpu.memory_space<vmem>>, vector<16xi32>,
    %add3A_171 = arith.constant 21 : i32
    %add3A_172 = arith.addi %mul3A_2, %add3A_171 : i32
    %mul3A_173 = arith.constant 100000 : i32
    %mul3A_174 = arith.muli %add3A_172, %mul3A_173 : i32
    %add3A_175 = vector.broadcast %mul3A_174 : i32 to vector<16xi32>
    %add3A_176 = arith.addi %get3A_3, %add3A_175 : vector<16xi32>
    %swap3A_177 = arith.constant 2688 : index
    %swap3A_178 = tpu.vector_load %arg10[%swap3A_177] {strides = array<i32>} : memref<4096xi32, #tpu.memory_space<vmem>>, vector<16xi32>,
    tpu.vector_store %arg10[%swap3A_177], %add3A_176 {strides = array<i32>} : memref<4096xi32, #tpu.memory_space<vmem>>, vector<16xi32>,
    %add3A_179 = arith.constant 22 : i32
    %add3A_180 = arith.addi %mul3A_2, %add3A_179 : i32
    %mul3A_181 = arith.constant 100000 : i32
    %mul3A_182 = arith.muli %add3A_180, %mul3A_181 : i32
    %add3A_183 = vector.broadcast %mul3A_182 : i32 to vector<16xi32>
    %add3A_184 = arith.addi %get3A_3, %add3A_183 : vector<16xi32>
    %swap3A_185 = arith.constant 2816 : index
    %swap3A_186 = tpu.vector_load %arg10[%swap3A_185] {strides = array<i32>} : memref<4096xi32, #tpu.memory_space<vmem>>, vector<16xi32>,
    tpu.vector_store %arg10[%swap3A_185], %add3A_184 {strides = array<i32>} : memref<4096xi32, #tpu.memory_space<vmem>>, vector<16xi32>,
    %add3A_187 = arith.constant 23 : i32
    %add3A_188 = arith.addi %mul3A_2, %add3A_187 : i32
    %mul3A_189 = arith.constant 100000 : i32
    %mul3A_190 = arith.muli %add3A_188, %mul3A_189 : i32
    %add3A_191 = vector.broadcast %mul3A_190 : i32 to vector<16xi32>
    %add3A_192 = arith.addi %get3A_3, %add3A_191 : vector<16xi32>
    %swap3A_193 = arith.constant 2944 : index
    %swap3A_194 = tpu.vector_load %arg10[%swap3A_193] {strides = array<i32>} : memref<4096xi32, #tpu.memory_space<vmem>>, vector<16xi32>,
    tpu.vector_store %arg10[%swap3A_193], %add3A_192 {strides = array<i32>} : memref<4096xi32, #tpu.memory_space<vmem>>, vector<16xi32>,
    %add3A_195 = arith.constant 24 : i32
    %add3A_196 = arith.addi %mul3A_2, %add3A_195 : i32
    %mul3A_197 = arith.constant 100000 : i32
    %mul3A_198 = arith.muli %add3A_196, %mul3A_197 : i32
    %add3A_199 = vector.broadcast %mul3A_198 : i32 to vector<16xi32>
    %add3A_200 = arith.addi %get3A_3, %add3A_199 : vector<16xi32>
    %swap3A_201 = arith.constant 3072 : index
    %swap3A_202 = tpu.vector_load %arg10[%swap3A_201] {strides = array<i32>} : memref<4096xi32, #tpu.memory_space<vmem>>, vector<16xi32>,
    tpu.vector_store %arg10[%swap3A_201], %add3A_200 {strides = array<i32>} : memref<4096xi32, #tpu.memory_space<vmem>>, vector<16xi32>,
    %add3A_203 = arith.constant 25 : i32
    %add3A_204 = arith.addi %mul3A_2, %add3A_203 : i32
    %mul3A_205 = arith.constant 100000 : i32
    %mul3A_206 = arith.muli %add3A_204, %mul3A_205 : i32
    %add3A_207 = vector.broadcast %mul3A_206 : i32 to vector<16xi32>
    %add3A_208 = arith.addi %get3A_3, %add3A_207 : vector<16xi32>
    %swap3A_209 = arith.constant 3200 : index
    %swap3A_210 = tpu.vector_load %arg10[%swap3A_209] {strides = array<i32>} : memref<4096xi32, #tpu.memory_space<vmem>>, vector<16xi32>,
    tpu.vector_store %arg10[%swap3A_209], %add3A_208 {strides = array<i32>} : memref<4096xi32, #tpu.memory_space<vmem>>, vector<16xi32>,
    %add3A_211 = arith.constant 26 : i32
    %add3A_212 = arith.addi %mul3A_2, %add3A_211 : i32
    %mul3A_213 = arith.constant 100000 : i32
    %mul3A_214 = arith.muli %add3A_212, %mul3A_213 : i32
    %add3A_215 = vector.broadcast %mul3A_214 : i32 to vector<16xi32>
    %add3A_216 = arith.addi %get3A_3, %add3A_215 : vector<16xi32>
    %swap3A_217 = arith.constant 3328 : index
    %swap3A_218 = tpu.vector_load %arg10[%swap3A_217] {strides = array<i32>} : memref<4096xi32, #tpu.memory_space<vmem>>, vector<16xi32>,
    tpu.vector_store %arg10[%swap3A_217], %add3A_216 {strides = array<i32>} : memref<4096xi32, #tpu.memory_space<vmem>>, vector<16xi32>,
    %add3A_219 = arith.constant 27 : i32
    %add3A_220 = arith.addi %mul3A_2, %add3A_219 : i32
    %mul3A_221 = arith.constant 100000 : i32
    %mul3A_222 = arith.muli %add3A_220, %mul3A_221 : i32
    %add3A_223 = vector.broadcast %mul3A_222 : i32 to vector<16xi32>
    %add3A_224 = arith.addi %get3A_3, %add3A_223 : vector<16xi32>
    %swap3A_225 = arith.constant 3456 : index
    %swap3A_226 = tpu.vector_load %arg10[%swap3A_225] {strides = array<i32>} : memref<4096xi32, #tpu.memory_space<vmem>>, vector<16xi32>,
    tpu.vector_store %arg10[%swap3A_225], %add3A_224 {strides = array<i32>} : memref<4096xi32, #tpu.memory_space<vmem>>, vector<16xi32>,
    %add3A_227 = arith.constant 28 : i32
    %add3A_228 = arith.addi %mul3A_2, %add3A_227 : i32
    %mul3A_229 = arith.constant 100000 : i32
    %mul3A_230 = arith.muli %add3A_228, %mul3A_229 : i32
    %add3A_231 = vector.broadcast %mul3A_230 : i32 to vector<16xi32>
    %add3A_232 = arith.addi %get3A_3, %add3A_231 : vector<16xi32>
    %swap3A_233 = arith.constant 3584 : index
    %swap3A_234 = tpu.vector_load %arg10[%swap3A_233] {strides = array<i32>} : memref<4096xi32, #tpu.memory_space<vmem>>, vector<16xi32>,
    tpu.vector_store %arg10[%swap3A_233], %add3A_232 {strides = array<i32>} : memref<4096xi32, #tpu.memory_space<vmem>>, vector<16xi32>,
    %add3A_235 = arith.constant 29 : i32
    %add3A_236 = arith.addi %mul3A_2, %add3A_235 : i32
    %mul3A_237 = arith.constant 100000 : i32
    %mul3A_238 = arith.muli %add3A_236, %mul3A_237 : i32
    %add3A_239 = vector.broadcast %mul3A_238 : i32 to vector<16xi32>
    %add3A_240 = arith.addi %get3A_3, %add3A_239 : vector<16xi32>
    %swap3A_241 = arith.constant 3712 : index
    %swap3A_242 = tpu.vector_load %arg10[%swap3A_241] {strides = array<i32>} : memref<4096xi32, #tpu.memory_space<vmem>>, vector<16xi32>,
    tpu.vector_store %arg10[%swap3A_241], %add3A_240 {strides = array<i32>} : memref<4096xi32, #tpu.memory_space<vmem>>, vector<16xi32>,
    %add3A_243 = arith.constant 30 : i32
    %add3A_244 = arith.addi %mul3A_2, %add3A_243 : i32
    %mul3A_245 = arith.constant 100000 : i32
    %mul3A_246 = arith.muli %add3A_244, %mul3A_245 : i32
    %add3A_247 = vector.broadcast %mul3A_246 : i32 to vector<16xi32>
    %add3A_248 = arith.addi %get3A_3, %add3A_247 : vector<16xi32>
    %swap3A_249 = arith.constant 3840 : index
    %swap3A_250 = tpu.vector_load %arg10[%swap3A_249] {strides = array<i32>} : memref<4096xi32, #tpu.memory_space<vmem>>, vector<16xi32>,
    tpu.vector_store %arg10[%swap3A_249], %add3A_248 {strides = array<i32>} : memref<4096xi32, #tpu.memory_space<vmem>>, vector<16xi32>,
    %add3A_251 = arith.constant 31 : i32
    %add3A_252 = arith.addi %mul3A_2, %add3A_251 : i32
    %mul3A_253 = arith.constant 100000 : i32
    %mul3A_254 = arith.muli %add3A_252, %mul3A_253 : i32
    %add3A_255 = vector.broadcast %mul3A_254 : i32 to vector<16xi32>
    %add3A_256 = arith.addi %get3A_3, %add3A_255 : vector<16xi32>
    %swap3A_257 = arith.constant 3968 : index
    %swap3A_258 = tpu.vector_load %arg10[%swap3A_257] {strides = array<i32>} : memref<4096xi32, #tpu.memory_space<vmem>>, vector<16xi32>,
    tpu.vector_store %arg10[%swap3A_257], %add3A_256 {strides = array<i32>} : memref<4096xi32, #tpu.memory_space<vmem>>, vector<16xi32>,
    %get3A_259 = arith.constant 16 : index
    %get3A_260 = tpu.vector_load %arg7[%get3A_259] {strides = array<i32>} : memref<128xi32, #tpu.memory_space<vmem>>, vector<16xi32>,
    %add3A_261 = arith.constant 0 : i32
    %add3A_262 = arith.addi %mul3A_2, %add3A_261 : i32
    %mul3A_263 = arith.constant 100000 : i32
    %mul3A_264 = arith.muli %add3A_262, %mul3A_263 : i32
    %add3A_265 = vector.broadcast %mul3A_264 : i32 to vector<16xi32>
    %add3A_266 = arith.addi %get3A_260, %add3A_265 : vector<16xi32>
    %swap3A_267 = arith.constant 16 : index
    %swap3A_268 = tpu.vector_load %arg10[%swap3A_267] {strides = array<i32>} : memref<4096xi32, #tpu.memory_space<vmem>>, vector<16xi32>,
    tpu.vector_store %arg10[%swap3A_267], %add3A_266 {strides = array<i32>} : memref<4096xi32, #tpu.memory_space<vmem>>, vector<16xi32>,
    %add3A_269 = arith.constant 1 : i32
    %add3A_270 = arith.addi %mul3A_2, %add3A_269 : i32
    %mul3A_271 = arith.constant 100000 : i32
    %mul3A_272 = arith.muli %add3A_270, %mul3A_271 : i32
    %add3A_273 = vector.broadcast %mul3A_272 : i32 to vector<16xi32>
    %add3A_274 = arith.addi %get3A_260, %add3A_273 : vector<16xi32>
    %swap3A_275 = arith.constant 144 : index
    %swap3A_276 = tpu.vector_load %arg10[%swap3A_275] {strides = array<i32>} : memref<4096xi32, #tpu.memory_space<vmem>>, vector<16xi32>,
    tpu.vector_store %arg10[%swap3A_275], %add3A_274 {strides = array<i32>} : memref<4096xi32, #tpu.memory_space<vmem>>, vector<16xi32>,
    %add3A_277 = arith.constant 2 : i32
    %add3A_278 = arith.addi %mul3A_2, %add3A_277 : i32
    %mul3A_279 = arith.constant 100000 : i32
    %mul3A_280 = arith.muli %add3A_278, %mul3A_279 : i32
    %add3A_281 = vector.broadcast %mul3A_280 : i32 to vector<16xi32>
    %add3A_282 = arith.addi %get3A_260, %add3A_281 : vector<16xi32>
    %swap3A_283 = arith.constant 272 : index
    %swap3A_284 = tpu.vector_load %arg10[%swap3A_283] {strides = array<i32>} : memref<4096xi32, #tpu.memory_space<vmem>>, vector<16xi32>,
    tpu.vector_store %arg10[%swap3A_283], %add3A_282 {strides = array<i32>} : memref<4096xi32, #tpu.memory_space<vmem>>, vector<16xi32>,
    %add3A_285 = arith.constant 3 : i32
    %add3A_286 = arith.addi %mul3A_2, %add3A_285 : i32
    %mul3A_287 = arith.constant 100000 : i32
    %mul3A_288 = arith.muli %add3A_286, %mul3A_287 : i32
    %add3A_289 = vector.broadcast %mul3A_288 : i32 to vector<16xi32>
    %add3A_290 = arith.addi %get3A_260, %add3A_289 : vector<16xi32>
    %swap3A_291 = arith.constant 400 : index
    %swap3A_292 = tpu.vector_load %arg10[%swap3A_291] {strides = array<i32>} : memref<4096xi32, #tpu.memory_space<vmem>>, vector<16xi32>,
    tpu.vector_store %arg10[%swap3A_291], %add3A_290 {strides = array<i32>} : memref<4096xi32, #tpu.memory_space<vmem>>, vector<16xi32>,
    %add3A_293 = arith.constant 4 : i32
    %add3A_294 = arith.addi %mul3A_2, %add3A_293 : i32
    %mul3A_295 = arith.constant 100000 : i32
    %mul3A_296 = arith.muli %add3A_294, %mul3A_295 : i32
    %add3A_297 = vector.broadcast %mul3A_296 : i32 to vector<16xi32>
    %add3A_298 = arith.addi %get3A_260, %add3A_297 : vector<16xi32>
    %swap3A_299 = arith.constant 528 : index
    %swap3A_300 = tpu.vector_load %arg10[%swap3A_299] {strides = array<i32>} : memref<4096xi32, #tpu.memory_space<vmem>>, vector<16xi32>,
    tpu.vector_store %arg10[%swap3A_299], %add3A_298 {strides = array<i32>} : memref<4096xi32, #tpu.memory_space<vmem>>, vector<16xi32>,
    %add3A_301 = arith.constant 5 : i32
    %add3A_302 = arith.addi %mul3A_2, %add3A_301 : i32
    %mul3A_303 = arith.constant 100000 : i32
    %mul3A_304 = arith.muli %add3A_302, %mul3A_303 : i32
    %add3A_305 = vector.broadcast %mul3A_304 : i32 to vector<16xi32>
    %add3A_306 = arith.addi %get3A_260, %add3A_305 : vector<16xi32>
    %swap3A_307 = arith.constant 656 : index
    %swap3A_308 = tpu.vector_load %arg10[%swap3A_307] {strides = array<i32>} : memref<4096xi32, #tpu.memory_space<vmem>>, vector<16xi32>,
    tpu.vector_store %arg10[%swap3A_307], %add3A_306 {strides = array<i32>} : memref<4096xi32, #tpu.memory_space<vmem>>, vector<16xi32>,
    %add3A_309 = arith.constant 6 : i32
    %add3A_310 = arith.addi %mul3A_2, %add3A_309 : i32
    %mul3A_311 = arith.constant 100000 : i32
    %mul3A_312 = arith.muli %add3A_310, %mul3A_311 : i32
    %add3A_313 = vector.broadcast %mul3A_312 : i32 to vector<16xi32>
    %add3A_314 = arith.addi %get3A_260, %add3A_313 : vector<16xi32>
    %swap3A_315 = arith.constant 784 : index
    %swap3A_316 = tpu.vector_load %arg10[%swap3A_315] {strides = array<i32>} : memref<4096xi32, #tpu.memory_space<vmem>>, vector<16xi32>,
    tpu.vector_store %arg10[%swap3A_315], %add3A_314 {strides = array<i32>} : memref<4096xi32, #tpu.memory_space<vmem>>, vector<16xi32>,
    %add3A_317 = arith.constant 7 : i32
    %add3A_318 = arith.addi %mul3A_2, %add3A_317 : i32
    %mul3A_319 = arith.constant 100000 : i32
    %mul3A_320 = arith.muli %add3A_318, %mul3A_319 : i32
    %add3A_321 = vector.broadcast %mul3A_320 : i32 to vector<16xi32>
    %add3A_322 = arith.addi %get3A_260, %add3A_321 : vector<16xi32>
    %swap3A_323 = arith.constant 912 : index
    %swap3A_324 = tpu.vector_load %arg10[%swap3A_323] {strides = array<i32>} : memref<4096xi32, #tpu.memory_space<vmem>>, vector<16xi32>,
    tpu.vector_store %arg10[%swap3A_323], %add3A_322 {strides = array<i32>} : memref<4096xi32, #tpu.memory_space<vmem>>, vector<16xi32>,
    %add3A_325 = arith.constant 8 : i32
    %add3A_326 = arith.addi %mul3A_2, %add3A_325 : i32
    %mul3A_327 = arith.constant 100000 : i32
    %mul3A_328 = arith.muli %add3A_326, %mul3A_327 : i32
    %add3A_329 = vector.broadcast %mul3A_328 : i32 to vector<16xi32>
    %add3A_330 = arith.addi %get3A_260, %add3A_329 : vector<16xi32>
    %swap3A_331 = arith.constant 1040 : index
    %swap3A_332 = tpu.vector_load %arg10[%swap3A_331] {strides = array<i32>} : memref<4096xi32, #tpu.memory_space<vmem>>, vector<16xi32>,
    tpu.vector_store %arg10[%swap3A_331], %add3A_330 {strides = array<i32>} : memref<4096xi32, #tpu.memory_space<vmem>>, vector<16xi32>,
    %add3A_333 = arith.constant 9 : i32
    %add3A_334 = arith.addi %mul3A_2, %add3A_333 : i32
    %mul3A_335 = arith.constant 100000 : i32
    %mul3A_336 = arith.muli %add3A_334, %mul3A_335 : i32
    %add3A_337 = vector.broadcast %mul3A_336 : i32 to vector<16xi32>
    %add3A_338 = arith.addi %get3A_260, %add3A_337 : vector<16xi32>
    %swap3A_339 = arith.constant 1168 : index
    %swap3A_340 = tpu.vector_load %arg10[%swap3A_339] {strides = array<i32>} : memref<4096xi32, #tpu.memory_space<vmem>>, vector<16xi32>,
    tpu.vector_store %arg10[%swap3A_339], %add3A_338 {strides = array<i32>} : memref<4096xi32, #tpu.memory_space<vmem>>, vector<16xi32>,
    %add3A_341 = arith.constant 10 : i32
    %add3A_342 = arith.addi %mul3A_2, %add3A_341 : i32
    %mul3A_343 = arith.constant 100000 : i32
    %mul3A_344 = arith.muli %add3A_342, %mul3A_343 : i32
    %add3A_345 = vector.broadcast %mul3A_344 : i32 to vector<16xi32>
    %add3A_346 = arith.addi %get3A_260, %add3A_345 : vector<16xi32>
    %swap3A_347 = arith.constant 1296 : index
    %swap3A_348 = tpu.vector_load %arg10[%swap3A_347] {strides = array<i32>} : memref<4096xi32, #tpu.memory_space<vmem>>, vector<16xi32>,
    tpu.vector_store %arg10[%swap3A_347], %add3A_346 {strides = array<i32>} : memref<4096xi32, #tpu.memory_space<vmem>>, vector<16xi32>,
    %add3A_349 = arith.constant 11 : i32
    %add3A_350 = arith.addi %mul3A_2, %add3A_349 : i32
    %mul3A_351 = arith.constant 100000 : i32
    %mul3A_352 = arith.muli %add3A_350, %mul3A_351 : i32
    %add3A_353 = vector.broadcast %mul3A_352 : i32 to vector<16xi32>
    %add3A_354 = arith.addi %get3A_260, %add3A_353 : vector<16xi32>
    %swap3A_355 = arith.constant 1424 : index
    %swap3A_356 = tpu.vector_load %arg10[%swap3A_355] {strides = array<i32>} : memref<4096xi32, #tpu.memory_space<vmem>>, vector<16xi32>,
    tpu.vector_store %arg10[%swap3A_355], %add3A_354 {strides = array<i32>} : memref<4096xi32, #tpu.memory_space<vmem>>, vector<16xi32>,
    %add3A_357 = arith.constant 12 : i32
    %add3A_358 = arith.addi %mul3A_2, %add3A_357 : i32
    %mul3A_359 = arith.constant 100000 : i32
    %mul3A_360 = arith.muli %add3A_358, %mul3A_359 : i32
    %add3A_361 = vector.broadcast %mul3A_360 : i32 to vector<16xi32>
    %add3A_362 = arith.addi %get3A_260, %add3A_361 : vector<16xi32>
    %swap3A_363 = arith.constant 1552 : index
    %swap3A_364 = tpu.vector_load %arg10[%swap3A_363] {strides = array<i32>} : memref<4096xi32, #tpu.memory_space<vmem>>, vector<16xi32>,
    tpu.vector_store %arg10[%swap3A_363], %add3A_362 {strides = array<i32>} : memref<4096xi32, #tpu.memory_space<vmem>>, vector<16xi32>,
    %add3A_365 = arith.constant 13 : i32
    %add3A_366 = arith.addi %mul3A_2, %add3A_365 : i32
    %mul3A_367 = arith.constant 100000 : i32
    %mul3A_368 = arith.muli %add3A_366, %mul3A_367 : i32
    %add3A_369 = vector.broadcast %mul3A_368 : i32 to vector<16xi32>
    %add3A_370 = arith.addi %get3A_260, %add3A_369 : vector<16xi32>
    %swap3A_371 = arith.constant 1680 : index
    %swap3A_372 = tpu.vector_load %arg10[%swap3A_371] {strides = array<i32>} : memref<4096xi32, #tpu.memory_space<vmem>>, vector<16xi32>,
    tpu.vector_store %arg10[%swap3A_371], %add3A_370 {strides = array<i32>} : memref<4096xi32, #tpu.memory_space<vmem>>, vector<16xi32>,
    %add3A_373 = arith.constant 14 : i32
    %add3A_374 = arith.addi %mul3A_2, %add3A_373 : i32
    %mul3A_375 = arith.constant 100000 : i32
    %mul3A_376 = arith.muli %add3A_374, %mul3A_375 : i32
    %add3A_377 = vector.broadcast %mul3A_376 : i32 to vector<16xi32>
    %add3A_378 = arith.addi %get3A_260, %add3A_377 : vector<16xi32>
    %swap3A_379 = arith.constant 1808 : index
    %swap3A_380 = tpu.vector_load %arg10[%swap3A_379] {strides = array<i32>} : memref<4096xi32, #tpu.memory_space<vmem>>, vector<16xi32>,
    tpu.vector_store %arg10[%swap3A_379], %add3A_378 {strides = array<i32>} : memref<4096xi32, #tpu.memory_space<vmem>>, vector<16xi32>,
    %add3A_381 = arith.constant 15 : i32
    %add3A_382 = arith.addi %mul3A_2, %add3A_381 : i32
    %mul3A_383 = arith.constant 100000 : i32
    %mul3A_384 = arith.muli %add3A_382, %mul3A_383 : i32
    %add3A_385 = vector.broadcast %mul3A_384 : i32 to vector<16xi32>
    %add3A_386 = arith.addi %get3A_260, %add3A_385 : vector<16xi32>
    %swap3A_387 = arith.constant 1936 : index
    %swap3A_388 = tpu.vector_load %arg10[%swap3A_387] {strides = array<i32>} : memref<4096xi32, #tpu.memory_space<vmem>>, vector<16xi32>,
    tpu.vector_store %arg10[%swap3A_387], %add3A_386 {strides = array<i32>} : memref<4096xi32, #tpu.memory_space<vmem>>, vector<16xi32>,
    %add3A_389 = arith.constant 16 : i32
    %add3A_390 = arith.addi %mul3A_2, %add3A_389 : i32
    %mul3A_391 = arith.constant 100000 : i32
    %mul3A_392 = arith.muli %add3A_390, %mul3A_391 : i32
    %add3A_393 = vector.broadcast %mul3A_392 : i32 to vector<16xi32>
    %add3A_394 = arith.addi %get3A_260, %add3A_393 : vector<16xi32>
    %swap3A_395 = arith.constant 2064 : index
    %swap3A_396 = tpu.vector_load %arg10[%swap3A_395] {strides = array<i32>} : memref<4096xi32, #tpu.memory_space<vmem>>, vector<16xi32>,
    tpu.vector_store %arg10[%swap3A_395], %add3A_394 {strides = array<i32>} : memref<4096xi32, #tpu.memory_space<vmem>>, vector<16xi32>,
    %add3A_397 = arith.constant 17 : i32
    %add3A_398 = arith.addi %mul3A_2, %add3A_397 : i32
    %mul3A_399 = arith.constant 100000 : i32
    %mul3A_400 = arith.muli %add3A_398, %mul3A_399 : i32
    %add3A_401 = vector.broadcast %mul3A_400 : i32 to vector<16xi32>
    %add3A_402 = arith.addi %get3A_260, %add3A_401 : vector<16xi32>
    %swap3A_403 = arith.constant 2192 : index
    %swap3A_404 = tpu.vector_load %arg10[%swap3A_403] {strides = array<i32>} : memref<4096xi32, #tpu.memory_space<vmem>>, vector<16xi32>,
    tpu.vector_store %arg10[%swap3A_403], %add3A_402 {strides = array<i32>} : memref<4096xi32, #tpu.memory_space<vmem>>, vector<16xi32>,
    %add3A_405 = arith.constant 18 : i32
    %add3A_406 = arith.addi %mul3A_2, %add3A_405 : i32
    %mul3A_407 = arith.constant 100000 : i32
    %mul3A_408 = arith.muli %add3A_406, %mul3A_407 : i32
    %add3A_409 = vector.broadcast %mul3A_408 : i32 to vector<16xi32>
    %add3A_410 = arith.addi %get3A_260, %add3A_409 : vector<16xi32>
    %swap3A_411 = arith.constant 2320 : index
    %swap3A_412 = tpu.vector_load %arg10[%swap3A_411] {strides = array<i32>} : memref<4096xi32, #tpu.memory_space<vmem>>, vector<16xi32>,
    tpu.vector_store %arg10[%swap3A_411], %add3A_410 {strides = array<i32>} : memref<4096xi32, #tpu.memory_space<vmem>>, vector<16xi32>,
    %add3A_413 = arith.constant 19 : i32
    %add3A_414 = arith.addi %mul3A_2, %add3A_413 : i32
    %mul3A_415 = arith.constant 100000 : i32
    %mul3A_416 = arith.muli %add3A_414, %mul3A_415 : i32
    %add3A_417 = vector.broadcast %mul3A_416 : i32 to vector<16xi32>
    %add3A_418 = arith.addi %get3A_260, %add3A_417 : vector<16xi32>
    %swap3A_419 = arith.constant 2448 : index
    %swap3A_420 = tpu.vector_load %arg10[%swap3A_419] {strides = array<i32>} : memref<4096xi32, #tpu.memory_space<vmem>>, vector<16xi32>,
    tpu.vector_store %arg10[%swap3A_419], %add3A_418 {strides = array<i32>} : memref<4096xi32, #tpu.memory_space<vmem>>, vector<16xi32>,
    %add3A_421 = arith.constant 20 : i32
    %add3A_422 = arith.addi %mul3A_2, %add3A_421 : i32
    %mul3A_423 = arith.constant 100000 : i32
    %mul3A_424 = arith.muli %add3A_422, %mul3A_423 : i32
    %add3A_425 = vector.broadcast %mul3A_424 : i32 to vector<16xi32>
    %add3A_426 = arith.addi %get3A_260, %add3A_425 : vector<16xi32>
    %swap3A_427 = arith.constant 2576 : index
    %swap3A_428 = tpu.vector_load %arg10[%swap3A_427] {strides = array<i32>} : memref<4096xi32, #tpu.memory_space<vmem>>, vector<16xi32>,
    tpu.vector_store %arg10[%swap3A_427], %add3A_426 {strides = array<i32>} : memref<4096xi32, #tpu.memory_space<vmem>>, vector<16xi32>,
    %add3A_429 = arith.constant 21 : i32
    %add3A_430 = arith.addi %mul3A_2, %add3A_429 : i32
    %mul3A_431 = arith.constant 100000 : i32
    %mul3A_432 = arith.muli %add3A_430, %mul3A_431 : i32
    %add3A_433 = vector.broadcast %mul3A_432 : i32 to vector<16xi32>
    %add3A_434 = arith.addi %get3A_260, %add3A_433 : vector<16xi32>
    %swap3A_435 = arith.constant 2704 : index
    %swap3A_436 = tpu.vector_load %arg10[%swap3A_435] {strides = array<i32>} : memref<4096xi32, #tpu.memory_space<vmem>>, vector<16xi32>,
    tpu.vector_store %arg10[%swap3A_435], %add3A_434 {strides = array<i32>} : memref<4096xi32, #tpu.memory_space<vmem>>, vector<16xi32>,
    %add3A_437 = arith.constant 22 : i32
    %add3A_438 = arith.addi %mul3A_2, %add3A_437 : i32
    %mul3A_439 = arith.constant 100000 : i32
    %mul3A_440 = arith.muli %add3A_438, %mul3A_439 : i32
    %add3A_441 = vector.broadcast %mul3A_440 : i32 to vector<16xi32>
    %add3A_442 = arith.addi %get3A_260, %add3A_441 : vector<16xi32>
    %swap3A_443 = arith.constant 2832 : index
    %swap3A_444 = tpu.vector_load %arg10[%swap3A_443] {strides = array<i32>} : memref<4096xi32, #tpu.memory_space<vmem>>, vector<16xi32>,
    tpu.vector_store %arg10[%swap3A_443], %add3A_442 {strides = array<i32>} : memref<4096xi32, #tpu.memory_space<vmem>>, vector<16xi32>,
    %add3A_445 = arith.constant 23 : i32
    %add3A_446 = arith.addi %mul3A_2, %add3A_445 : i32
    %mul3A_447 = arith.constant 100000 : i32
    %mul3A_448 = arith.muli %add3A_446, %mul3A_447 : i32
    %add3A_449 = vector.broadcast %mul3A_448 : i32 to vector<16xi32>
    %add3A_450 = arith.addi %get3A_260, %add3A_449 : vector<16xi32>
    %swap3A_451 = arith.constant 2960 : index
    %swap3A_452 = tpu.vector_load %arg10[%swap3A_451] {strides = array<i32>} : memref<4096xi32, #tpu.memory_space<vmem>>, vector<16xi32>,
    tpu.vector_store %arg10[%swap3A_451], %add3A_450 {strides = array<i32>} : memref<4096xi32, #tpu.memory_space<vmem>>, vector<16xi32>,
    %add3A_453 = arith.constant 24 : i32
    %add3A_454 = arith.addi %mul3A_2, %add3A_453 : i32
    %mul3A_455 = arith.constant 100000 : i32
    %mul3A_456 = arith.muli %add3A_454, %mul3A_455 : i32
    %add3A_457 = vector.broadcast %mul3A_456 : i32 to vector<16xi32>
    %add3A_458 = arith.addi %get3A_260, %add3A_457 : vector<16xi32>
    %swap3A_459 = arith.constant 3088 : index
    %swap3A_460 = tpu.vector_load %arg10[%swap3A_459] {strides = array<i32>} : memref<4096xi32, #tpu.memory_space<vmem>>, vector<16xi32>,
    tpu.vector_store %arg10[%swap3A_459], %add3A_458 {strides = array<i32>} : memref<4096xi32, #tpu.memory_space<vmem>>, vector<16xi32>,
    %add3A_461 = arith.constant 25 : i32
    %add3A_462 = arith.addi %mul3A_2, %add3A_461 : i32
    %mul3A_463 = arith.constant 100000 : i32
    %mul3A_464 = arith.muli %add3A_462, %mul3A_463 : i32
    %add3A_465 = vector.broadcast %mul3A_464 : i32 to vector<16xi32>
    %add3A_466 = arith.addi %get3A_260, %add3A_465 : vector<16xi32>
    %swap3A_467 = arith.constant 3216 : index
    %swap3A_468 = tpu.vector_load %arg10[%swap3A_467] {strides = array<i32>} : memref<4096xi32, #tpu.memory_space<vmem>>, vector<16xi32>,
    tpu.vector_store %arg10[%swap3A_467], %add3A_466 {strides = array<i32>} : memref<4096xi32, #tpu.memory_space<vmem>>, vector<16xi32>,
    %add3A_469 = arith.constant 26 : i32
    %add3A_470 = arith.addi %mul3A_2, %add3A_469 : i32
    %mul3A_471 = arith.constant 100000 : i32
    %mul3A_472 = arith.muli %add3A_470, %mul3A_471 : i32
    %add3A_473 = vector.broadcast %mul3A_472 : i32 to vector<16xi32>
    %add3A_474 = arith.addi %get3A_260, %add3A_473 : vector<16xi32>
    %swap3A_475 = arith.constant 3344 : index
    %swap3A_476 = tpu.vector_load %arg10[%swap3A_475] {strides = array<i32>} : memref<4096xi32, #tpu.memory_space<vmem>>, vector<16xi32>,
    tpu.vector_store %arg10[%swap3A_475], %add3A_474 {strides = array<i32>} : memref<4096xi32, #tpu.memory_space<vmem>>, vector<16xi32>,
    %add3A_477 = arith.constant 27 : i32
    %add3A_478 = arith.addi %mul3A_2, %add3A_477 : i32
    %mul3A_479 = arith.constant 100000 : i32
    %mul3A_480 = arith.muli %add3A_478, %mul3A_479 : i32
    %add3A_481 = vector.broadcast %mul3A_480 : i32 to vector<16xi32>
    %add3A_482 = arith.addi %get3A_260, %add3A_481 : vector<16xi32>
    %swap3A_483 = arith.constant 3472 : index
    %swap3A_484 = tpu.vector_load %arg10[%swap3A_483] {strides = array<i32>} : memref<4096xi32, #tpu.memory_space<vmem>>, vector<16xi32>,
    tpu.vector_store %arg10[%swap3A_483], %add3A_482 {strides = array<i32>} : memref<4096xi32, #tpu.memory_space<vmem>>, vector<16xi32>,
    %add3A_485 = arith.constant 28 : i32
    %add3A_486 = arith.addi %mul3A_2, %add3A_485 : i32
    %mul3A_487 = arith.constant 100000 : i32
    %mul3A_488 = arith.muli %add3A_486, %mul3A_487 : i32
    %add3A_489 = vector.broadcast %mul3A_488 : i32 to vector<16xi32>
    %add3A_490 = arith.addi %get3A_260, %add3A_489 : vector<16xi32>
    %swap3A_491 = arith.constant 3600 : index
    %swap3A_492 = tpu.vector_load %arg10[%swap3A_491] {strides = array<i32>} : memref<4096xi32, #tpu.memory_space<vmem>>, vector<16xi32>,
    tpu.vector_store %arg10[%swap3A_491], %add3A_490 {strides = array<i32>} : memref<4096xi32, #tpu.memory_space<vmem>>, vector<16xi32>,
    %add3A_493 = arith.constant 29 : i32
    %add3A_494 = arith.addi %mul3A_2, %add3A_493 : i32
    %mul3A_495 = arith.constant 100000 : i32
    %mul3A_496 = arith.muli %add3A_494, %mul3A_495 : i32
    %add3A_497 = vector.broadcast %mul3A_496 : i32 to vector<16xi32>
    %add3A_498 = arith.addi %get3A_260, %add3A_497 : vector<16xi32>
    %swap3A_499 = arith.constant 3728 : index
    %swap3A_500 = tpu.vector_load %arg10[%swap3A_499] {strides = array<i32>} : memref<4096xi32, #tpu.memory_space<vmem>>, vector<16xi32>,
    tpu.vector_store %arg10[%swap3A_499], %add3A_498 {strides = array<i32>} : memref<4096xi32, #tpu.memory_space<vmem>>, vector<16xi32>,
    %add3A_501 = arith.constant 30 : i32
    %add3A_502 = arith.addi %mul3A_2, %add3A_501 : i32
    %mul3A_503 = arith.constant 100000 : i32
    %mul3A_504 = arith.muli %add3A_502, %mul3A_503 : i32
    %add3A_505 = vector.broadcast %mul3A_504 : i32 to vector<16xi32>
    %add3A_506 = arith.addi %get3A_260, %add3A_505 : vector<16xi32>
    %swap3A_507 = arith.constant 3856 : index
    %swap3A_508 = tpu.vector_load %arg10[%swap3A_507] {strides = array<i32>} : memref<4096xi32, #tpu.memory_space<vmem>>, vector<16xi32>,
    tpu.vector_store %arg10[%swap3A_507], %add3A_506 {strides = array<i32>} : memref<4096xi32, #tpu.memory_space<vmem>>, vector<16xi32>,
    %add3A_509 = arith.constant 31 : i32
    %add3A_510 = arith.addi %mul3A_2, %add3A_509 : i32
    %mul3A_511 = arith.constant 100000 : i32
    %mul3A_512 = arith.muli %add3A_510, %mul3A_511 : i32
    %add3A_513 = vector.broadcast %mul3A_512 : i32 to vector<16xi32>
    %add3A_514 = arith.addi %get3A_260, %add3A_513 : vector<16xi32>
    %swap3A_515 = arith.constant 3984 : index
    %swap3A_516 = tpu.vector_load %arg10[%swap3A_515] {strides = array<i32>} : memref<4096xi32, #tpu.memory_space<vmem>>, vector<16xi32>,
    tpu.vector_store %arg10[%swap3A_515], %add3A_514 {strides = array<i32>} : memref<4096xi32, #tpu.memory_space<vmem>>, vector<16xi32>,
    %get3A_517 = arith.constant 32 : index
    %get3A_518 = tpu.vector_load %arg7[%get3A_517] {strides = array<i32>} : memref<128xi32, #tpu.memory_space<vmem>>, vector<16xi32>,
    %add3A_519 = arith.constant 0 : i32
    %add3A_520 = arith.addi %mul3A_2, %add3A_519 : i32
    %mul3A_521 = arith.constant 100000 : i32
    %mul3A_522 = arith.muli %add3A_520, %mul3A_521 : i32
    %add3A_523 = vector.broadcast %mul3A_522 : i32 to vector<16xi32>
    %add3A_524 = arith.addi %get3A_518, %add3A_523 : vector<16xi32>
    %swap3A_525 = arith.constant 32 : index
    %swap3A_526 = tpu.vector_load %arg10[%swap3A_525] {strides = array<i32>} : memref<4096xi32, #tpu.memory_space<vmem>>, vector<16xi32>,
    tpu.vector_store %arg10[%swap3A_525], %add3A_524 {strides = array<i32>} : memref<4096xi32, #tpu.memory_space<vmem>>, vector<16xi32>,
    %add3A_527 = arith.constant 1 : i32
    %add3A_528 = arith.addi %mul3A_2, %add3A_527 : i32
    %mul3A_529 = arith.constant 100000 : i32
    %mul3A_530 = arith.muli %add3A_528, %mul3A_529 : i32
    %add3A_531 = vector.broadcast %mul3A_530 : i32 to vector<16xi32>
    %add3A_532 = arith.addi %get3A_518, %add3A_531 : vector<16xi32>
    %swap3A_533 = arith.constant 160 : index
    %swap3A_534 = tpu.vector_load %arg10[%swap3A_533] {strides = array<i32>} : memref<4096xi32, #tpu.memory_space<vmem>>, vector<16xi32>,
    tpu.vector_store %arg10[%swap3A_533], %add3A_532 {strides = array<i32>} : memref<4096xi32, #tpu.memory_space<vmem>>, vector<16xi32>,
    %add3A_535 = arith.constant 2 : i32
    %add3A_536 = arith.addi %mul3A_2, %add3A_535 : i32
    %mul3A_537 = arith.constant 100000 : i32
    %mul3A_538 = arith.muli %add3A_536, %mul3A_537 : i32
    %add3A_539 = vector.broadcast %mul3A_538 : i32 to vector<16xi32>
    %add3A_540 = arith.addi %get3A_518, %add3A_539 : vector<16xi32>
    %swap3A_541 = arith.constant 288 : index
    %swap3A_542 = tpu.vector_load %arg10[%swap3A_541] {strides = array<i32>} : memref<4096xi32, #tpu.memory_space<vmem>>, vector<16xi32>,
    tpu.vector_store %arg10[%swap3A_541], %add3A_540 {strides = array<i32>} : memref<4096xi32, #tpu.memory_space<vmem>>, vector<16xi32>,
    %add3A_543 = arith.constant 3 : i32
    %add3A_544 = arith.addi %mul3A_2, %add3A_543 : i32
    %mul3A_545 = arith.constant 100000 : i32
    %mul3A_546 = arith.muli %add3A_544, %mul3A_545 : i32
    %add3A_547 = vector.broadcast %mul3A_546 : i32 to vector<16xi32>
    %add3A_548 = arith.addi %get3A_518, %add3A_547 : vector<16xi32>
    %swap3A_549 = arith.constant 416 : index
    %swap3A_550 = tpu.vector_load %arg10[%swap3A_549] {strides = array<i32>} : memref<4096xi32, #tpu.memory_space<vmem>>, vector<16xi32>,
    tpu.vector_store %arg10[%swap3A_549], %add3A_548 {strides = array<i32>} : memref<4096xi32, #tpu.memory_space<vmem>>, vector<16xi32>,
    %add3A_551 = arith.constant 4 : i32
    %add3A_552 = arith.addi %mul3A_2, %add3A_551 : i32
    %mul3A_553 = arith.constant 100000 : i32
    %mul3A_554 = arith.muli %add3A_552, %mul3A_553 : i32
    %add3A_555 = vector.broadcast %mul3A_554 : i32 to vector<16xi32>
    %add3A_556 = arith.addi %get3A_518, %add3A_555 : vector<16xi32>
    %swap3A_557 = arith.constant 544 : index
    %swap3A_558 = tpu.vector_load %arg10[%swap3A_557] {strides = array<i32>} : memref<4096xi32, #tpu.memory_space<vmem>>, vector<16xi32>,
    tpu.vector_store %arg10[%swap3A_557], %add3A_556 {strides = array<i32>} : memref<4096xi32, #tpu.memory_space<vmem>>, vector<16xi32>,
    %add3A_559 = arith.constant 5 : i32
    %add3A_560 = arith.addi %mul3A_2, %add3A_559 : i32
    %mul3A_561 = arith.constant 100000 : i32
    %mul3A_562 = arith.muli %add3A_560, %mul3A_561 : i32
    %add3A_563 = vector.broadcast %mul3A_562 : i32 to vector<16xi32>
    %add3A_564 = arith.addi %get3A_518, %add3A_563 : vector<16xi32>
    %swap3A_565 = arith.constant 672 : index
    %swap3A_566 = tpu.vector_load %arg10[%swap3A_565] {strides = array<i32>} : memref<4096xi32, #tpu.memory_space<vmem>>, vector<16xi32>,
    tpu.vector_store %arg10[%swap3A_565], %add3A_564 {strides = array<i32>} : memref<4096xi32, #tpu.memory_space<vmem>>, vector<16xi32>,
    %add3A_567 = arith.constant 6 : i32
    %add3A_568 = arith.addi %mul3A_2, %add3A_567 : i32
    %mul3A_569 = arith.constant 100000 : i32
    %mul3A_570 = arith.muli %add3A_568, %mul3A_569 : i32
    %add3A_571 = vector.broadcast %mul3A_570 : i32 to vector<16xi32>
    %add3A_572 = arith.addi %get3A_518, %add3A_571 : vector<16xi32>
    %swap3A_573 = arith.constant 800 : index
    %swap3A_574 = tpu.vector_load %arg10[%swap3A_573] {strides = array<i32>} : memref<4096xi32, #tpu.memory_space<vmem>>, vector<16xi32>,
    tpu.vector_store %arg10[%swap3A_573], %add3A_572 {strides = array<i32>} : memref<4096xi32, #tpu.memory_space<vmem>>, vector<16xi32>,
    %add3A_575 = arith.constant 7 : i32
    %add3A_576 = arith.addi %mul3A_2, %add3A_575 : i32
    %mul3A_577 = arith.constant 100000 : i32
    %mul3A_578 = arith.muli %add3A_576, %mul3A_577 : i32
    %add3A_579 = vector.broadcast %mul3A_578 : i32 to vector<16xi32>
    %add3A_580 = arith.addi %get3A_518, %add3A_579 : vector<16xi32>
    %swap3A_581 = arith.constant 928 : index
    %swap3A_582 = tpu.vector_load %arg10[%swap3A_581] {strides = array<i32>} : memref<4096xi32, #tpu.memory_space<vmem>>, vector<16xi32>,
    tpu.vector_store %arg10[%swap3A_581], %add3A_580 {strides = array<i32>} : memref<4096xi32, #tpu.memory_space<vmem>>, vector<16xi32>,
    %add3A_583 = arith.constant 8 : i32
    %add3A_584 = arith.addi %mul3A_2, %add3A_583 : i32
    %mul3A_585 = arith.constant 100000 : i32
    %mul3A_586 = arith.muli %add3A_584, %mul3A_585 : i32
    %add3A_587 = vector.broadcast %mul3A_586 : i32 to vector<16xi32>
    %add3A_588 = arith.addi %get3A_518, %add3A_587 : vector<16xi32>
    %swap3A_589 = arith.constant 1056 : index
    %swap3A_590 = tpu.vector_load %arg10[%swap3A_589] {strides = array<i32>} : memref<4096xi32, #tpu.memory_space<vmem>>, vector<16xi32>,
    tpu.vector_store %arg10[%swap3A_589], %add3A_588 {strides = array<i32>} : memref<4096xi32, #tpu.memory_space<vmem>>, vector<16xi32>,
    %add3A_591 = arith.constant 9 : i32
    %add3A_592 = arith.addi %mul3A_2, %add3A_591 : i32
    %mul3A_593 = arith.constant 100000 : i32
    %mul3A_594 = arith.muli %add3A_592, %mul3A_593 : i32
    %add3A_595 = vector.broadcast %mul3A_594 : i32 to vector<16xi32>
    %add3A_596 = arith.addi %get3A_518, %add3A_595 : vector<16xi32>
    %swap3A_597 = arith.constant 1184 : index
    %swap3A_598 = tpu.vector_load %arg10[%swap3A_597] {strides = array<i32>} : memref<4096xi32, #tpu.memory_space<vmem>>, vector<16xi32>,
    tpu.vector_store %arg10[%swap3A_597], %add3A_596 {strides = array<i32>} : memref<4096xi32, #tpu.memory_space<vmem>>, vector<16xi32>,
    %add3A_599 = arith.constant 10 : i32
    %add3A_600 = arith.addi %mul3A_2, %add3A_599 : i32
    %mul3A_601 = arith.constant 100000 : i32
    %mul3A_602 = arith.muli %add3A_600, %mul3A_601 : i32
    %add3A_603 = vector.broadcast %mul3A_602 : i32 to vector<16xi32>
    %add3A_604 = arith.addi %get3A_518, %add3A_603 : vector<16xi32>
    %swap3A_605 = arith.constant 1312 : index
    %swap3A_606 = tpu.vector_load %arg10[%swap3A_605] {strides = array<i32>} : memref<4096xi32, #tpu.memory_space<vmem>>, vector<16xi32>,
    tpu.vector_store %arg10[%swap3A_605], %add3A_604 {strides = array<i32>} : memref<4096xi32, #tpu.memory_space<vmem>>, vector<16xi32>,
    %add3A_607 = arith.constant 11 : i32
    %add3A_608 = arith.addi %mul3A_2, %add3A_607 : i32
    %mul3A_609 = arith.constant 100000 : i32
    %mul3A_610 = arith.muli %add3A_608, %mul3A_609 : i32
    %add3A_611 = vector.broadcast %mul3A_610 : i32 to vector<16xi32>
    %add3A_612 = arith.addi %get3A_518, %add3A_611 : vector<16xi32>
    %swap3A_613 = arith.constant 1440 : index
    %swap3A_614 = tpu.vector_load %arg10[%swap3A_613] {strides = array<i32>} : memref<4096xi32, #tpu.memory_space<vmem>>, vector<16xi32>,
    tpu.vector_store %arg10[%swap3A_613], %add3A_612 {strides = array<i32>} : memref<4096xi32, #tpu.memory_space<vmem>>, vector<16xi32>,
    %add3A_615 = arith.constant 12 : i32
    %add3A_616 = arith.addi %mul3A_2, %add3A_615 : i32
    %mul3A_617 = arith.constant 100000 : i32
    %mul3A_618 = arith.muli %add3A_616, %mul3A_617 : i32
    %add3A_619 = vector.broadcast %mul3A_618 : i32 to vector<16xi32>
    %add3A_620 = arith.addi %get3A_518, %add3A_619 : vector<16xi32>
    %swap3A_621 = arith.constant 1568 : index
    %swap3A_622 = tpu.vector_load %arg10[%swap3A_621] {strides = array<i32>} : memref<4096xi32, #tpu.memory_space<vmem>>, vector<16xi32>,
    tpu.vector_store %arg10[%swap3A_621], %add3A_620 {strides = array<i32>} : memref<4096xi32, #tpu.memory_space<vmem>>, vector<16xi32>,
    %add3A_623 = arith.constant 13 : i32
    %add3A_624 = arith.addi %mul3A_2, %add3A_623 : i32
    %mul3A_625 = arith.constant 100000 : i32
    %mul3A_626 = arith.muli %add3A_624, %mul3A_625 : i32
    %add3A_627 = vector.broadcast %mul3A_626 : i32 to vector<16xi32>
    %add3A_628 = arith.addi %get3A_518, %add3A_627 : vector<16xi32>
    %swap3A_629 = arith.constant 1696 : index
    %swap3A_630 = tpu.vector_load %arg10[%swap3A_629] {strides = array<i32>} : memref<4096xi32, #tpu.memory_space<vmem>>, vector<16xi32>,
    tpu.vector_store %arg10[%swap3A_629], %add3A_628 {strides = array<i32>} : memref<4096xi32, #tpu.memory_space<vmem>>, vector<16xi32>,
    %add3A_631 = arith.constant 14 : i32
    %add3A_632 = arith.addi %mul3A_2, %add3A_631 : i32
    %mul3A_633 = arith.constant 100000 : i32
    %mul3A_634 = arith.muli %add3A_632, %mul3A_633 : i32
    %add3A_635 = vector.broadcast %mul3A_634 : i32 to vector<16xi32>
    %add3A_636 = arith.addi %get3A_518, %add3A_635 : vector<16xi32>
    %swap3A_637 = arith.constant 1824 : index
    %swap3A_638 = tpu.vector_load %arg10[%swap3A_637] {strides = array<i32>} : memref<4096xi32, #tpu.memory_space<vmem>>, vector<16xi32>,
    tpu.vector_store %arg10[%swap3A_637], %add3A_636 {strides = array<i32>} : memref<4096xi32, #tpu.memory_space<vmem>>, vector<16xi32>,
    %add3A_639 = arith.constant 15 : i32
    %add3A_640 = arith.addi %mul3A_2, %add3A_639 : i32
    %mul3A_641 = arith.constant 100000 : i32
    %mul3A_642 = arith.muli %add3A_640, %mul3A_641 : i32
    %add3A_643 = vector.broadcast %mul3A_642 : i32 to vector<16xi32>
    %add3A_644 = arith.addi %get3A_518, %add3A_643 : vector<16xi32>
    %swap3A_645 = arith.constant 1952 : index
    %swap3A_646 = tpu.vector_load %arg10[%swap3A_645] {strides = array<i32>} : memref<4096xi32, #tpu.memory_space<vmem>>, vector<16xi32>,
    tpu.vector_store %arg10[%swap3A_645], %add3A_644 {strides = array<i32>} : memref<4096xi32, #tpu.memory_space<vmem>>, vector<16xi32>,
    %add3A_647 = arith.constant 16 : i32
    %add3A_648 = arith.addi %mul3A_2, %add3A_647 : i32
    %mul3A_649 = arith.constant 100000 : i32
    %mul3A_650 = arith.muli %add3A_648, %mul3A_649 : i32
    %add3A_651 = vector.broadcast %mul3A_650 : i32 to vector<16xi32>
    %add3A_652 = arith.addi %get3A_518, %add3A_651 : vector<16xi32>
    %swap3A_653 = arith.constant 2080 : index
    %swap3A_654 = tpu.vector_load %arg10[%swap3A_653] {strides = array<i32>} : memref<4096xi32, #tpu.memory_space<vmem>>, vector<16xi32>,
    tpu.vector_store %arg10[%swap3A_653], %add3A_652 {strides = array<i32>} : memref<4096xi32, #tpu.memory_space<vmem>>, vector<16xi32>,
    %add3A_655 = arith.constant 17 : i32
    %add3A_656 = arith.addi %mul3A_2, %add3A_655 : i32
    %mul3A_657 = arith.constant 100000 : i32
    %mul3A_658 = arith.muli %add3A_656, %mul3A_657 : i32
    %add3A_659 = vector.broadcast %mul3A_658 : i32 to vector<16xi32>
    %add3A_660 = arith.addi %get3A_518, %add3A_659 : vector<16xi32>
    %swap3A_661 = arith.constant 2208 : index
    %swap3A_662 = tpu.vector_load %arg10[%swap3A_661] {strides = array<i32>} : memref<4096xi32, #tpu.memory_space<vmem>>, vector<16xi32>,
    tpu.vector_store %arg10[%swap3A_661], %add3A_660 {strides = array<i32>} : memref<4096xi32, #tpu.memory_space<vmem>>, vector<16xi32>,
    %add3A_663 = arith.constant 18 : i32
    %add3A_664 = arith.addi %mul3A_2, %add3A_663 : i32
    %mul3A_665 = arith.constant 100000 : i32
    %mul3A_666 = arith.muli %add3A_664, %mul3A_665 : i32
    %add3A_667 = vector.broadcast %mul3A_666 : i32 to vector<16xi32>
    %add3A_668 = arith.addi %get3A_518, %add3A_667 : vector<16xi32>
    %swap3A_669 = arith.constant 2336 : index
    %swap3A_670 = tpu.vector_load %arg10[%swap3A_669] {strides = array<i32>} : memref<4096xi32, #tpu.memory_space<vmem>>, vector<16xi32>,
    tpu.vector_store %arg10[%swap3A_669], %add3A_668 {strides = array<i32>} : memref<4096xi32, #tpu.memory_space<vmem>>, vector<16xi32>,
    %add3A_671 = arith.constant 19 : i32
    %add3A_672 = arith.addi %mul3A_2, %add3A_671 : i32
    %mul3A_673 = arith.constant 100000 : i32
    %mul3A_674 = arith.muli %add3A_672, %mul3A_673 : i32
    %add3A_675 = vector.broadcast %mul3A_674 : i32 to vector<16xi32>
    %add3A_676 = arith.addi %get3A_518, %add3A_675 : vector<16xi32>
    %swap3A_677 = arith.constant 2464 : index
    %swap3A_678 = tpu.vector_load %arg10[%swap3A_677] {strides = array<i32>} : memref<4096xi32, #tpu.memory_space<vmem>>, vector<16xi32>,
    tpu.vector_store %arg10[%swap3A_677], %add3A_676 {strides = array<i32>} : memref<4096xi32, #tpu.memory_space<vmem>>, vector<16xi32>,
    %add3A_679 = arith.constant 20 : i32
    %add3A_680 = arith.addi %mul3A_2, %add3A_679 : i32
    %mul3A_681 = arith.constant 100000 : i32
    %mul3A_682 = arith.muli %add3A_680, %mul3A_681 : i32
    %add3A_683 = vector.broadcast %mul3A_682 : i32 to vector<16xi32>
    %add3A_684 = arith.addi %get3A_518, %add3A_683 : vector<16xi32>
    %swap3A_685 = arith.constant 2592 : index
    %swap3A_686 = tpu.vector_load %arg10[%swap3A_685] {strides = array<i32>} : memref<4096xi32, #tpu.memory_space<vmem>>, vector<16xi32>,
    tpu.vector_store %arg10[%swap3A_685], %add3A_684 {strides = array<i32>} : memref<4096xi32, #tpu.memory_space<vmem>>, vector<16xi32>,
    %add3A_687 = arith.constant 21 : i32
    %add3A_688 = arith.addi %mul3A_2, %add3A_687 : i32
    %mul3A_689 = arith.constant 100000 : i32
    %mul3A_690 = arith.muli %add3A_688, %mul3A_689 : i32
    %add3A_691 = vector.broadcast %mul3A_690 : i32 to vector<16xi32>
    %add3A_692 = arith.addi %get3A_518, %add3A_691 : vector<16xi32>
    %swap3A_693 = arith.constant 2720 : index
    %swap3A_694 = tpu.vector_load %arg10[%swap3A_693] {strides = array<i32>} : memref<4096xi32, #tpu.memory_space<vmem>>, vector<16xi32>,
    tpu.vector_store %arg10[%swap3A_693], %add3A_692 {strides = array<i32>} : memref<4096xi32, #tpu.memory_space<vmem>>, vector<16xi32>,
    %add3A_695 = arith.constant 22 : i32
    %add3A_696 = arith.addi %mul3A_2, %add3A_695 : i32
    %mul3A_697 = arith.constant 100000 : i32
    %mul3A_698 = arith.muli %add3A_696, %mul3A_697 : i32
    %add3A_699 = vector.broadcast %mul3A_698 : i32 to vector<16xi32>
    %add3A_700 = arith.addi %get3A_518, %add3A_699 : vector<16xi32>
    %swap3A_701 = arith.constant 2848 : index
    %swap3A_702 = tpu.vector_load %arg10[%swap3A_701] {strides = array<i32>} : memref<4096xi32, #tpu.memory_space<vmem>>, vector<16xi32>,
    tpu.vector_store %arg10[%swap3A_701], %add3A_700 {strides = array<i32>} : memref<4096xi32, #tpu.memory_space<vmem>>, vector<16xi32>,
    %add3A_703 = arith.constant 23 : i32
    %add3A_704 = arith.addi %mul3A_2, %add3A_703 : i32
    %mul3A_705 = arith.constant 100000 : i32
    %mul3A_706 = arith.muli %add3A_704, %mul3A_705 : i32
    %add3A_707 = vector.broadcast %mul3A_706 : i32 to vector<16xi32>
    %add3A_708 = arith.addi %get3A_518, %add3A_707 : vector<16xi32>
    %swap3A_709 = arith.constant 2976 : index
    %swap3A_710 = tpu.vector_load %arg10[%swap3A_709] {strides = array<i32>} : memref<4096xi32, #tpu.memory_space<vmem>>, vector<16xi32>,
    tpu.vector_store %arg10[%swap3A_709], %add3A_708 {strides = array<i32>} : memref<4096xi32, #tpu.memory_space<vmem>>, vector<16xi32>,
    %add3A_711 = arith.constant 24 : i32
    %add3A_712 = arith.addi %mul3A_2, %add3A_711 : i32
    %mul3A_713 = arith.constant 100000 : i32
    %mul3A_714 = arith.muli %add3A_712, %mul3A_713 : i32
    %add3A_715 = vector.broadcast %mul3A_714 : i32 to vector<16xi32>
    %add3A_716 = arith.addi %get3A_518, %add3A_715 : vector<16xi32>
    %swap3A_717 = arith.constant 3104 : index
    %swap3A_718 = tpu.vector_load %arg10[%swap3A_717] {strides = array<i32>} : memref<4096xi32, #tpu.memory_space<vmem>>, vector<16xi32>,
    tpu.vector_store %arg10[%swap3A_717], %add3A_716 {strides = array<i32>} : memref<4096xi32, #tpu.memory_space<vmem>>, vector<16xi32>,
    %add3A_719 = arith.constant 25 : i32
    %add3A_720 = arith.addi %mul3A_2, %add3A_719 : i32
    %mul3A_721 = arith.constant 100000 : i32
    %mul3A_722 = arith.muli %add3A_720, %mul3A_721 : i32
    %add3A_723 = vector.broadcast %mul3A_722 : i32 to vector<16xi32>
    %add3A_724 = arith.addi %get3A_518, %add3A_723 : vector<16xi32>
    %swap3A_725 = arith.constant 3232 : index
    %swap3A_726 = tpu.vector_load %arg10[%swap3A_725] {strides = array<i32>} : memref<4096xi32, #tpu.memory_space<vmem>>, vector<16xi32>,
    tpu.vector_store %arg10[%swap3A_725], %add3A_724 {strides = array<i32>} : memref<4096xi32, #tpu.memory_space<vmem>>, vector<16xi32>,
    %add3A_727 = arith.constant 26 : i32
    %add3A_728 = arith.addi %mul3A_2, %add3A_727 : i32
    %mul3A_729 = arith.constant 100000 : i32
    %mul3A_730 = arith.muli %add3A_728, %mul3A_729 : i32
    %add3A_731 = vector.broadcast %mul3A_730 : i32 to vector<16xi32>
    %add3A_732 = arith.addi %get3A_518, %add3A_731 : vector<16xi32>
    %swap3A_733 = arith.constant 3360 : index
    %swap3A_734 = tpu.vector_load %arg10[%swap3A_733] {strides = array<i32>} : memref<4096xi32, #tpu.memory_space<vmem>>, vector<16xi32>,
    tpu.vector_store %arg10[%swap3A_733], %add3A_732 {strides = array<i32>} : memref<4096xi32, #tpu.memory_space<vmem>>, vector<16xi32>,
    %add3A_735 = arith.constant 27 : i32
    %add3A_736 = arith.addi %mul3A_2, %add3A_735 : i32
    %mul3A_737 = arith.constant 100000 : i32
    %mul3A_738 = arith.muli %add3A_736, %mul3A_737 : i32
    %add3A_739 = vector.broadcast %mul3A_738 : i32 to vector<16xi32>
    %add3A_740 = arith.addi %get3A_518, %add3A_739 : vector<16xi32>
    %swap3A_741 = arith.constant 3488 : index
    %swap3A_742 = tpu.vector_load %arg10[%swap3A_741] {strides = array<i32>} : memref<4096xi32, #tpu.memory_space<vmem>>, vector<16xi32>,
    tpu.vector_store %arg10[%swap3A_741], %add3A_740 {strides = array<i32>} : memref<4096xi32, #tpu.memory_space<vmem>>, vector<16xi32>,
    %add3A_743 = arith.constant 28 : i32
    %add3A_744 = arith.addi %mul3A_2, %add3A_743 : i32
    %mul3A_745 = arith.constant 100000 : i32
    %mul3A_746 = arith.muli %add3A_744, %mul3A_745 : i32
    %add3A_747 = vector.broadcast %mul3A_746 : i32 to vector<16xi32>
    %add3A_748 = arith.addi %get3A_518, %add3A_747 : vector<16xi32>
    %swap3A_749 = arith.constant 3616 : index
    %swap3A_750 = tpu.vector_load %arg10[%swap3A_749] {strides = array<i32>} : memref<4096xi32, #tpu.memory_space<vmem>>, vector<16xi32>,
    tpu.vector_store %arg10[%swap3A_749], %add3A_748 {strides = array<i32>} : memref<4096xi32, #tpu.memory_space<vmem>>, vector<16xi32>,
    %add3A_751 = arith.constant 29 : i32
    %add3A_752 = arith.addi %mul3A_2, %add3A_751 : i32
    %mul3A_753 = arith.constant 100000 : i32
    %mul3A_754 = arith.muli %add3A_752, %mul3A_753 : i32
    %add3A_755 = vector.broadcast %mul3A_754 : i32 to vector<16xi32>
    %add3A_756 = arith.addi %get3A_518, %add3A_755 : vector<16xi32>
    %swap3A_757 = arith.constant 3744 : index
    %swap3A_758 = tpu.vector_load %arg10[%swap3A_757] {strides = array<i32>} : memref<4096xi32, #tpu.memory_space<vmem>>, vector<16xi32>,
    tpu.vector_store %arg10[%swap3A_757], %add3A_756 {strides = array<i32>} : memref<4096xi32, #tpu.memory_space<vmem>>, vector<16xi32>,
    %add3A_759 = arith.constant 30 : i32
    %add3A_760 = arith.addi %mul3A_2, %add3A_759 : i32
    %mul3A_761 = arith.constant 100000 : i32
    %mul3A_762 = arith.muli %add3A_760, %mul3A_761 : i32
    %add3A_763 = vector.broadcast %mul3A_762 : i32 to vector<16xi32>
    %add3A_764 = arith.addi %get3A_518, %add3A_763 : vector<16xi32>
    %swap3A_765 = arith.constant 3872 : index
    %swap3A_766 = tpu.vector_load %arg10[%swap3A_765] {strides = array<i32>} : memref<4096xi32, #tpu.memory_space<vmem>>, vector<16xi32>,
    tpu.vector_store %arg10[%swap3A_765], %add3A_764 {strides = array<i32>} : memref<4096xi32, #tpu.memory_space<vmem>>, vector<16xi32>,
    %add3A_767 = arith.constant 31 : i32
    %add3A_768 = arith.addi %mul3A_2, %add3A_767 : i32
    %mul3A_769 = arith.constant 100000 : i32
    %mul3A_770 = arith.muli %add3A_768, %mul3A_769 : i32
    %add3A_771 = vector.broadcast %mul3A_770 : i32 to vector<16xi32>
    %add3A_772 = arith.addi %get3A_518, %add3A_771 : vector<16xi32>
    %swap3A_773 = arith.constant 4000 : index
    %swap3A_774 = tpu.vector_load %arg10[%swap3A_773] {strides = array<i32>} : memref<4096xi32, #tpu.memory_space<vmem>>, vector<16xi32>,
    tpu.vector_store %arg10[%swap3A_773], %add3A_772 {strides = array<i32>} : memref<4096xi32, #tpu.memory_space<vmem>>, vector<16xi32>,
    %get3A_775 = arith.constant 48 : index
    %get3A_776 = tpu.vector_load %arg7[%get3A_775] {strides = array<i32>} : memref<128xi32, #tpu.memory_space<vmem>>, vector<16xi32>,
    %add3A_777 = arith.constant 0 : i32
    %add3A_778 = arith.addi %mul3A_2, %add3A_777 : i32
    %mul3A_779 = arith.constant 100000 : i32
    %mul3A_780 = arith.muli %add3A_778, %mul3A_779 : i32
    %add3A_781 = vector.broadcast %mul3A_780 : i32 to vector<16xi32>
    %add3A_782 = arith.addi %get3A_776, %add3A_781 : vector<16xi32>
    %swap3A_783 = arith.constant 48 : index
    %swap3A_784 = tpu.vector_load %arg10[%swap3A_783] {strides = array<i32>} : memref<4096xi32, #tpu.memory_space<vmem>>, vector<16xi32>,
    tpu.vector_store %arg10[%swap3A_783], %add3A_782 {strides = array<i32>} : memref<4096xi32, #tpu.memory_space<vmem>>, vector<16xi32>,
    %add3A_785 = arith.constant 1 : i32
    %add3A_786 = arith.addi %mul3A_2, %add3A_785 : i32
    %mul3A_787 = arith.constant 100000 : i32
    %mul3A_788 = arith.muli %add3A_786, %mul3A_787 : i32
    %add3A_789 = vector.broadcast %mul3A_788 : i32 to vector<16xi32>
    %add3A_790 = arith.addi %get3A_776, %add3A_789 : vector<16xi32>
    %swap3A_791 = arith.constant 176 : index
    %swap3A_792 = tpu.vector_load %arg10[%swap3A_791] {strides = array<i32>} : memref<4096xi32, #tpu.memory_space<vmem>>, vector<16xi32>,
    tpu.vector_store %arg10[%swap3A_791], %add3A_790 {strides = array<i32>} : memref<4096xi32, #tpu.memory_space<vmem>>, vector<16xi32>,
    %add3A_793 = arith.constant 2 : i32
    %add3A_794 = arith.addi %mul3A_2, %add3A_793 : i32
    %mul3A_795 = arith.constant 100000 : i32
    %mul3A_796 = arith.muli %add3A_794, %mul3A_795 : i32
    %add3A_797 = vector.broadcast %mul3A_796 : i32 to vector<16xi32>
    %add3A_798 = arith.addi %get3A_776, %add3A_797 : vector<16xi32>
    %swap3A_799 = arith.constant 304 : index
    %swap3A_800 = tpu.vector_load %arg10[%swap3A_799] {strides = array<i32>} : memref<4096xi32, #tpu.memory_space<vmem>>, vector<16xi32>,
    tpu.vector_store %arg10[%swap3A_799], %add3A_798 {strides = array<i32>} : memref<4096xi32, #tpu.memory_space<vmem>>, vector<16xi32>,
    %add3A_801 = arith.constant 3 : i32
    %add3A_802 = arith.addi %mul3A_2, %add3A_801 : i32
    %mul3A_803 = arith.constant 100000 : i32
    %mul3A_804 = arith.muli %add3A_802, %mul3A_803 : i32
    %add3A_805 = vector.broadcast %mul3A_804 : i32 to vector<16xi32>
    %add3A_806 = arith.addi %get3A_776, %add3A_805 : vector<16xi32>
    %swap3A_807 = arith.constant 432 : index
    %swap3A_808 = tpu.vector_load %arg10[%swap3A_807] {strides = array<i32>} : memref<4096xi32, #tpu.memory_space<vmem>>, vector<16xi32>,
    tpu.vector_store %arg10[%swap3A_807], %add3A_806 {strides = array<i32>} : memref<4096xi32, #tpu.memory_space<vmem>>, vector<16xi32>,
    %add3A_809 = arith.constant 4 : i32
    %add3A_810 = arith.addi %mul3A_2, %add3A_809 : i32
    %mul3A_811 = arith.constant 100000 : i32
    %mul3A_812 = arith.muli %add3A_810, %mul3A_811 : i32
    %add3A_813 = vector.broadcast %mul3A_812 : i32 to vector<16xi32>
    %add3A_814 = arith.addi %get3A_776, %add3A_813 : vector<16xi32>
    %swap3A_815 = arith.constant 560 : index
    %swap3A_816 = tpu.vector_load %arg10[%swap3A_815] {strides = array<i32>} : memref<4096xi32, #tpu.memory_space<vmem>>, vector<16xi32>,
    tpu.vector_store %arg10[%swap3A_815], %add3A_814 {strides = array<i32>} : memref<4096xi32, #tpu.memory_space<vmem>>, vector<16xi32>,
    %add3A_817 = arith.constant 5 : i32
    %add3A_818 = arith.addi %mul3A_2, %add3A_817 : i32
    %mul3A_819 = arith.constant 100000 : i32
    %mul3A_820 = arith.muli %add3A_818, %mul3A_819 : i32
    %add3A_821 = vector.broadcast %mul3A_820 : i32 to vector<16xi32>
    %add3A_822 = arith.addi %get3A_776, %add3A_821 : vector<16xi32>
    %swap3A_823 = arith.constant 688 : index
    %swap3A_824 = tpu.vector_load %arg10[%swap3A_823] {strides = array<i32>} : memref<4096xi32, #tpu.memory_space<vmem>>, vector<16xi32>,
    tpu.vector_store %arg10[%swap3A_823], %add3A_822 {strides = array<i32>} : memref<4096xi32, #tpu.memory_space<vmem>>, vector<16xi32>,
    %add3A_825 = arith.constant 6 : i32
    %add3A_826 = arith.addi %mul3A_2, %add3A_825 : i32
    %mul3A_827 = arith.constant 100000 : i32
    %mul3A_828 = arith.muli %add3A_826, %mul3A_827 : i32
    %add3A_829 = vector.broadcast %mul3A_828 : i32 to vector<16xi32>
    %add3A_830 = arith.addi %get3A_776, %add3A_829 : vector<16xi32>
    %swap3A_831 = arith.constant 816 : index
    %swap3A_832 = tpu.vector_load %arg10[%swap3A_831] {strides = array<i32>} : memref<4096xi32, #tpu.memory_space<vmem>>, vector<16xi32>,
    tpu.vector_store %arg10[%swap3A_831], %add3A_830 {strides = array<i32>} : memref<4096xi32, #tpu.memory_space<vmem>>, vector<16xi32>,
    %add3A_833 = arith.constant 7 : i32
    %add3A_834 = arith.addi %mul3A_2, %add3A_833 : i32
    %mul3A_835 = arith.constant 100000 : i32
    %mul3A_836 = arith.muli %add3A_834, %mul3A_835 : i32
    %add3A_837 = vector.broadcast %mul3A_836 : i32 to vector<16xi32>
    %add3A_838 = arith.addi %get3A_776, %add3A_837 : vector<16xi32>
    %swap3A_839 = arith.constant 944 : index
    %swap3A_840 = tpu.vector_load %arg10[%swap3A_839] {strides = array<i32>} : memref<4096xi32, #tpu.memory_space<vmem>>, vector<16xi32>,
    tpu.vector_store %arg10[%swap3A_839], %add3A_838 {strides = array<i32>} : memref<4096xi32, #tpu.memory_space<vmem>>, vector<16xi32>,
    %add3A_841 = arith.constant 8 : i32
    %add3A_842 = arith.addi %mul3A_2, %add3A_841 : i32
    %mul3A_843 = arith.constant 100000 : i32
    %mul3A_844 = arith.muli %add3A_842, %mul3A_843 : i32
    %add3A_845 = vector.broadcast %mul3A_844 : i32 to vector<16xi32>
    %add3A_846 = arith.addi %get3A_776, %add3A_845 : vector<16xi32>
    %swap3A_847 = arith.constant 1072 : index
    %swap3A_848 = tpu.vector_load %arg10[%swap3A_847] {strides = array<i32>} : memref<4096xi32, #tpu.memory_space<vmem>>, vector<16xi32>,
    tpu.vector_store %arg10[%swap3A_847], %add3A_846 {strides = array<i32>} : memref<4096xi32, #tpu.memory_space<vmem>>, vector<16xi32>,
    %add3A_849 = arith.constant 9 : i32
    %add3A_850 = arith.addi %mul3A_2, %add3A_849 : i32
    %mul3A_851 = arith.constant 100000 : i32
    %mul3A_852 = arith.muli %add3A_850, %mul3A_851 : i32
    %add3A_853 = vector.broadcast %mul3A_852 : i32 to vector<16xi32>
    %add3A_854 = arith.addi %get3A_776, %add3A_853 : vector<16xi32>
    %swap3A_855 = arith.constant 1200 : index
    %swap3A_856 = tpu.vector_load %arg10[%swap3A_855] {strides = array<i32>} : memref<4096xi32, #tpu.memory_space<vmem>>, vector<16xi32>,
    tpu.vector_store %arg10[%swap3A_855], %add3A_854 {strides = array<i32>} : memref<4096xi32, #tpu.memory_space<vmem>>, vector<16xi32>,
    %add3A_857 = arith.constant 10 : i32
    %add3A_858 = arith.addi %mul3A_2, %add3A_857 : i32
    %mul3A_859 = arith.constant 100000 : i32
    %mul3A_860 = arith.muli %add3A_858, %mul3A_859 : i32
    %add3A_861 = vector.broadcast %mul3A_860 : i32 to vector<16xi32>
    %add3A_862 = arith.addi %get3A_776, %add3A_861 : vector<16xi32>
    %swap3A_863 = arith.constant 1328 : index
    %swap3A_864 = tpu.vector_load %arg10[%swap3A_863] {strides = array<i32>} : memref<4096xi32, #tpu.memory_space<vmem>>, vector<16xi32>,
    tpu.vector_store %arg10[%swap3A_863], %add3A_862 {strides = array<i32>} : memref<4096xi32, #tpu.memory_space<vmem>>, vector<16xi32>,
    %add3A_865 = arith.constant 11 : i32
    %add3A_866 = arith.addi %mul3A_2, %add3A_865 : i32
    %mul3A_867 = arith.constant 100000 : i32
    %mul3A_868 = arith.muli %add3A_866, %mul3A_867 : i32
    %add3A_869 = vector.broadcast %mul3A_868 : i32 to vector<16xi32>
    %add3A_870 = arith.addi %get3A_776, %add3A_869 : vector<16xi32>
    %swap3A_871 = arith.constant 1456 : index
    %swap3A_872 = tpu.vector_load %arg10[%swap3A_871] {strides = array<i32>} : memref<4096xi32, #tpu.memory_space<vmem>>, vector<16xi32>,
    tpu.vector_store %arg10[%swap3A_871], %add3A_870 {strides = array<i32>} : memref<4096xi32, #tpu.memory_space<vmem>>, vector<16xi32>,
    %add3A_873 = arith.constant 12 : i32
    %add3A_874 = arith.addi %mul3A_2, %add3A_873 : i32
    %mul3A_875 = arith.constant 100000 : i32
    %mul3A_876 = arith.muli %add3A_874, %mul3A_875 : i32
    %add3A_877 = vector.broadcast %mul3A_876 : i32 to vector<16xi32>
    %add3A_878 = arith.addi %get3A_776, %add3A_877 : vector<16xi32>
    %swap3A_879 = arith.constant 1584 : index
    %swap3A_880 = tpu.vector_load %arg10[%swap3A_879] {strides = array<i32>} : memref<4096xi32, #tpu.memory_space<vmem>>, vector<16xi32>,
    tpu.vector_store %arg10[%swap3A_879], %add3A_878 {strides = array<i32>} : memref<4096xi32, #tpu.memory_space<vmem>>, vector<16xi32>,
    %add3A_881 = arith.constant 13 : i32
    %add3A_882 = arith.addi %mul3A_2, %add3A_881 : i32
    %mul3A_883 = arith.constant 100000 : i32
    %mul3A_884 = arith.muli %add3A_882, %mul3A_883 : i32
    %add3A_885 = vector.broadcast %mul3A_884 : i32 to vector<16xi32>
    %add3A_886 = arith.addi %get3A_776, %add3A_885 : vector<16xi32>
    %swap3A_887 = arith.constant 1712 : index
    %swap3A_888 = tpu.vector_load %arg10[%swap3A_887] {strides = array<i32>} : memref<4096xi32, #tpu.memory_space<vmem>>, vector<16xi32>,
    tpu.vector_store %arg10[%swap3A_887], %add3A_886 {strides = array<i32>} : memref<4096xi32, #tpu.memory_space<vmem>>, vector<16xi32>,
    %add3A_889 = arith.constant 14 : i32
    %add3A_890 = arith.addi %mul3A_2, %add3A_889 : i32
    %mul3A_891 = arith.constant 100000 : i32
    %mul3A_892 = arith.muli %add3A_890, %mul3A_891 : i32
    %add3A_893 = vector.broadcast %mul3A_892 : i32 to vector<16xi32>
    %add3A_894 = arith.addi %get3A_776, %add3A_893 : vector<16xi32>
    %swap3A_895 = arith.constant 1840 : index
    %swap3A_896 = tpu.vector_load %arg10[%swap3A_895] {strides = array<i32>} : memref<4096xi32, #tpu.memory_space<vmem>>, vector<16xi32>,
    tpu.vector_store %arg10[%swap3A_895], %add3A_894 {strides = array<i32>} : memref<4096xi32, #tpu.memory_space<vmem>>, vector<16xi32>,
    %add3A_897 = arith.constant 15 : i32
    %add3A_898 = arith.addi %mul3A_2, %add3A_897 : i32
    %mul3A_899 = arith.constant 100000 : i32
    %mul3A_900 = arith.muli %add3A_898, %mul3A_899 : i32
    %add3A_901 = vector.broadcast %mul3A_900 : i32 to vector<16xi32>
    %add3A_902 = arith.addi %get3A_776, %add3A_901 : vector<16xi32>
    %swap3A_903 = arith.constant 1968 : index
    %swap3A_904 = tpu.vector_load %arg10[%swap3A_903] {strides = array<i32>} : memref<4096xi32, #tpu.memory_space<vmem>>, vector<16xi32>,
    tpu.vector_store %arg10[%swap3A_903], %add3A_902 {strides = array<i32>} : memref<4096xi32, #tpu.memory_space<vmem>>, vector<16xi32>,
    %add3A_905 = arith.constant 16 : i32
    %add3A_906 = arith.addi %mul3A_2, %add3A_905 : i32
    %mul3A_907 = arith.constant 100000 : i32
    %mul3A_908 = arith.muli %add3A_906, %mul3A_907 : i32
    %add3A_909 = vector.broadcast %mul3A_908 : i32 to vector<16xi32>
    %add3A_910 = arith.addi %get3A_776, %add3A_909 : vector<16xi32>
    %swap3A_911 = arith.constant 2096 : index
    %swap3A_912 = tpu.vector_load %arg10[%swap3A_911] {strides = array<i32>} : memref<4096xi32, #tpu.memory_space<vmem>>, vector<16xi32>,
    tpu.vector_store %arg10[%swap3A_911], %add3A_910 {strides = array<i32>} : memref<4096xi32, #tpu.memory_space<vmem>>, vector<16xi32>,
    %add3A_913 = arith.constant 17 : i32
    %add3A_914 = arith.addi %mul3A_2, %add3A_913 : i32
    %mul3A_915 = arith.constant 100000 : i32
    %mul3A_916 = arith.muli %add3A_914, %mul3A_915 : i32
    %add3A_917 = vector.broadcast %mul3A_916 : i32 to vector<16xi32>
    %add3A_918 = arith.addi %get3A_776, %add3A_917 : vector<16xi32>
    %swap3A_919 = arith.constant 2224 : index
    %swap3A_920 = tpu.vector_load %arg10[%swap3A_919] {strides = array<i32>} : memref<4096xi32, #tpu.memory_space<vmem>>, vector<16xi32>,
    tpu.vector_store %arg10[%swap3A_919], %add3A_918 {strides = array<i32>} : memref<4096xi32, #tpu.memory_space<vmem>>, vector<16xi32>,
    %add3A_921 = arith.constant 18 : i32
    %add3A_922 = arith.addi %mul3A_2, %add3A_921 : i32
    %mul3A_923 = arith.constant 100000 : i32
    %mul3A_924 = arith.muli %add3A_922, %mul3A_923 : i32
    %add3A_925 = vector.broadcast %mul3A_924 : i32 to vector<16xi32>
    %add3A_926 = arith.addi %get3A_776, %add3A_925 : vector<16xi32>
    %swap3A_927 = arith.constant 2352 : index
    %swap3A_928 = tpu.vector_load %arg10[%swap3A_927] {strides = array<i32>} : memref<4096xi32, #tpu.memory_space<vmem>>, vector<16xi32>,
    tpu.vector_store %arg10[%swap3A_927], %add3A_926 {strides = array<i32>} : memref<4096xi32, #tpu.memory_space<vmem>>, vector<16xi32>,
    %add3A_929 = arith.constant 19 : i32
    %add3A_930 = arith.addi %mul3A_2, %add3A_929 : i32
    %mul3A_931 = arith.constant 100000 : i32
    %mul3A_932 = arith.muli %add3A_930, %mul3A_931 : i32
    %add3A_933 = vector.broadcast %mul3A_932 : i32 to vector<16xi32>
    %add3A_934 = arith.addi %get3A_776, %add3A_933 : vector<16xi32>
    %swap3A_935 = arith.constant 2480 : index
    %swap3A_936 = tpu.vector_load %arg10[%swap3A_935] {strides = array<i32>} : memref<4096xi32, #tpu.memory_space<vmem>>, vector<16xi32>,
    tpu.vector_store %arg10[%swap3A_935], %add3A_934 {strides = array<i32>} : memref<4096xi32, #tpu.memory_space<vmem>>, vector<16xi32>,
    %add3A_937 = arith.constant 20 : i32
    %add3A_938 = arith.addi %mul3A_2, %add3A_937 : i32
    %mul3A_939 = arith.constant 100000 : i32
    %mul3A_940 = arith.muli %add3A_938, %mul3A_939 : i32
    %add3A_941 = vector.broadcast %mul3A_940 : i32 to vector<16xi32>
    %add3A_942 = arith.addi %get3A_776, %add3A_941 : vector<16xi32>
    %swap3A_943 = arith.constant 2608 : index
    %swap3A_944 = tpu.vector_load %arg10[%swap3A_943] {strides = array<i32>} : memref<4096xi32, #tpu.memory_space<vmem>>, vector<16xi32>,
    tpu.vector_store %arg10[%swap3A_943], %add3A_942 {strides = array<i32>} : memref<4096xi32, #tpu.memory_space<vmem>>, vector<16xi32>,
    %add3A_945 = arith.constant 21 : i32
    %add3A_946 = arith.addi %mul3A_2, %add3A_945 : i32
    %mul3A_947 = arith.constant 100000 : i32
    %mul3A_948 = arith.muli %add3A_946, %mul3A_947 : i32
    %add3A_949 = vector.broadcast %mul3A_948 : i32 to vector<16xi32>
    %add3A_950 = arith.addi %get3A_776, %add3A_949 : vector<16xi32>
    %swap3A_951 = arith.constant 2736 : index
    %swap3A_952 = tpu.vector_load %arg10[%swap3A_951] {strides = array<i32>} : memref<4096xi32, #tpu.memory_space<vmem>>, vector<16xi32>,
    tpu.vector_store %arg10[%swap3A_951], %add3A_950 {strides = array<i32>} : memref<4096xi32, #tpu.memory_space<vmem>>, vector<16xi32>,
    %add3A_953 = arith.constant 22 : i32
    %add3A_954 = arith.addi %mul3A_2, %add3A_953 : i32
    %mul3A_955 = arith.constant 100000 : i32
    %mul3A_956 = arith.muli %add3A_954, %mul3A_955 : i32
    %add3A_957 = vector.broadcast %mul3A_956 : i32 to vector<16xi32>
    %add3A_958 = arith.addi %get3A_776, %add3A_957 : vector<16xi32>
    %swap3A_959 = arith.constant 2864 : index
    %swap3A_960 = tpu.vector_load %arg10[%swap3A_959] {strides = array<i32>} : memref<4096xi32, #tpu.memory_space<vmem>>, vector<16xi32>,
    tpu.vector_store %arg10[%swap3A_959], %add3A_958 {strides = array<i32>} : memref<4096xi32, #tpu.memory_space<vmem>>, vector<16xi32>,
    %add3A_961 = arith.constant 23 : i32
    %add3A_962 = arith.addi %mul3A_2, %add3A_961 : i32
    %mul3A_963 = arith.constant 100000 : i32
    %mul3A_964 = arith.muli %add3A_962, %mul3A_963 : i32
    %add3A_965 = vector.broadcast %mul3A_964 : i32 to vector<16xi32>
    %add3A_966 = arith.addi %get3A_776, %add3A_965 : vector<16xi32>
    %swap3A_967 = arith.constant 2992 : index
    %swap3A_968 = tpu.vector_load %arg10[%swap3A_967] {strides = array<i32>} : memref<4096xi32, #tpu.memory_space<vmem>>, vector<16xi32>,
    tpu.vector_store %arg10[%swap3A_967], %add3A_966 {strides = array<i32>} : memref<4096xi32, #tpu.memory_space<vmem>>, vector<16xi32>,
    %add3A_969 = arith.constant 24 : i32
    %add3A_970 = arith.addi %mul3A_2, %add3A_969 : i32
    %mul3A_971 = arith.constant 100000 : i32
    %mul3A_972 = arith.muli %add3A_970, %mul3A_971 : i32
    %add3A_973 = vector.broadcast %mul3A_972 : i32 to vector<16xi32>
    %add3A_974 = arith.addi %get3A_776, %add3A_973 : vector<16xi32>
    %swap3A_975 = arith.constant 3120 : index
    %swap3A_976 = tpu.vector_load %arg10[%swap3A_975] {strides = array<i32>} : memref<4096xi32, #tpu.memory_space<vmem>>, vector<16xi32>,
    tpu.vector_store %arg10[%swap3A_975], %add3A_974 {strides = array<i32>} : memref<4096xi32, #tpu.memory_space<vmem>>, vector<16xi32>,
    %add3A_977 = arith.constant 25 : i32
    %add3A_978 = arith.addi %mul3A_2, %add3A_977 : i32
    %mul3A_979 = arith.constant 100000 : i32
    %mul3A_980 = arith.muli %add3A_978, %mul3A_979 : i32
    %add3A_981 = vector.broadcast %mul3A_980 : i32 to vector<16xi32>
    %add3A_982 = arith.addi %get3A_776, %add3A_981 : vector<16xi32>
    %swap3A_983 = arith.constant 3248 : index
    %swap3A_984 = tpu.vector_load %arg10[%swap3A_983] {strides = array<i32>} : memref<4096xi32, #tpu.memory_space<vmem>>, vector<16xi32>,
    tpu.vector_store %arg10[%swap3A_983], %add3A_982 {strides = array<i32>} : memref<4096xi32, #tpu.memory_space<vmem>>, vector<16xi32>,
    %add3A_985 = arith.constant 26 : i32
    %add3A_986 = arith.addi %mul3A_2, %add3A_985 : i32
    %mul3A_987 = arith.constant 100000 : i32
    %mul3A_988 = arith.muli %add3A_986, %mul3A_987 : i32
    %add3A_989 = vector.broadcast %mul3A_988 : i32 to vector<16xi32>
    %add3A_990 = arith.addi %get3A_776, %add3A_989 : vector<16xi32>
    %swap3A_991 = arith.constant 3376 : index
    %swap3A_992 = tpu.vector_load %arg10[%swap3A_991] {strides = array<i32>} : memref<4096xi32, #tpu.memory_space<vmem>>, vector<16xi32>,
    tpu.vector_store %arg10[%swap3A_991], %add3A_990 {strides = array<i32>} : memref<4096xi32, #tpu.memory_space<vmem>>, vector<16xi32>,
    %add3A_993 = arith.constant 27 : i32
    %add3A_994 = arith.addi %mul3A_2, %add3A_993 : i32
    %mul3A_995 = arith.constant 100000 : i32
    %mul3A_996 = arith.muli %add3A_994, %mul3A_995 : i32
    %add3A_997 = vector.broadcast %mul3A_996 : i32 to vector<16xi32>
    %add3A_998 = arith.addi %get3A_776, %add3A_997 : vector<16xi32>
    %swap3A_999 = arith.constant 3504 : index
    %swap3A_1000 = tpu.vector_load %arg10[%swap3A_999] {strides = array<i32>} : memref<4096xi32, #tpu.memory_space<vmem>>, vector<16xi32>,
    tpu.vector_store %arg10[%swap3A_999], %add3A_998 {strides = array<i32>} : memref<4096xi32, #tpu.memory_space<vmem>>, vector<16xi32>,
    %add3A_1001 = arith.constant 28 : i32
    %add3A_1002 = arith.addi %mul3A_2, %add3A_1001 : i32
    %mul3A_1003 = arith.constant 100000 : i32
    %mul3A_1004 = arith.muli %add3A_1002, %mul3A_1003 : i32
    %add3A_1005 = vector.broadcast %mul3A_1004 : i32 to vector<16xi32>
    %add3A_1006 = arith.addi %get3A_776, %add3A_1005 : vector<16xi32>
    %swap3A_1007 = arith.constant 3632 : index
    %swap3A_1008 = tpu.vector_load %arg10[%swap3A_1007] {strides = array<i32>} : memref<4096xi32, #tpu.memory_space<vmem>>, vector<16xi32>,
    tpu.vector_store %arg10[%swap3A_1007], %add3A_1006 {strides = array<i32>} : memref<4096xi32, #tpu.memory_space<vmem>>, vector<16xi32>,
    %add3A_1009 = arith.constant 29 : i32
    %add3A_1010 = arith.addi %mul3A_2, %add3A_1009 : i32
    %mul3A_1011 = arith.constant 100000 : i32
    %mul3A_1012 = arith.muli %add3A_1010, %mul3A_1011 : i32
    %add3A_1013 = vector.broadcast %mul3A_1012 : i32 to vector<16xi32>
    %add3A_1014 = arith.addi %get3A_776, %add3A_1013 : vector<16xi32>
    %swap3A_1015 = arith.constant 3760 : index
    %swap3A_1016 = tpu.vector_load %arg10[%swap3A_1015] {strides = array<i32>} : memref<4096xi32, #tpu.memory_space<vmem>>, vector<16xi32>,
    tpu.vector_store %arg10[%swap3A_1015], %add3A_1014 {strides = array<i32>} : memref<4096xi32, #tpu.memory_space<vmem>>, vector<16xi32>,
    %add3A_1017 = arith.constant 30 : i32
    %add3A_1018 = arith.addi %mul3A_2, %add3A_1017 : i32
    %mul3A_1019 = arith.constant 100000 : i32
    %mul3A_1020 = arith.muli %add3A_1018, %mul3A_1019 : i32
    %add3A_1021 = vector.broadcast %mul3A_1020 : i32 to vector<16xi32>
    %add3A_1022 = arith.addi %get3A_776, %add3A_1021 : vector<16xi32>
    %swap3A_1023 = arith.constant 3888 : index
    %swap3A_1024 = tpu.vector_load %arg10[%swap3A_1023] {strides = array<i32>} : memref<4096xi32, #tpu.memory_space<vmem>>, vector<16xi32>,
    tpu.vector_store %arg10[%swap3A_1023], %add3A_1022 {strides = array<i32>} : memref<4096xi32, #tpu.memory_space<vmem>>, vector<16xi32>,
    %add3A_1025 = arith.constant 31 : i32
    %add3A_1026 = arith.addi %mul3A_2, %add3A_1025 : i32
    %mul3A_1027 = arith.constant 100000 : i32
    %mul3A_1028 = arith.muli %add3A_1026, %mul3A_1027 : i32
    %add3A_1029 = vector.broadcast %mul3A_1028 : i32 to vector<16xi32>
    %add3A_1030 = arith.addi %get3A_776, %add3A_1029 : vector<16xi32>
    %swap3A_1031 = arith.constant 4016 : index
    %swap3A_1032 = tpu.vector_load %arg10[%swap3A_1031] {strides = array<i32>} : memref<4096xi32, #tpu.memory_space<vmem>>, vector<16xi32>,
    tpu.vector_store %arg10[%swap3A_1031], %add3A_1030 {strides = array<i32>} : memref<4096xi32, #tpu.memory_space<vmem>>, vector<16xi32>,
    %get3A_1033 = arith.constant 64 : index
    %get3A_1034 = tpu.vector_load %arg7[%get3A_1033] {strides = array<i32>} : memref<128xi32, #tpu.memory_space<vmem>>, vector<16xi32>,
    %add3A_1035 = arith.constant 0 : i32
    %add3A_1036 = arith.addi %mul3A_2, %add3A_1035 : i32
    %mul3A_1037 = arith.constant 100000 : i32
    %mul3A_1038 = arith.muli %add3A_1036, %mul3A_1037 : i32
    %add3A_1039 = vector.broadcast %mul3A_1038 : i32 to vector<16xi32>
    %add3A_1040 = arith.addi %get3A_1034, %add3A_1039 : vector<16xi32>
    %swap3A_1041 = arith.constant 64 : index
    %swap3A_1042 = tpu.vector_load %arg10[%swap3A_1041] {strides = array<i32>} : memref<4096xi32, #tpu.memory_space<vmem>>, vector<16xi32>,
    tpu.vector_store %arg10[%swap3A_1041], %add3A_1040 {strides = array<i32>} : memref<4096xi32, #tpu.memory_space<vmem>>, vector<16xi32>,
    %add3A_1043 = arith.constant 1 : i32
    %add3A_1044 = arith.addi %mul3A_2, %add3A_1043 : i32
    %mul3A_1045 = arith.constant 100000 : i32
    %mul3A_1046 = arith.muli %add3A_1044, %mul3A_1045 : i32
    %add3A_1047 = vector.broadcast %mul3A_1046 : i32 to vector<16xi32>
    %add3A_1048 = arith.addi %get3A_1034, %add3A_1047 : vector<16xi32>
    %swap3A_1049 = arith.constant 192 : index
    %swap3A_1050 = tpu.vector_load %arg10[%swap3A_1049] {strides = array<i32>} : memref<4096xi32, #tpu.memory_space<vmem>>, vector<16xi32>,
    tpu.vector_store %arg10[%swap3A_1049], %add3A_1048 {strides = array<i32>} : memref<4096xi32, #tpu.memory_space<vmem>>, vector<16xi32>,
    %add3A_1051 = arith.constant 2 : i32
    %add3A_1052 = arith.addi %mul3A_2, %add3A_1051 : i32
    %mul3A_1053 = arith.constant 100000 : i32
    %mul3A_1054 = arith.muli %add3A_1052, %mul3A_1053 : i32
    %add3A_1055 = vector.broadcast %mul3A_1054 : i32 to vector<16xi32>
    %add3A_1056 = arith.addi %get3A_1034, %add3A_1055 : vector<16xi32>
    %swap3A_1057 = arith.constant 320 : index
    %swap3A_1058 = tpu.vector_load %arg10[%swap3A_1057] {strides = array<i32>} : memref<4096xi32, #tpu.memory_space<vmem>>, vector<16xi32>,
    tpu.vector_store %arg10[%swap3A_1057], %add3A_1056 {strides = array<i32>} : memref<4096xi32, #tpu.memory_space<vmem>>, vector<16xi32>,
    %add3A_1059 = arith.constant 3 : i32
    %add3A_1060 = arith.addi %mul3A_2, %add3A_1059 : i32
    %mul3A_1061 = arith.constant 100000 : i32
    %mul3A_1062 = arith.muli %add3A_1060, %mul3A_1061 : i32
    %add3A_1063 = vector.broadcast %mul3A_1062 : i32 to vector<16xi32>
    %add3A_1064 = arith.addi %get3A_1034, %add3A_1063 : vector<16xi32>
    %swap3A_1065 = arith.constant 448 : index
    %swap3A_1066 = tpu.vector_load %arg10[%swap3A_1065] {strides = array<i32>} : memref<4096xi32, #tpu.memory_space<vmem>>, vector<16xi32>,
    tpu.vector_store %arg10[%swap3A_1065], %add3A_1064 {strides = array<i32>} : memref<4096xi32, #tpu.memory_space<vmem>>, vector<16xi32>,
    %add3A_1067 = arith.constant 4 : i32
    %add3A_1068 = arith.addi %mul3A_2, %add3A_1067 : i32
    %mul3A_1069 = arith.constant 100000 : i32
    %mul3A_1070 = arith.muli %add3A_1068, %mul3A_1069 : i32
    %add3A_1071 = vector.broadcast %mul3A_1070 : i32 to vector<16xi32>
    %add3A_1072 = arith.addi %get3A_1034, %add3A_1071 : vector<16xi32>
    %swap3A_1073 = arith.constant 576 : index
    %swap3A_1074 = tpu.vector_load %arg10[%swap3A_1073] {strides = array<i32>} : memref<4096xi32, #tpu.memory_space<vmem>>, vector<16xi32>,
    tpu.vector_store %arg10[%swap3A_1073], %add3A_1072 {strides = array<i32>} : memref<4096xi32, #tpu.memory_space<vmem>>, vector<16xi32>,
    %add3A_1075 = arith.constant 5 : i32
    %add3A_1076 = arith.addi %mul3A_2, %add3A_1075 : i32
    %mul3A_1077 = arith.constant 100000 : i32
    %mul3A_1078 = arith.muli %add3A_1076, %mul3A_1077 : i32
    %add3A_1079 = vector.broadcast %mul3A_1078 : i32 to vector<16xi32>
    %add3A_1080 = arith.addi %get3A_1034, %add3A_1079 : vector<16xi32>
    %swap3A_1081 = arith.constant 704 : index
    %swap3A_1082 = tpu.vector_load %arg10[%swap3A_1081] {strides = array<i32>} : memref<4096xi32, #tpu.memory_space<vmem>>, vector<16xi32>,
    tpu.vector_store %arg10[%swap3A_1081], %add3A_1080 {strides = array<i32>} : memref<4096xi32, #tpu.memory_space<vmem>>, vector<16xi32>,
    %add3A_1083 = arith.constant 6 : i32
    %add3A_1084 = arith.addi %mul3A_2, %add3A_1083 : i32
    %mul3A_1085 = arith.constant 100000 : i32
    %mul3A_1086 = arith.muli %add3A_1084, %mul3A_1085 : i32
    %add3A_1087 = vector.broadcast %mul3A_1086 : i32 to vector<16xi32>
    %add3A_1088 = arith.addi %get3A_1034, %add3A_1087 : vector<16xi32>
    %swap3A_1089 = arith.constant 832 : index
    %swap3A_1090 = tpu.vector_load %arg10[%swap3A_1089] {strides = array<i32>} : memref<4096xi32, #tpu.memory_space<vmem>>, vector<16xi32>,
    tpu.vector_store %arg10[%swap3A_1089], %add3A_1088 {strides = array<i32>} : memref<4096xi32, #tpu.memory_space<vmem>>, vector<16xi32>,
    %add3A_1091 = arith.constant 7 : i32
    %add3A_1092 = arith.addi %mul3A_2, %add3A_1091 : i32
    %mul3A_1093 = arith.constant 100000 : i32
    %mul3A_1094 = arith.muli %add3A_1092, %mul3A_1093 : i32
    %add3A_1095 = vector.broadcast %mul3A_1094 : i32 to vector<16xi32>
    %add3A_1096 = arith.addi %get3A_1034, %add3A_1095 : vector<16xi32>
    %swap3A_1097 = arith.constant 960 : index
    %swap3A_1098 = tpu.vector_load %arg10[%swap3A_1097] {strides = array<i32>} : memref<4096xi32, #tpu.memory_space<vmem>>, vector<16xi32>,
    tpu.vector_store %arg10[%swap3A_1097], %add3A_1096 {strides = array<i32>} : memref<4096xi32, #tpu.memory_space<vmem>>, vector<16xi32>,
    %add3A_1099 = arith.constant 8 : i32
    %add3A_1100 = arith.addi %mul3A_2, %add3A_1099 : i32
    %mul3A_1101 = arith.constant 100000 : i32
    %mul3A_1102 = arith.muli %add3A_1100, %mul3A_1101 : i32
    %add3A_1103 = vector.broadcast %mul3A_1102 : i32 to vector<16xi32>
    %add3A_1104 = arith.addi %get3A_1034, %add3A_1103 : vector<16xi32>
    %swap3A_1105 = arith.constant 1088 : index
    %swap3A_1106 = tpu.vector_load %arg10[%swap3A_1105] {strides = array<i32>} : memref<4096xi32, #tpu.memory_space<vmem>>, vector<16xi32>,
    tpu.vector_store %arg10[%swap3A_1105], %add3A_1104 {strides = array<i32>} : memref<4096xi32, #tpu.memory_space<vmem>>, vector<16xi32>,
    %add3A_1107 = arith.constant 9 : i32
    %add3A_1108 = arith.addi %mul3A_2, %add3A_1107 : i32
    %mul3A_1109 = arith.constant 100000 : i32
    %mul3A_1110 = arith.muli %add3A_1108, %mul3A_1109 : i32
    %add3A_1111 = vector.broadcast %mul3A_1110 : i32 to vector<16xi32>
    %add3A_1112 = arith.addi %get3A_1034, %add3A_1111 : vector<16xi32>
    %swap3A_1113 = arith.constant 1216 : index
    %swap3A_1114 = tpu.vector_load %arg10[%swap3A_1113] {strides = array<i32>} : memref<4096xi32, #tpu.memory_space<vmem>>, vector<16xi32>,
    tpu.vector_store %arg10[%swap3A_1113], %add3A_1112 {strides = array<i32>} : memref<4096xi32, #tpu.memory_space<vmem>>, vector<16xi32>,
    %add3A_1115 = arith.constant 10 : i32
    %add3A_1116 = arith.addi %mul3A_2, %add3A_1115 : i32
    %mul3A_1117 = arith.constant 100000 : i32
    %mul3A_1118 = arith.muli %add3A_1116, %mul3A_1117 : i32
    %add3A_1119 = vector.broadcast %mul3A_1118 : i32 to vector<16xi32>
    %add3A_1120 = arith.addi %get3A_1034, %add3A_1119 : vector<16xi32>
    %swap3A_1121 = arith.constant 1344 : index
    %swap3A_1122 = tpu.vector_load %arg10[%swap3A_1121] {strides = array<i32>} : memref<4096xi32, #tpu.memory_space<vmem>>, vector<16xi32>,
    tpu.vector_store %arg10[%swap3A_1121], %add3A_1120 {strides = array<i32>} : memref<4096xi32, #tpu.memory_space<vmem>>, vector<16xi32>,
    %add3A_1123 = arith.constant 11 : i32
    %add3A_1124 = arith.addi %mul3A_2, %add3A_1123 : i32
    %mul3A_1125 = arith.constant 100000 : i32
    %mul3A_1126 = arith.muli %add3A_1124, %mul3A_1125 : i32
    %add3A_1127 = vector.broadcast %mul3A_1126 : i32 to vector<16xi32>
    %add3A_1128 = arith.addi %get3A_1034, %add3A_1127 : vector<16xi32>
    %swap3A_1129 = arith.constant 1472 : index
    %swap3A_1130 = tpu.vector_load %arg10[%swap3A_1129] {strides = array<i32>} : memref<4096xi32, #tpu.memory_space<vmem>>, vector<16xi32>,
    tpu.vector_store %arg10[%swap3A_1129], %add3A_1128 {strides = array<i32>} : memref<4096xi32, #tpu.memory_space<vmem>>, vector<16xi32>,
    %add3A_1131 = arith.constant 12 : i32
    %add3A_1132 = arith.addi %mul3A_2, %add3A_1131 : i32
    %mul3A_1133 = arith.constant 100000 : i32
    %mul3A_1134 = arith.muli %add3A_1132, %mul3A_1133 : i32
    %add3A_1135 = vector.broadcast %mul3A_1134 : i32 to vector<16xi32>
    %add3A_1136 = arith.addi %get3A_1034, %add3A_1135 : vector<16xi32>
    %swap3A_1137 = arith.constant 1600 : index
    %swap3A_1138 = tpu.vector_load %arg10[%swap3A_1137] {strides = array<i32>} : memref<4096xi32, #tpu.memory_space<vmem>>, vector<16xi32>,
    tpu.vector_store %arg10[%swap3A_1137], %add3A_1136 {strides = array<i32>} : memref<4096xi32, #tpu.memory_space<vmem>>, vector<16xi32>,
    %add3A_1139 = arith.constant 13 : i32
    %add3A_1140 = arith.addi %mul3A_2, %add3A_1139 : i32
    %mul3A_1141 = arith.constant 100000 : i32
    %mul3A_1142 = arith.muli %add3A_1140, %mul3A_1141 : i32
    %add3A_1143 = vector.broadcast %mul3A_1142 : i32 to vector<16xi32>
    %add3A_1144 = arith.addi %get3A_1034, %add3A_1143 : vector<16xi32>
    %swap3A_1145 = arith.constant 1728 : index
    %swap3A_1146 = tpu.vector_load %arg10[%swap3A_1145] {strides = array<i32>} : memref<4096xi32, #tpu.memory_space<vmem>>, vector<16xi32>,
    tpu.vector_store %arg10[%swap3A_1145], %add3A_1144 {strides = array<i32>} : memref<4096xi32, #tpu.memory_space<vmem>>, vector<16xi32>,
    %add3A_1147 = arith.constant 14 : i32
    %add3A_1148 = arith.addi %mul3A_2, %add3A_1147 : i32
    %mul3A_1149 = arith.constant 100000 : i32
    %mul3A_1150 = arith.muli %add3A_1148, %mul3A_1149 : i32
    %add3A_1151 = vector.broadcast %mul3A_1150 : i32 to vector<16xi32>
    %add3A_1152 = arith.addi %get3A_1034, %add3A_1151 : vector<16xi32>
    %swap3A_1153 = arith.constant 1856 : index
    %swap3A_1154 = tpu.vector_load %arg10[%swap3A_1153] {strides = array<i32>} : memref<4096xi32, #tpu.memory_space<vmem>>, vector<16xi32>,
    tpu.vector_store %arg10[%swap3A_1153], %add3A_1152 {strides = array<i32>} : memref<4096xi32, #tpu.memory_space<vmem>>, vector<16xi32>,
    %add3A_1155 = arith.constant 15 : i32
    %add3A_1156 = arith.addi %mul3A_2, %add3A_1155 : i32
    %mul3A_1157 = arith.constant 100000 : i32
    %mul3A_1158 = arith.muli %add3A_1156, %mul3A_1157 : i32
    %add3A_1159 = vector.broadcast %mul3A_1158 : i32 to vector<16xi32>
    %add3A_1160 = arith.addi %get3A_1034, %add3A_1159 : vector<16xi32>
    %swap3A_1161 = arith.constant 1984 : index
    %swap3A_1162 = tpu.vector_load %arg10[%swap3A_1161] {strides = array<i32>} : memref<4096xi32, #tpu.memory_space<vmem>>, vector<16xi32>,
    tpu.vector_store %arg10[%swap3A_1161], %add3A_1160 {strides = array<i32>} : memref<4096xi32, #tpu.memory_space<vmem>>, vector<16xi32>,
    %add3A_1163 = arith.constant 16 : i32
    %add3A_1164 = arith.addi %mul3A_2, %add3A_1163 : i32
    %mul3A_1165 = arith.constant 100000 : i32
    %mul3A_1166 = arith.muli %add3A_1164, %mul3A_1165 : i32
    %add3A_1167 = vector.broadcast %mul3A_1166 : i32 to vector<16xi32>
    %add3A_1168 = arith.addi %get3A_1034, %add3A_1167 : vector<16xi32>
    %swap3A_1169 = arith.constant 2112 : index
    %swap3A_1170 = tpu.vector_load %arg10[%swap3A_1169] {strides = array<i32>} : memref<4096xi32, #tpu.memory_space<vmem>>, vector<16xi32>,
    tpu.vector_store %arg10[%swap3A_1169], %add3A_1168 {strides = array<i32>} : memref<4096xi32, #tpu.memory_space<vmem>>, vector<16xi32>,
    %add3A_1171 = arith.constant 17 : i32
    %add3A_1172 = arith.addi %mul3A_2, %add3A_1171 : i32
    %mul3A_1173 = arith.constant 100000 : i32
    %mul3A_1174 = arith.muli %add3A_1172, %mul3A_1173 : i32
    %add3A_1175 = vector.broadcast %mul3A_1174 : i32 to vector<16xi32>
    %add3A_1176 = arith.addi %get3A_1034, %add3A_1175 : vector<16xi32>
    %swap3A_1177 = arith.constant 2240 : index
    %swap3A_1178 = tpu.vector_load %arg10[%swap3A_1177] {strides = array<i32>} : memref<4096xi32, #tpu.memory_space<vmem>>, vector<16xi32>,
    tpu.vector_store %arg10[%swap3A_1177], %add3A_1176 {strides = array<i32>} : memref<4096xi32, #tpu.memory_space<vmem>>, vector<16xi32>,
    %add3A_1179 = arith.constant 18 : i32
    %add3A_1180 = arith.addi %mul3A_2, %add3A_1179 : i32
    %mul3A_1181 = arith.constant 100000 : i32
    %mul3A_1182 = arith.muli %add3A_1180, %mul3A_1181 : i32
    %add3A_1183 = vector.broadcast %mul3A_1182 : i32 to vector<16xi32>
    %add3A_1184 = arith.addi %get3A_1034, %add3A_1183 : vector<16xi32>
    %swap3A_1185 = arith.constant 2368 : index
    %swap3A_1186 = tpu.vector_load %arg10[%swap3A_1185] {strides = array<i32>} : memref<4096xi32, #tpu.memory_space<vmem>>, vector<16xi32>,
    tpu.vector_store %arg10[%swap3A_1185], %add3A_1184 {strides = array<i32>} : memref<4096xi32, #tpu.memory_space<vmem>>, vector<16xi32>,
    %add3A_1187 = arith.constant 19 : i32
    %add3A_1188 = arith.addi %mul3A_2, %add3A_1187 : i32
    %mul3A_1189 = arith.constant 100000 : i32
    %mul3A_1190 = arith.muli %add3A_1188, %mul3A_1189 : i32
    %add3A_1191 = vector.broadcast %mul3A_1190 : i32 to vector<16xi32>
    %add3A_1192 = arith.addi %get3A_1034, %add3A_1191 : vector<16xi32>
    %swap3A_1193 = arith.constant 2496 : index
    %swap3A_1194 = tpu.vector_load %arg10[%swap3A_1193] {strides = array<i32>} : memref<4096xi32, #tpu.memory_space<vmem>>, vector<16xi32>,
    tpu.vector_store %arg10[%swap3A_1193], %add3A_1192 {strides = array<i32>} : memref<4096xi32, #tpu.memory_space<vmem>>, vector<16xi32>,
    %add3A_1195 = arith.constant 20 : i32
    %add3A_1196 = arith.addi %mul3A_2, %add3A_1195 : i32
    %mul3A_1197 = arith.constant 100000 : i32
    %mul3A_1198 = arith.muli %add3A_1196, %mul3A_1197 : i32
    %add3A_1199 = vector.broadcast %mul3A_1198 : i32 to vector<16xi32>
    %add3A_1200 = arith.addi %get3A_1034, %add3A_1199 : vector<16xi32>
    %swap3A_1201 = arith.constant 2624 : index
    %swap3A_1202 = tpu.vector_load %arg10[%swap3A_1201] {strides = array<i32>} : memref<4096xi32, #tpu.memory_space<vmem>>, vector<16xi32>,
    tpu.vector_store %arg10[%swap3A_1201], %add3A_1200 {strides = array<i32>} : memref<4096xi32, #tpu.memory_space<vmem>>, vector<16xi32>,
    %add3A_1203 = arith.constant 21 : i32
    %add3A_1204 = arith.addi %mul3A_2, %add3A_1203 : i32
    %mul3A_1205 = arith.constant 100000 : i32
    %mul3A_1206 = arith.muli %add3A_1204, %mul3A_1205 : i32
    %add3A_1207 = vector.broadcast %mul3A_1206 : i32 to vector<16xi32>
    %add3A_1208 = arith.addi %get3A_1034, %add3A_1207 : vector<16xi32>
    %swap3A_1209 = arith.constant 2752 : index
    %swap3A_1210 = tpu.vector_load %arg10[%swap3A_1209] {strides = array<i32>} : memref<4096xi32, #tpu.memory_space<vmem>>, vector<16xi32>,
    tpu.vector_store %arg10[%swap3A_1209], %add3A_1208 {strides = array<i32>} : memref<4096xi32, #tpu.memory_space<vmem>>, vector<16xi32>,
    %add3A_1211 = arith.constant 22 : i32
    %add3A_1212 = arith.addi %mul3A_2, %add3A_1211 : i32
    %mul3A_1213 = arith.constant 100000 : i32
    %mul3A_1214 = arith.muli %add3A_1212, %mul3A_1213 : i32
    %add3A_1215 = vector.broadcast %mul3A_1214 : i32 to vector<16xi32>
    %add3A_1216 = arith.addi %get3A_1034, %add3A_1215 : vector<16xi32>
    %swap3A_1217 = arith.constant 2880 : index
    %swap3A_1218 = tpu.vector_load %arg10[%swap3A_1217] {strides = array<i32>} : memref<4096xi32, #tpu.memory_space<vmem>>, vector<16xi32>,
    tpu.vector_store %arg10[%swap3A_1217], %add3A_1216 {strides = array<i32>} : memref<4096xi32, #tpu.memory_space<vmem>>, vector<16xi32>,
    %add3A_1219 = arith.constant 23 : i32
    %add3A_1220 = arith.addi %mul3A_2, %add3A_1219 : i32
    %mul3A_1221 = arith.constant 100000 : i32
    %mul3A_1222 = arith.muli %add3A_1220, %mul3A_1221 : i32
    %add3A_1223 = vector.broadcast %mul3A_1222 : i32 to vector<16xi32>
    %add3A_1224 = arith.addi %get3A_1034, %add3A_1223 : vector<16xi32>
    %swap3A_1225 = arith.constant 3008 : index
    %swap3A_1226 = tpu.vector_load %arg10[%swap3A_1225] {strides = array<i32>} : memref<4096xi32, #tpu.memory_space<vmem>>, vector<16xi32>,
    tpu.vector_store %arg10[%swap3A_1225], %add3A_1224 {strides = array<i32>} : memref<4096xi32, #tpu.memory_space<vmem>>, vector<16xi32>,
    %add3A_1227 = arith.constant 24 : i32
    %add3A_1228 = arith.addi %mul3A_2, %add3A_1227 : i32
    %mul3A_1229 = arith.constant 100000 : i32
    %mul3A_1230 = arith.muli %add3A_1228, %mul3A_1229 : i32
    %add3A_1231 = vector.broadcast %mul3A_1230 : i32 to vector<16xi32>
    %add3A_1232 = arith.addi %get3A_1034, %add3A_1231 : vector<16xi32>
    %swap3A_1233 = arith.constant 3136 : index
    %swap3A_1234 = tpu.vector_load %arg10[%swap3A_1233] {strides = array<i32>} : memref<4096xi32, #tpu.memory_space<vmem>>, vector<16xi32>,
    tpu.vector_store %arg10[%swap3A_1233], %add3A_1232 {strides = array<i32>} : memref<4096xi32, #tpu.memory_space<vmem>>, vector<16xi32>,
    %add3A_1235 = arith.constant 25 : i32
    %add3A_1236 = arith.addi %mul3A_2, %add3A_1235 : i32
    %mul3A_1237 = arith.constant 100000 : i32
    %mul3A_1238 = arith.muli %add3A_1236, %mul3A_1237 : i32
    %add3A_1239 = vector.broadcast %mul3A_1238 : i32 to vector<16xi32>
    %add3A_1240 = arith.addi %get3A_1034, %add3A_1239 : vector<16xi32>
    %swap3A_1241 = arith.constant 3264 : index
    %swap3A_1242 = tpu.vector_load %arg10[%swap3A_1241] {strides = array<i32>} : memref<4096xi32, #tpu.memory_space<vmem>>, vector<16xi32>,
    tpu.vector_store %arg10[%swap3A_1241], %add3A_1240 {strides = array<i32>} : memref<4096xi32, #tpu.memory_space<vmem>>, vector<16xi32>,
    %add3A_1243 = arith.constant 26 : i32
    %add3A_1244 = arith.addi %mul3A_2, %add3A_1243 : i32
    %mul3A_1245 = arith.constant 100000 : i32
    %mul3A_1246 = arith.muli %add3A_1244, %mul3A_1245 : i32
    %add3A_1247 = vector.broadcast %mul3A_1246 : i32 to vector<16xi32>
    %add3A_1248 = arith.addi %get3A_1034, %add3A_1247 : vector<16xi32>
    %swap3A_1249 = arith.constant 3392 : index
    %swap3A_1250 = tpu.vector_load %arg10[%swap3A_1249] {strides = array<i32>} : memref<4096xi32, #tpu.memory_space<vmem>>, vector<16xi32>,
    tpu.vector_store %arg10[%swap3A_1249], %add3A_1248 {strides = array<i32>} : memref<4096xi32, #tpu.memory_space<vmem>>, vector<16xi32>,
    %add3A_1251 = arith.constant 27 : i32
    %add3A_1252 = arith.addi %mul3A_2, %add3A_1251 : i32
    %mul3A_1253 = arith.constant 100000 : i32
    %mul3A_1254 = arith.muli %add3A_1252, %mul3A_1253 : i32
    %add3A_1255 = vector.broadcast %mul3A_1254 : i32 to vector<16xi32>
    %add3A_1256 = arith.addi %get3A_1034, %add3A_1255 : vector<16xi32>
    %swap3A_1257 = arith.constant 3520 : index
    %swap3A_1258 = tpu.vector_load %arg10[%swap3A_1257] {strides = array<i32>} : memref<4096xi32, #tpu.memory_space<vmem>>, vector<16xi32>,
    tpu.vector_store %arg10[%swap3A_1257], %add3A_1256 {strides = array<i32>} : memref<4096xi32, #tpu.memory_space<vmem>>, vector<16xi32>,
    %add3A_1259 = arith.constant 28 : i32
    %add3A_1260 = arith.addi %mul3A_2, %add3A_1259 : i32
    %mul3A_1261 = arith.constant 100000 : i32
    %mul3A_1262 = arith.muli %add3A_1260, %mul3A_1261 : i32
    %add3A_1263 = vector.broadcast %mul3A_1262 : i32 to vector<16xi32>
    %add3A_1264 = arith.addi %get3A_1034, %add3A_1263 : vector<16xi32>
    %swap3A_1265 = arith.constant 3648 : index
    %swap3A_1266 = tpu.vector_load %arg10[%swap3A_1265] {strides = array<i32>} : memref<4096xi32, #tpu.memory_space<vmem>>, vector<16xi32>,
    tpu.vector_store %arg10[%swap3A_1265], %add3A_1264 {strides = array<i32>} : memref<4096xi32, #tpu.memory_space<vmem>>, vector<16xi32>,
    %add3A_1267 = arith.constant 29 : i32
    %add3A_1268 = arith.addi %mul3A_2, %add3A_1267 : i32
    %mul3A_1269 = arith.constant 100000 : i32
    %mul3A_1270 = arith.muli %add3A_1268, %mul3A_1269 : i32
    %add3A_1271 = vector.broadcast %mul3A_1270 : i32 to vector<16xi32>
    %add3A_1272 = arith.addi %get3A_1034, %add3A_1271 : vector<16xi32>
    %swap3A_1273 = arith.constant 3776 : index
    %swap3A_1274 = tpu.vector_load %arg10[%swap3A_1273] {strides = array<i32>} : memref<4096xi32, #tpu.memory_space<vmem>>, vector<16xi32>,
    tpu.vector_store %arg10[%swap3A_1273], %add3A_1272 {strides = array<i32>} : memref<4096xi32, #tpu.memory_space<vmem>>, vector<16xi32>,
    %add3A_1275 = arith.constant 30 : i32
    %add3A_1276 = arith.addi %mul3A_2, %add3A_1275 : i32
    %mul3A_1277 = arith.constant 100000 : i32
    %mul3A_1278 = arith.muli %add3A_1276, %mul3A_1277 : i32
    %add3A_1279 = vector.broadcast %mul3A_1278 : i32 to vector<16xi32>
    %add3A_1280 = arith.addi %get3A_1034, %add3A_1279 : vector<16xi32>
    %swap3A_1281 = arith.constant 3904 : index
    %swap3A_1282 = tpu.vector_load %arg10[%swap3A_1281] {strides = array<i32>} : memref<4096xi32, #tpu.memory_space<vmem>>, vector<16xi32>,
    tpu.vector_store %arg10[%swap3A_1281], %add3A_1280 {strides = array<i32>} : memref<4096xi32, #tpu.memory_space<vmem>>, vector<16xi32>,
    %add3A_1283 = arith.constant 31 : i32
    %add3A_1284 = arith.addi %mul3A_2, %add3A_1283 : i32
    %mul3A_1285 = arith.constant 100000 : i32
    %mul3A_1286 = arith.muli %add3A_1284, %mul3A_1285 : i32
    %add3A_1287 = vector.broadcast %mul3A_1286 : i32 to vector<16xi32>
    %add3A_1288 = arith.addi %get3A_1034, %add3A_1287 : vector<16xi32>
    %swap3A_1289 = arith.constant 4032 : index
    %swap3A_1290 = tpu.vector_load %arg10[%swap3A_1289] {strides = array<i32>} : memref<4096xi32, #tpu.memory_space<vmem>>, vector<16xi32>,
    tpu.vector_store %arg10[%swap3A_1289], %add3A_1288 {strides = array<i32>} : memref<4096xi32, #tpu.memory_space<vmem>>, vector<16xi32>,
    %get3A_1291 = arith.constant 80 : index
    %get3A_1292 = tpu.vector_load %arg7[%get3A_1291] {strides = array<i32>} : memref<128xi32, #tpu.memory_space<vmem>>, vector<16xi32>,
    %add3A_1293 = arith.constant 0 : i32
    %add3A_1294 = arith.addi %mul3A_2, %add3A_1293 : i32
    %mul3A_1295 = arith.constant 100000 : i32
    %mul3A_1296 = arith.muli %add3A_1294, %mul3A_1295 : i32
    %add3A_1297 = vector.broadcast %mul3A_1296 : i32 to vector<16xi32>
    %add3A_1298 = arith.addi %get3A_1292, %add3A_1297 : vector<16xi32>
    %swap3A_1299 = arith.constant 80 : index
    %swap3A_1300 = tpu.vector_load %arg10[%swap3A_1299] {strides = array<i32>} : memref<4096xi32, #tpu.memory_space<vmem>>, vector<16xi32>,
    tpu.vector_store %arg10[%swap3A_1299], %add3A_1298 {strides = array<i32>} : memref<4096xi32, #tpu.memory_space<vmem>>, vector<16xi32>,
    %add3A_1301 = arith.constant 1 : i32
    %add3A_1302 = arith.addi %mul3A_2, %add3A_1301 : i32
    %mul3A_1303 = arith.constant 100000 : i32
    %mul3A_1304 = arith.muli %add3A_1302, %mul3A_1303 : i32
    %add3A_1305 = vector.broadcast %mul3A_1304 : i32 to vector<16xi32>
    %add3A_1306 = arith.addi %get3A_1292, %add3A_1305 : vector<16xi32>
    %swap3A_1307 = arith.constant 208 : index
    %swap3A_1308 = tpu.vector_load %arg10[%swap3A_1307] {strides = array<i32>} : memref<4096xi32, #tpu.memory_space<vmem>>, vector<16xi32>,
    tpu.vector_store %arg10[%swap3A_1307], %add3A_1306 {strides = array<i32>} : memref<4096xi32, #tpu.memory_space<vmem>>, vector<16xi32>,
    %add3A_1309 = arith.constant 2 : i32
    %add3A_1310 = arith.addi %mul3A_2, %add3A_1309 : i32
    %mul3A_1311 = arith.constant 100000 : i32
    %mul3A_1312 = arith.muli %add3A_1310, %mul3A_1311 : i32
    %add3A_1313 = vector.broadcast %mul3A_1312 : i32 to vector<16xi32>
    %add3A_1314 = arith.addi %get3A_1292, %add3A_1313 : vector<16xi32>
    %swap3A_1315 = arith.constant 336 : index
    %swap3A_1316 = tpu.vector_load %arg10[%swap3A_1315] {strides = array<i32>} : memref<4096xi32, #tpu.memory_space<vmem>>, vector<16xi32>,
    tpu.vector_store %arg10[%swap3A_1315], %add3A_1314 {strides = array<i32>} : memref<4096xi32, #tpu.memory_space<vmem>>, vector<16xi32>,
    %add3A_1317 = arith.constant 3 : i32
    %add3A_1318 = arith.addi %mul3A_2, %add3A_1317 : i32
    %mul3A_1319 = arith.constant 100000 : i32
    %mul3A_1320 = arith.muli %add3A_1318, %mul3A_1319 : i32
    %add3A_1321 = vector.broadcast %mul3A_1320 : i32 to vector<16xi32>
    %add3A_1322 = arith.addi %get3A_1292, %add3A_1321 : vector<16xi32>
    %swap3A_1323 = arith.constant 464 : index
    %swap3A_1324 = tpu.vector_load %arg10[%swap3A_1323] {strides = array<i32>} : memref<4096xi32, #tpu.memory_space<vmem>>, vector<16xi32>,
    tpu.vector_store %arg10[%swap3A_1323], %add3A_1322 {strides = array<i32>} : memref<4096xi32, #tpu.memory_space<vmem>>, vector<16xi32>,
    %add3A_1325 = arith.constant 4 : i32
    %add3A_1326 = arith.addi %mul3A_2, %add3A_1325 : i32
    %mul3A_1327 = arith.constant 100000 : i32
    %mul3A_1328 = arith.muli %add3A_1326, %mul3A_1327 : i32
    %add3A_1329 = vector.broadcast %mul3A_1328 : i32 to vector<16xi32>
    %add3A_1330 = arith.addi %get3A_1292, %add3A_1329 : vector<16xi32>
    %swap3A_1331 = arith.constant 592 : index
    %swap3A_1332 = tpu.vector_load %arg10[%swap3A_1331] {strides = array<i32>} : memref<4096xi32, #tpu.memory_space<vmem>>, vector<16xi32>,
    tpu.vector_store %arg10[%swap3A_1331], %add3A_1330 {strides = array<i32>} : memref<4096xi32, #tpu.memory_space<vmem>>, vector<16xi32>,
    %add3A_1333 = arith.constant 5 : i32
    %add3A_1334 = arith.addi %mul3A_2, %add3A_1333 : i32
    %mul3A_1335 = arith.constant 100000 : i32
    %mul3A_1336 = arith.muli %add3A_1334, %mul3A_1335 : i32
    %add3A_1337 = vector.broadcast %mul3A_1336 : i32 to vector<16xi32>
    %add3A_1338 = arith.addi %get3A_1292, %add3A_1337 : vector<16xi32>
    %swap3A_1339 = arith.constant 720 : index
    %swap3A_1340 = tpu.vector_load %arg10[%swap3A_1339] {strides = array<i32>} : memref<4096xi32, #tpu.memory_space<vmem>>, vector<16xi32>,
    tpu.vector_store %arg10[%swap3A_1339], %add3A_1338 {strides = array<i32>} : memref<4096xi32, #tpu.memory_space<vmem>>, vector<16xi32>,
    %add3A_1341 = arith.constant 6 : i32
    %add3A_1342 = arith.addi %mul3A_2, %add3A_1341 : i32
    %mul3A_1343 = arith.constant 100000 : i32
    %mul3A_1344 = arith.muli %add3A_1342, %mul3A_1343 : i32
    %add3A_1345 = vector.broadcast %mul3A_1344 : i32 to vector<16xi32>
    %add3A_1346 = arith.addi %get3A_1292, %add3A_1345 : vector<16xi32>
    %swap3A_1347 = arith.constant 848 : index
    %swap3A_1348 = tpu.vector_load %arg10[%swap3A_1347] {strides = array<i32>} : memref<4096xi32, #tpu.memory_space<vmem>>, vector<16xi32>,
    tpu.vector_store %arg10[%swap3A_1347], %add3A_1346 {strides = array<i32>} : memref<4096xi32, #tpu.memory_space<vmem>>, vector<16xi32>,
    %add3A_1349 = arith.constant 7 : i32
    %add3A_1350 = arith.addi %mul3A_2, %add3A_1349 : i32
    %mul3A_1351 = arith.constant 100000 : i32
    %mul3A_1352 = arith.muli %add3A_1350, %mul3A_1351 : i32
    %add3A_1353 = vector.broadcast %mul3A_1352 : i32 to vector<16xi32>
    %add3A_1354 = arith.addi %get3A_1292, %add3A_1353 : vector<16xi32>
    %swap3A_1355 = arith.constant 976 : index
    %swap3A_1356 = tpu.vector_load %arg10[%swap3A_1355] {strides = array<i32>} : memref<4096xi32, #tpu.memory_space<vmem>>, vector<16xi32>,
    tpu.vector_store %arg10[%swap3A_1355], %add3A_1354 {strides = array<i32>} : memref<4096xi32, #tpu.memory_space<vmem>>, vector<16xi32>,
    %add3A_1357 = arith.constant 8 : i32
    %add3A_1358 = arith.addi %mul3A_2, %add3A_1357 : i32
    %mul3A_1359 = arith.constant 100000 : i32
    %mul3A_1360 = arith.muli %add3A_1358, %mul3A_1359 : i32
    %add3A_1361 = vector.broadcast %mul3A_1360 : i32 to vector<16xi32>
    %add3A_1362 = arith.addi %get3A_1292, %add3A_1361 : vector<16xi32>
    %swap3A_1363 = arith.constant 1104 : index
    %swap3A_1364 = tpu.vector_load %arg10[%swap3A_1363] {strides = array<i32>} : memref<4096xi32, #tpu.memory_space<vmem>>, vector<16xi32>,
    tpu.vector_store %arg10[%swap3A_1363], %add3A_1362 {strides = array<i32>} : memref<4096xi32, #tpu.memory_space<vmem>>, vector<16xi32>,
    %add3A_1365 = arith.constant 9 : i32
    %add3A_1366 = arith.addi %mul3A_2, %add3A_1365 : i32
    %mul3A_1367 = arith.constant 100000 : i32
    %mul3A_1368 = arith.muli %add3A_1366, %mul3A_1367 : i32
    %add3A_1369 = vector.broadcast %mul3A_1368 : i32 to vector<16xi32>
    %add3A_1370 = arith.addi %get3A_1292, %add3A_1369 : vector<16xi32>
    %swap3A_1371 = arith.constant 1232 : index
    %swap3A_1372 = tpu.vector_load %arg10[%swap3A_1371] {strides = array<i32>} : memref<4096xi32, #tpu.memory_space<vmem>>, vector<16xi32>,
    tpu.vector_store %arg10[%swap3A_1371], %add3A_1370 {strides = array<i32>} : memref<4096xi32, #tpu.memory_space<vmem>>, vector<16xi32>,
    %add3A_1373 = arith.constant 10 : i32
    %add3A_1374 = arith.addi %mul3A_2, %add3A_1373 : i32
    %mul3A_1375 = arith.constant 100000 : i32
    %mul3A_1376 = arith.muli %add3A_1374, %mul3A_1375 : i32
    %add3A_1377 = vector.broadcast %mul3A_1376 : i32 to vector<16xi32>
    %add3A_1378 = arith.addi %get3A_1292, %add3A_1377 : vector<16xi32>
    %swap3A_1379 = arith.constant 1360 : index
    %swap3A_1380 = tpu.vector_load %arg10[%swap3A_1379] {strides = array<i32>} : memref<4096xi32, #tpu.memory_space<vmem>>, vector<16xi32>,
    tpu.vector_store %arg10[%swap3A_1379], %add3A_1378 {strides = array<i32>} : memref<4096xi32, #tpu.memory_space<vmem>>, vector<16xi32>,
    %add3A_1381 = arith.constant 11 : i32
    %add3A_1382 = arith.addi %mul3A_2, %add3A_1381 : i32
    %mul3A_1383 = arith.constant 100000 : i32
    %mul3A_1384 = arith.muli %add3A_1382, %mul3A_1383 : i32
    %add3A_1385 = vector.broadcast %mul3A_1384 : i32 to vector<16xi32>
    %add3A_1386 = arith.addi %get3A_1292, %add3A_1385 : vector<16xi32>
    %swap3A_1387 = arith.constant 1488 : index
    %swap3A_1388 = tpu.vector_load %arg10[%swap3A_1387] {strides = array<i32>} : memref<4096xi32, #tpu.memory_space<vmem>>, vector<16xi32>,
    tpu.vector_store %arg10[%swap3A_1387], %add3A_1386 {strides = array<i32>} : memref<4096xi32, #tpu.memory_space<vmem>>, vector<16xi32>,
    %add3A_1389 = arith.constant 12 : i32
    %add3A_1390 = arith.addi %mul3A_2, %add3A_1389 : i32
    %mul3A_1391 = arith.constant 100000 : i32
    %mul3A_1392 = arith.muli %add3A_1390, %mul3A_1391 : i32
    %add3A_1393 = vector.broadcast %mul3A_1392 : i32 to vector<16xi32>
    %add3A_1394 = arith.addi %get3A_1292, %add3A_1393 : vector<16xi32>
    %swap3A_1395 = arith.constant 1616 : index
    %swap3A_1396 = tpu.vector_load %arg10[%swap3A_1395] {strides = array<i32>} : memref<4096xi32, #tpu.memory_space<vmem>>, vector<16xi32>,
    tpu.vector_store %arg10[%swap3A_1395], %add3A_1394 {strides = array<i32>} : memref<4096xi32, #tpu.memory_space<vmem>>, vector<16xi32>,
    %add3A_1397 = arith.constant 13 : i32
    %add3A_1398 = arith.addi %mul3A_2, %add3A_1397 : i32
    %mul3A_1399 = arith.constant 100000 : i32
    %mul3A_1400 = arith.muli %add3A_1398, %mul3A_1399 : i32
    %add3A_1401 = vector.broadcast %mul3A_1400 : i32 to vector<16xi32>
    %add3A_1402 = arith.addi %get3A_1292, %add3A_1401 : vector<16xi32>
    %swap3A_1403 = arith.constant 1744 : index
    %swap3A_1404 = tpu.vector_load %arg10[%swap3A_1403] {strides = array<i32>} : memref<4096xi32, #tpu.memory_space<vmem>>, vector<16xi32>,
    tpu.vector_store %arg10[%swap3A_1403], %add3A_1402 {strides = array<i32>} : memref<4096xi32, #tpu.memory_space<vmem>>, vector<16xi32>,
    %add3A_1405 = arith.constant 14 : i32
    %add3A_1406 = arith.addi %mul3A_2, %add3A_1405 : i32
    %mul3A_1407 = arith.constant 100000 : i32
    %mul3A_1408 = arith.muli %add3A_1406, %mul3A_1407 : i32
    %add3A_1409 = vector.broadcast %mul3A_1408 : i32 to vector<16xi32>
    %add3A_1410 = arith.addi %get3A_1292, %add3A_1409 : vector<16xi32>
    %swap3A_1411 = arith.constant 1872 : index
    %swap3A_1412 = tpu.vector_load %arg10[%swap3A_1411] {strides = array<i32>} : memref<4096xi32, #tpu.memory_space<vmem>>, vector<16xi32>,
    tpu.vector_store %arg10[%swap3A_1411], %add3A_1410 {strides = array<i32>} : memref<4096xi32, #tpu.memory_space<vmem>>, vector<16xi32>,
    %add3A_1413 = arith.constant 15 : i32
    %add3A_1414 = arith.addi %mul3A_2, %add3A_1413 : i32
    %mul3A_1415 = arith.constant 100000 : i32
    %mul3A_1416 = arith.muli %add3A_1414, %mul3A_1415 : i32
    %add3A_1417 = vector.broadcast %mul3A_1416 : i32 to vector<16xi32>
    %add3A_1418 = arith.addi %get3A_1292, %add3A_1417 : vector<16xi32>
    %swap3A_1419 = arith.constant 2000 : index
    %swap3A_1420 = tpu.vector_load %arg10[%swap3A_1419] {strides = array<i32>} : memref<4096xi32, #tpu.memory_space<vmem>>, vector<16xi32>,
    tpu.vector_store %arg10[%swap3A_1419], %add3A_1418 {strides = array<i32>} : memref<4096xi32, #tpu.memory_space<vmem>>, vector<16xi32>,
    %add3A_1421 = arith.constant 16 : i32
    %add3A_1422 = arith.addi %mul3A_2, %add3A_1421 : i32
    %mul3A_1423 = arith.constant 100000 : i32
    %mul3A_1424 = arith.muli %add3A_1422, %mul3A_1423 : i32
    %add3A_1425 = vector.broadcast %mul3A_1424 : i32 to vector<16xi32>
    %add3A_1426 = arith.addi %get3A_1292, %add3A_1425 : vector<16xi32>
    %swap3A_1427 = arith.constant 2128 : index
    %swap3A_1428 = tpu.vector_load %arg10[%swap3A_1427] {strides = array<i32>} : memref<4096xi32, #tpu.memory_space<vmem>>, vector<16xi32>,
    tpu.vector_store %arg10[%swap3A_1427], %add3A_1426 {strides = array<i32>} : memref<4096xi32, #tpu.memory_space<vmem>>, vector<16xi32>,
    %add3A_1429 = arith.constant 17 : i32
    %add3A_1430 = arith.addi %mul3A_2, %add3A_1429 : i32
    %mul3A_1431 = arith.constant 100000 : i32
    %mul3A_1432 = arith.muli %add3A_1430, %mul3A_1431 : i32
    %add3A_1433 = vector.broadcast %mul3A_1432 : i32 to vector<16xi32>
    %add3A_1434 = arith.addi %get3A_1292, %add3A_1433 : vector<16xi32>
    %swap3A_1435 = arith.constant 2256 : index
    %swap3A_1436 = tpu.vector_load %arg10[%swap3A_1435] {strides = array<i32>} : memref<4096xi32, #tpu.memory_space<vmem>>, vector<16xi32>,
    tpu.vector_store %arg10[%swap3A_1435], %add3A_1434 {strides = array<i32>} : memref<4096xi32, #tpu.memory_space<vmem>>, vector<16xi32>,
    %add3A_1437 = arith.constant 18 : i32
    %add3A_1438 = arith.addi %mul3A_2, %add3A_1437 : i32
    %mul3A_1439 = arith.constant 100000 : i32
    %mul3A_1440 = arith.muli %add3A_1438, %mul3A_1439 : i32
    %add3A_1441 = vector.broadcast %mul3A_1440 : i32 to vector<16xi32>
    %add3A_1442 = arith.addi %get3A_1292, %add3A_1441 : vector<16xi32>
    %swap3A_1443 = arith.constant 2384 : index
    %swap3A_1444 = tpu.vector_load %arg10[%swap3A_1443] {strides = array<i32>} : memref<4096xi32, #tpu.memory_space<vmem>>, vector<16xi32>,
    tpu.vector_store %arg10[%swap3A_1443], %add3A_1442 {strides = array<i32>} : memref<4096xi32, #tpu.memory_space<vmem>>, vector<16xi32>,
    %add3A_1445 = arith.constant 19 : i32
    %add3A_1446 = arith.addi %mul3A_2, %add3A_1445 : i32
    %mul3A_1447 = arith.constant 100000 : i32
    %mul3A_1448 = arith.muli %add3A_1446, %mul3A_1447 : i32
    %add3A_1449 = vector.broadcast %mul3A_1448 : i32 to vector<16xi32>
    %add3A_1450 = arith.addi %get3A_1292, %add3A_1449 : vector<16xi32>
    %swap3A_1451 = arith.constant 2512 : index
    %swap3A_1452 = tpu.vector_load %arg10[%swap3A_1451] {strides = array<i32>} : memref<4096xi32, #tpu.memory_space<vmem>>, vector<16xi32>,
    tpu.vector_store %arg10[%swap3A_1451], %add3A_1450 {strides = array<i32>} : memref<4096xi32, #tpu.memory_space<vmem>>, vector<16xi32>,
    %add3A_1453 = arith.constant 20 : i32
    %add3A_1454 = arith.addi %mul3A_2, %add3A_1453 : i32
    %mul3A_1455 = arith.constant 100000 : i32
    %mul3A_1456 = arith.muli %add3A_1454, %mul3A_1455 : i32
    %add3A_1457 = vector.broadcast %mul3A_1456 : i32 to vector<16xi32>
    %add3A_1458 = arith.addi %get3A_1292, %add3A_1457 : vector<16xi32>
    %swap3A_1459 = arith.constant 2640 : index
    %swap3A_1460 = tpu.vector_load %arg10[%swap3A_1459] {strides = array<i32>} : memref<4096xi32, #tpu.memory_space<vmem>>, vector<16xi32>,
    tpu.vector_store %arg10[%swap3A_1459], %add3A_1458 {strides = array<i32>} : memref<4096xi32, #tpu.memory_space<vmem>>, vector<16xi32>,
    %add3A_1461 = arith.constant 21 : i32
    %add3A_1462 = arith.addi %mul3A_2, %add3A_1461 : i32
    %mul3A_1463 = arith.constant 100000 : i32
    %mul3A_1464 = arith.muli %add3A_1462, %mul3A_1463 : i32
    %add3A_1465 = vector.broadcast %mul3A_1464 : i32 to vector<16xi32>
    %add3A_1466 = arith.addi %get3A_1292, %add3A_1465 : vector<16xi32>
    %swap3A_1467 = arith.constant 2768 : index
    %swap3A_1468 = tpu.vector_load %arg10[%swap3A_1467] {strides = array<i32>} : memref<4096xi32, #tpu.memory_space<vmem>>, vector<16xi32>,
    tpu.vector_store %arg10[%swap3A_1467], %add3A_1466 {strides = array<i32>} : memref<4096xi32, #tpu.memory_space<vmem>>, vector<16xi32>,
    %add3A_1469 = arith.constant 22 : i32
    %add3A_1470 = arith.addi %mul3A_2, %add3A_1469 : i32
    %mul3A_1471 = arith.constant 100000 : i32
    %mul3A_1472 = arith.muli %add3A_1470, %mul3A_1471 : i32
    %add3A_1473 = vector.broadcast %mul3A_1472 : i32 to vector<16xi32>
    %add3A_1474 = arith.addi %get3A_1292, %add3A_1473 : vector<16xi32>
    %swap3A_1475 = arith.constant 2896 : index
    %swap3A_1476 = tpu.vector_load %arg10[%swap3A_1475] {strides = array<i32>} : memref<4096xi32, #tpu.memory_space<vmem>>, vector<16xi32>,
    tpu.vector_store %arg10[%swap3A_1475], %add3A_1474 {strides = array<i32>} : memref<4096xi32, #tpu.memory_space<vmem>>, vector<16xi32>,
    %add3A_1477 = arith.constant 23 : i32
    %add3A_1478 = arith.addi %mul3A_2, %add3A_1477 : i32
    %mul3A_1479 = arith.constant 100000 : i32
    %mul3A_1480 = arith.muli %add3A_1478, %mul3A_1479 : i32
    %add3A_1481 = vector.broadcast %mul3A_1480 : i32 to vector<16xi32>
    %add3A_1482 = arith.addi %get3A_1292, %add3A_1481 : vector<16xi32>
    %swap3A_1483 = arith.constant 3024 : index
    %swap3A_1484 = tpu.vector_load %arg10[%swap3A_1483] {strides = array<i32>} : memref<4096xi32, #tpu.memory_space<vmem>>, vector<16xi32>,
    tpu.vector_store %arg10[%swap3A_1483], %add3A_1482 {strides = array<i32>} : memref<4096xi32, #tpu.memory_space<vmem>>, vector<16xi32>,
    %add3A_1485 = arith.constant 24 : i32
    %add3A_1486 = arith.addi %mul3A_2, %add3A_1485 : i32
    %mul3A_1487 = arith.constant 100000 : i32
    %mul3A_1488 = arith.muli %add3A_1486, %mul3A_1487 : i32
    %add3A_1489 = vector.broadcast %mul3A_1488 : i32 to vector<16xi32>
    %add3A_1490 = arith.addi %get3A_1292, %add3A_1489 : vector<16xi32>
    %swap3A_1491 = arith.constant 3152 : index
    %swap3A_1492 = tpu.vector_load %arg10[%swap3A_1491] {strides = array<i32>} : memref<4096xi32, #tpu.memory_space<vmem>>, vector<16xi32>,
    tpu.vector_store %arg10[%swap3A_1491], %add3A_1490 {strides = array<i32>} : memref<4096xi32, #tpu.memory_space<vmem>>, vector<16xi32>,
    %add3A_1493 = arith.constant 25 : i32
    %add3A_1494 = arith.addi %mul3A_2, %add3A_1493 : i32
    %mul3A_1495 = arith.constant 100000 : i32
    %mul3A_1496 = arith.muli %add3A_1494, %mul3A_1495 : i32
    %add3A_1497 = vector.broadcast %mul3A_1496 : i32 to vector<16xi32>
    %add3A_1498 = arith.addi %get3A_1292, %add3A_1497 : vector<16xi32>
    %swap3A_1499 = arith.constant 3280 : index
    %swap3A_1500 = tpu.vector_load %arg10[%swap3A_1499] {strides = array<i32>} : memref<4096xi32, #tpu.memory_space<vmem>>, vector<16xi32>,
    tpu.vector_store %arg10[%swap3A_1499], %add3A_1498 {strides = array<i32>} : memref<4096xi32, #tpu.memory_space<vmem>>, vector<16xi32>,
    %add3A_1501 = arith.constant 26 : i32
    %add3A_1502 = arith.addi %mul3A_2, %add3A_1501 : i32
    %mul3A_1503 = arith.constant 100000 : i32
    %mul3A_1504 = arith.muli %add3A_1502, %mul3A_1503 : i32
    %add3A_1505 = vector.broadcast %mul3A_1504 : i32 to vector<16xi32>
    %add3A_1506 = arith.addi %get3A_1292, %add3A_1505 : vector<16xi32>
    %swap3A_1507 = arith.constant 3408 : index
    %swap3A_1508 = tpu.vector_load %arg10[%swap3A_1507] {strides = array<i32>} : memref<4096xi32, #tpu.memory_space<vmem>>, vector<16xi32>,
    tpu.vector_store %arg10[%swap3A_1507], %add3A_1506 {strides = array<i32>} : memref<4096xi32, #tpu.memory_space<vmem>>, vector<16xi32>,
    %add3A_1509 = arith.constant 27 : i32
    %add3A_1510 = arith.addi %mul3A_2, %add3A_1509 : i32
    %mul3A_1511 = arith.constant 100000 : i32
    %mul3A_1512 = arith.muli %add3A_1510, %mul3A_1511 : i32
    %add3A_1513 = vector.broadcast %mul3A_1512 : i32 to vector<16xi32>
    %add3A_1514 = arith.addi %get3A_1292, %add3A_1513 : vector<16xi32>
    %swap3A_1515 = arith.constant 3536 : index
    %swap3A_1516 = tpu.vector_load %arg10[%swap3A_1515] {strides = array<i32>} : memref<4096xi32, #tpu.memory_space<vmem>>, vector<16xi32>,
    tpu.vector_store %arg10[%swap3A_1515], %add3A_1514 {strides = array<i32>} : memref<4096xi32, #tpu.memory_space<vmem>>, vector<16xi32>,
    %add3A_1517 = arith.constant 28 : i32
    %add3A_1518 = arith.addi %mul3A_2, %add3A_1517 : i32
    %mul3A_1519 = arith.constant 100000 : i32
    %mul3A_1520 = arith.muli %add3A_1518, %mul3A_1519 : i32
    %add3A_1521 = vector.broadcast %mul3A_1520 : i32 to vector<16xi32>
    %add3A_1522 = arith.addi %get3A_1292, %add3A_1521 : vector<16xi32>
    %swap3A_1523 = arith.constant 3664 : index
    %swap3A_1524 = tpu.vector_load %arg10[%swap3A_1523] {strides = array<i32>} : memref<4096xi32, #tpu.memory_space<vmem>>, vector<16xi32>,
    tpu.vector_store %arg10[%swap3A_1523], %add3A_1522 {strides = array<i32>} : memref<4096xi32, #tpu.memory_space<vmem>>, vector<16xi32>,
    %add3A_1525 = arith.constant 29 : i32
    %add3A_1526 = arith.addi %mul3A_2, %add3A_1525 : i32
    %mul3A_1527 = arith.constant 100000 : i32
    %mul3A_1528 = arith.muli %add3A_1526, %mul3A_1527 : i32
    %add3A_1529 = vector.broadcast %mul3A_1528 : i32 to vector<16xi32>
    %add3A_1530 = arith.addi %get3A_1292, %add3A_1529 : vector<16xi32>
    %swap3A_1531 = arith.constant 3792 : index
    %swap3A_1532 = tpu.vector_load %arg10[%swap3A_1531] {strides = array<i32>} : memref<4096xi32, #tpu.memory_space<vmem>>, vector<16xi32>,
    tpu.vector_store %arg10[%swap3A_1531], %add3A_1530 {strides = array<i32>} : memref<4096xi32, #tpu.memory_space<vmem>>, vector<16xi32>,
    %add3A_1533 = arith.constant 30 : i32
    %add3A_1534 = arith.addi %mul3A_2, %add3A_1533 : i32
    %mul3A_1535 = arith.constant 100000 : i32
    %mul3A_1536 = arith.muli %add3A_1534, %mul3A_1535 : i32
    %add3A_1537 = vector.broadcast %mul3A_1536 : i32 to vector<16xi32>
    %add3A_1538 = arith.addi %get3A_1292, %add3A_1537 : vector<16xi32>
    %swap3A_1539 = arith.constant 3920 : index
    %swap3A_1540 = tpu.vector_load %arg10[%swap3A_1539] {strides = array<i32>} : memref<4096xi32, #tpu.memory_space<vmem>>, vector<16xi32>,
    tpu.vector_store %arg10[%swap3A_1539], %add3A_1538 {strides = array<i32>} : memref<4096xi32, #tpu.memory_space<vmem>>, vector<16xi32>,
    %add3A_1541 = arith.constant 31 : i32
    %add3A_1542 = arith.addi %mul3A_2, %add3A_1541 : i32
    %mul3A_1543 = arith.constant 100000 : i32
    %mul3A_1544 = arith.muli %add3A_1542, %mul3A_1543 : i32
    %add3A_1545 = vector.broadcast %mul3A_1544 : i32 to vector<16xi32>
    %add3A_1546 = arith.addi %get3A_1292, %add3A_1545 : vector<16xi32>
    %swap3A_1547 = arith.constant 4048 : index
    %swap3A_1548 = tpu.vector_load %arg10[%swap3A_1547] {strides = array<i32>} : memref<4096xi32, #tpu.memory_space<vmem>>, vector<16xi32>,
    tpu.vector_store %arg10[%swap3A_1547], %add3A_1546 {strides = array<i32>} : memref<4096xi32, #tpu.memory_space<vmem>>, vector<16xi32>,
    %get3A_1549 = arith.constant 96 : index
    %get3A_1550 = tpu.vector_load %arg7[%get3A_1549] {strides = array<i32>} : memref<128xi32, #tpu.memory_space<vmem>>, vector<16xi32>,
    %add3A_1551 = arith.constant 0 : i32
    %add3A_1552 = arith.addi %mul3A_2, %add3A_1551 : i32
    %mul3A_1553 = arith.constant 100000 : i32
    %mul3A_1554 = arith.muli %add3A_1552, %mul3A_1553 : i32
    %add3A_1555 = vector.broadcast %mul3A_1554 : i32 to vector<16xi32>
    %add3A_1556 = arith.addi %get3A_1550, %add3A_1555 : vector<16xi32>
    %swap3A_1557 = arith.constant 96 : index
    %swap3A_1558 = tpu.vector_load %arg10[%swap3A_1557] {strides = array<i32>} : memref<4096xi32, #tpu.memory_space<vmem>>, vector<16xi32>,
    tpu.vector_store %arg10[%swap3A_1557], %add3A_1556 {strides = array<i32>} : memref<4096xi32, #tpu.memory_space<vmem>>, vector<16xi32>,
    %add3A_1559 = arith.constant 1 : i32
    %add3A_1560 = arith.addi %mul3A_2, %add3A_1559 : i32
    %mul3A_1561 = arith.constant 100000 : i32
    %mul3A_1562 = arith.muli %add3A_1560, %mul3A_1561 : i32
    %add3A_1563 = vector.broadcast %mul3A_1562 : i32 to vector<16xi32>
    %add3A_1564 = arith.addi %get3A_1550, %add3A_1563 : vector<16xi32>
    %swap3A_1565 = arith.constant 224 : index
    %swap3A_1566 = tpu.vector_load %arg10[%swap3A_1565] {strides = array<i32>} : memref<4096xi32, #tpu.memory_space<vmem>>, vector<16xi32>,
    tpu.vector_store %arg10[%swap3A_1565], %add3A_1564 {strides = array<i32>} : memref<4096xi32, #tpu.memory_space<vmem>>, vector<16xi32>,
    %add3A_1567 = arith.constant 2 : i32
    %add3A_1568 = arith.addi %mul3A_2, %add3A_1567 : i32
    %mul3A_1569 = arith.constant 100000 : i32
    %mul3A_1570 = arith.muli %add3A_1568, %mul3A_1569 : i32
    %add3A_1571 = vector.broadcast %mul3A_1570 : i32 to vector<16xi32>
    %add3A_1572 = arith.addi %get3A_1550, %add3A_1571 : vector<16xi32>
    %swap3A_1573 = arith.constant 352 : index
    %swap3A_1574 = tpu.vector_load %arg10[%swap3A_1573] {strides = array<i32>} : memref<4096xi32, #tpu.memory_space<vmem>>, vector<16xi32>,
    tpu.vector_store %arg10[%swap3A_1573], %add3A_1572 {strides = array<i32>} : memref<4096xi32, #tpu.memory_space<vmem>>, vector<16xi32>,
    %add3A_1575 = arith.constant 3 : i32
    %add3A_1576 = arith.addi %mul3A_2, %add3A_1575 : i32
    %mul3A_1577 = arith.constant 100000 : i32
    %mul3A_1578 = arith.muli %add3A_1576, %mul3A_1577 : i32
    %add3A_1579 = vector.broadcast %mul3A_1578 : i32 to vector<16xi32>
    %add3A_1580 = arith.addi %get3A_1550, %add3A_1579 : vector<16xi32>
    %swap3A_1581 = arith.constant 480 : index
    %swap3A_1582 = tpu.vector_load %arg10[%swap3A_1581] {strides = array<i32>} : memref<4096xi32, #tpu.memory_space<vmem>>, vector<16xi32>,
    tpu.vector_store %arg10[%swap3A_1581], %add3A_1580 {strides = array<i32>} : memref<4096xi32, #tpu.memory_space<vmem>>, vector<16xi32>,
    %add3A_1583 = arith.constant 4 : i32
    %add3A_1584 = arith.addi %mul3A_2, %add3A_1583 : i32
    %mul3A_1585 = arith.constant 100000 : i32
    %mul3A_1586 = arith.muli %add3A_1584, %mul3A_1585 : i32
    %add3A_1587 = vector.broadcast %mul3A_1586 : i32 to vector<16xi32>
    %add3A_1588 = arith.addi %get3A_1550, %add3A_1587 : vector<16xi32>
    %swap3A_1589 = arith.constant 608 : index
    %swap3A_1590 = tpu.vector_load %arg10[%swap3A_1589] {strides = array<i32>} : memref<4096xi32, #tpu.memory_space<vmem>>, vector<16xi32>,
    tpu.vector_store %arg10[%swap3A_1589], %add3A_1588 {strides = array<i32>} : memref<4096xi32, #tpu.memory_space<vmem>>, vector<16xi32>,
    %add3A_1591 = arith.constant 5 : i32
    %add3A_1592 = arith.addi %mul3A_2, %add3A_1591 : i32
    %mul3A_1593 = arith.constant 100000 : i32
    %mul3A_1594 = arith.muli %add3A_1592, %mul3A_1593 : i32
    %add3A_1595 = vector.broadcast %mul3A_1594 : i32 to vector<16xi32>
    %add3A_1596 = arith.addi %get3A_1550, %add3A_1595 : vector<16xi32>
    %swap3A_1597 = arith.constant 736 : index
    %swap3A_1598 = tpu.vector_load %arg10[%swap3A_1597] {strides = array<i32>} : memref<4096xi32, #tpu.memory_space<vmem>>, vector<16xi32>,
    tpu.vector_store %arg10[%swap3A_1597], %add3A_1596 {strides = array<i32>} : memref<4096xi32, #tpu.memory_space<vmem>>, vector<16xi32>,
    %add3A_1599 = arith.constant 6 : i32
    %add3A_1600 = arith.addi %mul3A_2, %add3A_1599 : i32
    %mul3A_1601 = arith.constant 100000 : i32
    %mul3A_1602 = arith.muli %add3A_1600, %mul3A_1601 : i32
    %add3A_1603 = vector.broadcast %mul3A_1602 : i32 to vector<16xi32>
    %add3A_1604 = arith.addi %get3A_1550, %add3A_1603 : vector<16xi32>
    %swap3A_1605 = arith.constant 864 : index
    %swap3A_1606 = tpu.vector_load %arg10[%swap3A_1605] {strides = array<i32>} : memref<4096xi32, #tpu.memory_space<vmem>>, vector<16xi32>,
    tpu.vector_store %arg10[%swap3A_1605], %add3A_1604 {strides = array<i32>} : memref<4096xi32, #tpu.memory_space<vmem>>, vector<16xi32>,
    %add3A_1607 = arith.constant 7 : i32
    %add3A_1608 = arith.addi %mul3A_2, %add3A_1607 : i32
    %mul3A_1609 = arith.constant 100000 : i32
    %mul3A_1610 = arith.muli %add3A_1608, %mul3A_1609 : i32
    %add3A_1611 = vector.broadcast %mul3A_1610 : i32 to vector<16xi32>
    %add3A_1612 = arith.addi %get3A_1550, %add3A_1611 : vector<16xi32>
    %swap3A_1613 = arith.constant 992 : index
    %swap3A_1614 = tpu.vector_load %arg10[%swap3A_1613] {strides = array<i32>} : memref<4096xi32, #tpu.memory_space<vmem>>, vector<16xi32>,
    tpu.vector_store %arg10[%swap3A_1613], %add3A_1612 {strides = array<i32>} : memref<4096xi32, #tpu.memory_space<vmem>>, vector<16xi32>,
    %add3A_1615 = arith.constant 8 : i32
    %add3A_1616 = arith.addi %mul3A_2, %add3A_1615 : i32
    %mul3A_1617 = arith.constant 100000 : i32
    %mul3A_1618 = arith.muli %add3A_1616, %mul3A_1617 : i32
    %add3A_1619 = vector.broadcast %mul3A_1618 : i32 to vector<16xi32>
    %add3A_1620 = arith.addi %get3A_1550, %add3A_1619 : vector<16xi32>
    %swap3A_1621 = arith.constant 1120 : index
    %swap3A_1622 = tpu.vector_load %arg10[%swap3A_1621] {strides = array<i32>} : memref<4096xi32, #tpu.memory_space<vmem>>, vector<16xi32>,
    tpu.vector_store %arg10[%swap3A_1621], %add3A_1620 {strides = array<i32>} : memref<4096xi32, #tpu.memory_space<vmem>>, vector<16xi32>,
    %add3A_1623 = arith.constant 9 : i32
    %add3A_1624 = arith.addi %mul3A_2, %add3A_1623 : i32
    %mul3A_1625 = arith.constant 100000 : i32
    %mul3A_1626 = arith.muli %add3A_1624, %mul3A_1625 : i32
    %add3A_1627 = vector.broadcast %mul3A_1626 : i32 to vector<16xi32>
    %add3A_1628 = arith.addi %get3A_1550, %add3A_1627 : vector<16xi32>
    %swap3A_1629 = arith.constant 1248 : index
    %swap3A_1630 = tpu.vector_load %arg10[%swap3A_1629] {strides = array<i32>} : memref<4096xi32, #tpu.memory_space<vmem>>, vector<16xi32>,
    tpu.vector_store %arg10[%swap3A_1629], %add3A_1628 {strides = array<i32>} : memref<4096xi32, #tpu.memory_space<vmem>>, vector<16xi32>,
    %add3A_1631 = arith.constant 10 : i32
    %add3A_1632 = arith.addi %mul3A_2, %add3A_1631 : i32
    %mul3A_1633 = arith.constant 100000 : i32
    %mul3A_1634 = arith.muli %add3A_1632, %mul3A_1633 : i32
    %add3A_1635 = vector.broadcast %mul3A_1634 : i32 to vector<16xi32>
    %add3A_1636 = arith.addi %get3A_1550, %add3A_1635 : vector<16xi32>
    %swap3A_1637 = arith.constant 1376 : index
    %swap3A_1638 = tpu.vector_load %arg10[%swap3A_1637] {strides = array<i32>} : memref<4096xi32, #tpu.memory_space<vmem>>, vector<16xi32>,
    tpu.vector_store %arg10[%swap3A_1637], %add3A_1636 {strides = array<i32>} : memref<4096xi32, #tpu.memory_space<vmem>>, vector<16xi32>,
    %add3A_1639 = arith.constant 11 : i32
    %add3A_1640 = arith.addi %mul3A_2, %add3A_1639 : i32
    %mul3A_1641 = arith.constant 100000 : i32
    %mul3A_1642 = arith.muli %add3A_1640, %mul3A_1641 : i32
    %add3A_1643 = vector.broadcast %mul3A_1642 : i32 to vector<16xi32>
    %add3A_1644 = arith.addi %get3A_1550, %add3A_1643 : vector<16xi32>
    %swap3A_1645 = arith.constant 1504 : index
    %swap3A_1646 = tpu.vector_load %arg10[%swap3A_1645] {strides = array<i32>} : memref<4096xi32, #tpu.memory_space<vmem>>, vector<16xi32>,
    tpu.vector_store %arg10[%swap3A_1645], %add3A_1644 {strides = array<i32>} : memref<4096xi32, #tpu.memory_space<vmem>>, vector<16xi32>,
    %add3A_1647 = arith.constant 12 : i32
    %add3A_1648 = arith.addi %mul3A_2, %add3A_1647 : i32
    %mul3A_1649 = arith.constant 100000 : i32
    %mul3A_1650 = arith.muli %add3A_1648, %mul3A_1649 : i32
    %add3A_1651 = vector.broadcast %mul3A_1650 : i32 to vector<16xi32>
    %add3A_1652 = arith.addi %get3A_1550, %add3A_1651 : vector<16xi32>
    %swap3A_1653 = arith.constant 1632 : index
    %swap3A_1654 = tpu.vector_load %arg10[%swap3A_1653] {strides = array<i32>} : memref<4096xi32, #tpu.memory_space<vmem>>, vector<16xi32>,
    tpu.vector_store %arg10[%swap3A_1653], %add3A_1652 {strides = array<i32>} : memref<4096xi32, #tpu.memory_space<vmem>>, vector<16xi32>,
    %add3A_1655 = arith.constant 13 : i32
    %add3A_1656 = arith.addi %mul3A_2, %add3A_1655 : i32
    %mul3A_1657 = arith.constant 100000 : i32
    %mul3A_1658 = arith.muli %add3A_1656, %mul3A_1657 : i32
    %add3A_1659 = vector.broadcast %mul3A_1658 : i32 to vector<16xi32>
    %add3A_1660 = arith.addi %get3A_1550, %add3A_1659 : vector<16xi32>
    %swap3A_1661 = arith.constant 1760 : index
    %swap3A_1662 = tpu.vector_load %arg10[%swap3A_1661] {strides = array<i32>} : memref<4096xi32, #tpu.memory_space<vmem>>, vector<16xi32>,
    tpu.vector_store %arg10[%swap3A_1661], %add3A_1660 {strides = array<i32>} : memref<4096xi32, #tpu.memory_space<vmem>>, vector<16xi32>,
    %add3A_1663 = arith.constant 14 : i32
    %add3A_1664 = arith.addi %mul3A_2, %add3A_1663 : i32
    %mul3A_1665 = arith.constant 100000 : i32
    %mul3A_1666 = arith.muli %add3A_1664, %mul3A_1665 : i32
    %add3A_1667 = vector.broadcast %mul3A_1666 : i32 to vector<16xi32>
    %add3A_1668 = arith.addi %get3A_1550, %add3A_1667 : vector<16xi32>
    %swap3A_1669 = arith.constant 1888 : index
    %swap3A_1670 = tpu.vector_load %arg10[%swap3A_1669] {strides = array<i32>} : memref<4096xi32, #tpu.memory_space<vmem>>, vector<16xi32>,
    tpu.vector_store %arg10[%swap3A_1669], %add3A_1668 {strides = array<i32>} : memref<4096xi32, #tpu.memory_space<vmem>>, vector<16xi32>,
    %add3A_1671 = arith.constant 15 : i32
    %add3A_1672 = arith.addi %mul3A_2, %add3A_1671 : i32
    %mul3A_1673 = arith.constant 100000 : i32
    %mul3A_1674 = arith.muli %add3A_1672, %mul3A_1673 : i32
    %add3A_1675 = vector.broadcast %mul3A_1674 : i32 to vector<16xi32>
    %add3A_1676 = arith.addi %get3A_1550, %add3A_1675 : vector<16xi32>
    %swap3A_1677 = arith.constant 2016 : index
    %swap3A_1678 = tpu.vector_load %arg10[%swap3A_1677] {strides = array<i32>} : memref<4096xi32, #tpu.memory_space<vmem>>, vector<16xi32>,
    tpu.vector_store %arg10[%swap3A_1677], %add3A_1676 {strides = array<i32>} : memref<4096xi32, #tpu.memory_space<vmem>>, vector<16xi32>,
    %add3A_1679 = arith.constant 16 : i32
    %add3A_1680 = arith.addi %mul3A_2, %add3A_1679 : i32
    %mul3A_1681 = arith.constant 100000 : i32
    %mul3A_1682 = arith.muli %add3A_1680, %mul3A_1681 : i32
    %add3A_1683 = vector.broadcast %mul3A_1682 : i32 to vector<16xi32>
    %add3A_1684 = arith.addi %get3A_1550, %add3A_1683 : vector<16xi32>
    %swap3A_1685 = arith.constant 2144 : index
    %swap3A_1686 = tpu.vector_load %arg10[%swap3A_1685] {strides = array<i32>} : memref<4096xi32, #tpu.memory_space<vmem>>, vector<16xi32>,
    tpu.vector_store %arg10[%swap3A_1685], %add3A_1684 {strides = array<i32>} : memref<4096xi32, #tpu.memory_space<vmem>>, vector<16xi32>,
    %add3A_1687 = arith.constant 17 : i32
    %add3A_1688 = arith.addi %mul3A_2, %add3A_1687 : i32
    %mul3A_1689 = arith.constant 100000 : i32
    %mul3A_1690 = arith.muli %add3A_1688, %mul3A_1689 : i32
    %add3A_1691 = vector.broadcast %mul3A_1690 : i32 to vector<16xi32>
    %add3A_1692 = arith.addi %get3A_1550, %add3A_1691 : vector<16xi32>
    %swap3A_1693 = arith.constant 2272 : index
    %swap3A_1694 = tpu.vector_load %arg10[%swap3A_1693] {strides = array<i32>} : memref<4096xi32, #tpu.memory_space<vmem>>, vector<16xi32>,
    tpu.vector_store %arg10[%swap3A_1693], %add3A_1692 {strides = array<i32>} : memref<4096xi32, #tpu.memory_space<vmem>>, vector<16xi32>,
    %add3A_1695 = arith.constant 18 : i32
    %add3A_1696 = arith.addi %mul3A_2, %add3A_1695 : i32
    %mul3A_1697 = arith.constant 100000 : i32
    %mul3A_1698 = arith.muli %add3A_1696, %mul3A_1697 : i32
    %add3A_1699 = vector.broadcast %mul3A_1698 : i32 to vector<16xi32>
    %add3A_1700 = arith.addi %get3A_1550, %add3A_1699 : vector<16xi32>
    %swap3A_1701 = arith.constant 2400 : index
    %swap3A_1702 = tpu.vector_load %arg10[%swap3A_1701] {strides = array<i32>} : memref<4096xi32, #tpu.memory_space<vmem>>, vector<16xi32>,
    tpu.vector_store %arg10[%swap3A_1701], %add3A_1700 {strides = array<i32>} : memref<4096xi32, #tpu.memory_space<vmem>>, vector<16xi32>,
    %add3A_1703 = arith.constant 19 : i32
    %add3A_1704 = arith.addi %mul3A_2, %add3A_1703 : i32
    %mul3A_1705 = arith.constant 100000 : i32
    %mul3A_1706 = arith.muli %add3A_1704, %mul3A_1705 : i32
    %add3A_1707 = vector.broadcast %mul3A_1706 : i32 to vector<16xi32>
    %add3A_1708 = arith.addi %get3A_1550, %add3A_1707 : vector<16xi32>
    %swap3A_1709 = arith.constant 2528 : index
    %swap3A_1710 = tpu.vector_load %arg10[%swap3A_1709] {strides = array<i32>} : memref<4096xi32, #tpu.memory_space<vmem>>, vector<16xi32>,
    tpu.vector_store %arg10[%swap3A_1709], %add3A_1708 {strides = array<i32>} : memref<4096xi32, #tpu.memory_space<vmem>>, vector<16xi32>,
    %add3A_1711 = arith.constant 20 : i32
    %add3A_1712 = arith.addi %mul3A_2, %add3A_1711 : i32
    %mul3A_1713 = arith.constant 100000 : i32
    %mul3A_1714 = arith.muli %add3A_1712, %mul3A_1713 : i32
    %add3A_1715 = vector.broadcast %mul3A_1714 : i32 to vector<16xi32>
    %add3A_1716 = arith.addi %get3A_1550, %add3A_1715 : vector<16xi32>
    %swap3A_1717 = arith.constant 2656 : index
    %swap3A_1718 = tpu.vector_load %arg10[%swap3A_1717] {strides = array<i32>} : memref<4096xi32, #tpu.memory_space<vmem>>, vector<16xi32>,
    tpu.vector_store %arg10[%swap3A_1717], %add3A_1716 {strides = array<i32>} : memref<4096xi32, #tpu.memory_space<vmem>>, vector<16xi32>,
    %add3A_1719 = arith.constant 21 : i32
    %add3A_1720 = arith.addi %mul3A_2, %add3A_1719 : i32
    %mul3A_1721 = arith.constant 100000 : i32
    %mul3A_1722 = arith.muli %add3A_1720, %mul3A_1721 : i32
    %add3A_1723 = vector.broadcast %mul3A_1722 : i32 to vector<16xi32>
    %add3A_1724 = arith.addi %get3A_1550, %add3A_1723 : vector<16xi32>
    %swap3A_1725 = arith.constant 2784 : index
    %swap3A_1726 = tpu.vector_load %arg10[%swap3A_1725] {strides = array<i32>} : memref<4096xi32, #tpu.memory_space<vmem>>, vector<16xi32>,
    tpu.vector_store %arg10[%swap3A_1725], %add3A_1724 {strides = array<i32>} : memref<4096xi32, #tpu.memory_space<vmem>>, vector<16xi32>,
    %add3A_1727 = arith.constant 22 : i32
    %add3A_1728 = arith.addi %mul3A_2, %add3A_1727 : i32
    %mul3A_1729 = arith.constant 100000 : i32
    %mul3A_1730 = arith.muli %add3A_1728, %mul3A_1729 : i32
    %add3A_1731 = vector.broadcast %mul3A_1730 : i32 to vector<16xi32>
    %add3A_1732 = arith.addi %get3A_1550, %add3A_1731 : vector<16xi32>
    %swap3A_1733 = arith.constant 2912 : index
    %swap3A_1734 = tpu.vector_load %arg10[%swap3A_1733] {strides = array<i32>} : memref<4096xi32, #tpu.memory_space<vmem>>, vector<16xi32>,
    tpu.vector_store %arg10[%swap3A_1733], %add3A_1732 {strides = array<i32>} : memref<4096xi32, #tpu.memory_space<vmem>>, vector<16xi32>,
    %add3A_1735 = arith.constant 23 : i32
    %add3A_1736 = arith.addi %mul3A_2, %add3A_1735 : i32
    %mul3A_1737 = arith.constant 100000 : i32
    %mul3A_1738 = arith.muli %add3A_1736, %mul3A_1737 : i32
    %add3A_1739 = vector.broadcast %mul3A_1738 : i32 to vector<16xi32>
    %add3A_1740 = arith.addi %get3A_1550, %add3A_1739 : vector<16xi32>
    %swap3A_1741 = arith.constant 3040 : index
    %swap3A_1742 = tpu.vector_load %arg10[%swap3A_1741] {strides = array<i32>} : memref<4096xi32, #tpu.memory_space<vmem>>, vector<16xi32>,
    tpu.vector_store %arg10[%swap3A_1741], %add3A_1740 {strides = array<i32>} : memref<4096xi32, #tpu.memory_space<vmem>>, vector<16xi32>,
    %add3A_1743 = arith.constant 24 : i32
    %add3A_1744 = arith.addi %mul3A_2, %add3A_1743 : i32
    %mul3A_1745 = arith.constant 100000 : i32
    %mul3A_1746 = arith.muli %add3A_1744, %mul3A_1745 : i32
    %add3A_1747 = vector.broadcast %mul3A_1746 : i32 to vector<16xi32>
    %add3A_1748 = arith.addi %get3A_1550, %add3A_1747 : vector<16xi32>
    %swap3A_1749 = arith.constant 3168 : index
    %swap3A_1750 = tpu.vector_load %arg10[%swap3A_1749] {strides = array<i32>} : memref<4096xi32, #tpu.memory_space<vmem>>, vector<16xi32>,
    tpu.vector_store %arg10[%swap3A_1749], %add3A_1748 {strides = array<i32>} : memref<4096xi32, #tpu.memory_space<vmem>>, vector<16xi32>,
    %add3A_1751 = arith.constant 25 : i32
    %add3A_1752 = arith.addi %mul3A_2, %add3A_1751 : i32
    %mul3A_1753 = arith.constant 100000 : i32
    %mul3A_1754 = arith.muli %add3A_1752, %mul3A_1753 : i32
    %add3A_1755 = vector.broadcast %mul3A_1754 : i32 to vector<16xi32>
    %add3A_1756 = arith.addi %get3A_1550, %add3A_1755 : vector<16xi32>
    %swap3A_1757 = arith.constant 3296 : index
    %swap3A_1758 = tpu.vector_load %arg10[%swap3A_1757] {strides = array<i32>} : memref<4096xi32, #tpu.memory_space<vmem>>, vector<16xi32>,
    tpu.vector_store %arg10[%swap3A_1757], %add3A_1756 {strides = array<i32>} : memref<4096xi32, #tpu.memory_space<vmem>>, vector<16xi32>,
    %add3A_1759 = arith.constant 26 : i32
    %add3A_1760 = arith.addi %mul3A_2, %add3A_1759 : i32
    %mul3A_1761 = arith.constant 100000 : i32
    %mul3A_1762 = arith.muli %add3A_1760, %mul3A_1761 : i32
    %add3A_1763 = vector.broadcast %mul3A_1762 : i32 to vector<16xi32>
    %add3A_1764 = arith.addi %get3A_1550, %add3A_1763 : vector<16xi32>
    %swap3A_1765 = arith.constant 3424 : index
    %swap3A_1766 = tpu.vector_load %arg10[%swap3A_1765] {strides = array<i32>} : memref<4096xi32, #tpu.memory_space<vmem>>, vector<16xi32>,
    tpu.vector_store %arg10[%swap3A_1765], %add3A_1764 {strides = array<i32>} : memref<4096xi32, #tpu.memory_space<vmem>>, vector<16xi32>,
    %add3A_1767 = arith.constant 27 : i32
    %add3A_1768 = arith.addi %mul3A_2, %add3A_1767 : i32
    %mul3A_1769 = arith.constant 100000 : i32
    %mul3A_1770 = arith.muli %add3A_1768, %mul3A_1769 : i32
    %add3A_1771 = vector.broadcast %mul3A_1770 : i32 to vector<16xi32>
    %add3A_1772 = arith.addi %get3A_1550, %add3A_1771 : vector<16xi32>
    %swap3A_1773 = arith.constant 3552 : index
    %swap3A_1774 = tpu.vector_load %arg10[%swap3A_1773] {strides = array<i32>} : memref<4096xi32, #tpu.memory_space<vmem>>, vector<16xi32>,
    tpu.vector_store %arg10[%swap3A_1773], %add3A_1772 {strides = array<i32>} : memref<4096xi32, #tpu.memory_space<vmem>>, vector<16xi32>,
    %add3A_1775 = arith.constant 28 : i32
    %add3A_1776 = arith.addi %mul3A_2, %add3A_1775 : i32
    %mul3A_1777 = arith.constant 100000 : i32
    %mul3A_1778 = arith.muli %add3A_1776, %mul3A_1777 : i32
    %add3A_1779 = vector.broadcast %mul3A_1778 : i32 to vector<16xi32>
    %add3A_1780 = arith.addi %get3A_1550, %add3A_1779 : vector<16xi32>
    %swap3A_1781 = arith.constant 3680 : index
    %swap3A_1782 = tpu.vector_load %arg10[%swap3A_1781] {strides = array<i32>} : memref<4096xi32, #tpu.memory_space<vmem>>, vector<16xi32>,
    tpu.vector_store %arg10[%swap3A_1781], %add3A_1780 {strides = array<i32>} : memref<4096xi32, #tpu.memory_space<vmem>>, vector<16xi32>,
    %add3A_1783 = arith.constant 29 : i32
    %add3A_1784 = arith.addi %mul3A_2, %add3A_1783 : i32
    %mul3A_1785 = arith.constant 100000 : i32
    %mul3A_1786 = arith.muli %add3A_1784, %mul3A_1785 : i32
    %add3A_1787 = vector.broadcast %mul3A_1786 : i32 to vector<16xi32>
    %add3A_1788 = arith.addi %get3A_1550, %add3A_1787 : vector<16xi32>
    %swap3A_1789 = arith.constant 3808 : index
    %swap3A_1790 = tpu.vector_load %arg10[%swap3A_1789] {strides = array<i32>} : memref<4096xi32, #tpu.memory_space<vmem>>, vector<16xi32>,
    tpu.vector_store %arg10[%swap3A_1789], %add3A_1788 {strides = array<i32>} : memref<4096xi32, #tpu.memory_space<vmem>>, vector<16xi32>,
    %add3A_1791 = arith.constant 30 : i32
    %add3A_1792 = arith.addi %mul3A_2, %add3A_1791 : i32
    %mul3A_1793 = arith.constant 100000 : i32
    %mul3A_1794 = arith.muli %add3A_1792, %mul3A_1793 : i32
    %add3A_1795 = vector.broadcast %mul3A_1794 : i32 to vector<16xi32>
    %add3A_1796 = arith.addi %get3A_1550, %add3A_1795 : vector<16xi32>
    %swap3A_1797 = arith.constant 3936 : index
    %swap3A_1798 = tpu.vector_load %arg10[%swap3A_1797] {strides = array<i32>} : memref<4096xi32, #tpu.memory_space<vmem>>, vector<16xi32>,
    tpu.vector_store %arg10[%swap3A_1797], %add3A_1796 {strides = array<i32>} : memref<4096xi32, #tpu.memory_space<vmem>>, vector<16xi32>,
    %add3A_1799 = arith.constant 31 : i32
    %add3A_1800 = arith.addi %mul3A_2, %add3A_1799 : i32
    %mul3A_1801 = arith.constant 100000 : i32
    %mul3A_1802 = arith.muli %add3A_1800, %mul3A_1801 : i32
    %add3A_1803 = vector.broadcast %mul3A_1802 : i32 to vector<16xi32>
    %add3A_1804 = arith.addi %get3A_1550, %add3A_1803 : vector<16xi32>
    %swap3A_1805 = arith.constant 4064 : index
    %swap3A_1806 = tpu.vector_load %arg10[%swap3A_1805] {strides = array<i32>} : memref<4096xi32, #tpu.memory_space<vmem>>, vector<16xi32>,
    tpu.vector_store %arg10[%swap3A_1805], %add3A_1804 {strides = array<i32>} : memref<4096xi32, #tpu.memory_space<vmem>>, vector<16xi32>,
    %get3A_1807 = arith.constant 112 : index
    %get3A_1808 = tpu.vector_load %arg7[%get3A_1807] {strides = array<i32>} : memref<128xi32, #tpu.memory_space<vmem>>, vector<16xi32>,
    %add3A_1809 = arith.constant 0 : i32
    %add3A_1810 = arith.addi %mul3A_2, %add3A_1809 : i32
    %mul3A_1811 = arith.constant 100000 : i32
    %mul3A_1812 = arith.muli %add3A_1810, %mul3A_1811 : i32
    %add3A_1813 = vector.broadcast %mul3A_1812 : i32 to vector<16xi32>
    %add3A_1814 = arith.addi %get3A_1808, %add3A_1813 : vector<16xi32>
    %swap3A_1815 = arith.constant 112 : index
    %swap3A_1816 = tpu.vector_load %arg10[%swap3A_1815] {strides = array<i32>} : memref<4096xi32, #tpu.memory_space<vmem>>, vector<16xi32>,
    tpu.vector_store %arg10[%swap3A_1815], %add3A_1814 {strides = array<i32>} : memref<4096xi32, #tpu.memory_space<vmem>>, vector<16xi32>,
    %add3A_1817 = arith.constant 1 : i32
    %add3A_1818 = arith.addi %mul3A_2, %add3A_1817 : i32
    %mul3A_1819 = arith.constant 100000 : i32
    %mul3A_1820 = arith.muli %add3A_1818, %mul3A_1819 : i32
    %add3A_1821 = vector.broadcast %mul3A_1820 : i32 to vector<16xi32>
    %add3A_1822 = arith.addi %get3A_1808, %add3A_1821 : vector<16xi32>
    %swap3A_1823 = arith.constant 240 : index
    %swap3A_1824 = tpu.vector_load %arg10[%swap3A_1823] {strides = array<i32>} : memref<4096xi32, #tpu.memory_space<vmem>>, vector<16xi32>,
    tpu.vector_store %arg10[%swap3A_1823], %add3A_1822 {strides = array<i32>} : memref<4096xi32, #tpu.memory_space<vmem>>, vector<16xi32>,
    %add3A_1825 = arith.constant 2 : i32
    %add3A_1826 = arith.addi %mul3A_2, %add3A_1825 : i32
    %mul3A_1827 = arith.constant 100000 : i32
    %mul3A_1828 = arith.muli %add3A_1826, %mul3A_1827 : i32
    %add3A_1829 = vector.broadcast %mul3A_1828 : i32 to vector<16xi32>
    %add3A_1830 = arith.addi %get3A_1808, %add3A_1829 : vector<16xi32>
    %swap3A_1831 = arith.constant 368 : index
    %swap3A_1832 = tpu.vector_load %arg10[%swap3A_1831] {strides = array<i32>} : memref<4096xi32, #tpu.memory_space<vmem>>, vector<16xi32>,
    tpu.vector_store %arg10[%swap3A_1831], %add3A_1830 {strides = array<i32>} : memref<4096xi32, #tpu.memory_space<vmem>>, vector<16xi32>,
    %add3A_1833 = arith.constant 3 : i32
    %add3A_1834 = arith.addi %mul3A_2, %add3A_1833 : i32
    %mul3A_1835 = arith.constant 100000 : i32
    %mul3A_1836 = arith.muli %add3A_1834, %mul3A_1835 : i32
    %add3A_1837 = vector.broadcast %mul3A_1836 : i32 to vector<16xi32>
    %add3A_1838 = arith.addi %get3A_1808, %add3A_1837 : vector<16xi32>
    %swap3A_1839 = arith.constant 496 : index
    %swap3A_1840 = tpu.vector_load %arg10[%swap3A_1839] {strides = array<i32>} : memref<4096xi32, #tpu.memory_space<vmem>>, vector<16xi32>,
    tpu.vector_store %arg10[%swap3A_1839], %add3A_1838 {strides = array<i32>} : memref<4096xi32, #tpu.memory_space<vmem>>, vector<16xi32>,
    %add3A_1841 = arith.constant 4 : i32
    %add3A_1842 = arith.addi %mul3A_2, %add3A_1841 : i32
    %mul3A_1843 = arith.constant 100000 : i32
    %mul3A_1844 = arith.muli %add3A_1842, %mul3A_1843 : i32
    %add3A_1845 = vector.broadcast %mul3A_1844 : i32 to vector<16xi32>
    %add3A_1846 = arith.addi %get3A_1808, %add3A_1845 : vector<16xi32>
    %swap3A_1847 = arith.constant 624 : index
    %swap3A_1848 = tpu.vector_load %arg10[%swap3A_1847] {strides = array<i32>} : memref<4096xi32, #tpu.memory_space<vmem>>, vector<16xi32>,
    tpu.vector_store %arg10[%swap3A_1847], %add3A_1846 {strides = array<i32>} : memref<4096xi32, #tpu.memory_space<vmem>>, vector<16xi32>,
    %add3A_1849 = arith.constant 5 : i32
    %add3A_1850 = arith.addi %mul3A_2, %add3A_1849 : i32
    %mul3A_1851 = arith.constant 100000 : i32
    %mul3A_1852 = arith.muli %add3A_1850, %mul3A_1851 : i32
    %add3A_1853 = vector.broadcast %mul3A_1852 : i32 to vector<16xi32>
    %add3A_1854 = arith.addi %get3A_1808, %add3A_1853 : vector<16xi32>
    %swap3A_1855 = arith.constant 752 : index
    %swap3A_1856 = tpu.vector_load %arg10[%swap3A_1855] {strides = array<i32>} : memref<4096xi32, #tpu.memory_space<vmem>>, vector<16xi32>,
    tpu.vector_store %arg10[%swap3A_1855], %add3A_1854 {strides = array<i32>} : memref<4096xi32, #tpu.memory_space<vmem>>, vector<16xi32>,
    %add3A_1857 = arith.constant 6 : i32
    %add3A_1858 = arith.addi %mul3A_2, %add3A_1857 : i32
    %mul3A_1859 = arith.constant 100000 : i32
    %mul3A_1860 = arith.muli %add3A_1858, %mul3A_1859 : i32
    %add3A_1861 = vector.broadcast %mul3A_1860 : i32 to vector<16xi32>
    %add3A_1862 = arith.addi %get3A_1808, %add3A_1861 : vector<16xi32>
    %swap3A_1863 = arith.constant 880 : index
    %swap3A_1864 = tpu.vector_load %arg10[%swap3A_1863] {strides = array<i32>} : memref<4096xi32, #tpu.memory_space<vmem>>, vector<16xi32>,
    tpu.vector_store %arg10[%swap3A_1863], %add3A_1862 {strides = array<i32>} : memref<4096xi32, #tpu.memory_space<vmem>>, vector<16xi32>,
    %add3A_1865 = arith.constant 7 : i32
    %add3A_1866 = arith.addi %mul3A_2, %add3A_1865 : i32
    %mul3A_1867 = arith.constant 100000 : i32
    %mul3A_1868 = arith.muli %add3A_1866, %mul3A_1867 : i32
    %add3A_1869 = vector.broadcast %mul3A_1868 : i32 to vector<16xi32>
    %add3A_1870 = arith.addi %get3A_1808, %add3A_1869 : vector<16xi32>
    %swap3A_1871 = arith.constant 1008 : index
    %swap3A_1872 = tpu.vector_load %arg10[%swap3A_1871] {strides = array<i32>} : memref<4096xi32, #tpu.memory_space<vmem>>, vector<16xi32>,
    tpu.vector_store %arg10[%swap3A_1871], %add3A_1870 {strides = array<i32>} : memref<4096xi32, #tpu.memory_space<vmem>>, vector<16xi32>,
    %add3A_1873 = arith.constant 8 : i32
    %add3A_1874 = arith.addi %mul3A_2, %add3A_1873 : i32
    %mul3A_1875 = arith.constant 100000 : i32
    %mul3A_1876 = arith.muli %add3A_1874, %mul3A_1875 : i32
    %add3A_1877 = vector.broadcast %mul3A_1876 : i32 to vector<16xi32>
    %add3A_1878 = arith.addi %get3A_1808, %add3A_1877 : vector<16xi32>
    %swap3A_1879 = arith.constant 1136 : index
    %swap3A_1880 = tpu.vector_load %arg10[%swap3A_1879] {strides = array<i32>} : memref<4096xi32, #tpu.memory_space<vmem>>, vector<16xi32>,
    tpu.vector_store %arg10[%swap3A_1879], %add3A_1878 {strides = array<i32>} : memref<4096xi32, #tpu.memory_space<vmem>>, vector<16xi32>,
    %add3A_1881 = arith.constant 9 : i32
    %add3A_1882 = arith.addi %mul3A_2, %add3A_1881 : i32
    %mul3A_1883 = arith.constant 100000 : i32
    %mul3A_1884 = arith.muli %add3A_1882, %mul3A_1883 : i32
    %add3A_1885 = vector.broadcast %mul3A_1884 : i32 to vector<16xi32>
    %add3A_1886 = arith.addi %get3A_1808, %add3A_1885 : vector<16xi32>
    %swap3A_1887 = arith.constant 1264 : index
    %swap3A_1888 = tpu.vector_load %arg10[%swap3A_1887] {strides = array<i32>} : memref<4096xi32, #tpu.memory_space<vmem>>, vector<16xi32>,
    tpu.vector_store %arg10[%swap3A_1887], %add3A_1886 {strides = array<i32>} : memref<4096xi32, #tpu.memory_space<vmem>>, vector<16xi32>,
    %add3A_1889 = arith.constant 10 : i32
    %add3A_1890 = arith.addi %mul3A_2, %add3A_1889 : i32
    %mul3A_1891 = arith.constant 100000 : i32
    %mul3A_1892 = arith.muli %add3A_1890, %mul3A_1891 : i32
    %add3A_1893 = vector.broadcast %mul3A_1892 : i32 to vector<16xi32>
    %add3A_1894 = arith.addi %get3A_1808, %add3A_1893 : vector<16xi32>
    %swap3A_1895 = arith.constant 1392 : index
    %swap3A_1896 = tpu.vector_load %arg10[%swap3A_1895] {strides = array<i32>} : memref<4096xi32, #tpu.memory_space<vmem>>, vector<16xi32>,
    tpu.vector_store %arg10[%swap3A_1895], %add3A_1894 {strides = array<i32>} : memref<4096xi32, #tpu.memory_space<vmem>>, vector<16xi32>,
    %add3A_1897 = arith.constant 11 : i32
    %add3A_1898 = arith.addi %mul3A_2, %add3A_1897 : i32
    %mul3A_1899 = arith.constant 100000 : i32
    %mul3A_1900 = arith.muli %add3A_1898, %mul3A_1899 : i32
    %add3A_1901 = vector.broadcast %mul3A_1900 : i32 to vector<16xi32>
    %add3A_1902 = arith.addi %get3A_1808, %add3A_1901 : vector<16xi32>
    %swap3A_1903 = arith.constant 1520 : index
    %swap3A_1904 = tpu.vector_load %arg10[%swap3A_1903] {strides = array<i32>} : memref<4096xi32, #tpu.memory_space<vmem>>, vector<16xi32>,
    tpu.vector_store %arg10[%swap3A_1903], %add3A_1902 {strides = array<i32>} : memref<4096xi32, #tpu.memory_space<vmem>>, vector<16xi32>,
    %add3A_1905 = arith.constant 12 : i32
    %add3A_1906 = arith.addi %mul3A_2, %add3A_1905 : i32
    %mul3A_1907 = arith.constant 100000 : i32
    %mul3A_1908 = arith.muli %add3A_1906, %mul3A_1907 : i32
    %add3A_1909 = vector.broadcast %mul3A_1908 : i32 to vector<16xi32>
    %add3A_1910 = arith.addi %get3A_1808, %add3A_1909 : vector<16xi32>
    %swap3A_1911 = arith.constant 1648 : index
    %swap3A_1912 = tpu.vector_load %arg10[%swap3A_1911] {strides = array<i32>} : memref<4096xi32, #tpu.memory_space<vmem>>, vector<16xi32>,
    tpu.vector_store %arg10[%swap3A_1911], %add3A_1910 {strides = array<i32>} : memref<4096xi32, #tpu.memory_space<vmem>>, vector<16xi32>,
    %add3A_1913 = arith.constant 13 : i32
    %add3A_1914 = arith.addi %mul3A_2, %add3A_1913 : i32
    %mul3A_1915 = arith.constant 100000 : i32
    %mul3A_1916 = arith.muli %add3A_1914, %mul3A_1915 : i32
    %add3A_1917 = vector.broadcast %mul3A_1916 : i32 to vector<16xi32>
    %add3A_1918 = arith.addi %get3A_1808, %add3A_1917 : vector<16xi32>
    %swap3A_1919 = arith.constant 1776 : index
    %swap3A_1920 = tpu.vector_load %arg10[%swap3A_1919] {strides = array<i32>} : memref<4096xi32, #tpu.memory_space<vmem>>, vector<16xi32>,
    tpu.vector_store %arg10[%swap3A_1919], %add3A_1918 {strides = array<i32>} : memref<4096xi32, #tpu.memory_space<vmem>>, vector<16xi32>,
    %add3A_1921 = arith.constant 14 : i32
    %add3A_1922 = arith.addi %mul3A_2, %add3A_1921 : i32
    %mul3A_1923 = arith.constant 100000 : i32
    %mul3A_1924 = arith.muli %add3A_1922, %mul3A_1923 : i32
    %add3A_1925 = vector.broadcast %mul3A_1924 : i32 to vector<16xi32>
    %add3A_1926 = arith.addi %get3A_1808, %add3A_1925 : vector<16xi32>
    %swap3A_1927 = arith.constant 1904 : index
    %swap3A_1928 = tpu.vector_load %arg10[%swap3A_1927] {strides = array<i32>} : memref<4096xi32, #tpu.memory_space<vmem>>, vector<16xi32>,
    tpu.vector_store %arg10[%swap3A_1927], %add3A_1926 {strides = array<i32>} : memref<4096xi32, #tpu.memory_space<vmem>>, vector<16xi32>,
    %add3A_1929 = arith.constant 15 : i32
    %add3A_1930 = arith.addi %mul3A_2, %add3A_1929 : i32
    %mul3A_1931 = arith.constant 100000 : i32
    %mul3A_1932 = arith.muli %add3A_1930, %mul3A_1931 : i32
    %add3A_1933 = vector.broadcast %mul3A_1932 : i32 to vector<16xi32>
    %add3A_1934 = arith.addi %get3A_1808, %add3A_1933 : vector<16xi32>
    %swap3A_1935 = arith.constant 2032 : index
    %swap3A_1936 = tpu.vector_load %arg10[%swap3A_1935] {strides = array<i32>} : memref<4096xi32, #tpu.memory_space<vmem>>, vector<16xi32>,
    tpu.vector_store %arg10[%swap3A_1935], %add3A_1934 {strides = array<i32>} : memref<4096xi32, #tpu.memory_space<vmem>>, vector<16xi32>,
    %add3A_1937 = arith.constant 16 : i32
    %add3A_1938 = arith.addi %mul3A_2, %add3A_1937 : i32
    %mul3A_1939 = arith.constant 100000 : i32
    %mul3A_1940 = arith.muli %add3A_1938, %mul3A_1939 : i32
    %add3A_1941 = vector.broadcast %mul3A_1940 : i32 to vector<16xi32>
    %add3A_1942 = arith.addi %get3A_1808, %add3A_1941 : vector<16xi32>
    %swap3A_1943 = arith.constant 2160 : index
    %swap3A_1944 = tpu.vector_load %arg10[%swap3A_1943] {strides = array<i32>} : memref<4096xi32, #tpu.memory_space<vmem>>, vector<16xi32>,
    tpu.vector_store %arg10[%swap3A_1943], %add3A_1942 {strides = array<i32>} : memref<4096xi32, #tpu.memory_space<vmem>>, vector<16xi32>,
    %add3A_1945 = arith.constant 17 : i32
    %add3A_1946 = arith.addi %mul3A_2, %add3A_1945 : i32
    %mul3A_1947 = arith.constant 100000 : i32
    %mul3A_1948 = arith.muli %add3A_1946, %mul3A_1947 : i32
    %add3A_1949 = vector.broadcast %mul3A_1948 : i32 to vector<16xi32>
    %add3A_1950 = arith.addi %get3A_1808, %add3A_1949 : vector<16xi32>
    %swap3A_1951 = arith.constant 2288 : index
    %swap3A_1952 = tpu.vector_load %arg10[%swap3A_1951] {strides = array<i32>} : memref<4096xi32, #tpu.memory_space<vmem>>, vector<16xi32>,
    tpu.vector_store %arg10[%swap3A_1951], %add3A_1950 {strides = array<i32>} : memref<4096xi32, #tpu.memory_space<vmem>>, vector<16xi32>,
    %add3A_1953 = arith.constant 18 : i32
    %add3A_1954 = arith.addi %mul3A_2, %add3A_1953 : i32
    %mul3A_1955 = arith.constant 100000 : i32
    %mul3A_1956 = arith.muli %add3A_1954, %mul3A_1955 : i32
    %add3A_1957 = vector.broadcast %mul3A_1956 : i32 to vector<16xi32>
    %add3A_1958 = arith.addi %get3A_1808, %add3A_1957 : vector<16xi32>
    %swap3A_1959 = arith.constant 2416 : index
    %swap3A_1960 = tpu.vector_load %arg10[%swap3A_1959] {strides = array<i32>} : memref<4096xi32, #tpu.memory_space<vmem>>, vector<16xi32>,
    tpu.vector_store %arg10[%swap3A_1959], %add3A_1958 {strides = array<i32>} : memref<4096xi32, #tpu.memory_space<vmem>>, vector<16xi32>,
    %add3A_1961 = arith.constant 19 : i32
    %add3A_1962 = arith.addi %mul3A_2, %add3A_1961 : i32
    %mul3A_1963 = arith.constant 100000 : i32
    %mul3A_1964 = arith.muli %add3A_1962, %mul3A_1963 : i32
    %add3A_1965 = vector.broadcast %mul3A_1964 : i32 to vector<16xi32>
    %add3A_1966 = arith.addi %get3A_1808, %add3A_1965 : vector<16xi32>
    %swap3A_1967 = arith.constant 2544 : index
    %swap3A_1968 = tpu.vector_load %arg10[%swap3A_1967] {strides = array<i32>} : memref<4096xi32, #tpu.memory_space<vmem>>, vector<16xi32>,
    tpu.vector_store %arg10[%swap3A_1967], %add3A_1966 {strides = array<i32>} : memref<4096xi32, #tpu.memory_space<vmem>>, vector<16xi32>,
    %add3A_1969 = arith.constant 20 : i32
    %add3A_1970 = arith.addi %mul3A_2, %add3A_1969 : i32
    %mul3A_1971 = arith.constant 100000 : i32
    %mul3A_1972 = arith.muli %add3A_1970, %mul3A_1971 : i32
    %add3A_1973 = vector.broadcast %mul3A_1972 : i32 to vector<16xi32>
    %add3A_1974 = arith.addi %get3A_1808, %add3A_1973 : vector<16xi32>
    %swap3A_1975 = arith.constant 2672 : index
    %swap3A_1976 = tpu.vector_load %arg10[%swap3A_1975] {strides = array<i32>} : memref<4096xi32, #tpu.memory_space<vmem>>, vector<16xi32>,
    tpu.vector_store %arg10[%swap3A_1975], %add3A_1974 {strides = array<i32>} : memref<4096xi32, #tpu.memory_space<vmem>>, vector<16xi32>,
    %add3A_1977 = arith.constant 21 : i32
    %add3A_1978 = arith.addi %mul3A_2, %add3A_1977 : i32
    %mul3A_1979 = arith.constant 100000 : i32
    %mul3A_1980 = arith.muli %add3A_1978, %mul3A_1979 : i32
    %add3A_1981 = vector.broadcast %mul3A_1980 : i32 to vector<16xi32>
    %add3A_1982 = arith.addi %get3A_1808, %add3A_1981 : vector<16xi32>
    %swap3A_1983 = arith.constant 2800 : index
    %swap3A_1984 = tpu.vector_load %arg10[%swap3A_1983] {strides = array<i32>} : memref<4096xi32, #tpu.memory_space<vmem>>, vector<16xi32>,
    tpu.vector_store %arg10[%swap3A_1983], %add3A_1982 {strides = array<i32>} : memref<4096xi32, #tpu.memory_space<vmem>>, vector<16xi32>,
    %add3A_1985 = arith.constant 22 : i32
    %add3A_1986 = arith.addi %mul3A_2, %add3A_1985 : i32
    %mul3A_1987 = arith.constant 100000 : i32
    %mul3A_1988 = arith.muli %add3A_1986, %mul3A_1987 : i32
    %add3A_1989 = vector.broadcast %mul3A_1988 : i32 to vector<16xi32>
    %add3A_1990 = arith.addi %get3A_1808, %add3A_1989 : vector<16xi32>
    %swap3A_1991 = arith.constant 2928 : index
    %swap3A_1992 = tpu.vector_load %arg10[%swap3A_1991] {strides = array<i32>} : memref<4096xi32, #tpu.memory_space<vmem>>, vector<16xi32>,
    tpu.vector_store %arg10[%swap3A_1991], %add3A_1990 {strides = array<i32>} : memref<4096xi32, #tpu.memory_space<vmem>>, vector<16xi32>,
    %add3A_1993 = arith.constant 23 : i32
    %add3A_1994 = arith.addi %mul3A_2, %add3A_1993 : i32
    %mul3A_1995 = arith.constant 100000 : i32
    %mul3A_1996 = arith.muli %add3A_1994, %mul3A_1995 : i32
    %add3A_1997 = vector.broadcast %mul3A_1996 : i32 to vector<16xi32>
    %add3A_1998 = arith.addi %get3A_1808, %add3A_1997 : vector<16xi32>
    %swap3A_1999 = arith.constant 3056 : index
    %swap3A_2000 = tpu.vector_load %arg10[%swap3A_1999] {strides = array<i32>} : memref<4096xi32, #tpu.memory_space<vmem>>, vector<16xi32>,
    tpu.vector_store %arg10[%swap3A_1999], %add3A_1998 {strides = array<i32>} : memref<4096xi32, #tpu.memory_space<vmem>>, vector<16xi32>,
    %add3A_2001 = arith.constant 24 : i32
    %add3A_2002 = arith.addi %mul3A_2, %add3A_2001 : i32
    %mul3A_2003 = arith.constant 100000 : i32
    %mul3A_2004 = arith.muli %add3A_2002, %mul3A_2003 : i32
    %add3A_2005 = vector.broadcast %mul3A_2004 : i32 to vector<16xi32>
    %add3A_2006 = arith.addi %get3A_1808, %add3A_2005 : vector<16xi32>
    %swap3A_2007 = arith.constant 3184 : index
    %swap3A_2008 = tpu.vector_load %arg10[%swap3A_2007] {strides = array<i32>} : memref<4096xi32, #tpu.memory_space<vmem>>, vector<16xi32>,
    tpu.vector_store %arg10[%swap3A_2007], %add3A_2006 {strides = array<i32>} : memref<4096xi32, #tpu.memory_space<vmem>>, vector<16xi32>,
    %add3A_2009 = arith.constant 25 : i32
    %add3A_2010 = arith.addi %mul3A_2, %add3A_2009 : i32
    %mul3A_2011 = arith.constant 100000 : i32
    %mul3A_2012 = arith.muli %add3A_2010, %mul3A_2011 : i32
    %add3A_2013 = vector.broadcast %mul3A_2012 : i32 to vector<16xi32>
    %add3A_2014 = arith.addi %get3A_1808, %add3A_2013 : vector<16xi32>
    %swap3A_2015 = arith.constant 3312 : index
    %swap3A_2016 = tpu.vector_load %arg10[%swap3A_2015] {strides = array<i32>} : memref<4096xi32, #tpu.memory_space<vmem>>, vector<16xi32>,
    tpu.vector_store %arg10[%swap3A_2015], %add3A_2014 {strides = array<i32>} : memref<4096xi32, #tpu.memory_space<vmem>>, vector<16xi32>,
    %add3A_2017 = arith.constant 26 : i32
    %add3A_2018 = arith.addi %mul3A_2, %add3A_2017 : i32
    %mul3A_2019 = arith.constant 100000 : i32
    %mul3A_2020 = arith.muli %add3A_2018, %mul3A_2019 : i32
    %add3A_2021 = vector.broadcast %mul3A_2020 : i32 to vector<16xi32>
    %add3A_2022 = arith.addi %get3A_1808, %add3A_2021 : vector<16xi32>
    %swap3A_2023 = arith.constant 3440 : index
    %swap3A_2024 = tpu.vector_load %arg10[%swap3A_2023] {strides = array<i32>} : memref<4096xi32, #tpu.memory_space<vmem>>, vector<16xi32>,
    tpu.vector_store %arg10[%swap3A_2023], %add3A_2022 {strides = array<i32>} : memref<4096xi32, #tpu.memory_space<vmem>>, vector<16xi32>,
    %add3A_2025 = arith.constant 27 : i32
    %add3A_2026 = arith.addi %mul3A_2, %add3A_2025 : i32
    %mul3A_2027 = arith.constant 100000 : i32
    %mul3A_2028 = arith.muli %add3A_2026, %mul3A_2027 : i32
    %add3A_2029 = vector.broadcast %mul3A_2028 : i32 to vector<16xi32>
    %add3A_2030 = arith.addi %get3A_1808, %add3A_2029 : vector<16xi32>
    %swap3A_2031 = arith.constant 3568 : index
    %swap3A_2032 = tpu.vector_load %arg10[%swap3A_2031] {strides = array<i32>} : memref<4096xi32, #tpu.memory_space<vmem>>, vector<16xi32>,
    tpu.vector_store %arg10[%swap3A_2031], %add3A_2030 {strides = array<i32>} : memref<4096xi32, #tpu.memory_space<vmem>>, vector<16xi32>,
    %add3A_2033 = arith.constant 28 : i32
    %add3A_2034 = arith.addi %mul3A_2, %add3A_2033 : i32
    %mul3A_2035 = arith.constant 100000 : i32
    %mul3A_2036 = arith.muli %add3A_2034, %mul3A_2035 : i32
    %add3A_2037 = vector.broadcast %mul3A_2036 : i32 to vector<16xi32>
    %add3A_2038 = arith.addi %get3A_1808, %add3A_2037 : vector<16xi32>
    %swap3A_2039 = arith.constant 3696 : index
    %swap3A_2040 = tpu.vector_load %arg10[%swap3A_2039] {strides = array<i32>} : memref<4096xi32, #tpu.memory_space<vmem>>, vector<16xi32>,
    tpu.vector_store %arg10[%swap3A_2039], %add3A_2038 {strides = array<i32>} : memref<4096xi32, #tpu.memory_space<vmem>>, vector<16xi32>,
    %add3A_2041 = arith.constant 29 : i32
    %add3A_2042 = arith.addi %mul3A_2, %add3A_2041 : i32
    %mul3A_2043 = arith.constant 100000 : i32
    %mul3A_2044 = arith.muli %add3A_2042, %mul3A_2043 : i32
    %add3A_2045 = vector.broadcast %mul3A_2044 : i32 to vector<16xi32>
    %add3A_2046 = arith.addi %get3A_1808, %add3A_2045 : vector<16xi32>
    %swap3A_2047 = arith.constant 3824 : index
    %swap3A_2048 = tpu.vector_load %arg10[%swap3A_2047] {strides = array<i32>} : memref<4096xi32, #tpu.memory_space<vmem>>, vector<16xi32>,
    tpu.vector_store %arg10[%swap3A_2047], %add3A_2046 {strides = array<i32>} : memref<4096xi32, #tpu.memory_space<vmem>>, vector<16xi32>,
    %add3A_2049 = arith.constant 30 : i32
    %add3A_2050 = arith.addi %mul3A_2, %add3A_2049 : i32
    %mul3A_2051 = arith.constant 100000 : i32
    %mul3A_2052 = arith.muli %add3A_2050, %mul3A_2051 : i32
    %add3A_2053 = vector.broadcast %mul3A_2052 : i32 to vector<16xi32>
    %add3A_2054 = arith.addi %get3A_1808, %add3A_2053 : vector<16xi32>
    %swap3A_2055 = arith.constant 3952 : index
    %swap3A_2056 = tpu.vector_load %arg10[%swap3A_2055] {strides = array<i32>} : memref<4096xi32, #tpu.memory_space<vmem>>, vector<16xi32>,
    tpu.vector_store %arg10[%swap3A_2055], %add3A_2054 {strides = array<i32>} : memref<4096xi32, #tpu.memory_space<vmem>>, vector<16xi32>,
    %add3A_2057 = arith.constant 31 : i32
    %add3A_2058 = arith.addi %mul3A_2, %add3A_2057 : i32
    %mul3A_2059 = arith.constant 100000 : i32
    %mul3A_2060 = arith.muli %add3A_2058, %mul3A_2059 : i32
    %add3A_2061 = vector.broadcast %mul3A_2060 : i32 to vector<16xi32>
    %add3A_2062 = arith.addi %get3A_1808, %add3A_2061 : vector<16xi32>
    %swap3A_2063 = arith.constant 4080 : index
    %swap3A_2064 = tpu.vector_load %arg10[%swap3A_2063] {strides = array<i32>} : memref<4096xi32, #tpu.memory_space<vmem>>, vector<16xi32>,
    tpu.vector_store %arg10[%swap3A_2063], %add3A_2062 {strides = array<i32>} : memref<4096xi32, #tpu.memory_space<vmem>>, vector<16xi32>,
    %dma_start3A = arith.constant 0 : i32
    %dma_start3A_2065 = tpu.memref_slice %arg2[%dma_start3A] : memref<102400000xf32, #tpu.memory_space<hbm>> -> memref<102400000xf32, #tpu.memory_space<hbm>>
    tpu.enqueue_indirect_dma source(%dma_start3A_2065 : memref<102400000xf32, #tpu.memory_space<hbm>>) target(%arg11 : memref<4096xf32, #tpu.memory_space<vmem>>) offsets(%arg10 : memref<4096xi32, #tpu.memory_space<vmem>>) semaphore(%arg13 : memref<!tpu.dma_semaphore, #tpu.memory_space<semaphore_mem>>)
    %dma_wait3A = arith.constant 0 : i32
    %dma_wait3A_2066 = tpu.memref_slice %arg2[%dma_wait3A] : memref<102400000xf32, #tpu.memory_space<hbm>> -> memref<102400000xf32, #tpu.memory_space<hbm>>
    tpu.wait_indirect_dma semaphore(%arg13 : memref<!tpu.dma_semaphore, #tpu.memory_space<semaphore_mem>>) src(%dma_wait3A_2066 : memref<102400000xf32, #tpu.memory_space<hbm>>) dst(%arg11 : memref<4096xf32, #tpu.memory_space<vmem>>)
    %get3A_2067 = arith.constant 0 : index
    %get3A_2068 = tpu.vector_load %arg9[%get3A_2067] {strides = array<i32>} : memref<16xf32, #tpu.memory_space<vmem>>, vector<16xf32>,
    %slice3A = vector.extract_strided_slice %get3A_2068 {offsets = [0], sizes = [1], strides = [1]} : vector<16xf32> to vector<1xf32>
    %squeeze3A = vector.extract %slice3A[0] : f32 from vector<1xf32>
    %slice3A_2069 = vector.extract_strided_slice %get3A_2068 {offsets = [1], sizes = [1], strides = [1]} : vector<16xf32> to vector<1xf32>
    %squeeze3A_2070 = vector.extract %slice3A_2069[0] : f32 from vector<1xf32>
    %get3A_2071 = arith.constant 0 : index
    %get3A_2072 = tpu.vector_load %arg8[%get3A_2071] {strides = array<i32>} : memref<128xf32, #tpu.memory_space<vmem>>, vector<16xf32>,
    %get3A_2073 = arith.constant 16 : index
    %get3A_2074 = tpu.vector_load %arg8[%get3A_2073] {strides = array<i32>} : memref<128xf32, #tpu.memory_space<vmem>>, vector<16xf32>,
    %get3A_2075 = arith.constant 32 : index
    %get3A_2076 = tpu.vector_load %arg8[%get3A_2075] {strides = array<i32>} : memref<128xf32, #tpu.memory_space<vmem>>, vector<16xf32>,
    %get3A_2077 = arith.constant 48 : index
    %get3A_2078 = tpu.vector_load %arg8[%get3A_2077] {strides = array<i32>} : memref<128xf32, #tpu.memory_space<vmem>>, vector<16xf32>,
    %get3A_2079 = arith.constant 64 : index
    %get3A_2080 = tpu.vector_load %arg8[%get3A_2079] {strides = array<i32>} : memref<128xf32, #tpu.memory_space<vmem>>, vector<16xf32>,
    %get3A_2081 = arith.constant 80 : index
    %get3A_2082 = tpu.vector_load %arg8[%get3A_2081] {strides = array<i32>} : memref<128xf32, #tpu.memory_space<vmem>>, vector<16xf32>,
    %get3A_2083 = arith.constant 96 : index
    %get3A_2084 = tpu.vector_load %arg8[%get3A_2083] {strides = array<i32>} : memref<128xf32, #tpu.memory_space<vmem>>, vector<16xf32>,
    %get3A_2085 = arith.constant 112 : index
    %get3A_2086 = tpu.vector_load %arg8[%get3A_2085] {strides = array<i32>} : memref<128xf32, #tpu.memory_space<vmem>>, vector<16xf32>,
    %get3A_2087 = arith.constant 0 : index
    %get3A_2088 = tpu.vector_load %arg11[%get3A_2087] {strides = array<i32>} : memref<4096xf32, #tpu.memory_space<vmem>>, vector<16xf32>,
    %mul3A_2089 = arith.mulf %get3A_2088, %get3A_2072 : vector<16xf32>
    %get3A_2090 = arith.constant 16 : index
    %get3A_2091 = tpu.vector_load %arg11[%get3A_2090] {strides = array<i32>} : memref<4096xf32, #tpu.memory_space<vmem>>, vector<16xf32>,
    %mul3A_2092 = arith.mulf %get3A_2091, %get3A_2074 : vector<16xf32>
    %add3A_2093 = arith.addf %mul3A_2089, %mul3A_2092 : vector<16xf32>
    %get3A_2094 = arith.constant 32 : index
    %get3A_2095 = tpu.vector_load %arg11[%get3A_2094] {strides = array<i32>} : memref<4096xf32, #tpu.memory_space<vmem>>, vector<16xf32>,
    %mul3A_2096 = arith.mulf %get3A_2095, %get3A_2076 : vector<16xf32>
    %add3A_2097 = arith.addf %add3A_2093, %mul3A_2096 : vector<16xf32>
    %get3A_2098 = arith.constant 48 : index
    %get3A_2099 = tpu.vector_load %arg11[%get3A_2098] {strides = array<i32>} : memref<4096xf32, #tpu.memory_space<vmem>>, vector<16xf32>,
    %mul3A_2100 = arith.mulf %get3A_2099, %get3A_2078 : vector<16xf32>
    %add3A_2101 = arith.addf %add3A_2097, %mul3A_2100 : vector<16xf32>
    %get3A_2102 = arith.constant 64 : index
    %get3A_2103 = tpu.vector_load %arg11[%get3A_2102] {strides = array<i32>} : memref<4096xf32, #tpu.memory_space<vmem>>, vector<16xf32>,
    %mul3A_2104 = arith.mulf %get3A_2103, %get3A_2080 : vector<16xf32>
    %add3A_2105 = arith.addf %add3A_2101, %mul3A_2104 : vector<16xf32>
    %get3A_2106 = arith.constant 80 : index
    %get3A_2107 = tpu.vector_load %arg11[%get3A_2106] {strides = array<i32>} : memref<4096xf32, #tpu.memory_space<vmem>>, vector<16xf32>,
    %mul3A_2108 = arith.mulf %get3A_2107, %get3A_2082 : vector<16xf32>
    %add3A_2109 = arith.addf %add3A_2105, %mul3A_2108 : vector<16xf32>
    %get3A_2110 = arith.constant 96 : index
    %get3A_2111 = tpu.vector_load %arg11[%get3A_2110] {strides = array<i32>} : memref<4096xf32, #tpu.memory_space<vmem>>, vector<16xf32>,
    %mul3A_2112 = arith.mulf %get3A_2111, %get3A_2084 : vector<16xf32>
    %add3A_2113 = arith.addf %add3A_2109, %mul3A_2112 : vector<16xf32>
    %get3A_2114 = arith.constant 112 : index
    %get3A_2115 = tpu.vector_load %arg11[%get3A_2114] {strides = array<i32>} : memref<4096xf32, #tpu.memory_space<vmem>>, vector<16xf32>,
    %mul3A_2116 = arith.mulf %get3A_2115, %get3A_2086 : vector<16xf32>
    %add3A_2117 = arith.addf %add3A_2113, %mul3A_2116 : vector<16xf32>
    %reduce_sum3A = arith.constant true
    %reduce_sum3A_2118 = vector.broadcast %reduce_sum3A : i1 to vector<16xi1>
    %reduce_sum3A_2119 = tpu.scan <sum>, %add3A_2117 masked %reduce_sum3A_2118 : vector<16xf32>, vector<16xi1> -> vector<16xf32>
    %reduce_sum3A_2120 = vector.extract %reduce_sum3A_2119[15] : f32 from vector<16xf32>
    %get3A_2121 = arith.constant 128 : index
    %get3A_2122 = tpu.vector_load %arg11[%get3A_2121] {strides = array<i32>} : memref<4096xf32, #tpu.memory_space<vmem>>, vector<16xf32>,
    %mul3A_2123 = arith.mulf %get3A_2122, %get3A_2072 : vector<16xf32>
    %get3A_2124 = arith.constant 144 : index
    %get3A_2125 = tpu.vector_load %arg11[%get3A_2124] {strides = array<i32>} : memref<4096xf32, #tpu.memory_space<vmem>>, vector<16xf32>,
    %mul3A_2126 = arith.mulf %get3A_2125, %get3A_2074 : vector<16xf32>
    %add3A_2127 = arith.addf %mul3A_2123, %mul3A_2126 : vector<16xf32>
    %get3A_2128 = arith.constant 160 : index
    %get3A_2129 = tpu.vector_load %arg11[%get3A_2128] {strides = array<i32>} : memref<4096xf32, #tpu.memory_space<vmem>>, vector<16xf32>,
    %mul3A_2130 = arith.mulf %get3A_2129, %get3A_2076 : vector<16xf32>
    %add3A_2131 = arith.addf %add3A_2127, %mul3A_2130 : vector<16xf32>
    %get3A_2132 = arith.constant 176 : index
    %get3A_2133 = tpu.vector_load %arg11[%get3A_2132] {strides = array<i32>} : memref<4096xf32, #tpu.memory_space<vmem>>, vector<16xf32>,
    %mul3A_2134 = arith.mulf %get3A_2133, %get3A_2078 : vector<16xf32>
    %add3A_2135 = arith.addf %add3A_2131, %mul3A_2134 : vector<16xf32>
    %get3A_2136 = arith.constant 192 : index
    %get3A_2137 = tpu.vector_load %arg11[%get3A_2136] {strides = array<i32>} : memref<4096xf32, #tpu.memory_space<vmem>>, vector<16xf32>,
    %mul3A_2138 = arith.mulf %get3A_2137, %get3A_2080 : vector<16xf32>
    %add3A_2139 = arith.addf %add3A_2135, %mul3A_2138 : vector<16xf32>
    %get3A_2140 = arith.constant 208 : index
    %get3A_2141 = tpu.vector_load %arg11[%get3A_2140] {strides = array<i32>} : memref<4096xf32, #tpu.memory_space<vmem>>, vector<16xf32>,
    %mul3A_2142 = arith.mulf %get3A_2141, %get3A_2082 : vector<16xf32>
    %add3A_2143 = arith.addf %add3A_2139, %mul3A_2142 : vector<16xf32>
    %get3A_2144 = arith.constant 224 : index
    %get3A_2145 = tpu.vector_load %arg11[%get3A_2144] {strides = array<i32>} : memref<4096xf32, #tpu.memory_space<vmem>>, vector<16xf32>,
    %mul3A_2146 = arith.mulf %get3A_2145, %get3A_2084 : vector<16xf32>
    %add3A_2147 = arith.addf %add3A_2143, %mul3A_2146 : vector<16xf32>
    %get3A_2148 = arith.constant 240 : index
    %get3A_2149 = tpu.vector_load %arg11[%get3A_2148] {strides = array<i32>} : memref<4096xf32, #tpu.memory_space<vmem>>, vector<16xf32>,
    %mul3A_2150 = arith.mulf %get3A_2149, %get3A_2086 : vector<16xf32>
    %add3A_2151 = arith.addf %add3A_2147, %mul3A_2150 : vector<16xf32>
    %reduce_sum3A_2152 = arith.constant true
    %reduce_sum3A_2153 = vector.broadcast %reduce_sum3A_2152 : i1 to vector<16xi1>
    %reduce_sum3A_2154 = tpu.scan <sum>, %add3A_2151 masked %reduce_sum3A_2153 : vector<16xf32>, vector<16xi1> -> vector<16xf32>
    %reduce_sum3A_2155 = vector.extract %reduce_sum3A_2154[15] : f32 from vector<16xf32>
    %get3A_2156 = arith.constant 256 : index
    %get3A_2157 = tpu.vector_load %arg11[%get3A_2156] {strides = array<i32>} : memref<4096xf32, #tpu.memory_space<vmem>>, vector<16xf32>,
    %mul3A_2158 = arith.mulf %get3A_2157, %get3A_2072 : vector<16xf32>
    %get3A_2159 = arith.constant 272 : index
    %get3A_2160 = tpu.vector_load %arg11[%get3A_2159] {strides = array<i32>} : memref<4096xf32, #tpu.memory_space<vmem>>, vector<16xf32>,
    %mul3A_2161 = arith.mulf %get3A_2160, %get3A_2074 : vector<16xf32>
    %add3A_2162 = arith.addf %mul3A_2158, %mul3A_2161 : vector<16xf32>
    %get3A_2163 = arith.constant 288 : index
    %get3A_2164 = tpu.vector_load %arg11[%get3A_2163] {strides = array<i32>} : memref<4096xf32, #tpu.memory_space<vmem>>, vector<16xf32>,
    %mul3A_2165 = arith.mulf %get3A_2164, %get3A_2076 : vector<16xf32>
    %add3A_2166 = arith.addf %add3A_2162, %mul3A_2165 : vector<16xf32>
    %get3A_2167 = arith.constant 304 : index
    %get3A_2168 = tpu.vector_load %arg11[%get3A_2167] {strides = array<i32>} : memref<4096xf32, #tpu.memory_space<vmem>>, vector<16xf32>,
    %mul3A_2169 = arith.mulf %get3A_2168, %get3A_2078 : vector<16xf32>
    %add3A_2170 = arith.addf %add3A_2166, %mul3A_2169 : vector<16xf32>
    %get3A_2171 = arith.constant 320 : index
    %get3A_2172 = tpu.vector_load %arg11[%get3A_2171] {strides = array<i32>} : memref<4096xf32, #tpu.memory_space<vmem>>, vector<16xf32>,
    %mul3A_2173 = arith.mulf %get3A_2172, %get3A_2080 : vector<16xf32>
    %add3A_2174 = arith.addf %add3A_2170, %mul3A_2173 : vector<16xf32>
    %get3A_2175 = arith.constant 336 : index
    %get3A_2176 = tpu.vector_load %arg11[%get3A_2175] {strides = array<i32>} : memref<4096xf32, #tpu.memory_space<vmem>>, vector<16xf32>,
    %mul3A_2177 = arith.mulf %get3A_2176, %get3A_2082 : vector<16xf32>
    %add3A_2178 = arith.addf %add3A_2174, %mul3A_2177 : vector<16xf32>
    %get3A_2179 = arith.constant 352 : index
    %get3A_2180 = tpu.vector_load %arg11[%get3A_2179] {strides = array<i32>} : memref<4096xf32, #tpu.memory_space<vmem>>, vector<16xf32>,
    %mul3A_2181 = arith.mulf %get3A_2180, %get3A_2084 : vector<16xf32>
    %add3A_2182 = arith.addf %add3A_2178, %mul3A_2181 : vector<16xf32>
    %get3A_2183 = arith.constant 368 : index
    %get3A_2184 = tpu.vector_load %arg11[%get3A_2183] {strides = array<i32>} : memref<4096xf32, #tpu.memory_space<vmem>>, vector<16xf32>,
    %mul3A_2185 = arith.mulf %get3A_2184, %get3A_2086 : vector<16xf32>
    %add3A_2186 = arith.addf %add3A_2182, %mul3A_2185 : vector<16xf32>
    %reduce_sum3A_2187 = arith.constant true
    %reduce_sum3A_2188 = vector.broadcast %reduce_sum3A_2187 : i1 to vector<16xi1>
    %reduce_sum3A_2189 = tpu.scan <sum>, %add3A_2186 masked %reduce_sum3A_2188 : vector<16xf32>, vector<16xi1> -> vector<16xf32>
    %reduce_sum3A_2190 = vector.extract %reduce_sum3A_2189[15] : f32 from vector<16xf32>
    %get3A_2191 = arith.constant 384 : index
    %get3A_2192 = tpu.vector_load %arg11[%get3A_2191] {strides = array<i32>} : memref<4096xf32, #tpu.memory_space<vmem>>, vector<16xf32>,
    %mul3A_2193 = arith.mulf %get3A_2192, %get3A_2072 : vector<16xf32>
    %get3A_2194 = arith.constant 400 : index
    %get3A_2195 = tpu.vector_load %arg11[%get3A_2194] {strides = array<i32>} : memref<4096xf32, #tpu.memory_space<vmem>>, vector<16xf32>,
    %mul3A_2196 = arith.mulf %get3A_2195, %get3A_2074 : vector<16xf32>
    %add3A_2197 = arith.addf %mul3A_2193, %mul3A_2196 : vector<16xf32>
    %get3A_2198 = arith.constant 416 : index
    %get3A_2199 = tpu.vector_load %arg11[%get3A_2198] {strides = array<i32>} : memref<4096xf32, #tpu.memory_space<vmem>>, vector<16xf32>,
    %mul3A_2200 = arith.mulf %get3A_2199, %get3A_2076 : vector<16xf32>
    %add3A_2201 = arith.addf %add3A_2197, %mul3A_2200 : vector<16xf32>
    %get3A_2202 = arith.constant 432 : index
    %get3A_2203 = tpu.vector_load %arg11[%get3A_2202] {strides = array<i32>} : memref<4096xf32, #tpu.memory_space<vmem>>, vector<16xf32>,
    %mul3A_2204 = arith.mulf %get3A_2203, %get3A_2078 : vector<16xf32>
    %add3A_2205 = arith.addf %add3A_2201, %mul3A_2204 : vector<16xf32>
    %get3A_2206 = arith.constant 448 : index
    %get3A_2207 = tpu.vector_load %arg11[%get3A_2206] {strides = array<i32>} : memref<4096xf32, #tpu.memory_space<vmem>>, vector<16xf32>,
    %mul3A_2208 = arith.mulf %get3A_2207, %get3A_2080 : vector<16xf32>
    %add3A_2209 = arith.addf %add3A_2205, %mul3A_2208 : vector<16xf32>
    %get3A_2210 = arith.constant 464 : index
    %get3A_2211 = tpu.vector_load %arg11[%get3A_2210] {strides = array<i32>} : memref<4096xf32, #tpu.memory_space<vmem>>, vector<16xf32>,
    %mul3A_2212 = arith.mulf %get3A_2211, %get3A_2082 : vector<16xf32>
    %add3A_2213 = arith.addf %add3A_2209, %mul3A_2212 : vector<16xf32>
    %get3A_2214 = arith.constant 480 : index
    %get3A_2215 = tpu.vector_load %arg11[%get3A_2214] {strides = array<i32>} : memref<4096xf32, #tpu.memory_space<vmem>>, vector<16xf32>,
    %mul3A_2216 = arith.mulf %get3A_2215, %get3A_2084 : vector<16xf32>
    %add3A_2217 = arith.addf %add3A_2213, %mul3A_2216 : vector<16xf32>
    %get3A_2218 = arith.constant 496 : index
    %get3A_2219 = tpu.vector_load %arg11[%get3A_2218] {strides = array<i32>} : memref<4096xf32, #tpu.memory_space<vmem>>, vector<16xf32>,
    %mul3A_2220 = arith.mulf %get3A_2219, %get3A_2086 : vector<16xf32>
    %add3A_2221 = arith.addf %add3A_2217, %mul3A_2220 : vector<16xf32>
    %reduce_sum3A_2222 = arith.constant true
    %reduce_sum3A_2223 = vector.broadcast %reduce_sum3A_2222 : i1 to vector<16xi1>
    %reduce_sum3A_2224 = tpu.scan <sum>, %add3A_2221 masked %reduce_sum3A_2223 : vector<16xf32>, vector<16xi1> -> vector<16xf32>
    %reduce_sum3A_2225 = vector.extract %reduce_sum3A_2224[15] : f32 from vector<16xf32>
    %get3A_2226 = arith.constant 512 : index
    %get3A_2227 = tpu.vector_load %arg11[%get3A_2226] {strides = array<i32>} : memref<4096xf32, #tpu.memory_space<vmem>>, vector<16xf32>,
    %mul3A_2228 = arith.mulf %get3A_2227, %get3A_2072 : vector<16xf32>
    %get3A_2229 = arith.constant 528 : index
    %get3A_2230 = tpu.vector_load %arg11[%get3A_2229] {strides = array<i32>} : memref<4096xf32, #tpu.memory_space<vmem>>, vector<16xf32>,
    %mul3A_2231 = arith.mulf %get3A_2230, %get3A_2074 : vector<16xf32>
    %add3A_2232 = arith.addf %mul3A_2228, %mul3A_2231 : vector<16xf32>
    %get3A_2233 = arith.constant 544 : index
    %get3A_2234 = tpu.vector_load %arg11[%get3A_2233] {strides = array<i32>} : memref<4096xf32, #tpu.memory_space<vmem>>, vector<16xf32>,
    %mul3A_2235 = arith.mulf %get3A_2234, %get3A_2076 : vector<16xf32>
    %add3A_2236 = arith.addf %add3A_2232, %mul3A_2235 : vector<16xf32>
    %get3A_2237 = arith.constant 560 : index
    %get3A_2238 = tpu.vector_load %arg11[%get3A_2237] {strides = array<i32>} : memref<4096xf32, #tpu.memory_space<vmem>>, vector<16xf32>,
    %mul3A_2239 = arith.mulf %get3A_2238, %get3A_2078 : vector<16xf32>
    %add3A_2240 = arith.addf %add3A_2236, %mul3A_2239 : vector<16xf32>
    %get3A_2241 = arith.constant 576 : index
    %get3A_2242 = tpu.vector_load %arg11[%get3A_2241] {strides = array<i32>} : memref<4096xf32, #tpu.memory_space<vmem>>, vector<16xf32>,
    %mul3A_2243 = arith.mulf %get3A_2242, %get3A_2080 : vector<16xf32>
    %add3A_2244 = arith.addf %add3A_2240, %mul3A_2243 : vector<16xf32>
    %get3A_2245 = arith.constant 592 : index
    %get3A_2246 = tpu.vector_load %arg11[%get3A_2245] {strides = array<i32>} : memref<4096xf32, #tpu.memory_space<vmem>>, vector<16xf32>,
    %mul3A_2247 = arith.mulf %get3A_2246, %get3A_2082 : vector<16xf32>
    %add3A_2248 = arith.addf %add3A_2244, %mul3A_2247 : vector<16xf32>
    %get3A_2249 = arith.constant 608 : index
    %get3A_2250 = tpu.vector_load %arg11[%get3A_2249] {strides = array<i32>} : memref<4096xf32, #tpu.memory_space<vmem>>, vector<16xf32>,
    %mul3A_2251 = arith.mulf %get3A_2250, %get3A_2084 : vector<16xf32>
    %add3A_2252 = arith.addf %add3A_2248, %mul3A_2251 : vector<16xf32>
    %get3A_2253 = arith.constant 624 : index
    %get3A_2254 = tpu.vector_load %arg11[%get3A_2253] {strides = array<i32>} : memref<4096xf32, #tpu.memory_space<vmem>>, vector<16xf32>,
    %mul3A_2255 = arith.mulf %get3A_2254, %get3A_2086 : vector<16xf32>
    %add3A_2256 = arith.addf %add3A_2252, %mul3A_2255 : vector<16xf32>
    %reduce_sum3A_2257 = arith.constant true
    %reduce_sum3A_2258 = vector.broadcast %reduce_sum3A_2257 : i1 to vector<16xi1>
    %reduce_sum3A_2259 = tpu.scan <sum>, %add3A_2256 masked %reduce_sum3A_2258 : vector<16xf32>, vector<16xi1> -> vector<16xf32>
    %reduce_sum3A_2260 = vector.extract %reduce_sum3A_2259[15] : f32 from vector<16xf32>
    %get3A_2261 = arith.constant 640 : index
    %get3A_2262 = tpu.vector_load %arg11[%get3A_2261] {strides = array<i32>} : memref<4096xf32, #tpu.memory_space<vmem>>, vector<16xf32>,
    %mul3A_2263 = arith.mulf %get3A_2262, %get3A_2072 : vector<16xf32>
    %get3A_2264 = arith.constant 656 : index
    %get3A_2265 = tpu.vector_load %arg11[%get3A_2264] {strides = array<i32>} : memref<4096xf32, #tpu.memory_space<vmem>>, vector<16xf32>,
    %mul3A_2266 = arith.mulf %get3A_2265, %get3A_2074 : vector<16xf32>
    %add3A_2267 = arith.addf %mul3A_2263, %mul3A_2266 : vector<16xf32>
    %get3A_2268 = arith.constant 672 : index
    %get3A_2269 = tpu.vector_load %arg11[%get3A_2268] {strides = array<i32>} : memref<4096xf32, #tpu.memory_space<vmem>>, vector<16xf32>,
    %mul3A_2270 = arith.mulf %get3A_2269, %get3A_2076 : vector<16xf32>
    %add3A_2271 = arith.addf %add3A_2267, %mul3A_2270 : vector<16xf32>
    %get3A_2272 = arith.constant 688 : index
    %get3A_2273 = tpu.vector_load %arg11[%get3A_2272] {strides = array<i32>} : memref<4096xf32, #tpu.memory_space<vmem>>, vector<16xf32>,
    %mul3A_2274 = arith.mulf %get3A_2273, %get3A_2078 : vector<16xf32>
    %add3A_2275 = arith.addf %add3A_2271, %mul3A_2274 : vector<16xf32>
    %get3A_2276 = arith.constant 704 : index
    %get3A_2277 = tpu.vector_load %arg11[%get3A_2276] {strides = array<i32>} : memref<4096xf32, #tpu.memory_space<vmem>>, vector<16xf32>,
    %mul3A_2278 = arith.mulf %get3A_2277, %get3A_2080 : vector<16xf32>
    %add3A_2279 = arith.addf %add3A_2275, %mul3A_2278 : vector<16xf32>
    %get3A_2280 = arith.constant 720 : index
    %get3A_2281 = tpu.vector_load %arg11[%get3A_2280] {strides = array<i32>} : memref<4096xf32, #tpu.memory_space<vmem>>, vector<16xf32>,
    %mul3A_2282 = arith.mulf %get3A_2281, %get3A_2082 : vector<16xf32>
    %add3A_2283 = arith.addf %add3A_2279, %mul3A_2282 : vector<16xf32>
    %get3A_2284 = arith.constant 736 : index
    %get3A_2285 = tpu.vector_load %arg11[%get3A_2284] {strides = array<i32>} : memref<4096xf32, #tpu.memory_space<vmem>>, vector<16xf32>,
    %mul3A_2286 = arith.mulf %get3A_2285, %get3A_2084 : vector<16xf32>
    %add3A_2287 = arith.addf %add3A_2283, %mul3A_2286 : vector<16xf32>
    %get3A_2288 = arith.constant 752 : index
    %get3A_2289 = tpu.vector_load %arg11[%get3A_2288] {strides = array<i32>} : memref<4096xf32, #tpu.memory_space<vmem>>, vector<16xf32>,
    %mul3A_2290 = arith.mulf %get3A_2289, %get3A_2086 : vector<16xf32>
    %add3A_2291 = arith.addf %add3A_2287, %mul3A_2290 : vector<16xf32>
    %reduce_sum3A_2292 = arith.constant true
    %reduce_sum3A_2293 = vector.broadcast %reduce_sum3A_2292 : i1 to vector<16xi1>
    %reduce_sum3A_2294 = tpu.scan <sum>, %add3A_2291 masked %reduce_sum3A_2293 : vector<16xf32>, vector<16xi1> -> vector<16xf32>
    %reduce_sum3A_2295 = vector.extract %reduce_sum3A_2294[15] : f32 from vector<16xf32>
    %get3A_2296 = arith.constant 768 : index
    %get3A_2297 = tpu.vector_load %arg11[%get3A_2296] {strides = array<i32>} : memref<4096xf32, #tpu.memory_space<vmem>>, vector<16xf32>,
    %mul3A_2298 = arith.mulf %get3A_2297, %get3A_2072 : vector<16xf32>
    %get3A_2299 = arith.constant 784 : index
    %get3A_2300 = tpu.vector_load %arg11[%get3A_2299] {strides = array<i32>} : memref<4096xf32, #tpu.memory_space<vmem>>, vector<16xf32>,
    %mul3A_2301 = arith.mulf %get3A_2300, %get3A_2074 : vector<16xf32>
    %add3A_2302 = arith.addf %mul3A_2298, %mul3A_2301 : vector<16xf32>
    %get3A_2303 = arith.constant 800 : index
    %get3A_2304 = tpu.vector_load %arg11[%get3A_2303] {strides = array<i32>} : memref<4096xf32, #tpu.memory_space<vmem>>, vector<16xf32>,
    %mul3A_2305 = arith.mulf %get3A_2304, %get3A_2076 : vector<16xf32>
    %add3A_2306 = arith.addf %add3A_2302, %mul3A_2305 : vector<16xf32>
    %get3A_2307 = arith.constant 816 : index
    %get3A_2308 = tpu.vector_load %arg11[%get3A_2307] {strides = array<i32>} : memref<4096xf32, #tpu.memory_space<vmem>>, vector<16xf32>,
    %mul3A_2309 = arith.mulf %get3A_2308, %get3A_2078 : vector<16xf32>
    %add3A_2310 = arith.addf %add3A_2306, %mul3A_2309 : vector<16xf32>
    %get3A_2311 = arith.constant 832 : index
    %get3A_2312 = tpu.vector_load %arg11[%get3A_2311] {strides = array<i32>} : memref<4096xf32, #tpu.memory_space<vmem>>, vector<16xf32>,
    %mul3A_2313 = arith.mulf %get3A_2312, %get3A_2080 : vector<16xf32>
    %add3A_2314 = arith.addf %add3A_2310, %mul3A_2313 : vector<16xf32>
    %get3A_2315 = arith.constant 848 : index
    %get3A_2316 = tpu.vector_load %arg11[%get3A_2315] {strides = array<i32>} : memref<4096xf32, #tpu.memory_space<vmem>>, vector<16xf32>,
    %mul3A_2317 = arith.mulf %get3A_2316, %get3A_2082 : vector<16xf32>
    %add3A_2318 = arith.addf %add3A_2314, %mul3A_2317 : vector<16xf32>
    %get3A_2319 = arith.constant 864 : index
    %get3A_2320 = tpu.vector_load %arg11[%get3A_2319] {strides = array<i32>} : memref<4096xf32, #tpu.memory_space<vmem>>, vector<16xf32>,
    %mul3A_2321 = arith.mulf %get3A_2320, %get3A_2084 : vector<16xf32>
    %add3A_2322 = arith.addf %add3A_2318, %mul3A_2321 : vector<16xf32>
    %get3A_2323 = arith.constant 880 : index
    %get3A_2324 = tpu.vector_load %arg11[%get3A_2323] {strides = array<i32>} : memref<4096xf32, #tpu.memory_space<vmem>>, vector<16xf32>,
    %mul3A_2325 = arith.mulf %get3A_2324, %get3A_2086 : vector<16xf32>
    %add3A_2326 = arith.addf %add3A_2322, %mul3A_2325 : vector<16xf32>
    %reduce_sum3A_2327 = arith.constant true
    %reduce_sum3A_2328 = vector.broadcast %reduce_sum3A_2327 : i1 to vector<16xi1>
    %reduce_sum3A_2329 = tpu.scan <sum>, %add3A_2326 masked %reduce_sum3A_2328 : vector<16xf32>, vector<16xi1> -> vector<16xf32>
    %reduce_sum3A_2330 = vector.extract %reduce_sum3A_2329[15] : f32 from vector<16xf32>
    %get3A_2331 = arith.constant 896 : index
    %get3A_2332 = tpu.vector_load %arg11[%get3A_2331] {strides = array<i32>} : memref<4096xf32, #tpu.memory_space<vmem>>, vector<16xf32>,
    %mul3A_2333 = arith.mulf %get3A_2332, %get3A_2072 : vector<16xf32>
    %get3A_2334 = arith.constant 912 : index
    %get3A_2335 = tpu.vector_load %arg11[%get3A_2334] {strides = array<i32>} : memref<4096xf32, #tpu.memory_space<vmem>>, vector<16xf32>,
    %mul3A_2336 = arith.mulf %get3A_2335, %get3A_2074 : vector<16xf32>
    %add3A_2337 = arith.addf %mul3A_2333, %mul3A_2336 : vector<16xf32>
    %get3A_2338 = arith.constant 928 : index
    %get3A_2339 = tpu.vector_load %arg11[%get3A_2338] {strides = array<i32>} : memref<4096xf32, #tpu.memory_space<vmem>>, vector<16xf32>,
    %mul3A_2340 = arith.mulf %get3A_2339, %get3A_2076 : vector<16xf32>
    %add3A_2341 = arith.addf %add3A_2337, %mul3A_2340 : vector<16xf32>
    %get3A_2342 = arith.constant 944 : index
    %get3A_2343 = tpu.vector_load %arg11[%get3A_2342] {strides = array<i32>} : memref<4096xf32, #tpu.memory_space<vmem>>, vector<16xf32>,
    %mul3A_2344 = arith.mulf %get3A_2343, %get3A_2078 : vector<16xf32>
    %add3A_2345 = arith.addf %add3A_2341, %mul3A_2344 : vector<16xf32>
    %get3A_2346 = arith.constant 960 : index
    %get3A_2347 = tpu.vector_load %arg11[%get3A_2346] {strides = array<i32>} : memref<4096xf32, #tpu.memory_space<vmem>>, vector<16xf32>,
    %mul3A_2348 = arith.mulf %get3A_2347, %get3A_2080 : vector<16xf32>
    %add3A_2349 = arith.addf %add3A_2345, %mul3A_2348 : vector<16xf32>
    %get3A_2350 = arith.constant 976 : index
    %get3A_2351 = tpu.vector_load %arg11[%get3A_2350] {strides = array<i32>} : memref<4096xf32, #tpu.memory_space<vmem>>, vector<16xf32>,
    %mul3A_2352 = arith.mulf %get3A_2351, %get3A_2082 : vector<16xf32>
    %add3A_2353 = arith.addf %add3A_2349, %mul3A_2352 : vector<16xf32>
    %get3A_2354 = arith.constant 992 : index
    %get3A_2355 = tpu.vector_load %arg11[%get3A_2354] {strides = array<i32>} : memref<4096xf32, #tpu.memory_space<vmem>>, vector<16xf32>,
    %mul3A_2356 = arith.mulf %get3A_2355, %get3A_2084 : vector<16xf32>
    %add3A_2357 = arith.addf %add3A_2353, %mul3A_2356 : vector<16xf32>
    %get3A_2358 = arith.constant 1008 : index
    %get3A_2359 = tpu.vector_load %arg11[%get3A_2358] {strides = array<i32>} : memref<4096xf32, #tpu.memory_space<vmem>>, vector<16xf32>,
    %mul3A_2360 = arith.mulf %get3A_2359, %get3A_2086 : vector<16xf32>
    %add3A_2361 = arith.addf %add3A_2357, %mul3A_2360 : vector<16xf32>
    %reduce_sum3A_2362 = arith.constant true
    %reduce_sum3A_2363 = vector.broadcast %reduce_sum3A_2362 : i1 to vector<16xi1>
    %reduce_sum3A_2364 = tpu.scan <sum>, %add3A_2361 masked %reduce_sum3A_2363 : vector<16xf32>, vector<16xi1> -> vector<16xf32>
    %reduce_sum3A_2365 = vector.extract %reduce_sum3A_2364[15] : f32 from vector<16xf32>
    %get3A_2366 = arith.constant 1024 : index
    %get3A_2367 = tpu.vector_load %arg11[%get3A_2366] {strides = array<i32>} : memref<4096xf32, #tpu.memory_space<vmem>>, vector<16xf32>,
    %mul3A_2368 = arith.mulf %get3A_2367, %get3A_2072 : vector<16xf32>
    %get3A_2369 = arith.constant 1040 : index
    %get3A_2370 = tpu.vector_load %arg11[%get3A_2369] {strides = array<i32>} : memref<4096xf32, #tpu.memory_space<vmem>>, vector<16xf32>,
    %mul3A_2371 = arith.mulf %get3A_2370, %get3A_2074 : vector<16xf32>
    %add3A_2372 = arith.addf %mul3A_2368, %mul3A_2371 : vector<16xf32>
    %get3A_2373 = arith.constant 1056 : index
    %get3A_2374 = tpu.vector_load %arg11[%get3A_2373] {strides = array<i32>} : memref<4096xf32, #tpu.memory_space<vmem>>, vector<16xf32>,
    %mul3A_2375 = arith.mulf %get3A_2374, %get3A_2076 : vector<16xf32>
    %add3A_2376 = arith.addf %add3A_2372, %mul3A_2375 : vector<16xf32>
    %get3A_2377 = arith.constant 1072 : index
    %get3A_2378 = tpu.vector_load %arg11[%get3A_2377] {strides = array<i32>} : memref<4096xf32, #tpu.memory_space<vmem>>, vector<16xf32>,
    %mul3A_2379 = arith.mulf %get3A_2378, %get3A_2078 : vector<16xf32>
    %add3A_2380 = arith.addf %add3A_2376, %mul3A_2379 : vector<16xf32>
    %get3A_2381 = arith.constant 1088 : index
    %get3A_2382 = tpu.vector_load %arg11[%get3A_2381] {strides = array<i32>} : memref<4096xf32, #tpu.memory_space<vmem>>, vector<16xf32>,
    %mul3A_2383 = arith.mulf %get3A_2382, %get3A_2080 : vector<16xf32>
    %add3A_2384 = arith.addf %add3A_2380, %mul3A_2383 : vector<16xf32>
    %get3A_2385 = arith.constant 1104 : index
    %get3A_2386 = tpu.vector_load %arg11[%get3A_2385] {strides = array<i32>} : memref<4096xf32, #tpu.memory_space<vmem>>, vector<16xf32>,
    %mul3A_2387 = arith.mulf %get3A_2386, %get3A_2082 : vector<16xf32>
    %add3A_2388 = arith.addf %add3A_2384, %mul3A_2387 : vector<16xf32>
    %get3A_2389 = arith.constant 1120 : index
    %get3A_2390 = tpu.vector_load %arg11[%get3A_2389] {strides = array<i32>} : memref<4096xf32, #tpu.memory_space<vmem>>, vector<16xf32>,
    %mul3A_2391 = arith.mulf %get3A_2390, %get3A_2084 : vector<16xf32>
    %add3A_2392 = arith.addf %add3A_2388, %mul3A_2391 : vector<16xf32>
    %get3A_2393 = arith.constant 1136 : index
    %get3A_2394 = tpu.vector_load %arg11[%get3A_2393] {strides = array<i32>} : memref<4096xf32, #tpu.memory_space<vmem>>, vector<16xf32>,
    %mul3A_2395 = arith.mulf %get3A_2394, %get3A_2086 : vector<16xf32>
    %add3A_2396 = arith.addf %add3A_2392, %mul3A_2395 : vector<16xf32>
    %reduce_sum3A_2397 = arith.constant true
    %reduce_sum3A_2398 = vector.broadcast %reduce_sum3A_2397 : i1 to vector<16xi1>
    %reduce_sum3A_2399 = tpu.scan <sum>, %add3A_2396 masked %reduce_sum3A_2398 : vector<16xf32>, vector<16xi1> -> vector<16xf32>
    %reduce_sum3A_2400 = vector.extract %reduce_sum3A_2399[15] : f32 from vector<16xf32>
    %get3A_2401 = arith.constant 1152 : index
    %get3A_2402 = tpu.vector_load %arg11[%get3A_2401] {strides = array<i32>} : memref<4096xf32, #tpu.memory_space<vmem>>, vector<16xf32>,
    %mul3A_2403 = arith.mulf %get3A_2402, %get3A_2072 : vector<16xf32>
    %get3A_2404 = arith.constant 1168 : index
    %get3A_2405 = tpu.vector_load %arg11[%get3A_2404] {strides = array<i32>} : memref<4096xf32, #tpu.memory_space<vmem>>, vector<16xf32>,
    %mul3A_2406 = arith.mulf %get3A_2405, %get3A_2074 : vector<16xf32>
    %add3A_2407 = arith.addf %mul3A_2403, %mul3A_2406 : vector<16xf32>
    %get3A_2408 = arith.constant 1184 : index
    %get3A_2409 = tpu.vector_load %arg11[%get3A_2408] {strides = array<i32>} : memref<4096xf32, #tpu.memory_space<vmem>>, vector<16xf32>,
    %mul3A_2410 = arith.mulf %get3A_2409, %get3A_2076 : vector<16xf32>
    %add3A_2411 = arith.addf %add3A_2407, %mul3A_2410 : vector<16xf32>
    %get3A_2412 = arith.constant 1200 : index
    %get3A_2413 = tpu.vector_load %arg11[%get3A_2412] {strides = array<i32>} : memref<4096xf32, #tpu.memory_space<vmem>>, vector<16xf32>,
    %mul3A_2414 = arith.mulf %get3A_2413, %get3A_2078 : vector<16xf32>
    %add3A_2415 = arith.addf %add3A_2411, %mul3A_2414 : vector<16xf32>
    %get3A_2416 = arith.constant 1216 : index
    %get3A_2417 = tpu.vector_load %arg11[%get3A_2416] {strides = array<i32>} : memref<4096xf32, #tpu.memory_space<vmem>>, vector<16xf32>,
    %mul3A_2418 = arith.mulf %get3A_2417, %get3A_2080 : vector<16xf32>
    %add3A_2419 = arith.addf %add3A_2415, %mul3A_2418 : vector<16xf32>
    %get3A_2420 = arith.constant 1232 : index
    %get3A_2421 = tpu.vector_load %arg11[%get3A_2420] {strides = array<i32>} : memref<4096xf32, #tpu.memory_space<vmem>>, vector<16xf32>,
    %mul3A_2422 = arith.mulf %get3A_2421, %get3A_2082 : vector<16xf32>
    %add3A_2423 = arith.addf %add3A_2419, %mul3A_2422 : vector<16xf32>
    %get3A_2424 = arith.constant 1248 : index
    %get3A_2425 = tpu.vector_load %arg11[%get3A_2424] {strides = array<i32>} : memref<4096xf32, #tpu.memory_space<vmem>>, vector<16xf32>,
    %mul3A_2426 = arith.mulf %get3A_2425, %get3A_2084 : vector<16xf32>
    %add3A_2427 = arith.addf %add3A_2423, %mul3A_2426 : vector<16xf32>
    %get3A_2428 = arith.constant 1264 : index
    %get3A_2429 = tpu.vector_load %arg11[%get3A_2428] {strides = array<i32>} : memref<4096xf32, #tpu.memory_space<vmem>>, vector<16xf32>,
    %mul3A_2430 = arith.mulf %get3A_2429, %get3A_2086 : vector<16xf32>
    %add3A_2431 = arith.addf %add3A_2427, %mul3A_2430 : vector<16xf32>
    %reduce_sum3A_2432 = arith.constant true
    %reduce_sum3A_2433 = vector.broadcast %reduce_sum3A_2432 : i1 to vector<16xi1>
    %reduce_sum3A_2434 = tpu.scan <sum>, %add3A_2431 masked %reduce_sum3A_2433 : vector<16xf32>, vector<16xi1> -> vector<16xf32>
    %reduce_sum3A_2435 = vector.extract %reduce_sum3A_2434[15] : f32 from vector<16xf32>
    %get3A_2436 = arith.constant 1280 : index
    %get3A_2437 = tpu.vector_load %arg11[%get3A_2436] {strides = array<i32>} : memref<4096xf32, #tpu.memory_space<vmem>>, vector<16xf32>,
    %mul3A_2438 = arith.mulf %get3A_2437, %get3A_2072 : vector<16xf32>
    %get3A_2439 = arith.constant 1296 : index
    %get3A_2440 = tpu.vector_load %arg11[%get3A_2439] {strides = array<i32>} : memref<4096xf32, #tpu.memory_space<vmem>>, vector<16xf32>,
    %mul3A_2441 = arith.mulf %get3A_2440, %get3A_2074 : vector<16xf32>
    %add3A_2442 = arith.addf %mul3A_2438, %mul3A_2441 : vector<16xf32>
    %get3A_2443 = arith.constant 1312 : index
    %get3A_2444 = tpu.vector_load %arg11[%get3A_2443] {strides = array<i32>} : memref<4096xf32, #tpu.memory_space<vmem>>, vector<16xf32>,
    %mul3A_2445 = arith.mulf %get3A_2444, %get3A_2076 : vector<16xf32>
    %add3A_2446 = arith.addf %add3A_2442, %mul3A_2445 : vector<16xf32>
    %get3A_2447 = arith.constant 1328 : index
    %get3A_2448 = tpu.vector_load %arg11[%get3A_2447] {strides = array<i32>} : memref<4096xf32, #tpu.memory_space<vmem>>, vector<16xf32>,
    %mul3A_2449 = arith.mulf %get3A_2448, %get3A_2078 : vector<16xf32>
    %add3A_2450 = arith.addf %add3A_2446, %mul3A_2449 : vector<16xf32>
    %get3A_2451 = arith.constant 1344 : index
    %get3A_2452 = tpu.vector_load %arg11[%get3A_2451] {strides = array<i32>} : memref<4096xf32, #tpu.memory_space<vmem>>, vector<16xf32>,
    %mul3A_2453 = arith.mulf %get3A_2452, %get3A_2080 : vector<16xf32>
    %add3A_2454 = arith.addf %add3A_2450, %mul3A_2453 : vector<16xf32>
    %get3A_2455 = arith.constant 1360 : index
    %get3A_2456 = tpu.vector_load %arg11[%get3A_2455] {strides = array<i32>} : memref<4096xf32, #tpu.memory_space<vmem>>, vector<16xf32>,
    %mul3A_2457 = arith.mulf %get3A_2456, %get3A_2082 : vector<16xf32>
    %add3A_2458 = arith.addf %add3A_2454, %mul3A_2457 : vector<16xf32>
    %get3A_2459 = arith.constant 1376 : index
    %get3A_2460 = tpu.vector_load %arg11[%get3A_2459] {strides = array<i32>} : memref<4096xf32, #tpu.memory_space<vmem>>, vector<16xf32>,
    %mul3A_2461 = arith.mulf %get3A_2460, %get3A_2084 : vector<16xf32>
    %add3A_2462 = arith.addf %add3A_2458, %mul3A_2461 : vector<16xf32>
    %get3A_2463 = arith.constant 1392 : index
    %get3A_2464 = tpu.vector_load %arg11[%get3A_2463] {strides = array<i32>} : memref<4096xf32, #tpu.memory_space<vmem>>, vector<16xf32>,
    %mul3A_2465 = arith.mulf %get3A_2464, %get3A_2086 : vector<16xf32>
    %add3A_2466 = arith.addf %add3A_2462, %mul3A_2465 : vector<16xf32>
    %reduce_sum3A_2467 = arith.constant true
    %reduce_sum3A_2468 = vector.broadcast %reduce_sum3A_2467 : i1 to vector<16xi1>
    %reduce_sum3A_2469 = tpu.scan <sum>, %add3A_2466 masked %reduce_sum3A_2468 : vector<16xf32>, vector<16xi1> -> vector<16xf32>
    %reduce_sum3A_2470 = vector.extract %reduce_sum3A_2469[15] : f32 from vector<16xf32>
    %get3A_2471 = arith.constant 1408 : index
    %get3A_2472 = tpu.vector_load %arg11[%get3A_2471] {strides = array<i32>} : memref<4096xf32, #tpu.memory_space<vmem>>, vector<16xf32>,
    %mul3A_2473 = arith.mulf %get3A_2472, %get3A_2072 : vector<16xf32>
    %get3A_2474 = arith.constant 1424 : index
    %get3A_2475 = tpu.vector_load %arg11[%get3A_2474] {strides = array<i32>} : memref<4096xf32, #tpu.memory_space<vmem>>, vector<16xf32>,
    %mul3A_2476 = arith.mulf %get3A_2475, %get3A_2074 : vector<16xf32>
    %add3A_2477 = arith.addf %mul3A_2473, %mul3A_2476 : vector<16xf32>
    %get3A_2478 = arith.constant 1440 : index
    %get3A_2479 = tpu.vector_load %arg11[%get3A_2478] {strides = array<i32>} : memref<4096xf32, #tpu.memory_space<vmem>>, vector<16xf32>,
    %mul3A_2480 = arith.mulf %get3A_2479, %get3A_2076 : vector<16xf32>
    %add3A_2481 = arith.addf %add3A_2477, %mul3A_2480 : vector<16xf32>
    %get3A_2482 = arith.constant 1456 : index
    %get3A_2483 = tpu.vector_load %arg11[%get3A_2482] {strides = array<i32>} : memref<4096xf32, #tpu.memory_space<vmem>>, vector<16xf32>,
    %mul3A_2484 = arith.mulf %get3A_2483, %get3A_2078 : vector<16xf32>
    %add3A_2485 = arith.addf %add3A_2481, %mul3A_2484 : vector<16xf32>
    %get3A_2486 = arith.constant 1472 : index
    %get3A_2487 = tpu.vector_load %arg11[%get3A_2486] {strides = array<i32>} : memref<4096xf32, #tpu.memory_space<vmem>>, vector<16xf32>,
    %mul3A_2488 = arith.mulf %get3A_2487, %get3A_2080 : vector<16xf32>
    %add3A_2489 = arith.addf %add3A_2485, %mul3A_2488 : vector<16xf32>
    %get3A_2490 = arith.constant 1488 : index
    %get3A_2491 = tpu.vector_load %arg11[%get3A_2490] {strides = array<i32>} : memref<4096xf32, #tpu.memory_space<vmem>>, vector<16xf32>,
    %mul3A_2492 = arith.mulf %get3A_2491, %get3A_2082 : vector<16xf32>
    %add3A_2493 = arith.addf %add3A_2489, %mul3A_2492 : vector<16xf32>
    %get3A_2494 = arith.constant 1504 : index
    %get3A_2495 = tpu.vector_load %arg11[%get3A_2494] {strides = array<i32>} : memref<4096xf32, #tpu.memory_space<vmem>>, vector<16xf32>,
    %mul3A_2496 = arith.mulf %get3A_2495, %get3A_2084 : vector<16xf32>
    %add3A_2497 = arith.addf %add3A_2493, %mul3A_2496 : vector<16xf32>
    %get3A_2498 = arith.constant 1520 : index
    %get3A_2499 = tpu.vector_load %arg11[%get3A_2498] {strides = array<i32>} : memref<4096xf32, #tpu.memory_space<vmem>>, vector<16xf32>,
    %mul3A_2500 = arith.mulf %get3A_2499, %get3A_2086 : vector<16xf32>
    %add3A_2501 = arith.addf %add3A_2497, %mul3A_2500 : vector<16xf32>
    %reduce_sum3A_2502 = arith.constant true
    %reduce_sum3A_2503 = vector.broadcast %reduce_sum3A_2502 : i1 to vector<16xi1>
    %reduce_sum3A_2504 = tpu.scan <sum>, %add3A_2501 masked %reduce_sum3A_2503 : vector<16xf32>, vector<16xi1> -> vector<16xf32>
    %reduce_sum3A_2505 = vector.extract %reduce_sum3A_2504[15] : f32 from vector<16xf32>
    %get3A_2506 = arith.constant 1536 : index
    %get3A_2507 = tpu.vector_load %arg11[%get3A_2506] {strides = array<i32>} : memref<4096xf32, #tpu.memory_space<vmem>>, vector<16xf32>,
    %mul3A_2508 = arith.mulf %get3A_2507, %get3A_2072 : vector<16xf32>
    %get3A_2509 = arith.constant 1552 : index
    %get3A_2510 = tpu.vector_load %arg11[%get3A_2509] {strides = array<i32>} : memref<4096xf32, #tpu.memory_space<vmem>>, vector<16xf32>,
    %mul3A_2511 = arith.mulf %get3A_2510, %get3A_2074 : vector<16xf32>
    %add3A_2512 = arith.addf %mul3A_2508, %mul3A_2511 : vector<16xf32>
    %get3A_2513 = arith.constant 1568 : index
    %get3A_2514 = tpu.vector_load %arg11[%get3A_2513] {strides = array<i32>} : memref<4096xf32, #tpu.memory_space<vmem>>, vector<16xf32>,
    %mul3A_2515 = arith.mulf %get3A_2514, %get3A_2076 : vector<16xf32>
    %add3A_2516 = arith.addf %add3A_2512, %mul3A_2515 : vector<16xf32>
    %get3A_2517 = arith.constant 1584 : index
    %get3A_2518 = tpu.vector_load %arg11[%get3A_2517] {strides = array<i32>} : memref<4096xf32, #tpu.memory_space<vmem>>, vector<16xf32>,
    %mul3A_2519 = arith.mulf %get3A_2518, %get3A_2078 : vector<16xf32>
    %add3A_2520 = arith.addf %add3A_2516, %mul3A_2519 : vector<16xf32>
    %get3A_2521 = arith.constant 1600 : index
    %get3A_2522 = tpu.vector_load %arg11[%get3A_2521] {strides = array<i32>} : memref<4096xf32, #tpu.memory_space<vmem>>, vector<16xf32>,
    %mul3A_2523 = arith.mulf %get3A_2522, %get3A_2080 : vector<16xf32>
    %add3A_2524 = arith.addf %add3A_2520, %mul3A_2523 : vector<16xf32>
    %get3A_2525 = arith.constant 1616 : index
    %get3A_2526 = tpu.vector_load %arg11[%get3A_2525] {strides = array<i32>} : memref<4096xf32, #tpu.memory_space<vmem>>, vector<16xf32>,
    %mul3A_2527 = arith.mulf %get3A_2526, %get3A_2082 : vector<16xf32>
    %add3A_2528 = arith.addf %add3A_2524, %mul3A_2527 : vector<16xf32>
    %get3A_2529 = arith.constant 1632 : index
    %get3A_2530 = tpu.vector_load %arg11[%get3A_2529] {strides = array<i32>} : memref<4096xf32, #tpu.memory_space<vmem>>, vector<16xf32>,
    %mul3A_2531 = arith.mulf %get3A_2530, %get3A_2084 : vector<16xf32>
    %add3A_2532 = arith.addf %add3A_2528, %mul3A_2531 : vector<16xf32>
    %get3A_2533 = arith.constant 1648 : index
    %get3A_2534 = tpu.vector_load %arg11[%get3A_2533] {strides = array<i32>} : memref<4096xf32, #tpu.memory_space<vmem>>, vector<16xf32>,
    %mul3A_2535 = arith.mulf %get3A_2534, %get3A_2086 : vector<16xf32>
    %add3A_2536 = arith.addf %add3A_2532, %mul3A_2535 : vector<16xf32>
    %reduce_sum3A_2537 = arith.constant true
    %reduce_sum3A_2538 = vector.broadcast %reduce_sum3A_2537 : i1 to vector<16xi1>
    %reduce_sum3A_2539 = tpu.scan <sum>, %add3A_2536 masked %reduce_sum3A_2538 : vector<16xf32>, vector<16xi1> -> vector<16xf32>
    %reduce_sum3A_2540 = vector.extract %reduce_sum3A_2539[15] : f32 from vector<16xf32>
    %get3A_2541 = arith.constant 1664 : index
    %get3A_2542 = tpu.vector_load %arg11[%get3A_2541] {strides = array<i32>} : memref<4096xf32, #tpu.memory_space<vmem>>, vector<16xf32>,
    %mul3A_2543 = arith.mulf %get3A_2542, %get3A_2072 : vector<16xf32>
    %get3A_2544 = arith.constant 1680 : index
    %get3A_2545 = tpu.vector_load %arg11[%get3A_2544] {strides = array<i32>} : memref<4096xf32, #tpu.memory_space<vmem>>, vector<16xf32>,
    %mul3A_2546 = arith.mulf %get3A_2545, %get3A_2074 : vector<16xf32>
    %add3A_2547 = arith.addf %mul3A_2543, %mul3A_2546 : vector<16xf32>
    %get3A_2548 = arith.constant 1696 : index
    %get3A_2549 = tpu.vector_load %arg11[%get3A_2548] {strides = array<i32>} : memref<4096xf32, #tpu.memory_space<vmem>>, vector<16xf32>,
    %mul3A_2550 = arith.mulf %get3A_2549, %get3A_2076 : vector<16xf32>
    %add3A_2551 = arith.addf %add3A_2547, %mul3A_2550 : vector<16xf32>
    %get3A_2552 = arith.constant 1712 : index
    %get3A_2553 = tpu.vector_load %arg11[%get3A_2552] {strides = array<i32>} : memref<4096xf32, #tpu.memory_space<vmem>>, vector<16xf32>,
    %mul3A_2554 = arith.mulf %get3A_2553, %get3A_2078 : vector<16xf32>
    %add3A_2555 = arith.addf %add3A_2551, %mul3A_2554 : vector<16xf32>
    %get3A_2556 = arith.constant 1728 : index
    %get3A_2557 = tpu.vector_load %arg11[%get3A_2556] {strides = array<i32>} : memref<4096xf32, #tpu.memory_space<vmem>>, vector<16xf32>,
    %mul3A_2558 = arith.mulf %get3A_2557, %get3A_2080 : vector<16xf32>
    %add3A_2559 = arith.addf %add3A_2555, %mul3A_2558 : vector<16xf32>
    %get3A_2560 = arith.constant 1744 : index
    %get3A_2561 = tpu.vector_load %arg11[%get3A_2560] {strides = array<i32>} : memref<4096xf32, #tpu.memory_space<vmem>>, vector<16xf32>,
    %mul3A_2562 = arith.mulf %get3A_2561, %get3A_2082 : vector<16xf32>
    %add3A_2563 = arith.addf %add3A_2559, %mul3A_2562 : vector<16xf32>
    %get3A_2564 = arith.constant 1760 : index
    %get3A_2565 = tpu.vector_load %arg11[%get3A_2564] {strides = array<i32>} : memref<4096xf32, #tpu.memory_space<vmem>>, vector<16xf32>,
    %mul3A_2566 = arith.mulf %get3A_2565, %get3A_2084 : vector<16xf32>
    %add3A_2567 = arith.addf %add3A_2563, %mul3A_2566 : vector<16xf32>
    %get3A_2568 = arith.constant 1776 : index
    %get3A_2569 = tpu.vector_load %arg11[%get3A_2568] {strides = array<i32>} : memref<4096xf32, #tpu.memory_space<vmem>>, vector<16xf32>,
    %mul3A_2570 = arith.mulf %get3A_2569, %get3A_2086 : vector<16xf32>
    %add3A_2571 = arith.addf %add3A_2567, %mul3A_2570 : vector<16xf32>
    %reduce_sum3A_2572 = arith.constant true
    %reduce_sum3A_2573 = vector.broadcast %reduce_sum3A_2572 : i1 to vector<16xi1>
    %reduce_sum3A_2574 = tpu.scan <sum>, %add3A_2571 masked %reduce_sum3A_2573 : vector<16xf32>, vector<16xi1> -> vector<16xf32>
    %reduce_sum3A_2575 = vector.extract %reduce_sum3A_2574[15] : f32 from vector<16xf32>
    %get3A_2576 = arith.constant 1792 : index
    %get3A_2577 = tpu.vector_load %arg11[%get3A_2576] {strides = array<i32>} : memref<4096xf32, #tpu.memory_space<vmem>>, vector<16xf32>,
    %mul3A_2578 = arith.mulf %get3A_2577, %get3A_2072 : vector<16xf32>
    %get3A_2579 = arith.constant 1808 : index
    %get3A_2580 = tpu.vector_load %arg11[%get3A_2579] {strides = array<i32>} : memref<4096xf32, #tpu.memory_space<vmem>>, vector<16xf32>,
    %mul3A_2581 = arith.mulf %get3A_2580, %get3A_2074 : vector<16xf32>
    %add3A_2582 = arith.addf %mul3A_2578, %mul3A_2581 : vector<16xf32>
    %get3A_2583 = arith.constant 1824 : index
    %get3A_2584 = tpu.vector_load %arg11[%get3A_2583] {strides = array<i32>} : memref<4096xf32, #tpu.memory_space<vmem>>, vector<16xf32>,
    %mul3A_2585 = arith.mulf %get3A_2584, %get3A_2076 : vector<16xf32>
    %add3A_2586 = arith.addf %add3A_2582, %mul3A_2585 : vector<16xf32>
    %get3A_2587 = arith.constant 1840 : index
    %get3A_2588 = tpu.vector_load %arg11[%get3A_2587] {strides = array<i32>} : memref<4096xf32, #tpu.memory_space<vmem>>, vector<16xf32>,
    %mul3A_2589 = arith.mulf %get3A_2588, %get3A_2078 : vector<16xf32>
    %add3A_2590 = arith.addf %add3A_2586, %mul3A_2589 : vector<16xf32>
    %get3A_2591 = arith.constant 1856 : index
    %get3A_2592 = tpu.vector_load %arg11[%get3A_2591] {strides = array<i32>} : memref<4096xf32, #tpu.memory_space<vmem>>, vector<16xf32>,
    %mul3A_2593 = arith.mulf %get3A_2592, %get3A_2080 : vector<16xf32>
    %add3A_2594 = arith.addf %add3A_2590, %mul3A_2593 : vector<16xf32>
    %get3A_2595 = arith.constant 1872 : index
    %get3A_2596 = tpu.vector_load %arg11[%get3A_2595] {strides = array<i32>} : memref<4096xf32, #tpu.memory_space<vmem>>, vector<16xf32>,
    %mul3A_2597 = arith.mulf %get3A_2596, %get3A_2082 : vector<16xf32>
    %add3A_2598 = arith.addf %add3A_2594, %mul3A_2597 : vector<16xf32>
    %get3A_2599 = arith.constant 1888 : index
    %get3A_2600 = tpu.vector_load %arg11[%get3A_2599] {strides = array<i32>} : memref<4096xf32, #tpu.memory_space<vmem>>, vector<16xf32>,
    %mul3A_2601 = arith.mulf %get3A_2600, %get3A_2084 : vector<16xf32>
    %add3A_2602 = arith.addf %add3A_2598, %mul3A_2601 : vector<16xf32>
    %get3A_2603 = arith.constant 1904 : index
    %get3A_2604 = tpu.vector_load %arg11[%get3A_2603] {strides = array<i32>} : memref<4096xf32, #tpu.memory_space<vmem>>, vector<16xf32>,
    %mul3A_2605 = arith.mulf %get3A_2604, %get3A_2086 : vector<16xf32>
    %add3A_2606 = arith.addf %add3A_2602, %mul3A_2605 : vector<16xf32>
    %reduce_sum3A_2607 = arith.constant true
    %reduce_sum3A_2608 = vector.broadcast %reduce_sum3A_2607 : i1 to vector<16xi1>
    %reduce_sum3A_2609 = tpu.scan <sum>, %add3A_2606 masked %reduce_sum3A_2608 : vector<16xf32>, vector<16xi1> -> vector<16xf32>
    %reduce_sum3A_2610 = vector.extract %reduce_sum3A_2609[15] : f32 from vector<16xf32>
    %get3A_2611 = arith.constant 1920 : index
    %get3A_2612 = tpu.vector_load %arg11[%get3A_2611] {strides = array<i32>} : memref<4096xf32, #tpu.memory_space<vmem>>, vector<16xf32>,
    %mul3A_2613 = arith.mulf %get3A_2612, %get3A_2072 : vector<16xf32>
    %get3A_2614 = arith.constant 1936 : index
    %get3A_2615 = tpu.vector_load %arg11[%get3A_2614] {strides = array<i32>} : memref<4096xf32, #tpu.memory_space<vmem>>, vector<16xf32>,
    %mul3A_2616 = arith.mulf %get3A_2615, %get3A_2074 : vector<16xf32>
    %add3A_2617 = arith.addf %mul3A_2613, %mul3A_2616 : vector<16xf32>
    %get3A_2618 = arith.constant 1952 : index
    %get3A_2619 = tpu.vector_load %arg11[%get3A_2618] {strides = array<i32>} : memref<4096xf32, #tpu.memory_space<vmem>>, vector<16xf32>,
    %mul3A_2620 = arith.mulf %get3A_2619, %get3A_2076 : vector<16xf32>
    %add3A_2621 = arith.addf %add3A_2617, %mul3A_2620 : vector<16xf32>
    %get3A_2622 = arith.constant 1968 : index
    %get3A_2623 = tpu.vector_load %arg11[%get3A_2622] {strides = array<i32>} : memref<4096xf32, #tpu.memory_space<vmem>>, vector<16xf32>,
    %mul3A_2624 = arith.mulf %get3A_2623, %get3A_2078 : vector<16xf32>
    %add3A_2625 = arith.addf %add3A_2621, %mul3A_2624 : vector<16xf32>
    %get3A_2626 = arith.constant 1984 : index
    %get3A_2627 = tpu.vector_load %arg11[%get3A_2626] {strides = array<i32>} : memref<4096xf32, #tpu.memory_space<vmem>>, vector<16xf32>,
    %mul3A_2628 = arith.mulf %get3A_2627, %get3A_2080 : vector<16xf32>
    %add3A_2629 = arith.addf %add3A_2625, %mul3A_2628 : vector<16xf32>
    %get3A_2630 = arith.constant 2000 : index
    %get3A_2631 = tpu.vector_load %arg11[%get3A_2630] {strides = array<i32>} : memref<4096xf32, #tpu.memory_space<vmem>>, vector<16xf32>,
    %mul3A_2632 = arith.mulf %get3A_2631, %get3A_2082 : vector<16xf32>
    %add3A_2633 = arith.addf %add3A_2629, %mul3A_2632 : vector<16xf32>
    %get3A_2634 = arith.constant 2016 : index
    %get3A_2635 = tpu.vector_load %arg11[%get3A_2634] {strides = array<i32>} : memref<4096xf32, #tpu.memory_space<vmem>>, vector<16xf32>,
    %mul3A_2636 = arith.mulf %get3A_2635, %get3A_2084 : vector<16xf32>
    %add3A_2637 = arith.addf %add3A_2633, %mul3A_2636 : vector<16xf32>
    %get3A_2638 = arith.constant 2032 : index
    %get3A_2639 = tpu.vector_load %arg11[%get3A_2638] {strides = array<i32>} : memref<4096xf32, #tpu.memory_space<vmem>>, vector<16xf32>,
    %mul3A_2640 = arith.mulf %get3A_2639, %get3A_2086 : vector<16xf32>
    %add3A_2641 = arith.addf %add3A_2637, %mul3A_2640 : vector<16xf32>
    %reduce_sum3A_2642 = arith.constant true
    %reduce_sum3A_2643 = vector.broadcast %reduce_sum3A_2642 : i1 to vector<16xi1>
    %reduce_sum3A_2644 = tpu.scan <sum>, %add3A_2641 masked %reduce_sum3A_2643 : vector<16xf32>, vector<16xi1> -> vector<16xf32>
    %reduce_sum3A_2645 = vector.extract %reduce_sum3A_2644[15] : f32 from vector<16xf32>
    %iota3A = tpu.iota {dimensions = array<i32: 0>} : vector<16xi32>
    %broadcast_in_dim3A = arith.constant 0.000000e+00 : f32
    %broadcast_in_dim3A_2646 = vector.broadcast %broadcast_in_dim3A : f32 to vector<16xf32>
    %eq3A = arith.constant 0 : i32
    %eq3A_2647 = vector.broadcast %eq3A : i32 to vector<16xi32>
    %eq3A_2648 = arith.cmpi eq, %iota3A, %eq3A_2647 : vector<16xi32>
    %broadcast_in_dim3A_2649 = vector.broadcast %reduce_sum3A_2120 : f32 to vector<16xf32>
    %select_n3A = arith.select %eq3A_2648, %broadcast_in_dim3A_2649, %broadcast_in_dim3A_2646 : vector<16xi1>, vector<16xf32>
    %eq3A_2650 = arith.constant 1 : i32
    %eq3A_2651 = vector.broadcast %eq3A_2650 : i32 to vector<16xi32>
    %eq3A_2652 = arith.cmpi eq, %iota3A, %eq3A_2651 : vector<16xi32>
    %broadcast_in_dim3A_2653 = vector.broadcast %reduce_sum3A_2155 : f32 to vector<16xf32>
    %select_n3A_2654 = arith.select %eq3A_2652, %broadcast_in_dim3A_2653, %select_n3A : vector<16xi1>, vector<16xf32>
    %eq3A_2655 = arith.constant 2 : i32
    %eq3A_2656 = vector.broadcast %eq3A_2655 : i32 to vector<16xi32>
    %eq3A_2657 = arith.cmpi eq, %iota3A, %eq3A_2656 : vector<16xi32>
    %broadcast_in_dim3A_2658 = vector.broadcast %reduce_sum3A_2190 : f32 to vector<16xf32>
    %select_n3A_2659 = arith.select %eq3A_2657, %broadcast_in_dim3A_2658, %select_n3A_2654 : vector<16xi1>, vector<16xf32>
    %eq3A_2660 = arith.constant 3 : i32
    %eq3A_2661 = vector.broadcast %eq3A_2660 : i32 to vector<16xi32>
    %eq3A_2662 = arith.cmpi eq, %iota3A, %eq3A_2661 : vector<16xi32>
    %broadcast_in_dim3A_2663 = vector.broadcast %reduce_sum3A_2225 : f32 to vector<16xf32>
    %select_n3A_2664 = arith.select %eq3A_2662, %broadcast_in_dim3A_2663, %select_n3A_2659 : vector<16xi1>, vector<16xf32>
    %eq3A_2665 = arith.constant 4 : i32
    %eq3A_2666 = vector.broadcast %eq3A_2665 : i32 to vector<16xi32>
    %eq3A_2667 = arith.cmpi eq, %iota3A, %eq3A_2666 : vector<16xi32>
    %broadcast_in_dim3A_2668 = vector.broadcast %reduce_sum3A_2260 : f32 to vector<16xf32>
    %select_n3A_2669 = arith.select %eq3A_2667, %broadcast_in_dim3A_2668, %select_n3A_2664 : vector<16xi1>, vector<16xf32>
    %eq3A_2670 = arith.constant 5 : i32
    %eq3A_2671 = vector.broadcast %eq3A_2670 : i32 to vector<16xi32>
    %eq3A_2672 = arith.cmpi eq, %iota3A, %eq3A_2671 : vector<16xi32>
    %broadcast_in_dim3A_2673 = vector.broadcast %reduce_sum3A_2295 : f32 to vector<16xf32>
    %select_n3A_2674 = arith.select %eq3A_2672, %broadcast_in_dim3A_2673, %select_n3A_2669 : vector<16xi1>, vector<16xf32>
    %eq3A_2675 = arith.constant 6 : i32
    %eq3A_2676 = vector.broadcast %eq3A_2675 : i32 to vector<16xi32>
    %eq3A_2677 = arith.cmpi eq, %iota3A, %eq3A_2676 : vector<16xi32>
    %broadcast_in_dim3A_2678 = vector.broadcast %reduce_sum3A_2330 : f32 to vector<16xf32>
    %select_n3A_2679 = arith.select %eq3A_2677, %broadcast_in_dim3A_2678, %select_n3A_2674 : vector<16xi1>, vector<16xf32>
    %eq3A_2680 = arith.constant 7 : i32
    %eq3A_2681 = vector.broadcast %eq3A_2680 : i32 to vector<16xi32>
    %eq3A_2682 = arith.cmpi eq, %iota3A, %eq3A_2681 : vector<16xi32>
    %broadcast_in_dim3A_2683 = vector.broadcast %reduce_sum3A_2365 : f32 to vector<16xf32>
    %select_n3A_2684 = arith.select %eq3A_2682, %broadcast_in_dim3A_2683, %select_n3A_2679 : vector<16xi1>, vector<16xf32>
    %eq3A_2685 = arith.constant 8 : i32
    %eq3A_2686 = vector.broadcast %eq3A_2685 : i32 to vector<16xi32>
    %eq3A_2687 = arith.cmpi eq, %iota3A, %eq3A_2686 : vector<16xi32>
    %broadcast_in_dim3A_2688 = vector.broadcast %reduce_sum3A_2400 : f32 to vector<16xf32>
    %select_n3A_2689 = arith.select %eq3A_2687, %broadcast_in_dim3A_2688, %select_n3A_2684 : vector<16xi1>, vector<16xf32>
    %eq3A_2690 = arith.constant 9 : i32
    %eq3A_2691 = vector.broadcast %eq3A_2690 : i32 to vector<16xi32>
    %eq3A_2692 = arith.cmpi eq, %iota3A, %eq3A_2691 : vector<16xi32>
    %broadcast_in_dim3A_2693 = vector.broadcast %reduce_sum3A_2435 : f32 to vector<16xf32>
    %select_n3A_2694 = arith.select %eq3A_2692, %broadcast_in_dim3A_2693, %select_n3A_2689 : vector<16xi1>, vector<16xf32>
    %eq3A_2695 = arith.constant 10 : i32
    %eq3A_2696 = vector.broadcast %eq3A_2695 : i32 to vector<16xi32>
    %eq3A_2697 = arith.cmpi eq, %iota3A, %eq3A_2696 : vector<16xi32>
    %broadcast_in_dim3A_2698 = vector.broadcast %reduce_sum3A_2470 : f32 to vector<16xf32>
    %select_n3A_2699 = arith.select %eq3A_2697, %broadcast_in_dim3A_2698, %select_n3A_2694 : vector<16xi1>, vector<16xf32>
    %eq3A_2700 = arith.constant 11 : i32
    %eq3A_2701 = vector.broadcast %eq3A_2700 : i32 to vector<16xi32>
    %eq3A_2702 = arith.cmpi eq, %iota3A, %eq3A_2701 : vector<16xi32>
    %broadcast_in_dim3A_2703 = vector.broadcast %reduce_sum3A_2505 : f32 to vector<16xf32>
    %select_n3A_2704 = arith.select %eq3A_2702, %broadcast_in_dim3A_2703, %select_n3A_2699 : vector<16xi1>, vector<16xf32>
    %eq3A_2705 = arith.constant 12 : i32
    %eq3A_2706 = vector.broadcast %eq3A_2705 : i32 to vector<16xi32>
    %eq3A_2707 = arith.cmpi eq, %iota3A, %eq3A_2706 : vector<16xi32>
    %broadcast_in_dim3A_2708 = vector.broadcast %reduce_sum3A_2540 : f32 to vector<16xf32>
    %select_n3A_2709 = arith.select %eq3A_2707, %broadcast_in_dim3A_2708, %select_n3A_2704 : vector<16xi1>, vector<16xf32>
    %eq3A_2710 = arith.constant 13 : i32
    %eq3A_2711 = vector.broadcast %eq3A_2710 : i32 to vector<16xi32>
    %eq3A_2712 = arith.cmpi eq, %iota3A, %eq3A_2711 : vector<16xi32>
    %broadcast_in_dim3A_2713 = vector.broadcast %reduce_sum3A_2575 : f32 to vector<16xf32>
    %select_n3A_2714 = arith.select %eq3A_2712, %broadcast_in_dim3A_2713, %select_n3A_2709 : vector<16xi1>, vector<16xf32>
    %eq3A_2715 = arith.constant 14 : i32
    %eq3A_2716 = vector.broadcast %eq3A_2715 : i32 to vector<16xi32>
    %eq3A_2717 = arith.cmpi eq, %iota3A, %eq3A_2716 : vector<16xi32>
    %broadcast_in_dim3A_2718 = vector.broadcast %reduce_sum3A_2610 : f32 to vector<16xf32>
    %select_n3A_2719 = arith.select %eq3A_2717, %broadcast_in_dim3A_2718, %select_n3A_2714 : vector<16xi1>, vector<16xf32>
    %eq3A_2720 = arith.constant 15 : i32
    %eq3A_2721 = vector.broadcast %eq3A_2720 : i32 to vector<16xi32>
    %eq3A_2722 = arith.cmpi eq, %iota3A, %eq3A_2721 : vector<16xi32>
    %broadcast_in_dim3A_2723 = vector.broadcast %reduce_sum3A_2645 : f32 to vector<16xf32>
    %select_n3A_2724 = arith.select %eq3A_2722, %broadcast_in_dim3A_2723, %select_n3A_2719 : vector<16xi1>, vector<16xf32>
    %mul3A_2725 = vector.broadcast %squeeze3A : f32 to vector<16xf32>
    %mul3A_2726 = arith.mulf %select_n3A_2724, %mul3A_2725 : vector<16xf32>
    %sub3A = vector.broadcast %squeeze3A_2070 : f32 to vector<16xf32>
    %sub3A_2727 = arith.subf %mul3A_2726, %sub3A : vector<16xf32>
    %neg3A = arith.constant 0.000000e+00 : f32
    %neg3A_2728 = vector.broadcast %neg3A : f32 to vector<16xf32>
    %neg3A_2729 = arith.subf %neg3A_2728, %sub3A_2727 : vector<16xf32>
    %exp3A = math.exp %neg3A_2729 : vector<16xf32>
    %add3A_2730 = arith.constant 1.000000e+00 : f32
    %add3A_2731 = vector.broadcast %add3A_2730 : f32 to vector<16xf32>
    %add3A_2732 = arith.addf %add3A_2731, %exp3A : vector<16xf32>
    %div3A = arith.constant 1.000000e+00 : f32
    %div3A_2733 = vector.broadcast %div3A : f32 to vector<16xf32>
    %div3A_2734 = arith.divf %div3A_2733, %add3A_2732 : vector<16xf32>
    %swap3A_2735 = arith.constant 0 : index
    %swap3A_2736 = tpu.vector_load %arg12[%swap3A_2735] {strides = array<i32>} : memref<32xf32, #tpu.memory_space<vmem>>, vector<16xf32>,
    tpu.vector_store %arg12[%swap3A_2735], %div3A_2734 {strides = array<i32>} : memref<32xf32, #tpu.memory_space<vmem>>, vector<16xf32>,
    %get3A_2737 = arith.constant 2048 : index
    %get3A_2738 = tpu.vector_load %arg11[%get3A_2737] {strides = array<i32>} : memref<4096xf32, #tpu.memory_space<vmem>>, vector<16xf32>,
    %mul3A_2739 = arith.mulf %get3A_2738, %get3A_2072 : vector<16xf32>
    %get3A_2740 = arith.constant 2064 : index
    %get3A_2741 = tpu.vector_load %arg11[%get3A_2740] {strides = array<i32>} : memref<4096xf32, #tpu.memory_space<vmem>>, vector<16xf32>,
    %mul3A_2742 = arith.mulf %get3A_2741, %get3A_2074 : vector<16xf32>
    %add3A_2743 = arith.addf %mul3A_2739, %mul3A_2742 : vector<16xf32>
    %get3A_2744 = arith.constant 2080 : index
    %get3A_2745 = tpu.vector_load %arg11[%get3A_2744] {strides = array<i32>} : memref<4096xf32, #tpu.memory_space<vmem>>, vector<16xf32>,
    %mul3A_2746 = arith.mulf %get3A_2745, %get3A_2076 : vector<16xf32>
    %add3A_2747 = arith.addf %add3A_2743, %mul3A_2746 : vector<16xf32>
    %get3A_2748 = arith.constant 2096 : index
    %get3A_2749 = tpu.vector_load %arg11[%get3A_2748] {strides = array<i32>} : memref<4096xf32, #tpu.memory_space<vmem>>, vector<16xf32>,
    %mul3A_2750 = arith.mulf %get3A_2749, %get3A_2078 : vector<16xf32>
    %add3A_2751 = arith.addf %add3A_2747, %mul3A_2750 : vector<16xf32>
    %get3A_2752 = arith.constant 2112 : index
    %get3A_2753 = tpu.vector_load %arg11[%get3A_2752] {strides = array<i32>} : memref<4096xf32, #tpu.memory_space<vmem>>, vector<16xf32>,
    %mul3A_2754 = arith.mulf %get3A_2753, %get3A_2080 : vector<16xf32>
    %add3A_2755 = arith.addf %add3A_2751, %mul3A_2754 : vector<16xf32>
    %get3A_2756 = arith.constant 2128 : index
    %get3A_2757 = tpu.vector_load %arg11[%get3A_2756] {strides = array<i32>} : memref<4096xf32, #tpu.memory_space<vmem>>, vector<16xf32>,
    %mul3A_2758 = arith.mulf %get3A_2757, %get3A_2082 : vector<16xf32>
    %add3A_2759 = arith.addf %add3A_2755, %mul3A_2758 : vector<16xf32>
    %get3A_2760 = arith.constant 2144 : index
    %get3A_2761 = tpu.vector_load %arg11[%get3A_2760] {strides = array<i32>} : memref<4096xf32, #tpu.memory_space<vmem>>, vector<16xf32>,
    %mul3A_2762 = arith.mulf %get3A_2761, %get3A_2084 : vector<16xf32>
    %add3A_2763 = arith.addf %add3A_2759, %mul3A_2762 : vector<16xf32>
    %get3A_2764 = arith.constant 2160 : index
    %get3A_2765 = tpu.vector_load %arg11[%get3A_2764] {strides = array<i32>} : memref<4096xf32, #tpu.memory_space<vmem>>, vector<16xf32>,
    %mul3A_2766 = arith.mulf %get3A_2765, %get3A_2086 : vector<16xf32>
    %add3A_2767 = arith.addf %add3A_2763, %mul3A_2766 : vector<16xf32>
    %reduce_sum3A_2768 = arith.constant true
    %reduce_sum3A_2769 = vector.broadcast %reduce_sum3A_2768 : i1 to vector<16xi1>
    %reduce_sum3A_2770 = tpu.scan <sum>, %add3A_2767 masked %reduce_sum3A_2769 : vector<16xf32>, vector<16xi1> -> vector<16xf32>
    %reduce_sum3A_2771 = vector.extract %reduce_sum3A_2770[15] : f32 from vector<16xf32>
    %get3A_2772 = arith.constant 2176 : index
    %get3A_2773 = tpu.vector_load %arg11[%get3A_2772] {strides = array<i32>} : memref<4096xf32, #tpu.memory_space<vmem>>, vector<16xf32>,
    %mul3A_2774 = arith.mulf %get3A_2773, %get3A_2072 : vector<16xf32>
    %get3A_2775 = arith.constant 2192 : index
    %get3A_2776 = tpu.vector_load %arg11[%get3A_2775] {strides = array<i32>} : memref<4096xf32, #tpu.memory_space<vmem>>, vector<16xf32>,
    %mul3A_2777 = arith.mulf %get3A_2776, %get3A_2074 : vector<16xf32>
    %add3A_2778 = arith.addf %mul3A_2774, %mul3A_2777 : vector<16xf32>
    %get3A_2779 = arith.constant 2208 : index
    %get3A_2780 = tpu.vector_load %arg11[%get3A_2779] {strides = array<i32>} : memref<4096xf32, #tpu.memory_space<vmem>>, vector<16xf32>,
    %mul3A_2781 = arith.mulf %get3A_2780, %get3A_2076 : vector<16xf32>
    %add3A_2782 = arith.addf %add3A_2778, %mul3A_2781 : vector<16xf32>
    %get3A_2783 = arith.constant 2224 : index
    %get3A_2784 = tpu.vector_load %arg11[%get3A_2783] {strides = array<i32>} : memref<4096xf32, #tpu.memory_space<vmem>>, vector<16xf32>,
    %mul3A_2785 = arith.mulf %get3A_2784, %get3A_2078 : vector<16xf32>
    %add3A_2786 = arith.addf %add3A_2782, %mul3A_2785 : vector<16xf32>
    %get3A_2787 = arith.constant 2240 : index
    %get3A_2788 = tpu.vector_load %arg11[%get3A_2787] {strides = array<i32>} : memref<4096xf32, #tpu.memory_space<vmem>>, vector<16xf32>,
    %mul3A_2789 = arith.mulf %get3A_2788, %get3A_2080 : vector<16xf32>
    %add3A_2790 = arith.addf %add3A_2786, %mul3A_2789 : vector<16xf32>
    %get3A_2791 = arith.constant 2256 : index
    %get3A_2792 = tpu.vector_load %arg11[%get3A_2791] {strides = array<i32>} : memref<4096xf32, #tpu.memory_space<vmem>>, vector<16xf32>,
    %mul3A_2793 = arith.mulf %get3A_2792, %get3A_2082 : vector<16xf32>
    %add3A_2794 = arith.addf %add3A_2790, %mul3A_2793 : vector<16xf32>
    %get3A_2795 = arith.constant 2272 : index
    %get3A_2796 = tpu.vector_load %arg11[%get3A_2795] {strides = array<i32>} : memref<4096xf32, #tpu.memory_space<vmem>>, vector<16xf32>,
    %mul3A_2797 = arith.mulf %get3A_2796, %get3A_2084 : vector<16xf32>
    %add3A_2798 = arith.addf %add3A_2794, %mul3A_2797 : vector<16xf32>
    %get3A_2799 = arith.constant 2288 : index
    %get3A_2800 = tpu.vector_load %arg11[%get3A_2799] {strides = array<i32>} : memref<4096xf32, #tpu.memory_space<vmem>>, vector<16xf32>,
    %mul3A_2801 = arith.mulf %get3A_2800, %get3A_2086 : vector<16xf32>
    %add3A_2802 = arith.addf %add3A_2798, %mul3A_2801 : vector<16xf32>
    %reduce_sum3A_2803 = arith.constant true
    %reduce_sum3A_2804 = vector.broadcast %reduce_sum3A_2803 : i1 to vector<16xi1>
    %reduce_sum3A_2805 = tpu.scan <sum>, %add3A_2802 masked %reduce_sum3A_2804 : vector<16xf32>, vector<16xi1> -> vector<16xf32>
    %reduce_sum3A_2806 = vector.extract %reduce_sum3A_2805[15] : f32 from vector<16xf32>
    %get3A_2807 = arith.constant 2304 : index
    %get3A_2808 = tpu.vector_load %arg11[%get3A_2807] {strides = array<i32>} : memref<4096xf32, #tpu.memory_space<vmem>>, vector<16xf32>,
    %mul3A_2809 = arith.mulf %get3A_2808, %get3A_2072 : vector<16xf32>
    %get3A_2810 = arith.constant 2320 : index
    %get3A_2811 = tpu.vector_load %arg11[%get3A_2810] {strides = array<i32>} : memref<4096xf32, #tpu.memory_space<vmem>>, vector<16xf32>,
    %mul3A_2812 = arith.mulf %get3A_2811, %get3A_2074 : vector<16xf32>
    %add3A_2813 = arith.addf %mul3A_2809, %mul3A_2812 : vector<16xf32>
    %get3A_2814 = arith.constant 2336 : index
    %get3A_2815 = tpu.vector_load %arg11[%get3A_2814] {strides = array<i32>} : memref<4096xf32, #tpu.memory_space<vmem>>, vector<16xf32>,
    %mul3A_2816 = arith.mulf %get3A_2815, %get3A_2076 : vector<16xf32>
    %add3A_2817 = arith.addf %add3A_2813, %mul3A_2816 : vector<16xf32>
    %get3A_2818 = arith.constant 2352 : index
    %get3A_2819 = tpu.vector_load %arg11[%get3A_2818] {strides = array<i32>} : memref<4096xf32, #tpu.memory_space<vmem>>, vector<16xf32>,
    %mul3A_2820 = arith.mulf %get3A_2819, %get3A_2078 : vector<16xf32>
    %add3A_2821 = arith.addf %add3A_2817, %mul3A_2820 : vector<16xf32>
    %get3A_2822 = arith.constant 2368 : index
    %get3A_2823 = tpu.vector_load %arg11[%get3A_2822] {strides = array<i32>} : memref<4096xf32, #tpu.memory_space<vmem>>, vector<16xf32>,
    %mul3A_2824 = arith.mulf %get3A_2823, %get3A_2080 : vector<16xf32>
    %add3A_2825 = arith.addf %add3A_2821, %mul3A_2824 : vector<16xf32>
    %get3A_2826 = arith.constant 2384 : index
    %get3A_2827 = tpu.vector_load %arg11[%get3A_2826] {strides = array<i32>} : memref<4096xf32, #tpu.memory_space<vmem>>, vector<16xf32>,
    %mul3A_2828 = arith.mulf %get3A_2827, %get3A_2082 : vector<16xf32>
    %add3A_2829 = arith.addf %add3A_2825, %mul3A_2828 : vector<16xf32>
    %get3A_2830 = arith.constant 2400 : index
    %get3A_2831 = tpu.vector_load %arg11[%get3A_2830] {strides = array<i32>} : memref<4096xf32, #tpu.memory_space<vmem>>, vector<16xf32>,
    %mul3A_2832 = arith.mulf %get3A_2831, %get3A_2084 : vector<16xf32>
    %add3A_2833 = arith.addf %add3A_2829, %mul3A_2832 : vector<16xf32>
    %get3A_2834 = arith.constant 2416 : index
    %get3A_2835 = tpu.vector_load %arg11[%get3A_2834] {strides = array<i32>} : memref<4096xf32, #tpu.memory_space<vmem>>, vector<16xf32>,
    %mul3A_2836 = arith.mulf %get3A_2835, %get3A_2086 : vector<16xf32>
    %add3A_2837 = arith.addf %add3A_2833, %mul3A_2836 : vector<16xf32>
    %reduce_sum3A_2838 = arith.constant true
    %reduce_sum3A_2839 = vector.broadcast %reduce_sum3A_2838 : i1 to vector<16xi1>
    %reduce_sum3A_2840 = tpu.scan <sum>, %add3A_2837 masked %reduce_sum3A_2839 : vector<16xf32>, vector<16xi1> -> vector<16xf32>
    %reduce_sum3A_2841 = vector.extract %reduce_sum3A_2840[15] : f32 from vector<16xf32>
    %get3A_2842 = arith.constant 2432 : index
    %get3A_2843 = tpu.vector_load %arg11[%get3A_2842] {strides = array<i32>} : memref<4096xf32, #tpu.memory_space<vmem>>, vector<16xf32>,
    %mul3A_2844 = arith.mulf %get3A_2843, %get3A_2072 : vector<16xf32>
    %get3A_2845 = arith.constant 2448 : index
    %get3A_2846 = tpu.vector_load %arg11[%get3A_2845] {strides = array<i32>} : memref<4096xf32, #tpu.memory_space<vmem>>, vector<16xf32>,
    %mul3A_2847 = arith.mulf %get3A_2846, %get3A_2074 : vector<16xf32>
    %add3A_2848 = arith.addf %mul3A_2844, %mul3A_2847 : vector<16xf32>
    %get3A_2849 = arith.constant 2464 : index
    %get3A_2850 = tpu.vector_load %arg11[%get3A_2849] {strides = array<i32>} : memref<4096xf32, #tpu.memory_space<vmem>>, vector<16xf32>,
    %mul3A_2851 = arith.mulf %get3A_2850, %get3A_2076 : vector<16xf32>
    %add3A_2852 = arith.addf %add3A_2848, %mul3A_2851 : vector<16xf32>
    %get3A_2853 = arith.constant 2480 : index
    %get3A_2854 = tpu.vector_load %arg11[%get3A_2853] {strides = array<i32>} : memref<4096xf32, #tpu.memory_space<vmem>>, vector<16xf32>,
    %mul3A_2855 = arith.mulf %get3A_2854, %get3A_2078 : vector<16xf32>
    %add3A_2856 = arith.addf %add3A_2852, %mul3A_2855 : vector<16xf32>
    %get3A_2857 = arith.constant 2496 : index
    %get3A_2858 = tpu.vector_load %arg11[%get3A_2857] {strides = array<i32>} : memref<4096xf32, #tpu.memory_space<vmem>>, vector<16xf32>,
    %mul3A_2859 = arith.mulf %get3A_2858, %get3A_2080 : vector<16xf32>
    %add3A_2860 = arith.addf %add3A_2856, %mul3A_2859 : vector<16xf32>
    %get3A_2861 = arith.constant 2512 : index
    %get3A_2862 = tpu.vector_load %arg11[%get3A_2861] {strides = array<i32>} : memref<4096xf32, #tpu.memory_space<vmem>>, vector<16xf32>,
    %mul3A_2863 = arith.mulf %get3A_2862, %get3A_2082 : vector<16xf32>
    %add3A_2864 = arith.addf %add3A_2860, %mul3A_2863 : vector<16xf32>
    %get3A_2865 = arith.constant 2528 : index
    %get3A_2866 = tpu.vector_load %arg11[%get3A_2865] {strides = array<i32>} : memref<4096xf32, #tpu.memory_space<vmem>>, vector<16xf32>,
    %mul3A_2867 = arith.mulf %get3A_2866, %get3A_2084 : vector<16xf32>
    %add3A_2868 = arith.addf %add3A_2864, %mul3A_2867 : vector<16xf32>
    %get3A_2869 = arith.constant 2544 : index
    %get3A_2870 = tpu.vector_load %arg11[%get3A_2869] {strides = array<i32>} : memref<4096xf32, #tpu.memory_space<vmem>>, vector<16xf32>,
    %mul3A_2871 = arith.mulf %get3A_2870, %get3A_2086 : vector<16xf32>
    %add3A_2872 = arith.addf %add3A_2868, %mul3A_2871 : vector<16xf32>
    %reduce_sum3A_2873 = arith.constant true
    %reduce_sum3A_2874 = vector.broadcast %reduce_sum3A_2873 : i1 to vector<16xi1>
    %reduce_sum3A_2875 = tpu.scan <sum>, %add3A_2872 masked %reduce_sum3A_2874 : vector<16xf32>, vector<16xi1> -> vector<16xf32>
    %reduce_sum3A_2876 = vector.extract %reduce_sum3A_2875[15] : f32 from vector<16xf32>
    %get3A_2877 = arith.constant 2560 : index
    %get3A_2878 = tpu.vector_load %arg11[%get3A_2877] {strides = array<i32>} : memref<4096xf32, #tpu.memory_space<vmem>>, vector<16xf32>,
    %mul3A_2879 = arith.mulf %get3A_2878, %get3A_2072 : vector<16xf32>
    %get3A_2880 = arith.constant 2576 : index
    %get3A_2881 = tpu.vector_load %arg11[%get3A_2880] {strides = array<i32>} : memref<4096xf32, #tpu.memory_space<vmem>>, vector<16xf32>,
    %mul3A_2882 = arith.mulf %get3A_2881, %get3A_2074 : vector<16xf32>
    %add3A_2883 = arith.addf %mul3A_2879, %mul3A_2882 : vector<16xf32>
    %get3A_2884 = arith.constant 2592 : index
    %get3A_2885 = tpu.vector_load %arg11[%get3A_2884] {strides = array<i32>} : memref<4096xf32, #tpu.memory_space<vmem>>, vector<16xf32>,
    %mul3A_2886 = arith.mulf %get3A_2885, %get3A_2076 : vector<16xf32>
    %add3A_2887 = arith.addf %add3A_2883, %mul3A_2886 : vector<16xf32>
    %get3A_2888 = arith.constant 2608 : index
    %get3A_2889 = tpu.vector_load %arg11[%get3A_2888] {strides = array<i32>} : memref<4096xf32, #tpu.memory_space<vmem>>, vector<16xf32>,
    %mul3A_2890 = arith.mulf %get3A_2889, %get3A_2078 : vector<16xf32>
    %add3A_2891 = arith.addf %add3A_2887, %mul3A_2890 : vector<16xf32>
    %get3A_2892 = arith.constant 2624 : index
    %get3A_2893 = tpu.vector_load %arg11[%get3A_2892] {strides = array<i32>} : memref<4096xf32, #tpu.memory_space<vmem>>, vector<16xf32>,
    %mul3A_2894 = arith.mulf %get3A_2893, %get3A_2080 : vector<16xf32>
    %add3A_2895 = arith.addf %add3A_2891, %mul3A_2894 : vector<16xf32>
    %get3A_2896 = arith.constant 2640 : index
    %get3A_2897 = tpu.vector_load %arg11[%get3A_2896] {strides = array<i32>} : memref<4096xf32, #tpu.memory_space<vmem>>, vector<16xf32>,
    %mul3A_2898 = arith.mulf %get3A_2897, %get3A_2082 : vector<16xf32>
    %add3A_2899 = arith.addf %add3A_2895, %mul3A_2898 : vector<16xf32>
    %get3A_2900 = arith.constant 2656 : index
    %get3A_2901 = tpu.vector_load %arg11[%get3A_2900] {strides = array<i32>} : memref<4096xf32, #tpu.memory_space<vmem>>, vector<16xf32>,
    %mul3A_2902 = arith.mulf %get3A_2901, %get3A_2084 : vector<16xf32>
    %add3A_2903 = arith.addf %add3A_2899, %mul3A_2902 : vector<16xf32>
    %get3A_2904 = arith.constant 2672 : index
    %get3A_2905 = tpu.vector_load %arg11[%get3A_2904] {strides = array<i32>} : memref<4096xf32, #tpu.memory_space<vmem>>, vector<16xf32>,
    %mul3A_2906 = arith.mulf %get3A_2905, %get3A_2086 : vector<16xf32>
    %add3A_2907 = arith.addf %add3A_2903, %mul3A_2906 : vector<16xf32>
    %reduce_sum3A_2908 = arith.constant true
    %reduce_sum3A_2909 = vector.broadcast %reduce_sum3A_2908 : i1 to vector<16xi1>
    %reduce_sum3A_2910 = tpu.scan <sum>, %add3A_2907 masked %reduce_sum3A_2909 : vector<16xf32>, vector<16xi1> -> vector<16xf32>
    %reduce_sum3A_2911 = vector.extract %reduce_sum3A_2910[15] : f32 from vector<16xf32>
    %get3A_2912 = arith.constant 2688 : index
    %get3A_2913 = tpu.vector_load %arg11[%get3A_2912] {strides = array<i32>} : memref<4096xf32, #tpu.memory_space<vmem>>, vector<16xf32>,
    %mul3A_2914 = arith.mulf %get3A_2913, %get3A_2072 : vector<16xf32>
    %get3A_2915 = arith.constant 2704 : index
    %get3A_2916 = tpu.vector_load %arg11[%get3A_2915] {strides = array<i32>} : memref<4096xf32, #tpu.memory_space<vmem>>, vector<16xf32>,
    %mul3A_2917 = arith.mulf %get3A_2916, %get3A_2074 : vector<16xf32>
    %add3A_2918 = arith.addf %mul3A_2914, %mul3A_2917 : vector<16xf32>
    %get3A_2919 = arith.constant 2720 : index
    %get3A_2920 = tpu.vector_load %arg11[%get3A_2919] {strides = array<i32>} : memref<4096xf32, #tpu.memory_space<vmem>>, vector<16xf32>,
    %mul3A_2921 = arith.mulf %get3A_2920, %get3A_2076 : vector<16xf32>
    %add3A_2922 = arith.addf %add3A_2918, %mul3A_2921 : vector<16xf32>
    %get3A_2923 = arith.constant 2736 : index
    %get3A_2924 = tpu.vector_load %arg11[%get3A_2923] {strides = array<i32>} : memref<4096xf32, #tpu.memory_space<vmem>>, vector<16xf32>,
    %mul3A_2925 = arith.mulf %get3A_2924, %get3A_2078 : vector<16xf32>
    %add3A_2926 = arith.addf %add3A_2922, %mul3A_2925 : vector<16xf32>
    %get3A_2927 = arith.constant 2752 : index
    %get3A_2928 = tpu.vector_load %arg11[%get3A_2927] {strides = array<i32>} : memref<4096xf32, #tpu.memory_space<vmem>>, vector<16xf32>,
    %mul3A_2929 = arith.mulf %get3A_2928, %get3A_2080 : vector<16xf32>
    %add3A_2930 = arith.addf %add3A_2926, %mul3A_2929 : vector<16xf32>
    %get3A_2931 = arith.constant 2768 : index
    %get3A_2932 = tpu.vector_load %arg11[%get3A_2931] {strides = array<i32>} : memref<4096xf32, #tpu.memory_space<vmem>>, vector<16xf32>,
    %mul3A_2933 = arith.mulf %get3A_2932, %get3A_2082 : vector<16xf32>
    %add3A_2934 = arith.addf %add3A_2930, %mul3A_2933 : vector<16xf32>
    %get3A_2935 = arith.constant 2784 : index
    %get3A_2936 = tpu.vector_load %arg11[%get3A_2935] {strides = array<i32>} : memref<4096xf32, #tpu.memory_space<vmem>>, vector<16xf32>,
    %mul3A_2937 = arith.mulf %get3A_2936, %get3A_2084 : vector<16xf32>
    %add3A_2938 = arith.addf %add3A_2934, %mul3A_2937 : vector<16xf32>
    %get3A_2939 = arith.constant 2800 : index
    %get3A_2940 = tpu.vector_load %arg11[%get3A_2939] {strides = array<i32>} : memref<4096xf32, #tpu.memory_space<vmem>>, vector<16xf32>,
    %mul3A_2941 = arith.mulf %get3A_2940, %get3A_2086 : vector<16xf32>
    %add3A_2942 = arith.addf %add3A_2938, %mul3A_2941 : vector<16xf32>
    %reduce_sum3A_2943 = arith.constant true
    %reduce_sum3A_2944 = vector.broadcast %reduce_sum3A_2943 : i1 to vector<16xi1>
    %reduce_sum3A_2945 = tpu.scan <sum>, %add3A_2942 masked %reduce_sum3A_2944 : vector<16xf32>, vector<16xi1> -> vector<16xf32>
    %reduce_sum3A_2946 = vector.extract %reduce_sum3A_2945[15] : f32 from vector<16xf32>
    %get3A_2947 = arith.constant 2816 : index
    %get3A_2948 = tpu.vector_load %arg11[%get3A_2947] {strides = array<i32>} : memref<4096xf32, #tpu.memory_space<vmem>>, vector<16xf32>,
    %mul3A_2949 = arith.mulf %get3A_2948, %get3A_2072 : vector<16xf32>
    %get3A_2950 = arith.constant 2832 : index
    %get3A_2951 = tpu.vector_load %arg11[%get3A_2950] {strides = array<i32>} : memref<4096xf32, #tpu.memory_space<vmem>>, vector<16xf32>,
    %mul3A_2952 = arith.mulf %get3A_2951, %get3A_2074 : vector<16xf32>
    %add3A_2953 = arith.addf %mul3A_2949, %mul3A_2952 : vector<16xf32>
    %get3A_2954 = arith.constant 2848 : index
    %get3A_2955 = tpu.vector_load %arg11[%get3A_2954] {strides = array<i32>} : memref<4096xf32, #tpu.memory_space<vmem>>, vector<16xf32>,
    %mul3A_2956 = arith.mulf %get3A_2955, %get3A_2076 : vector<16xf32>
    %add3A_2957 = arith.addf %add3A_2953, %mul3A_2956 : vector<16xf32>
    %get3A_2958 = arith.constant 2864 : index
    %get3A_2959 = tpu.vector_load %arg11[%get3A_2958] {strides = array<i32>} : memref<4096xf32, #tpu.memory_space<vmem>>, vector<16xf32>,
    %mul3A_2960 = arith.mulf %get3A_2959, %get3A_2078 : vector<16xf32>
    %add3A_2961 = arith.addf %add3A_2957, %mul3A_2960 : vector<16xf32>
    %get3A_2962 = arith.constant 2880 : index
    %get3A_2963 = tpu.vector_load %arg11[%get3A_2962] {strides = array<i32>} : memref<4096xf32, #tpu.memory_space<vmem>>, vector<16xf32>,
    %mul3A_2964 = arith.mulf %get3A_2963, %get3A_2080 : vector<16xf32>
    %add3A_2965 = arith.addf %add3A_2961, %mul3A_2964 : vector<16xf32>
    %get3A_2966 = arith.constant 2896 : index
    %get3A_2967 = tpu.vector_load %arg11[%get3A_2966] {strides = array<i32>} : memref<4096xf32, #tpu.memory_space<vmem>>, vector<16xf32>,
    %mul3A_2968 = arith.mulf %get3A_2967, %get3A_2082 : vector<16xf32>
    %add3A_2969 = arith.addf %add3A_2965, %mul3A_2968 : vector<16xf32>
    %get3A_2970 = arith.constant 2912 : index
    %get3A_2971 = tpu.vector_load %arg11[%get3A_2970] {strides = array<i32>} : memref<4096xf32, #tpu.memory_space<vmem>>, vector<16xf32>,
    %mul3A_2972 = arith.mulf %get3A_2971, %get3A_2084 : vector<16xf32>
    %add3A_2973 = arith.addf %add3A_2969, %mul3A_2972 : vector<16xf32>
    %get3A_2974 = arith.constant 2928 : index
    %get3A_2975 = tpu.vector_load %arg11[%get3A_2974] {strides = array<i32>} : memref<4096xf32, #tpu.memory_space<vmem>>, vector<16xf32>,
    %mul3A_2976 = arith.mulf %get3A_2975, %get3A_2086 : vector<16xf32>
    %add3A_2977 = arith.addf %add3A_2973, %mul3A_2976 : vector<16xf32>
    %reduce_sum3A_2978 = arith.constant true
    %reduce_sum3A_2979 = vector.broadcast %reduce_sum3A_2978 : i1 to vector<16xi1>
    %reduce_sum3A_2980 = tpu.scan <sum>, %add3A_2977 masked %reduce_sum3A_2979 : vector<16xf32>, vector<16xi1> -> vector<16xf32>
    %reduce_sum3A_2981 = vector.extract %reduce_sum3A_2980[15] : f32 from vector<16xf32>
    %get3A_2982 = arith.constant 2944 : index
    %get3A_2983 = tpu.vector_load %arg11[%get3A_2982] {strides = array<i32>} : memref<4096xf32, #tpu.memory_space<vmem>>, vector<16xf32>,
    %mul3A_2984 = arith.mulf %get3A_2983, %get3A_2072 : vector<16xf32>
    %get3A_2985 = arith.constant 2960 : index
    %get3A_2986 = tpu.vector_load %arg11[%get3A_2985] {strides = array<i32>} : memref<4096xf32, #tpu.memory_space<vmem>>, vector<16xf32>,
    %mul3A_2987 = arith.mulf %get3A_2986, %get3A_2074 : vector<16xf32>
    %add3A_2988 = arith.addf %mul3A_2984, %mul3A_2987 : vector<16xf32>
    %get3A_2989 = arith.constant 2976 : index
    %get3A_2990 = tpu.vector_load %arg11[%get3A_2989] {strides = array<i32>} : memref<4096xf32, #tpu.memory_space<vmem>>, vector<16xf32>,
    %mul3A_2991 = arith.mulf %get3A_2990, %get3A_2076 : vector<16xf32>
    %add3A_2992 = arith.addf %add3A_2988, %mul3A_2991 : vector<16xf32>
    %get3A_2993 = arith.constant 2992 : index
    %get3A_2994 = tpu.vector_load %arg11[%get3A_2993] {strides = array<i32>} : memref<4096xf32, #tpu.memory_space<vmem>>, vector<16xf32>,
    %mul3A_2995 = arith.mulf %get3A_2994, %get3A_2078 : vector<16xf32>
    %add3A_2996 = arith.addf %add3A_2992, %mul3A_2995 : vector<16xf32>
    %get3A_2997 = arith.constant 3008 : index
    %get3A_2998 = tpu.vector_load %arg11[%get3A_2997] {strides = array<i32>} : memref<4096xf32, #tpu.memory_space<vmem>>, vector<16xf32>,
    %mul3A_2999 = arith.mulf %get3A_2998, %get3A_2080 : vector<16xf32>
    %add3A_3000 = arith.addf %add3A_2996, %mul3A_2999 : vector<16xf32>
    %get3A_3001 = arith.constant 3024 : index
    %get3A_3002 = tpu.vector_load %arg11[%get3A_3001] {strides = array<i32>} : memref<4096xf32, #tpu.memory_space<vmem>>, vector<16xf32>,
    %mul3A_3003 = arith.mulf %get3A_3002, %get3A_2082 : vector<16xf32>
    %add3A_3004 = arith.addf %add3A_3000, %mul3A_3003 : vector<16xf32>
    %get3A_3005 = arith.constant 3040 : index
    %get3A_3006 = tpu.vector_load %arg11[%get3A_3005] {strides = array<i32>} : memref<4096xf32, #tpu.memory_space<vmem>>, vector<16xf32>,
    %mul3A_3007 = arith.mulf %get3A_3006, %get3A_2084 : vector<16xf32>
    %add3A_3008 = arith.addf %add3A_3004, %mul3A_3007 : vector<16xf32>
    %get3A_3009 = arith.constant 3056 : index
    %get3A_3010 = tpu.vector_load %arg11[%get3A_3009] {strides = array<i32>} : memref<4096xf32, #tpu.memory_space<vmem>>, vector<16xf32>,
    %mul3A_3011 = arith.mulf %get3A_3010, %get3A_2086 : vector<16xf32>
    %add3A_3012 = arith.addf %add3A_3008, %mul3A_3011 : vector<16xf32>
    %reduce_sum3A_3013 = arith.constant true
    %reduce_sum3A_3014 = vector.broadcast %reduce_sum3A_3013 : i1 to vector<16xi1>
    %reduce_sum3A_3015 = tpu.scan <sum>, %add3A_3012 masked %reduce_sum3A_3014 : vector<16xf32>, vector<16xi1> -> vector<16xf32>
    %reduce_sum3A_3016 = vector.extract %reduce_sum3A_3015[15] : f32 from vector<16xf32>
    %get3A_3017 = arith.constant 3072 : index
    %get3A_3018 = tpu.vector_load %arg11[%get3A_3017] {strides = array<i32>} : memref<4096xf32, #tpu.memory_space<vmem>>, vector<16xf32>,
    %mul3A_3019 = arith.mulf %get3A_3018, %get3A_2072 : vector<16xf32>
    %get3A_3020 = arith.constant 3088 : index
    %get3A_3021 = tpu.vector_load %arg11[%get3A_3020] {strides = array<i32>} : memref<4096xf32, #tpu.memory_space<vmem>>, vector<16xf32>,
    %mul3A_3022 = arith.mulf %get3A_3021, %get3A_2074 : vector<16xf32>
    %add3A_3023 = arith.addf %mul3A_3019, %mul3A_3022 : vector<16xf32>
    %get3A_3024 = arith.constant 3104 : index
    %get3A_3025 = tpu.vector_load %arg11[%get3A_3024] {strides = array<i32>} : memref<4096xf32, #tpu.memory_space<vmem>>, vector<16xf32>,
    %mul3A_3026 = arith.mulf %get3A_3025, %get3A_2076 : vector<16xf32>
    %add3A_3027 = arith.addf %add3A_3023, %mul3A_3026 : vector<16xf32>
    %get3A_3028 = arith.constant 3120 : index
    %get3A_3029 = tpu.vector_load %arg11[%get3A_3028] {strides = array<i32>} : memref<4096xf32, #tpu.memory_space<vmem>>, vector<16xf32>,
    %mul3A_3030 = arith.mulf %get3A_3029, %get3A_2078 : vector<16xf32>
    %add3A_3031 = arith.addf %add3A_3027, %mul3A_3030 : vector<16xf32>
    %get3A_3032 = arith.constant 3136 : index
    %get3A_3033 = tpu.vector_load %arg11[%get3A_3032] {strides = array<i32>} : memref<4096xf32, #tpu.memory_space<vmem>>, vector<16xf32>,
    %mul3A_3034 = arith.mulf %get3A_3033, %get3A_2080 : vector<16xf32>
    %add3A_3035 = arith.addf %add3A_3031, %mul3A_3034 : vector<16xf32>
    %get3A_3036 = arith.constant 3152 : index
    %get3A_3037 = tpu.vector_load %arg11[%get3A_3036] {strides = array<i32>} : memref<4096xf32, #tpu.memory_space<vmem>>, vector<16xf32>,
    %mul3A_3038 = arith.mulf %get3A_3037, %get3A_2082 : vector<16xf32>
    %add3A_3039 = arith.addf %add3A_3035, %mul3A_3038 : vector<16xf32>
    %get3A_3040 = arith.constant 3168 : index
    %get3A_3041 = tpu.vector_load %arg11[%get3A_3040] {strides = array<i32>} : memref<4096xf32, #tpu.memory_space<vmem>>, vector<16xf32>,
    %mul3A_3042 = arith.mulf %get3A_3041, %get3A_2084 : vector<16xf32>
    %add3A_3043 = arith.addf %add3A_3039, %mul3A_3042 : vector<16xf32>
    %get3A_3044 = arith.constant 3184 : index
    %get3A_3045 = tpu.vector_load %arg11[%get3A_3044] {strides = array<i32>} : memref<4096xf32, #tpu.memory_space<vmem>>, vector<16xf32>,
    %mul3A_3046 = arith.mulf %get3A_3045, %get3A_2086 : vector<16xf32>
    %add3A_3047 = arith.addf %add3A_3043, %mul3A_3046 : vector<16xf32>
    %reduce_sum3A_3048 = arith.constant true
    %reduce_sum3A_3049 = vector.broadcast %reduce_sum3A_3048 : i1 to vector<16xi1>
    %reduce_sum3A_3050 = tpu.scan <sum>, %add3A_3047 masked %reduce_sum3A_3049 : vector<16xf32>, vector<16xi1> -> vector<16xf32>
    %reduce_sum3A_3051 = vector.extract %reduce_sum3A_3050[15] : f32 from vector<16xf32>
    %get3A_3052 = arith.constant 3200 : index
    %get3A_3053 = tpu.vector_load %arg11[%get3A_3052] {strides = array<i32>} : memref<4096xf32, #tpu.memory_space<vmem>>, vector<16xf32>,
    %mul3A_3054 = arith.mulf %get3A_3053, %get3A_2072 : vector<16xf32>
    %get3A_3055 = arith.constant 3216 : index
    %get3A_3056 = tpu.vector_load %arg11[%get3A_3055] {strides = array<i32>} : memref<4096xf32, #tpu.memory_space<vmem>>, vector<16xf32>,
    %mul3A_3057 = arith.mulf %get3A_3056, %get3A_2074 : vector<16xf32>
    %add3A_3058 = arith.addf %mul3A_3054, %mul3A_3057 : vector<16xf32>
    %get3A_3059 = arith.constant 3232 : index
    %get3A_3060 = tpu.vector_load %arg11[%get3A_3059] {strides = array<i32>} : memref<4096xf32, #tpu.memory_space<vmem>>, vector<16xf32>,
    %mul3A_3061 = arith.mulf %get3A_3060, %get3A_2076 : vector<16xf32>
    %add3A_3062 = arith.addf %add3A_3058, %mul3A_3061 : vector<16xf32>
    %get3A_3063 = arith.constant 3248 : index
    %get3A_3064 = tpu.vector_load %arg11[%get3A_3063] {strides = array<i32>} : memref<4096xf32, #tpu.memory_space<vmem>>, vector<16xf32>,
    %mul3A_3065 = arith.mulf %get3A_3064, %get3A_2078 : vector<16xf32>
    %add3A_3066 = arith.addf %add3A_3062, %mul3A_3065 : vector<16xf32>
    %get3A_3067 = arith.constant 3264 : index
    %get3A_3068 = tpu.vector_load %arg11[%get3A_3067] {strides = array<i32>} : memref<4096xf32, #tpu.memory_space<vmem>>, vector<16xf32>,
    %mul3A_3069 = arith.mulf %get3A_3068, %get3A_2080 : vector<16xf32>
    %add3A_3070 = arith.addf %add3A_3066, %mul3A_3069 : vector<16xf32>
    %get3A_3071 = arith.constant 3280 : index
    %get3A_3072 = tpu.vector_load %arg11[%get3A_3071] {strides = array<i32>} : memref<4096xf32, #tpu.memory_space<vmem>>, vector<16xf32>,
    %mul3A_3073 = arith.mulf %get3A_3072, %get3A_2082 : vector<16xf32>
    %add3A_3074 = arith.addf %add3A_3070, %mul3A_3073 : vector<16xf32>
    %get3A_3075 = arith.constant 3296 : index
    %get3A_3076 = tpu.vector_load %arg11[%get3A_3075] {strides = array<i32>} : memref<4096xf32, #tpu.memory_space<vmem>>, vector<16xf32>,
    %mul3A_3077 = arith.mulf %get3A_3076, %get3A_2084 : vector<16xf32>
    %add3A_3078 = arith.addf %add3A_3074, %mul3A_3077 : vector<16xf32>
    %get3A_3079 = arith.constant 3312 : index
    %get3A_3080 = tpu.vector_load %arg11[%get3A_3079] {strides = array<i32>} : memref<4096xf32, #tpu.memory_space<vmem>>, vector<16xf32>,
    %mul3A_3081 = arith.mulf %get3A_3080, %get3A_2086 : vector<16xf32>
    %add3A_3082 = arith.addf %add3A_3078, %mul3A_3081 : vector<16xf32>
    %reduce_sum3A_3083 = arith.constant true
    %reduce_sum3A_3084 = vector.broadcast %reduce_sum3A_3083 : i1 to vector<16xi1>
    %reduce_sum3A_3085 = tpu.scan <sum>, %add3A_3082 masked %reduce_sum3A_3084 : vector<16xf32>, vector<16xi1> -> vector<16xf32>
    %reduce_sum3A_3086 = vector.extract %reduce_sum3A_3085[15] : f32 from vector<16xf32>
    %get3A_3087 = arith.constant 3328 : index
    %get3A_3088 = tpu.vector_load %arg11[%get3A_3087] {strides = array<i32>} : memref<4096xf32, #tpu.memory_space<vmem>>, vector<16xf32>,
    %mul3A_3089 = arith.mulf %get3A_3088, %get3A_2072 : vector<16xf32>
    %get3A_3090 = arith.constant 3344 : index
    %get3A_3091 = tpu.vector_load %arg11[%get3A_3090] {strides = array<i32>} : memref<4096xf32, #tpu.memory_space<vmem>>, vector<16xf32>,
    %mul3A_3092 = arith.mulf %get3A_3091, %get3A_2074 : vector<16xf32>
    %add3A_3093 = arith.addf %mul3A_3089, %mul3A_3092 : vector<16xf32>
    %get3A_3094 = arith.constant 3360 : index
    %get3A_3095 = tpu.vector_load %arg11[%get3A_3094] {strides = array<i32>} : memref<4096xf32, #tpu.memory_space<vmem>>, vector<16xf32>,
    %mul3A_3096 = arith.mulf %get3A_3095, %get3A_2076 : vector<16xf32>
    %add3A_3097 = arith.addf %add3A_3093, %mul3A_3096 : vector<16xf32>
    %get3A_3098 = arith.constant 3376 : index
    %get3A_3099 = tpu.vector_load %arg11[%get3A_3098] {strides = array<i32>} : memref<4096xf32, #tpu.memory_space<vmem>>, vector<16xf32>,
    %mul3A_3100 = arith.mulf %get3A_3099, %get3A_2078 : vector<16xf32>
    %add3A_3101 = arith.addf %add3A_3097, %mul3A_3100 : vector<16xf32>
    %get3A_3102 = arith.constant 3392 : index
    %get3A_3103 = tpu.vector_load %arg11[%get3A_3102] {strides = array<i32>} : memref<4096xf32, #tpu.memory_space<vmem>>, vector<16xf32>,
    %mul3A_3104 = arith.mulf %get3A_3103, %get3A_2080 : vector<16xf32>
    %add3A_3105 = arith.addf %add3A_3101, %mul3A_3104 : vector<16xf32>
    %get3A_3106 = arith.constant 3408 : index
    %get3A_3107 = tpu.vector_load %arg11[%get3A_3106] {strides = array<i32>} : memref<4096xf32, #tpu.memory_space<vmem>>, vector<16xf32>,
    %mul3A_3108 = arith.mulf %get3A_3107, %get3A_2082 : vector<16xf32>
    %add3A_3109 = arith.addf %add3A_3105, %mul3A_3108 : vector<16xf32>
    %get3A_3110 = arith.constant 3424 : index
    %get3A_3111 = tpu.vector_load %arg11[%get3A_3110] {strides = array<i32>} : memref<4096xf32, #tpu.memory_space<vmem>>, vector<16xf32>,
    %mul3A_3112 = arith.mulf %get3A_3111, %get3A_2084 : vector<16xf32>
    %add3A_3113 = arith.addf %add3A_3109, %mul3A_3112 : vector<16xf32>
    %get3A_3114 = arith.constant 3440 : index
    %get3A_3115 = tpu.vector_load %arg11[%get3A_3114] {strides = array<i32>} : memref<4096xf32, #tpu.memory_space<vmem>>, vector<16xf32>,
    %mul3A_3116 = arith.mulf %get3A_3115, %get3A_2086 : vector<16xf32>
    %add3A_3117 = arith.addf %add3A_3113, %mul3A_3116 : vector<16xf32>
    %reduce_sum3A_3118 = arith.constant true
    %reduce_sum3A_3119 = vector.broadcast %reduce_sum3A_3118 : i1 to vector<16xi1>
    %reduce_sum3A_3120 = tpu.scan <sum>, %add3A_3117 masked %reduce_sum3A_3119 : vector<16xf32>, vector<16xi1> -> vector<16xf32>
    %reduce_sum3A_3121 = vector.extract %reduce_sum3A_3120[15] : f32 from vector<16xf32>
    %get3A_3122 = arith.constant 3456 : index
    %get3A_3123 = tpu.vector_load %arg11[%get3A_3122] {strides = array<i32>} : memref<4096xf32, #tpu.memory_space<vmem>>, vector<16xf32>,
    %mul3A_3124 = arith.mulf %get3A_3123, %get3A_2072 : vector<16xf32>
    %get3A_3125 = arith.constant 3472 : index
    %get3A_3126 = tpu.vector_load %arg11[%get3A_3125] {strides = array<i32>} : memref<4096xf32, #tpu.memory_space<vmem>>, vector<16xf32>,
    %mul3A_3127 = arith.mulf %get3A_3126, %get3A_2074 : vector<16xf32>
    %add3A_3128 = arith.addf %mul3A_3124, %mul3A_3127 : vector<16xf32>
    %get3A_3129 = arith.constant 3488 : index
    %get3A_3130 = tpu.vector_load %arg11[%get3A_3129] {strides = array<i32>} : memref<4096xf32, #tpu.memory_space<vmem>>, vector<16xf32>,
    %mul3A_3131 = arith.mulf %get3A_3130, %get3A_2076 : vector<16xf32>
    %add3A_3132 = arith.addf %add3A_3128, %mul3A_3131 : vector<16xf32>
    %get3A_3133 = arith.constant 3504 : index
    %get3A_3134 = tpu.vector_load %arg11[%get3A_3133] {strides = array<i32>} : memref<4096xf32, #tpu.memory_space<vmem>>, vector<16xf32>,
    %mul3A_3135 = arith.mulf %get3A_3134, %get3A_2078 : vector<16xf32>
    %add3A_3136 = arith.addf %add3A_3132, %mul3A_3135 : vector<16xf32>
    %get3A_3137 = arith.constant 3520 : index
    %get3A_3138 = tpu.vector_load %arg11[%get3A_3137] {strides = array<i32>} : memref<4096xf32, #tpu.memory_space<vmem>>, vector<16xf32>,
    %mul3A_3139 = arith.mulf %get3A_3138, %get3A_2080 : vector<16xf32>
    %add3A_3140 = arith.addf %add3A_3136, %mul3A_3139 : vector<16xf32>
    %get3A_3141 = arith.constant 3536 : index
    %get3A_3142 = tpu.vector_load %arg11[%get3A_3141] {strides = array<i32>} : memref<4096xf32, #tpu.memory_space<vmem>>, vector<16xf32>,
    %mul3A_3143 = arith.mulf %get3A_3142, %get3A_2082 : vector<16xf32>
    %add3A_3144 = arith.addf %add3A_3140, %mul3A_3143 : vector<16xf32>
    %get3A_3145 = arith.constant 3552 : index
    %get3A_3146 = tpu.vector_load %arg11[%get3A_3145] {strides = array<i32>} : memref<4096xf32, #tpu.memory_space<vmem>>, vector<16xf32>,
    %mul3A_3147 = arith.mulf %get3A_3146, %get3A_2084 : vector<16xf32>
    %add3A_3148 = arith.addf %add3A_3144, %mul3A_3147 : vector<16xf32>
    %get3A_3149 = arith.constant 3568 : index
    %get3A_3150 = tpu.vector_load %arg11[%get3A_3149] {strides = array<i32>} : memref<4096xf32, #tpu.memory_space<vmem>>, vector<16xf32>,
    %mul3A_3151 = arith.mulf %get3A_3150, %get3A_2086 : vector<16xf32>
    %add3A_3152 = arith.addf %add3A_3148, %mul3A_3151 : vector<16xf32>
    %reduce_sum3A_3153 = arith.constant true
    %reduce_sum3A_3154 = vector.broadcast %reduce_sum3A_3153 : i1 to vector<16xi1>
    %reduce_sum3A_3155 = tpu.scan <sum>, %add3A_3152 masked %reduce_sum3A_3154 : vector<16xf32>, vector<16xi1> -> vector<16xf32>
    %reduce_sum3A_3156 = vector.extract %reduce_sum3A_3155[15] : f32 from vector<16xf32>
    %get3A_3157 = arith.constant 3584 : index
    %get3A_3158 = tpu.vector_load %arg11[%get3A_3157] {strides = array<i32>} : memref<4096xf32, #tpu.memory_space<vmem>>, vector<16xf32>,
    %mul3A_3159 = arith.mulf %get3A_3158, %get3A_2072 : vector<16xf32>
    %get3A_3160 = arith.constant 3600 : index
    %get3A_3161 = tpu.vector_load %arg11[%get3A_3160] {strides = array<i32>} : memref<4096xf32, #tpu.memory_space<vmem>>, vector<16xf32>,
    %mul3A_3162 = arith.mulf %get3A_3161, %get3A_2074 : vector<16xf32>
    %add3A_3163 = arith.addf %mul3A_3159, %mul3A_3162 : vector<16xf32>
    %get3A_3164 = arith.constant 3616 : index
    %get3A_3165 = tpu.vector_load %arg11[%get3A_3164] {strides = array<i32>} : memref<4096xf32, #tpu.memory_space<vmem>>, vector<16xf32>,
    %mul3A_3166 = arith.mulf %get3A_3165, %get3A_2076 : vector<16xf32>
    %add3A_3167 = arith.addf %add3A_3163, %mul3A_3166 : vector<16xf32>
    %get3A_3168 = arith.constant 3632 : index
    %get3A_3169 = tpu.vector_load %arg11[%get3A_3168] {strides = array<i32>} : memref<4096xf32, #tpu.memory_space<vmem>>, vector<16xf32>,
    %mul3A_3170 = arith.mulf %get3A_3169, %get3A_2078 : vector<16xf32>
    %add3A_3171 = arith.addf %add3A_3167, %mul3A_3170 : vector<16xf32>
    %get3A_3172 = arith.constant 3648 : index
    %get3A_3173 = tpu.vector_load %arg11[%get3A_3172] {strides = array<i32>} : memref<4096xf32, #tpu.memory_space<vmem>>, vector<16xf32>,
    %mul3A_3174 = arith.mulf %get3A_3173, %get3A_2080 : vector<16xf32>
    %add3A_3175 = arith.addf %add3A_3171, %mul3A_3174 : vector<16xf32>
    %get3A_3176 = arith.constant 3664 : index
    %get3A_3177 = tpu.vector_load %arg11[%get3A_3176] {strides = array<i32>} : memref<4096xf32, #tpu.memory_space<vmem>>, vector<16xf32>,
    %mul3A_3178 = arith.mulf %get3A_3177, %get3A_2082 : vector<16xf32>
    %add3A_3179 = arith.addf %add3A_3175, %mul3A_3178 : vector<16xf32>
    %get3A_3180 = arith.constant 3680 : index
    %get3A_3181 = tpu.vector_load %arg11[%get3A_3180] {strides = array<i32>} : memref<4096xf32, #tpu.memory_space<vmem>>, vector<16xf32>,
    %mul3A_3182 = arith.mulf %get3A_3181, %get3A_2084 : vector<16xf32>
    %add3A_3183 = arith.addf %add3A_3179, %mul3A_3182 : vector<16xf32>
    %get3A_3184 = arith.constant 3696 : index
    %get3A_3185 = tpu.vector_load %arg11[%get3A_3184] {strides = array<i32>} : memref<4096xf32, #tpu.memory_space<vmem>>, vector<16xf32>,
    %mul3A_3186 = arith.mulf %get3A_3185, %get3A_2086 : vector<16xf32>
    %add3A_3187 = arith.addf %add3A_3183, %mul3A_3186 : vector<16xf32>
    %reduce_sum3A_3188 = arith.constant true
    %reduce_sum3A_3189 = vector.broadcast %reduce_sum3A_3188 : i1 to vector<16xi1>
    %reduce_sum3A_3190 = tpu.scan <sum>, %add3A_3187 masked %reduce_sum3A_3189 : vector<16xf32>, vector<16xi1> -> vector<16xf32>
    %reduce_sum3A_3191 = vector.extract %reduce_sum3A_3190[15] : f32 from vector<16xf32>
    %get3A_3192 = arith.constant 3712 : index
    %get3A_3193 = tpu.vector_load %arg11[%get3A_3192] {strides = array<i32>} : memref<4096xf32, #tpu.memory_space<vmem>>, vector<16xf32>,
    %mul3A_3194 = arith.mulf %get3A_3193, %get3A_2072 : vector<16xf32>
    %get3A_3195 = arith.constant 3728 : index
    %get3A_3196 = tpu.vector_load %arg11[%get3A_3195] {strides = array<i32>} : memref<4096xf32, #tpu.memory_space<vmem>>, vector<16xf32>,
    %mul3A_3197 = arith.mulf %get3A_3196, %get3A_2074 : vector<16xf32>
    %add3A_3198 = arith.addf %mul3A_3194, %mul3A_3197 : vector<16xf32>
    %get3A_3199 = arith.constant 3744 : index
    %get3A_3200 = tpu.vector_load %arg11[%get3A_3199] {strides = array<i32>} : memref<4096xf32, #tpu.memory_space<vmem>>, vector<16xf32>,
    %mul3A_3201 = arith.mulf %get3A_3200, %get3A_2076 : vector<16xf32>
    %add3A_3202 = arith.addf %add3A_3198, %mul3A_3201 : vector<16xf32>
    %get3A_3203 = arith.constant 3760 : index
    %get3A_3204 = tpu.vector_load %arg11[%get3A_3203] {strides = array<i32>} : memref<4096xf32, #tpu.memory_space<vmem>>, vector<16xf32>,
    %mul3A_3205 = arith.mulf %get3A_3204, %get3A_2078 : vector<16xf32>
    %add3A_3206 = arith.addf %add3A_3202, %mul3A_3205 : vector<16xf32>
    %get3A_3207 = arith.constant 3776 : index
    %get3A_3208 = tpu.vector_load %arg11[%get3A_3207] {strides = array<i32>} : memref<4096xf32, #tpu.memory_space<vmem>>, vector<16xf32>,
    %mul3A_3209 = arith.mulf %get3A_3208, %get3A_2080 : vector<16xf32>
    %add3A_3210 = arith.addf %add3A_3206, %mul3A_3209 : vector<16xf32>
    %get3A_3211 = arith.constant 3792 : index
    %get3A_3212 = tpu.vector_load %arg11[%get3A_3211] {strides = array<i32>} : memref<4096xf32, #tpu.memory_space<vmem>>, vector<16xf32>,
    %mul3A_3213 = arith.mulf %get3A_3212, %get3A_2082 : vector<16xf32>
    %add3A_3214 = arith.addf %add3A_3210, %mul3A_3213 : vector<16xf32>
    %get3A_3215 = arith.constant 3808 : index
    %get3A_3216 = tpu.vector_load %arg11[%get3A_3215] {strides = array<i32>} : memref<4096xf32, #tpu.memory_space<vmem>>, vector<16xf32>,
    %mul3A_3217 = arith.mulf %get3A_3216, %get3A_2084 : vector<16xf32>
    %add3A_3218 = arith.addf %add3A_3214, %mul3A_3217 : vector<16xf32>
    %get3A_3219 = arith.constant 3824 : index
    %get3A_3220 = tpu.vector_load %arg11[%get3A_3219] {strides = array<i32>} : memref<4096xf32, #tpu.memory_space<vmem>>, vector<16xf32>,
    %mul3A_3221 = arith.mulf %get3A_3220, %get3A_2086 : vector<16xf32>
    %add3A_3222 = arith.addf %add3A_3218, %mul3A_3221 : vector<16xf32>
    %reduce_sum3A_3223 = arith.constant true
    %reduce_sum3A_3224 = vector.broadcast %reduce_sum3A_3223 : i1 to vector<16xi1>
    %reduce_sum3A_3225 = tpu.scan <sum>, %add3A_3222 masked %reduce_sum3A_3224 : vector<16xf32>, vector<16xi1> -> vector<16xf32>
    %reduce_sum3A_3226 = vector.extract %reduce_sum3A_3225[15] : f32 from vector<16xf32>
    %get3A_3227 = arith.constant 3840 : index
    %get3A_3228 = tpu.vector_load %arg11[%get3A_3227] {strides = array<i32>} : memref<4096xf32, #tpu.memory_space<vmem>>, vector<16xf32>,
    %mul3A_3229 = arith.mulf %get3A_3228, %get3A_2072 : vector<16xf32>
    %get3A_3230 = arith.constant 3856 : index
    %get3A_3231 = tpu.vector_load %arg11[%get3A_3230] {strides = array<i32>} : memref<4096xf32, #tpu.memory_space<vmem>>, vector<16xf32>,
    %mul3A_3232 = arith.mulf %get3A_3231, %get3A_2074 : vector<16xf32>
    %add3A_3233 = arith.addf %mul3A_3229, %mul3A_3232 : vector<16xf32>
    %get3A_3234 = arith.constant 3872 : index
    %get3A_3235 = tpu.vector_load %arg11[%get3A_3234] {strides = array<i32>} : memref<4096xf32, #tpu.memory_space<vmem>>, vector<16xf32>,
    %mul3A_3236 = arith.mulf %get3A_3235, %get3A_2076 : vector<16xf32>
    %add3A_3237 = arith.addf %add3A_3233, %mul3A_3236 : vector<16xf32>
    %get3A_3238 = arith.constant 3888 : index
    %get3A_3239 = tpu.vector_load %arg11[%get3A_3238] {strides = array<i32>} : memref<4096xf32, #tpu.memory_space<vmem>>, vector<16xf32>,
    %mul3A_3240 = arith.mulf %get3A_3239, %get3A_2078 : vector<16xf32>
    %add3A_3241 = arith.addf %add3A_3237, %mul3A_3240 : vector<16xf32>
    %get3A_3242 = arith.constant 3904 : index
    %get3A_3243 = tpu.vector_load %arg11[%get3A_3242] {strides = array<i32>} : memref<4096xf32, #tpu.memory_space<vmem>>, vector<16xf32>,
    %mul3A_3244 = arith.mulf %get3A_3243, %get3A_2080 : vector<16xf32>
    %add3A_3245 = arith.addf %add3A_3241, %mul3A_3244 : vector<16xf32>
    %get3A_3246 = arith.constant 3920 : index
    %get3A_3247 = tpu.vector_load %arg11[%get3A_3246] {strides = array<i32>} : memref<4096xf32, #tpu.memory_space<vmem>>, vector<16xf32>,
    %mul3A_3248 = arith.mulf %get3A_3247, %get3A_2082 : vector<16xf32>
    %add3A_3249 = arith.addf %add3A_3245, %mul3A_3248 : vector<16xf32>
    %get3A_3250 = arith.constant 3936 : index
    %get3A_3251 = tpu.vector_load %arg11[%get3A_3250] {strides = array<i32>} : memref<4096xf32, #tpu.memory_space<vmem>>, vector<16xf32>,
    %mul3A_3252 = arith.mulf %get3A_3251, %get3A_2084 : vector<16xf32>
    %add3A_3253 = arith.addf %add3A_3249, %mul3A_3252 : vector<16xf32>
    %get3A_3254 = arith.constant 3952 : index
    %get3A_3255 = tpu.vector_load %arg11[%get3A_3254] {strides = array<i32>} : memref<4096xf32, #tpu.memory_space<vmem>>, vector<16xf32>,
    %mul3A_3256 = arith.mulf %get3A_3255, %get3A_2086 : vector<16xf32>
    %add3A_3257 = arith.addf %add3A_3253, %mul3A_3256 : vector<16xf32>
    %reduce_sum3A_3258 = arith.constant true
    %reduce_sum3A_3259 = vector.broadcast %reduce_sum3A_3258 : i1 to vector<16xi1>
    %reduce_sum3A_3260 = tpu.scan <sum>, %add3A_3257 masked %reduce_sum3A_3259 : vector<16xf32>, vector<16xi1> -> vector<16xf32>
    %reduce_sum3A_3261 = vector.extract %reduce_sum3A_3260[15] : f32 from vector<16xf32>
    %get3A_3262 = arith.constant 3968 : index
    %get3A_3263 = tpu.vector_load %arg11[%get3A_3262] {strides = array<i32>} : memref<4096xf32, #tpu.memory_space<vmem>>, vector<16xf32>,
    %mul3A_3264 = arith.mulf %get3A_3263, %get3A_2072 : vector<16xf32>
    %get3A_3265 = arith.constant 3984 : index
    %get3A_3266 = tpu.vector_load %arg11[%get3A_3265] {strides = array<i32>} : memref<4096xf32, #tpu.memory_space<vmem>>, vector<16xf32>,
    %mul3A_3267 = arith.mulf %get3A_3266, %get3A_2074 : vector<16xf32>
    %add3A_3268 = arith.addf %mul3A_3264, %mul3A_3267 : vector<16xf32>
    %get3A_3269 = arith.constant 4000 : index
    %get3A_3270 = tpu.vector_load %arg11[%get3A_3269] {strides = array<i32>} : memref<4096xf32, #tpu.memory_space<vmem>>, vector<16xf32>,
    %mul3A_3271 = arith.mulf %get3A_3270, %get3A_2076 : vector<16xf32>
    %add3A_3272 = arith.addf %add3A_3268, %mul3A_3271 : vector<16xf32>
    %get3A_3273 = arith.constant 4016 : index
    %get3A_3274 = tpu.vector_load %arg11[%get3A_3273] {strides = array<i32>} : memref<4096xf32, #tpu.memory_space<vmem>>, vector<16xf32>,
    %mul3A_3275 = arith.mulf %get3A_3274, %get3A_2078 : vector<16xf32>
    %add3A_3276 = arith.addf %add3A_3272, %mul3A_3275 : vector<16xf32>
    %get3A_3277 = arith.constant 4032 : index
    %get3A_3278 = tpu.vector_load %arg11[%get3A_3277] {strides = array<i32>} : memref<4096xf32, #tpu.memory_space<vmem>>, vector<16xf32>,
    %mul3A_3279 = arith.mulf %get3A_3278, %get3A_2080 : vector<16xf32>
    %add3A_3280 = arith.addf %add3A_3276, %mul3A_3279 : vector<16xf32>
    %get3A_3281 = arith.constant 4048 : index
    %get3A_3282 = tpu.vector_load %arg11[%get3A_3281] {strides = array<i32>} : memref<4096xf32, #tpu.memory_space<vmem>>, vector<16xf32>,
    %mul3A_3283 = arith.mulf %get3A_3282, %get3A_2082 : vector<16xf32>
    %add3A_3284 = arith.addf %add3A_3280, %mul3A_3283 : vector<16xf32>
    %get3A_3285 = arith.constant 4064 : index
    %get3A_3286 = tpu.vector_load %arg11[%get3A_3285] {strides = array<i32>} : memref<4096xf32, #tpu.memory_space<vmem>>, vector<16xf32>,
    %mul3A_3287 = arith.mulf %get3A_3286, %get3A_2084 : vector<16xf32>
    %add3A_3288 = arith.addf %add3A_3284, %mul3A_3287 : vector<16xf32>
    %get3A_3289 = arith.constant 4080 : index
    %get3A_3290 = tpu.vector_load %arg11[%get3A_3289] {strides = array<i32>} : memref<4096xf32, #tpu.memory_space<vmem>>, vector<16xf32>,
    %mul3A_3291 = arith.mulf %get3A_3290, %get3A_2086 : vector<16xf32>
    %add3A_3292 = arith.addf %add3A_3288, %mul3A_3291 : vector<16xf32>
    %reduce_sum3A_3293 = arith.constant true
    %reduce_sum3A_3294 = vector.broadcast %reduce_sum3A_3293 : i1 to vector<16xi1>
    %reduce_sum3A_3295 = tpu.scan <sum>, %add3A_3292 masked %reduce_sum3A_3294 : vector<16xf32>, vector<16xi1> -> vector<16xf32>
    %reduce_sum3A_3296 = vector.extract %reduce_sum3A_3295[15] : f32 from vector<16xf32>
    %iota3A_3297 = tpu.iota {dimensions = array<i32: 0>} : vector<16xi32>
    %broadcast_in_dim3A_3298 = arith.constant 0.000000e+00 : f32
    %broadcast_in_dim3A_3299 = vector.broadcast %broadcast_in_dim3A_3298 : f32 to vector<16xf32>
    %eq3A_3300 = arith.constant 0 : i32
    %eq3A_3301 = vector.broadcast %eq3A_3300 : i32 to vector<16xi32>
    %eq3A_3302 = arith.cmpi eq, %iota3A_3297, %eq3A_3301 : vector<16xi32>
    %broadcast_in_dim3A_3303 = vector.broadcast %reduce_sum3A_2771 : f32 to vector<16xf32>
    %select_n3A_3304 = arith.select %eq3A_3302, %broadcast_in_dim3A_3303, %broadcast_in_dim3A_3299 : vector<16xi1>, vector<16xf32>
    %eq3A_3305 = arith.constant 1 : i32
    %eq3A_3306 = vector.broadcast %eq3A_3305 : i32 to vector<16xi32>
    %eq3A_3307 = arith.cmpi eq, %iota3A_3297, %eq3A_3306 : vector<16xi32>
    %broadcast_in_dim3A_3308 = vector.broadcast %reduce_sum3A_2806 : f32 to vector<16xf32>
    %select_n3A_3309 = arith.select %eq3A_3307, %broadcast_in_dim3A_3308, %select_n3A_3304 : vector<16xi1>, vector<16xf32>
    %eq3A_3310 = arith.constant 2 : i32
    %eq3A_3311 = vector.broadcast %eq3A_3310 : i32 to vector<16xi32>
    %eq3A_3312 = arith.cmpi eq, %iota3A_3297, %eq3A_3311 : vector<16xi32>
    %broadcast_in_dim3A_3313 = vector.broadcast %reduce_sum3A_2841 : f32 to vector<16xf32>
    %select_n3A_3314 = arith.select %eq3A_3312, %broadcast_in_dim3A_3313, %select_n3A_3309 : vector<16xi1>, vector<16xf32>
    %eq3A_3315 = arith.constant 3 : i32
    %eq3A_3316 = vector.broadcast %eq3A_3315 : i32 to vector<16xi32>
    %eq3A_3317 = arith.cmpi eq, %iota3A_3297, %eq3A_3316 : vector<16xi32>
    %broadcast_in_dim3A_3318 = vector.broadcast %reduce_sum3A_2876 : f32 to vector<16xf32>
    %select_n3A_3319 = arith.select %eq3A_3317, %broadcast_in_dim3A_3318, %select_n3A_3314 : vector<16xi1>, vector<16xf32>
    %eq3A_3320 = arith.constant 4 : i32
    %eq3A_3321 = vector.broadcast %eq3A_3320 : i32 to vector<16xi32>
    %eq3A_3322 = arith.cmpi eq, %iota3A_3297, %eq3A_3321 : vector<16xi32>
    %broadcast_in_dim3A_3323 = vector.broadcast %reduce_sum3A_2911 : f32 to vector<16xf32>
    %select_n3A_3324 = arith.select %eq3A_3322, %broadcast_in_dim3A_3323, %select_n3A_3319 : vector<16xi1>, vector<16xf32>
    %eq3A_3325 = arith.constant 5 : i32
    %eq3A_3326 = vector.broadcast %eq3A_3325 : i32 to vector<16xi32>
    %eq3A_3327 = arith.cmpi eq, %iota3A_3297, %eq3A_3326 : vector<16xi32>
    %broadcast_in_dim3A_3328 = vector.broadcast %reduce_sum3A_2946 : f32 to vector<16xf32>
    %select_n3A_3329 = arith.select %eq3A_3327, %broadcast_in_dim3A_3328, %select_n3A_3324 : vector<16xi1>, vector<16xf32>
    %eq3A_3330 = arith.constant 6 : i32
    %eq3A_3331 = vector.broadcast %eq3A_3330 : i32 to vector<16xi32>
    %eq3A_3332 = arith.cmpi eq, %iota3A_3297, %eq3A_3331 : vector<16xi32>
    %broadcast_in_dim3A_3333 = vector.broadcast %reduce_sum3A_2981 : f32 to vector<16xf32>
    %select_n3A_3334 = arith.select %eq3A_3332, %broadcast_in_dim3A_3333, %select_n3A_3329 : vector<16xi1>, vector<16xf32>
    %eq3A_3335 = arith.constant 7 : i32
    %eq3A_3336 = vector.broadcast %eq3A_3335 : i32 to vector<16xi32>
    %eq3A_3337 = arith.cmpi eq, %iota3A_3297, %eq3A_3336 : vector<16xi32>
    %broadcast_in_dim3A_3338 = vector.broadcast %reduce_sum3A_3016 : f32 to vector<16xf32>
    %select_n3A_3339 = arith.select %eq3A_3337, %broadcast_in_dim3A_3338, %select_n3A_3334 : vector<16xi1>, vector<16xf32>
    %eq3A_3340 = arith.constant 8 : i32
    %eq3A_3341 = vector.broadcast %eq3A_3340 : i32 to vector<16xi32>
    %eq3A_3342 = arith.cmpi eq, %iota3A_3297, %eq3A_3341 : vector<16xi32>
    %broadcast_in_dim3A_3343 = vector.broadcast %reduce_sum3A_3051 : f32 to vector<16xf32>
    %select_n3A_3344 = arith.select %eq3A_3342, %broadcast_in_dim3A_3343, %select_n3A_3339 : vector<16xi1>, vector<16xf32>
    %eq3A_3345 = arith.constant 9 : i32
    %eq3A_3346 = vector.broadcast %eq3A_3345 : i32 to vector<16xi32>
    %eq3A_3347 = arith.cmpi eq, %iota3A_3297, %eq3A_3346 : vector<16xi32>
    %broadcast_in_dim3A_3348 = vector.broadcast %reduce_sum3A_3086 : f32 to vector<16xf32>
    %select_n3A_3349 = arith.select %eq3A_3347, %broadcast_in_dim3A_3348, %select_n3A_3344 : vector<16xi1>, vector<16xf32>
    %eq3A_3350 = arith.constant 10 : i32
    %eq3A_3351 = vector.broadcast %eq3A_3350 : i32 to vector<16xi32>
    %eq3A_3352 = arith.cmpi eq, %iota3A_3297, %eq3A_3351 : vector<16xi32>
    %broadcast_in_dim3A_3353 = vector.broadcast %reduce_sum3A_3121 : f32 to vector<16xf32>
    %select_n3A_3354 = arith.select %eq3A_3352, %broadcast_in_dim3A_3353, %select_n3A_3349 : vector<16xi1>, vector<16xf32>
    %eq3A_3355 = arith.constant 11 : i32
    %eq3A_3356 = vector.broadcast %eq3A_3355 : i32 to vector<16xi32>
    %eq3A_3357 = arith.cmpi eq, %iota3A_3297, %eq3A_3356 : vector<16xi32>
    %broadcast_in_dim3A_3358 = vector.broadcast %reduce_sum3A_3156 : f32 to vector<16xf32>
    %select_n3A_3359 = arith.select %eq3A_3357, %broadcast_in_dim3A_3358, %select_n3A_3354 : vector<16xi1>, vector<16xf32>
    %eq3A_3360 = arith.constant 12 : i32
    %eq3A_3361 = vector.broadcast %eq3A_3360 : i32 to vector<16xi32>
    %eq3A_3362 = arith.cmpi eq, %iota3A_3297, %eq3A_3361 : vector<16xi32>
    %broadcast_in_dim3A_3363 = vector.broadcast %reduce_sum3A_3191 : f32 to vector<16xf32>
    %select_n3A_3364 = arith.select %eq3A_3362, %broadcast_in_dim3A_3363, %select_n3A_3359 : vector<16xi1>, vector<16xf32>
    %eq3A_3365 = arith.constant 13 : i32
    %eq3A_3366 = vector.broadcast %eq3A_3365 : i32 to vector<16xi32>
    %eq3A_3367 = arith.cmpi eq, %iota3A_3297, %eq3A_3366 : vector<16xi32>
    %broadcast_in_dim3A_3368 = vector.broadcast %reduce_sum3A_3226 : f32 to vector<16xf32>
    %select_n3A_3369 = arith.select %eq3A_3367, %broadcast_in_dim3A_3368, %select_n3A_3364 : vector<16xi1>, vector<16xf32>
    %eq3A_3370 = arith.constant 14 : i32
    %eq3A_3371 = vector.broadcast %eq3A_3370 : i32 to vector<16xi32>
    %eq3A_3372 = arith.cmpi eq, %iota3A_3297, %eq3A_3371 : vector<16xi32>
    %broadcast_in_dim3A_3373 = vector.broadcast %reduce_sum3A_3261 : f32 to vector<16xf32>
    %select_n3A_3374 = arith.select %eq3A_3372, %broadcast_in_dim3A_3373, %select_n3A_3369 : vector<16xi1>, vector<16xf32>
    %eq3A_3375 = arith.constant 15 : i32
    %eq3A_3376 = vector.broadcast %eq3A_3375 : i32 to vector<16xi32>
    %eq3A_3377 = arith.cmpi eq, %iota3A_3297, %eq3A_3376 : vector<16xi32>
    %broadcast_in_dim3A_3378 = vector.broadcast %reduce_sum3A_3296 : f32 to vector<16xf32>
    %select_n3A_3379 = arith.select %eq3A_3377, %broadcast_in_dim3A_3378, %select_n3A_3374 : vector<16xi1>, vector<16xf32>
    %mul3A_3380 = vector.broadcast %squeeze3A : f32 to vector<16xf32>
    %mul3A_3381 = arith.mulf %select_n3A_3379, %mul3A_3380 : vector<16xf32>
    %sub3A_3382 = vector.broadcast %squeeze3A_2070 : f32 to vector<16xf32>
    %sub3A_3383 = arith.subf %mul3A_3381, %sub3A_3382 : vector<16xf32>
    %neg3A_3384 = arith.constant 0.000000e+00 : f32
    %neg3A_3385 = vector.broadcast %neg3A_3384 : f32 to vector<16xf32>
    %neg3A_3386 = arith.subf %neg3A_3385, %sub3A_3383 : vector<16xf32>
    %exp3A_3387 = math.exp %neg3A_3386 : vector<16xf32>
    %add3A_3388 = arith.constant 1.000000e+00 : f32
    %add3A_3389 = vector.broadcast %add3A_3388 : f32 to vector<16xf32>
    %add3A_3390 = arith.addf %add3A_3389, %exp3A_3387 : vector<16xf32>
    %div3A_3391 = arith.constant 1.000000e+00 : f32
    %div3A_3392 = vector.broadcast %div3A_3391 : f32 to vector<16xf32>
    %div3A_3393 = arith.divf %div3A_3392, %add3A_3390 : vector<16xf32>
    %swap3A_3394 = arith.constant 16 : index
    %swap3A_3395 = tpu.vector_load %arg12[%swap3A_3394] {strides = array<i32>} : memref<32xf32, #tpu.memory_space<vmem>>, vector<16xf32>,
    tpu.vector_store %arg12[%swap3A_3394], %div3A_3393 {strides = array<i32>} : memref<32xf32, #tpu.memory_space<vmem>>, vector<16xf32>,
    "tpu.region"() ({
      %run_scoped3A = tpu.sem_alloc : memref<!tpu.dma_semaphore, #tpu.memory_space<semaphore_mem>>
      %dma_start3A_3396 = tpu.memref_slice %arg6[%mul3A_2] : memref<1024xf32, #tpu.memory_space<hbm>> -> memref<32xf32, #tpu.memory_space<hbm>>
      %dma_start3A_3397 = tpu.memref_slice %arg6[%mul3A_2] : memref<1024xf32, #tpu.memory_space<hbm>> -> memref<32xf32, #tpu.memory_space<hbm>>
      tpu.enqueue_dma source(%arg12 : memref<32xf32, #tpu.memory_space<vmem>>) target(%dma_start3A_3397 : memref<32xf32, #tpu.memory_space<hbm>>) target_semaphore(%run_scoped3A : memref<!tpu.dma_semaphore, #tpu.memory_space<semaphore_mem>>)
      %dma_wait3A_3398 = tpu.memref_slice %arg6[%mul3A_2] : memref<1024xf32, #tpu.memory_space<hbm>> -> memref<32xf32, #tpu.memory_space<hbm>>
      %dma_wait3A_3399 = tpu.memref_slice %arg6[%mul3A_2] : memref<1024xf32, #tpu.memory_space<hbm>> -> memref<32xf32, #tpu.memory_space<hbm>>
      tpu.wait_dma2 semaphore(%run_scoped3A : memref<!tpu.dma_semaphore, #tpu.memory_space<semaphore_mem>>) src(%arg12 : memref<32xf32, #tpu.memory_space<vmem>>) dst(%dma_wait3A_3399 : memref<32xf32, #tpu.memory_space<hbm>>)
      tpu.yield
    }) : () -> ()
    return
  }
}

</mosaic_0001>

<sc_bundles>
// kernel: kernel.3.cloned.1.call-start
scs
__scs_entry_jumppad:
0x0: {  	(pc) =	sbr.rel $0x88, $3  }
0x1: {  	(tag) =	ssettag $0x0;
	lr =	simm.s32 $0x1  }
0x2: {  	[smem:$0x3F9C] =	sst lr;
	_ =	strace $0xD0000000  }
0x3: {  	_ = 	snop  }
0x4: {  	_ = 	snop  }
0x5: {  	_ = 	snop  }
0x6: {  	_ = 	snop  }
0x7: {  	_ = 	snop  }
__scs_overlays_trampoline_lowered:
0x8: {  	[smem:$0x3FAB] =	sst s0  }
0x9: {  	[smem:$0x3FAC] =	sst s1  }
0xa: {  	[smem:$0x3FAD] =	sst s2  }
0xb: {  	[smem:$0x3FAE] =	sst s3  }
0xc: {  	[smem:$0x3FAF] =	sst s4  }
0xd: {  	[smem:$0x3FB0] =	sst s5  }
0xe: {  	[smem:$0x3FB1] =	sst s6  }
0xf: {  	[smem:$0x3FB2] =	sst s7  }
0x10: {  	[smem:$0x3FB3] =	sst s8  }
0x11: {  	[smem:$0x3FB4] =	sst s9;
	s0 =	simm.s32 @!p0 $0x0  }
0x12: {  	s1 =	sld [smem:$0x3F9A];
	s0 =	simm.s32 @p0 $0x1  }
0x13: {  	[smem:$0x3FB5] =	sst s0;
	s0 =	simm.s32 @!p1 $0x0  }
0x14: {  	s2 =	sld [smem:$0x3F99];
	s0 =	simm.s32 @p1 $0x1  }
0x15: {  	[smem:$0x3FB6] =	sst s0;
	s0 =	simm.s32 @!p2 $0x0  }
0x16: {  	s3 =	sld [smem:$0x3FDB];
	s0 =	simm.s32 @p2 $0x1  }
0x17: {  	s4 =	simm.s32 $0x1BF5;
	[smem:$0x3FB8] =	sst s0  }
0x18: {  	s0 =	sld [smem:$0x3F9B];
	_ =	swait.ge [sflag:s4], $0x0  }
0x19: {  	s7 =	sld [smem:$0x3F9C]  }
0x1a: {  	s8 =	sadd.s32 $0xFFFFE003, lr  }
0x1b: {  	s9 =	sadd.s32 $0xFFFFFEF7, lr;
	s5 =	simm.s32 $0xFFFFFFFF;
	p2 =	slt.u32 s8, $0xFFFFF086  }
0x1c: {  	p1 =	slt.u32 s9, $0xF7A;
	s5 =	simm.s32 @!p2 $0x0  }
0x1d: {  	s5 =	simm.s32 @p1 $0x1;
	p0 =	seq.s32 s7, s2  }
0x1e: {  	s7 =	smul.u32 @!p0 $0xF7A, s2;
	p2 =	seq.s32 @!p0 s5, $0x0  }
0x1f: {  	s9 =	smul.u32 $0xF7A, s1;
	s8 =	simm.s32 @!p0 $0x1BF5;
	p2 =	por !p2, p0  }
0x20: {  	[sflag:s8] =	ssyncset.s32 @!p0 $0xFFFFF086;
	s6 =	sadd.s32 @!p0 s3, s7;
	s7 =	simm.s32 @!p0 $0x108  }
0x21: {  	s3 =	sadd.s32 s3, s9;
	s6 =	sadd.s32 @!p0 $0x88, s6;
	s7 =	simm.s32 @p2 $0x1082  }
0x22: {  	[simem:s7], [sflag:s8] =	dma.local @!p0 [hbm:s6], $0xF7A  }
0x23: {  	s9 =	sor.u32 $0xD0000000, s2;
	s6 =	simm.s32 $0x108;
	_ =	swait.ge @!p0 [sflag:s8], $0x0  }
0x24: {  	s3 =	sadd.s32 $0x88, s3;
	s6 =	simm.s32 @!p1 $0x1082;
	[sflag:s4] =	ssyncset.s32 $0xFFFFF086  }
0x25: {  	[simem:s6], [sflag:s4] =	dma.local [hbm:s3], $0xF7A  }
0x26: {  	[smem:$0x3F9C] =	sst s1;
	(tag) =	ssettag s2;
	_ =	strace s9  }
0x27: {  	s1 =	sld [smem:$0x3FAC]  }
0x28: {  	s2 =	sld [smem:$0x3FAD]  }
0x29: {  	s4 =	sld [smem:$0x3FAF]  }
0x2a: {  	p0 =	seq.s32 s5, $0x0;
	s5 =	sld [smem:$0x3FB0]  }
0x2b: {  	s6 =	sld [smem:$0x3FB1]  }
0x2c: {  	s7 =	sld [smem:$0x3FB2]  }
0x2d: {  	s3 =	simm.s32 $0x108;
	s8 =	sld [smem:$0x3FB3]  }
0x2e: {  	s3 =	simm.s32 @!p0 $0x1082;
	s9 =	sld [smem:$0x3FB4]  }
0x2f: {  	lr =	sadd.s32 s0, s3;
	s0 =	sld [smem:$0x3FAB]  }
0x30: {  	s3 =	sld [smem:$0x3FAE]  }
0x31: {  	[smem:$0x3FB7] =	sst s10  }
0x32: {  	s10 =	sld [smem:$0x3FB5];
	_ =	sdelay $0x3  }
0x33: {  	p0 =	seq.s32 s10, $0x1;
	s10 =	sld [smem:$0x3FB7];
	_ =	sdelay $0x3  }
0x34: {  	[smem:$0x3FB7] =	sst s10  }
0x35: {  	s10 =	sld [smem:$0x3FB6];
	_ =	sdelay $0x3  }
0x36: {  	p1 =	seq.s32 s10, $0x1;
	s10 =	sld [smem:$0x3FB7];
	_ =	sdelay $0x3  }
0x37: {  	[smem:$0x3FB7] =	sst s10  }
0x38: {  	s10 =	sld [smem:$0x3FB8]  }
0x39: {  	_ = 	snop;
	(pc) =	sbr.ind lr, $3  }
0x3a: {  	_ = 	snop  }
0x3b: {  	_ = 	snop  }
0x3c: {  	p2 =	seq.s32 s10, $0x1;
	s10 =	sld [smem:$0x3FB7]  }
0x3d: {  	_ =	shalt  }
0x3e: {  	_ =	shalt  }
0x3f: {  	_ =	shalt  }
0x40: {  	_ =	shalt  }
0x41: {  	_ =	shalt  }
0x42: {  	_ =	shalt  }
0x43: {  	_ =	shalt  }
0x44: {  	_ =	shalt  }
0x45: {  	_ =	shalt  }
0x46: {  	_ =	shalt  }
0x47: {  	_ =	shalt  }
0x48: {  	_ =	shalt  }
0x49: {  	_ =	shalt  }
0x4a: {  	_ =	shalt  }
0x4b: {  	_ =	shalt  }
0x4c: {  	_ =	shalt  }
0x4d: {  	_ =	shalt  }
0x4e: {  	_ =	shalt  }
0x4f: {  	_ =	shalt  }
0x50: {  	_ =	shalt  }
0x51: {  	_ =	shalt  }
0x52: {  	_ =	shalt  }
0x53: {  	_ =	shalt  }
0x54: {  	_ =	shalt  }
0x55: {  	_ =	shalt  }
0x56: {  	_ =	shalt  }
0x57: {  	_ =	shalt  }
0x58: {  	_ =	shalt  }
0x59: {  	_ =	shalt  }
0x5a: {  	_ =	shalt  }
0x5b: {  	_ =	shalt  }
0x5c: {  	_ =	shalt  }
0x5d: {  	_ =	shalt  }
0x5e: {  	_ =	shalt  }
0x5f: {  	_ =	shalt  }
0x60: {  	_ =	shalt  }
0x61: {  	_ =	shalt  }
0x62: {  	_ =	shalt  }
0x63: {  	_ =	shalt  }
0x64: {  	_ =	shalt  }
0x65: {  	_ =	shalt  }
0x66: {  	_ =	shalt  }
0x67: {  	_ =	shalt  }
0x68: {  	_ =	shalt  }
0x69: {  	_ =	shalt  }
0x6a: {  	_ =	shalt  }
0x6b: {  	_ =	shalt  }
0x6c: {  	_ =	shalt  }
0x6d: {  	_ =	shalt  }
0x6e: {  	_ =	shalt  }
0x6f: {  	_ =	shalt  }
0x70: {  	_ =	shalt  }
0x71: {  	_ =	shalt  }
0x72: {  	_ =	shalt  }
0x73: {  	_ =	shalt  }
0x74: {  	_ =	shalt  }
0x75: {  	_ =	shalt  }
0x76: {  	_ =	shalt  }
0x77: {  	_ =	shalt  }
0x78: {  	_ =	shalt  }
0x79: {  	_ =	shalt  }
0x7a: {  	_ =	shalt  }
0x7b: {  	_ =	shalt  }
0x7c: {  	_ =	shalt  }
0x7d: {  	_ =	shalt  }
0x7e: {  	_ =	shalt  }
0x7f: {  	_ =	shalt  }
0x80: {  	_ =	shalt  }
0x81: {  	_ =	shalt  }
0x82: {  	_ =	shalt  }
0x83: {  	_ =	shalt  }
0x84: {  	_ =	shalt  }
0x85: {  	_ =	shalt  }
0x86: {  	_ =	shalt  }
0x87: {  	_ =	shalt  }
.Lfunc_end0:
.L_simem_size_0:
called_computation_lowered:
.L_overlay_start_0:
0x88: {  	s2 =	sld [smem:$0x3FD9]  }
0x89: {  	s3 =	sld [smem:$0x3FFE];
	_ =	sdelay $0x1  }
0x8a: {  	s1 =	srdreg.scid  }
0x8b: {  	s0 =	sand.u32 $0x1, s1  }
0x8c: {  	s17 =	sshll.u32 s0, $0xA;
	s2 =	sadd.s32 s3, s2  }
0x8d: {  	s2 =	sadd.s32 s2, s17  }
0x8e: {  	[smem:$0x3FC3] =	sst s2  }
0x8f: {  	_ = 	snop  }
0x90: {  	s2 =	sld [smem:$0x3FC8]  }
0x91: {  	s18 =	sld [smem:$0x3FC5]  }
0x92: {  	s4 =	sld [smem:$0x3FD0];
	(tm) =	ssettm $0x1  }
0x93: {  	s5 =	sld [smem:$0x3FFB];
	_ =	sdelay $0x3  }
0x94: {  	_ =	strace s5  }
0x95: {  	s5 =	sld [smem:$0x3FFC];
	_ =	sdelay $0x3  }
0x96: {  	_ =	strace s5  }
0x97: {  	s5 =	sld [smem:$0x3FFD];
	_ =	sdelay $0x3  }
0x98: {  	_ =	strace s5  }
0x99: {  	_ =	strace $0x8FFFFFFF  }
0x9a: {  	s19 =	sld [smem:$0x3FDB];
	_ =	sdelay $0x1  }
0x9b: {  	s6 =	simm.s32 $_scs_section_size  }
0x9c: {  	s7 =	simm.s32 $_size__tile_overlayer_lowered;
	s8 =	simm.s32 $_tile_overlayer_lowered  }
0x9d: {  	s22 =	simm.s32 $0x1BFF;
	s21 =	sshll.u32 s8, $0x1;
	s5 =	sadd.s32 s6, s19  }
0x9e: {  	s9 =	simm.s32 $0x0;
	s20 =	sshll.u32 s7, $0x1;
	s7 =	sadd.s32 s21, s5  }
0x9f: {  	[timem:s9], [sflag:s22] =	dma.local [hbm:s7], s20  }
0xa0: {  	_ =	swait.ge [sflag:s22], s20  }
0xa1: {  	s6 =	ssub.s32 $0x0, s20;
	[sflag:s22] =	ssyncset.done $0x0  }
0xa2: {  	[sflag:s22] =	ssyncadd.s32 s6;
	_ =	sdelay $0x1  }
0xa3: {  	s23 =	simm.s32 $0x1B8B  }
0xa4: {  	_ =	swait.ge [sflag:s23], $0x1  }
0xa5: {  	[sflag:s23] =	ssyncset.done $0x0  }
0xa6: {  	s25 =	simm.s32 $0x1B8E;
	s24 =	sld [smem:$0x3FFE];
	[sflag:s23] =	ssyncadd.s32 $0xFFFFFFFF  }
0xa7: {  	s26 =	simm.s32 $execute0_lowered;
	[smem:$0x3FD2] =	sst s25  }
0xa8: {  	s7 =	sshll.u32 s26, $0x1;
	_ =	strace $0x80000046;
	[dreg:$0x1] =	wrdreg $0xFFFFFFFF  }
0xa9: {  	s28 =	simm.s32 $_size_execute0_lowered;
	s5 =	sadd.s32 s5, s7;
	[dreg:$0x0] =	wrdreg $0x0  }
0xaa: {  	s7 =	sshll.u32 s28, $0x1;
	[dreg:$0x2] =	wrdreg s5  }
0xab: {  	[dreg:$0x3] =	wrdreg s7  }
0xac: {  	[dreg:$0x4] =	wrdreg $0xC0  }
0xad: {  	_ =	task [dreg:s9], $0x5FFFF  }
0xae: {  	[dreg:$0x1] =	wrdreg $0xFFFFFFFF  }
0xaf: {  	[dreg:$0x0] =	wrdreg $0x60  }
0xb0: {  	[dreg:$0x2] =	wrdreg s24  }
0xb1: {  	[dreg:$0x3] =	wrdreg s2  }
0xb2: {  	[dreg:$0x4] =	wrdreg s18  }
0xb3: {  	[dreg:$0x5] =	wrdreg s4  }
0xb4: {  	[dreg:$0x6] =	wrdreg $0x9  }
0xb5: {  	_ =	task.clear_ibuf [dreg:s9], $0x7FFFF;
	_ =	strace $0x90000046  }
0xb6: {  	s29 =	simm.s32 $0x9;
	_ =	strace $0x80000048  }
0xb7: {  	_ =	swait.ge [sflag:s29], $0x1  }
0xb8: {  	[sflag:s29] =	ssyncadd.s32 $0xFFFFFFFF  }
0xb9: {  	_ =	strace $0x90000048  }
0xba: {  	_ =	sfence  }
0xbb: {  	s30 =	sld [smem:$0x0];
	_ =	sdelay $0x2  }
0xbc: {  	s31 =	sshll.u32 s1, $0xD;
	s1 =	sshrl.u32 s1, $0x2  }
0xbd: {  	s3 =	sand.u32 $0x4000, s31;
	s1 =	sadd.s32 s1, s30  }
0xbe: {  	s0 =	sor.u32 s3, s0;
	s1 =	sshll.u32 s1, $0x11  }
0xbf: {  	s0 =	sor.u32 s1, s0  }
0xc0: {  	s0 =	sadd.s32 $0x8F2B, s0  }
0xc1: {  	[sflag:s0] =	ssyncadd.remote.s32 $0x1  }
0xc2: {  	_ =	sfence.sel $0xFFFF  }
0xc3: {  	[dreg:$0x0] =	wrdreg $0xFFFFFFFF;
	(pc) =	sbr.abs _section_cstart, $3  }
0xc4: {  	[dreg:$0x1] =	wrdreg $0xFFFFFFFF  }
0xc5: {  	_ =	task.clear_ibuf [dreg:s9], $0x2FFFF;
	_ =	strace $0x9FFFFFFF  }
0xc6: {  	(tm) =	ssettm $0x7FFFFFFF  }
0xc7: {  	_ =	shalt  }
tec
execute0_lowered:
.L_overlay_start_1:
0x0: {  	(tag) =	ssettag $0x1  }
0x1: {  	s1 =	srdreg.scid;
	s0 =	stileid.u32  }
0x2: {  	s5 =	sand.u32 $0x1, s1;
	s30 =	sshll.u32 s0, $0x1  }
0x3: {  	s6 =	sor.u32 s5, s30  }
0x4: {  	s7 =	smul.u32 $0x30D400, s6;
	_ =	sdelay $0x1  }
0x5: {  	s2 =	sadd.s32 $0x186A0, s7;
	v0 =	vmov s7  }
0x6: {  	s3 =	sadd.s32 $0x30D40, s7;
	[tilespmem:$0x1FE00] =	vst v0;
	v33 =	vmov s2  }
0x7: {  	s4 =	sadd.s32 $0x493E0, s7;
	v34 =	vmov s3;
	[tilespmem:$0x1FE10] =	vst v33  }
0x8: {  	s8 =	sadd.s32 $0x61A80, s7;
	v35 =	vmov s4;
	[tilespmem:$0x1FE20] =	vst v34  }
0x9: {  	s9 =	sadd.s32 $0x7A120, s7;
	v36 =	vmov s8;
	[tilespmem:$0x1FE30] =	vst v35  }
0xa: {  	s10 =	sadd.s32 $0x927C0, s7;
	v37 =	vmov s9;
	[tilespmem:$0x1FE40] =	vst v36  }
0xb: {  	s11 =	sadd.s32 $0xAAE60, s7;
	v38 =	vmov s10;
	[tilespmem:$0x1FE50] =	vst v37  }
0xc: {  	s12 =	sadd.s32 $0xC3500, s7;
	v39 =	vmov s11;
	[tilespmem:$0x1FE60] =	vst v38  }
0xd: {  	s13 =	sadd.s32 $0xDBBA0, s7;
	v40 =	vmov s12;
	[tilespmem:$0x1FE70] =	vst v39  }
0xe: {  	s14 =	sadd.s32 $0xF4240, s7;
	v41 =	vmov s13;
	[tilespmem:$0x1FE80] =	vst v40  }
0xf: {  	s15 =	sadd.s32 $0x10C8E0, s7;
	v42 =	vmov s14;
	[tilespmem:$0x1FE90] =	vst v41  }
0x10: {  	s31 =	sadd.s32 $0x124F80, s7;
	v43 =	vmov s15;
	[tilespmem:$0x1FEA0] =	vst v42  }
0x11: {  	s16 =	sadd.s32 $0x13D620, s7;
	v44 =	vmov s31;
	[tilespmem:$0x1FEB0] =	vst v43  }
0x12: {  	s17 =	sadd.s32 $0x2191C0, s7;
	v45 =	vmov s16;
	[tilespmem:$0x1FEC0] =	vst v44  }
0x13: {  	s18 =	sadd.s32 $0x231860, s7;
	v54 =	vmov s17;
	[tilespmem:$0x1FED0] =	vst v45  }
0x14: {  	s19 =	sadd.s32 $0x249F00, s7;
	v55 =	vmov s18;
	[tilespmem:$0x1FF60] =	vst v54  }
0x15: {  	s20 =	sadd.s32 $0x2625A0, s7;
	v56 =	vmov s19;
	[tilespmem:$0x1FF70] =	vst v55  }
0x16: {  	s21 =	sadd.s32 $0x27AC40, s7;
	v57 =	vmov s20;
	[tilespmem:$0x1FF80] =	vst v56  }
0x17: {  	s22 =	sadd.s32 $0x2932E0, s7;
	v58 =	vmov s21;
	[tilespmem:$0x1FF90] =	vst v57  }
0x18: {  	s24 =	sadd.s32 $0x2AB980, s7;
	v59 =	vmov s22;
	[tilespmem:$0x1FFA0] =	vst v58  }
0x19: {  	s4 =	sadd.s32 $0x155CC0, s7;
	v60 =	vmov s24;
	[tilespmem:$0x1FFB0] =	vst v59  }
0x1a: {  	s8 =	sadd.s32 $0x16E360, s7;
	v46 =	vmov s4;
	[tilespmem:$0x1FFC0] =	vst v60  }
0x1b: {  	s23 =	rddreg [dreg:$0x3];
	s1 =	simm.s32 $0x0;
	s10 =	sadd.s32 $0x186A00, s7;
	v47 =	vmov s8;
	[tilespmem:$0x1FEE0] =	vst v46  }
0x1c: {  	[smem:$0x7FF] =	sst s1;
	s28 =	ssub.s32 $0x2, s5;
	s11 =	sadd.s32 $0x19F0A0, s7;
	v48 =	vmov s10;
	[tilespmem:$0x1FEF0] =	vst v47  }
0x1d: {  	s29 =	sshrl.u32 s28, $0x1;
	s30 =	sshll.u32 s6, $0x2;
	s12 =	sadd.s32 $0x1B7740, s7;
	v49 =	vmov s11;
	[tilespmem:$0x1FF00] =	vst v48  }
0x1e: {  	s25 =	sadd.s32 $0x2C4020, s7;
	s13 =	sadd.s32 $0x1CFDE0, s7;
	s16 =	rddreg [dreg:$0x0];
	v50 =	vmov s12;
	[tilespmem:$0x1FF10] =	vst v49  }
0x1f: {  	vm0 =	vmmov $0x1;
	vm1 =	vmmov $0x3;
	s26 =	sadd.s32 $0x2DC6C0, s7;
	s14 =	sadd.s32 $0x1E8480, s7;
	s2 =	rddreg [dreg:$0x1];
	v51 =	vmov s13;
	[tilespmem:$0x1FF20] =	vst v50  }
0x20: {  	vm2 =	vmmov $0x7;
	vm3 =	vmmov $0xf;
	s15 =	sadd.s32 $0x200B20, s7;
	s3 =	rddreg [dreg:$0x2];
	s7 =	sadd.s32 $0x2F4D60, s7;
	v52 =	vmov s14;
	[tilespmem:$0x1FF30] =	vst v51  }
0x21: {  	vm4 =	vmmov $0x1f;
	vm5 =	vmmov $0x3f;
	s31 =	ssub.s32 s28, s29;
	s9 =	simm.s32 $0x2;
	v53 =	vmov s15;
	s4 =	rddreg [dreg:$0x4];
	[tilespmem:$0x1FF40] =	vst v52  }
0x22: {  	vm6 =	vmmov $0x7f;
	v61 =	vmov s25;
	v63 =	vmov s7;
	s5 =	sadd.s32 $0xC38400, s16;
	s6 =	sadd.s32 $0x400, s16;
	s7 =	sadd.s32 s23, s30;
	[tilespmem:$0x1FF50] =	vst v53  }
0x23: {  	vm7 =	vmmov $0xff;
	vm8 =	vmmov $0x1ff;
	v62 =	vmov s26;
	s8 =	smax.u32 s31, $0x1;
	s10 =	simm.s32 $0x80;
	_ =	strace $0x80000047;
	[tilespmem:$0x1FFD0] =	vst v61  }
0x24: {  	vm9 =	vmmov $0x3ff;
	vm10 =	vmmov $0x7ff;
	vm11 =	vmmov $0xfff;
	s11 =	simm.s32 $0x100;
	s12 =	simm.s32 $0x1000;
	s13 =	simm.s32 $0x180;
	[tilespmem:$0x1FFE0] =	vst v62  }
0x25: {  	vm12 =	vmmov $0x1fff;
	vm13 =	vmmov $0x3fff;
	vm14 =	vmmov $0x7fff;
	s14 =	simm.s32 $0x1180;
	s15 =	simm.s32 $0x1;
	s16 =	simm.s32 $0x2180;
	[tilespmem:$0x1FFF0] =	vst v63  }
.LBB2_1:
0x26: {  	[tilespmem:s1], [sflag:$0x2] =	stream.linear.gather [hbm4b:s3+s1], $0x80, $0x38;
	[tilespmem:$0x2200] =	vst v63  }
0x27: {  	_ =	swait.ge [sflag:s9], $0x80  }
0x28: {  	[sflag:s9] =	ssyncset.done $0x0  }
0x29: {  	[sflag:s9] =	ssyncadd.s32 $0xFFFFFF80  }
0x2a: {  	[tilespmem:s10], [sflag:$0x2] =	stream.linear.gather [hbm4b:s2+s1], $0x80, $0x38;
	[tilespmem:$0x2200] =	vst v63  }
0x2b: {  	_ =	swait.ge [sflag:s9], $0x80  }
0x2c: {  	[sflag:s9] =	ssyncset.done $0x0  }
0x2d: {  	[sflag:s9] =	ssyncadd.s32 $0xFFFFFF80  }
0x2e: {  	[tilespmem:s11], [sflag:$0x2] =	stream.linear.gather [hbm4b:s6+s1], $0x80, $0x38;
	[tilespmem:$0x2200] =	vst v63  }
0x2f: {  	_ =	swait.ge [sflag:s9], $0x80  }
0x30: {  	[sflag:s9] =	ssyncset.done $0x0  }
0x31: {  	v3 =	vld [tilespmem:$0x1FE00];
	[sflag:s9] =	ssyncadd.s32 $0xFFFFFF80  }
0x32: {  	v0 =	vld [tilespmem:$0x0]  }
0x33: {  	v4 =	vld [tilespmem:$0x1FE10]  }
0x34: {  	v5 =	vld [tilespmem:$0x1FE20]  }
0x35: {  	v6 =	vld [tilespmem:$0x1FE30]  }
0x36: {  	v7 =	vld [tilespmem:$0x1FE40]  }
0x37: {  	v8 =	vld [tilespmem:$0x1FE50];
	v1 =	vadd.s32 v3, v0  }
0x38: {  	v9 =	vld [tilespmem:$0x1FE60];
	v33 =	vadd.s32 v4, v0;
	[tilespmem:$0x180] =	vst v1  }
0x39: {  	v10 =	vld [tilespmem:$0x1FE70];
	v34 =	vadd.s32 v5, v0;
	[tilespmem:$0x200] =	vst v33  }
0x3a: {  	v11 =	vld [tilespmem:$0x1FE80];
	v35 =	vadd.s32 v6, v0;
	[tilespmem:$0x280] =	vst v34  }
0x3b: {  	v12 =	vld [tilespmem:$0x1FE90];
	v36 =	vadd.s32 v7, v0;
	[tilespmem:$0x300] =	vst v35  }
0x3c: {  	v13 =	vld [tilespmem:$0x1FEA0];
	v37 =	vadd.s32 v8, v0;
	[tilespmem:$0x380] =	vst v36  }
0x3d: {  	v14 =	vld [tilespmem:$0x1FEB0];
	v38 =	vadd.s32 v9, v0;
	[tilespmem:$0x400] =	vst v37  }
0x3e: {  	v15 =	vld [tilespmem:$0x1FEC0];
	v39 =	vadd.s32 v10, v0;
	[tilespmem:$0x480] =	vst v38  }
0x3f: {  	v16 =	vld [tilespmem:$0x1FED0];
	v40 =	vadd.s32 v11, v0;
	[tilespmem:$0x500] =	vst v39  }
0x40: {  	v17 =	vld [tilespmem:$0x1FEE0];
	v41 =	vadd.s32 v12, v0;
	[tilespmem:$0x580] =	vst v40  }
0x41: {  	v18 =	vld [tilespmem:$0x1FEF0];
	v42 =	vadd.s32 v13, v0;
	[tilespmem:$0x600] =	vst v41  }
0x42: {  	v19 =	vld [tilespmem:$0x1FF00];
	v43 =	vadd.s32 v14, v0;
	[tilespmem:$0x680] =	vst v42  }
0x43: {  	v20 =	vld [tilespmem:$0x1FF10];
	v44 =	vadd.s32 v15, v0;
	[tilespmem:$0x700] =	vst v43  }
0x44: {  	v21 =	vld [tilespmem:$0x1FF20];
	v45 =	vadd.s32 v16, v0;
	[tilespmem:$0x780] =	vst v44  }
0x45: {  	v22 =	vld [tilespmem:$0x1FF30];
	v46 =	vadd.s32 v17, v0;
	[tilespmem:$0x800] =	vst v45  }
0x46: {  	v23 =	vld [tilespmem:$0x1FF40];
	v47 =	vadd.s32 v18, v0;
	[tilespmem:$0x880] =	vst v46  }
0x47: {  	v24 =	vld [tilespmem:$0x1FF50];
	v48 =	vadd.s32 v19, v0;
	[tilespmem:$0x900] =	vst v47  }
0x48: {  	v25 =	vld [tilespmem:$0x1FF60];
	v49 =	vadd.s32 v20, v0;
	[tilespmem:$0x980] =	vst v48  }
0x49: {  	v26 =	vld [tilespmem:$0x1FF70];
	v50 =	vadd.s32 v21, v0;
	[tilespmem:$0xA00] =	vst v49  }
0x4a: {  	v27 =	vld [tilespmem:$0x1FF80];
	v51 =	vadd.s32 v22, v0;
	[tilespmem:$0xA80] =	vst v50  }
0x4b: {  	v28 =	vld [tilespmem:$0x1FF90];
	v52 =	vadd.s32 v23, v0;
	[tilespmem:$0xB00] =	vst v51  }
0x4c: {  	v29 =	vld [tilespmem:$0x1FFA0];
	v53 =	vadd.s32 v24, v0;
	[tilespmem:$0xB80] =	vst v52  }
0x4d: {  	v30 =	vld [tilespmem:$0x1FFB0];
	v54 =	vadd.s32 v25, v0;
	[tilespmem:$0xC00] =	vst v53  }
0x4e: {  	v31 =	vld [tilespmem:$0x1FFC0];
	v55 =	vadd.s32 v26, v0;
	[tilespmem:$0xC80] =	vst v54  }
0x4f: {  	v32 =	vld [tilespmem:$0x1FFD0];
	v56 =	vadd.s32 v27, v0;
	[tilespmem:$0xD00] =	vst v55  }
0x50: {  	v2 =	vld [tilespmem:$0x10];
	v57 =	vadd.s32 v28, v0;
	[tilespmem:$0xD80] =	vst v56  }
0x51: {  	v58 =	vadd.s32 v29, v0;
	[tilespmem:$0xE00] =	vst v57  }
0x52: {  	v59 =	vadd.s32 v30, v0;
	[tilespmem:$0xE80] =	vst v58  }
0x53: {  	v60 =	vadd.s32 v31, v0;
	[tilespmem:$0xF00] =	vst v59  }
0x54: {  	v61 =	vadd.s32 v32, v0;
	[tilespmem:$0xF80] =	vst v60  }
0x55: {  	v63 =	vadd.s32 v3, v2;
	[tilespmem:$0x1000] =	vst v61  }
0x56: {  	[tilespmem:$0x190] =	vst v63;
	v35 =	vadd.s32 v4, v2  }
0x57: {  	v36 =	vadd.s32 v5, v2;
	[tilespmem:$0x210] =	vst v35  }
0x58: {  	v37 =	vadd.s32 v6, v2;
	[tilespmem:$0x290] =	vst v36  }
0x59: {  	v38 =	vadd.s32 v7, v2;
	[tilespmem:$0x310] =	vst v37  }
0x5a: {  	v39 =	vadd.s32 v8, v2;
	[tilespmem:$0x390] =	vst v38  }
0x5b: {  	v40 =	vadd.s32 v9, v2;
	[tilespmem:$0x410] =	vst v39  }
0x5c: {  	v41 =	vadd.s32 v10, v2;
	[tilespmem:$0x490] =	vst v40  }
0x5d: {  	v42 =	vadd.s32 v11, v2;
	[tilespmem:$0x510] =	vst v41  }
0x5e: {  	v43 =	vadd.s32 v12, v2;
	[tilespmem:$0x590] =	vst v42  }
0x5f: {  	v44 =	vadd.s32 v13, v2;
	[tilespmem:$0x610] =	vst v43  }
0x60: {  	v45 =	vadd.s32 v14, v2;
	[tilespmem:$0x690] =	vst v44  }
0x61: {  	v46 =	vadd.s32 v15, v2;
	[tilespmem:$0x710] =	vst v45  }
0x62: {  	v47 =	vadd.s32 v16, v2;
	[tilespmem:$0x790] =	vst v46  }
0x63: {  	v48 =	vadd.s32 v17, v2;
	[tilespmem:$0x810] =	vst v47  }
0x64: {  	v49 =	vadd.s32 v18, v2;
	[tilespmem:$0x890] =	vst v48  }
0x65: {  	v50 =	vadd.s32 v19, v2;
	[tilespmem:$0x910] =	vst v49  }
0x66: {  	v51 =	vadd.s32 v20, v2;
	[tilespmem:$0x990] =	vst v50  }
0x67: {  	v52 =	vadd.s32 v21, v2;
	[tilespmem:$0xA10] =	vst v51  }
0x68: {  	v53 =	vadd.s32 v22, v2;
	[tilespmem:$0xA90] =	vst v52  }
0x69: {  	v54 =	vadd.s32 v23, v2;
	[tilespmem:$0xB10] =	vst v53  }
0x6a: {  	v55 =	vadd.s32 v24, v2;
	[tilespmem:$0xB90] =	vst v54  }
0x6b: {  	v56 =	vadd.s32 v25, v2;
	[tilespmem:$0xC10] =	vst v55  }
0x6c: {  	v57 =	vadd.s32 v26, v2;
	[tilespmem:$0xC90] =	vst v56  }
0x6d: {  	v33 =	vld [tilespmem:$0x1FFE0];
	v58 =	vadd.s32 v27, v2;
	[tilespmem:$0xD10] =	vst v57  }
0x6e: {  	v34 =	vld [tilespmem:$0x1FFF0];
	v59 =	vadd.s32 v28, v2;
	[tilespmem:$0xD90] =	vst v58  }
0x6f: {  	v60 =	vadd.s32 v29, v2;
	[tilespmem:$0xE10] =	vst v59  }
0x70: {  	v61 =	vadd.s32 v30, v2;
	[tilespmem:$0xE90] =	vst v60  }
0x71: {  	v1 =	vld [tilespmem:$0x20];
	v63 =	vadd.s32 v32, v2;
	[tilespmem:$0xF10] =	vst v61  }
0x72: {  	[tilespmem:$0x1010] =	vst v63;
	v62 =	vadd.s32 v33, v0  }
0x73: {  	v0 =	vadd.s32 v34, v0;
	[tilespmem:$0x1080] =	vst v62  }
0x74: {  	v35 =	vadd.s32 v33, v2;
	[tilespmem:$0x1100] =	vst v0  }
0x75: {  	v36 =	vadd.s32 v34, v2;
	[tilespmem:$0x1090] =	vst v35  }
0x76: {  	v37 =	vadd.s32 v3, v1;
	[tilespmem:$0x1110] =	vst v36  }
0x77: {  	v38 =	vadd.s32 v4, v1;
	[tilespmem:$0x1A0] =	vst v37  }
0x78: {  	v39 =	vadd.s32 v5, v1;
	[tilespmem:$0x220] =	vst v38  }
0x79: {  	v40 =	vadd.s32 v6, v1;
	[tilespmem:$0x2A0] =	vst v39  }
0x7a: {  	v41 =	vadd.s32 v7, v1;
	[tilespmem:$0x320] =	vst v40  }
0x7b: {  	v42 =	vadd.s32 v8, v1;
	[tilespmem:$0x3A0] =	vst v41  }
0x7c: {  	v43 =	vadd.s32 v9, v1;
	[tilespmem:$0x420] =	vst v42  }
0x7d: {  	v44 =	vadd.s32 v10, v1;
	[tilespmem:$0x4A0] =	vst v43  }
0x7e: {  	v45 =	vadd.s32 v11, v1;
	[tilespmem:$0x520] =	vst v44  }
0x7f: {  	v46 =	vadd.s32 v12, v1;
	[tilespmem:$0x5A0] =	vst v45  }
0x80: {  	v47 =	vadd.s32 v13, v1;
	[tilespmem:$0x620] =	vst v46  }
0x81: {  	v48 =	vadd.s32 v14, v1;
	[tilespmem:$0x6A0] =	vst v47  }
0x82: {  	v49 =	vadd.s32 v15, v1;
	[tilespmem:$0x720] =	vst v48  }
0x83: {  	v50 =	vadd.s32 v16, v1;
	[tilespmem:$0x7A0] =	vst v49  }
0x84: {  	v51 =	vadd.s32 v17, v1;
	[tilespmem:$0x820] =	vst v50  }
0x85: {  	v52 =	vadd.s32 v18, v1;
	[tilespmem:$0x8A0] =	vst v51  }
0x86: {  	v53 =	vadd.s32 v19, v1;
	[tilespmem:$0x920] =	vst v52  }
0x87: {  	v54 =	vadd.s32 v20, v1;
	[tilespmem:$0x9A0] =	vst v53  }
0x88: {  	v55 =	vadd.s32 v21, v1;
	[tilespmem:$0xA20] =	vst v54  }
0x89: {  	v56 =	vadd.s32 v22, v1;
	[tilespmem:$0xAA0] =	vst v55  }
0x8a: {  	v57 =	vadd.s32 v23, v1;
	[tilespmem:$0xB20] =	vst v56  }
0x8b: {  	v58 =	vadd.s32 v24, v1;
	[tilespmem:$0xBA0] =	vst v57  }
0x8c: {  	v59 =	vadd.s32 v25, v1;
	[tilespmem:$0xC20] =	vst v58  }
0x8d: {  	v60 =	vadd.s32 v26, v1;
	[tilespmem:$0xCA0] =	vst v59  }
0x8e: {  	v61 =	vadd.s32 v27, v1;
	[tilespmem:$0xD20] =	vst v60  }
0x8f: {  	v63 =	vadd.s32 v29, v1;
	[tilespmem:$0xDA0] =	vst v61  }
0x90: {  	v62 =	vadd.s32 v31, v2;
	[tilespmem:$0xEA0] =	vst v63  }
0x91: {  	v35 =	vadd.s32 v30, v1;
	[tilespmem:$0xF90] =	vst v62  }
0x92: {  	v2 =	vld [tilespmem:$0x30];
	v36 =	vadd.s32 v31, v1;
	[tilespmem:$0xF20] =	vst v35  }
0x93: {  	v37 =	vadd.s32 v32, v1;
	[tilespmem:$0xFA0] =	vst v36  }
0x94: {  	v38 =	vadd.s32 v33, v1;
	[tilespmem:$0x1020] =	vst v37  }
0x95: {  	v39 =	vadd.s32 v34, v1;
	[tilespmem:$0x10A0] =	vst v38  }
0x96: {  	v62 =	vadd.s32 v28, v1;
	[tilespmem:$0x1120] =	vst v39  }
0x97: {  	[tilespmem:$0xE20] =	vst v62;
	v40 =	vadd.s32 v3, v2  }
0x98: {  	v41 =	vadd.s32 v4, v2;
	[tilespmem:$0x1B0] =	vst v40  }
0x99: {  	v42 =	vadd.s32 v5, v2;
	[tilespmem:$0x230] =	vst v41  }
0x9a: {  	v43 =	vadd.s32 v6, v2;
	[tilespmem:$0x2B0] =	vst v42  }
0x9b: {  	v44 =	vadd.s32 v7, v2;
	[tilespmem:$0x330] =	vst v43  }
0x9c: {  	v45 =	vadd.s32 v8, v2;
	[tilespmem:$0x3B0] =	vst v44  }
0x9d: {  	v46 =	vadd.s32 v9, v2;
	[tilespmem:$0x430] =	vst v45  }
0x9e: {  	v47 =	vadd.s32 v10, v2;
	[tilespmem:$0x4B0] =	vst v46  }
0x9f: {  	v48 =	vadd.s32 v11, v2;
	[tilespmem:$0x530] =	vst v47  }
0xa0: {  	v49 =	vadd.s32 v12, v2;
	[tilespmem:$0x5B0] =	vst v48  }
0xa1: {  	v50 =	vadd.s32 v13, v2;
	[tilespmem:$0x630] =	vst v49  }
0xa2: {  	v51 =	vadd.s32 v14, v2;
	[tilespmem:$0x6B0] =	vst v50  }
0xa3: {  	v52 =	vadd.s32 v15, v2;
	[tilespmem:$0x730] =	vst v51  }
0xa4: {  	v53 =	vadd.s32 v16, v2;
	[tilespmem:$0x7B0] =	vst v52  }
0xa5: {  	v54 =	vadd.s32 v17, v2;
	[tilespmem:$0x830] =	vst v53  }
0xa6: {  	v55 =	vadd.s32 v18, v2;
	[tilespmem:$0x8B0] =	vst v54  }
0xa7: {  	v56 =	vadd.s32 v19, v2;
	[tilespmem:$0x930] =	vst v55  }
0xa8: {  	v57 =	vadd.s32 v20, v2;
	[tilespmem:$0x9B0] =	vst v56  }
0xa9: {  	v58 =	vadd.s32 v21, v2;
	[tilespmem:$0xA30] =	vst v57  }
0xaa: {  	v59 =	vadd.s32 v22, v2;
	[tilespmem:$0xAB0] =	vst v58  }
0xab: {  	v60 =	vadd.s32 v23, v2;
	[tilespmem:$0xB30] =	vst v59  }
0xac: {  	v61 =	vadd.s32 v24, v2;
	[tilespmem:$0xBB0] =	vst v60  }
0xad: {  	v62 =	vadd.s32 v25, v2;
	[tilespmem:$0xC30] =	vst v61  }
0xae: {  	v63 =	vadd.s32 v26, v2;
	[tilespmem:$0xCB0] =	vst v62  }
0xaf: {  	v35 =	vadd.s32 v27, v2;
	[tilespmem:$0xD30] =	vst v63  }
0xb0: {  	v36 =	vadd.s32 v28, v2;
	[tilespmem:$0xDB0] =	vst v35  }
0xb1: {  	v37 =	vadd.s32 v29, v2;
	[tilespmem:$0xE30] =	vst v36  }
0xb2: {  	v1 =	vld [tilespmem:$0x40];
	v38 =	vadd.s32 v30, v2;
	[tilespmem:$0xEB0] =	vst v37  }
0xb3: {  	v39 =	vadd.s32 v31, v2;
	[tilespmem:$0xF30] =	vst v38  }
0xb4: {  	[tilespmem:$0xFB0] =	vst v39;
	v40 =	vadd.s32 v32, v2  }
0xb5: {  	v41 =	vadd.s32 v33, v2;
	[tilespmem:$0x1030] =	vst v40  }
0xb6: {  	v42 =	vadd.s32 v34, v2;
	[tilespmem:$0x10B0] =	vst v41  }
0xb7: {  	v43 =	vadd.s32 v3, v1;
	[tilespmem:$0x1130] =	vst v42  }
0xb8: {  	v44 =	vadd.s32 v4, v1;
	[tilespmem:$0x1C0] =	vst v43  }
0xb9: {  	v45 =	vadd.s32 v5, v1;
	[tilespmem:$0x240] =	vst v44  }
0xba: {  	v46 =	vadd.s32 v6, v1;
	[tilespmem:$0x2C0] =	vst v45  }
0xbb: {  	v47 =	vadd.s32 v7, v1;
	[tilespmem:$0x340] =	vst v46  }
0xbc: {  	v48 =	vadd.s32 v8, v1;
	[tilespmem:$0x3C0] =	vst v47  }
0xbd: {  	v49 =	vadd.s32 v9, v1;
	[tilespmem:$0x440] =	vst v48  }
0xbe: {  	v50 =	vadd.s32 v10, v1;
	[tilespmem:$0x4C0] =	vst v49  }
0xbf: {  	v51 =	vadd.s32 v11, v1;
	[tilespmem:$0x540] =	vst v50  }
0xc0: {  	v52 =	vadd.s32 v12, v1;
	[tilespmem:$0x5C0] =	vst v51  }
0xc1: {  	v53 =	vadd.s32 v13, v1;
	[tilespmem:$0x640] =	vst v52  }
0xc2: {  	v54 =	vadd.s32 v14, v1;
	[tilespmem:$0x6C0] =	vst v53  }
0xc3: {  	v55 =	vadd.s32 v15, v1;
	[tilespmem:$0x740] =	vst v54  }
0xc4: {  	v56 =	vadd.s32 v16, v1;
	[tilespmem:$0x7C0] =	vst v55  }
0xc5: {  	v57 =	vadd.s32 v17, v1;
	[tilespmem:$0x840] =	vst v56  }
0xc6: {  	v58 =	vadd.s32 v18, v1;
	[tilespmem:$0x8C0] =	vst v57  }
0xc7: {  	v59 =	vadd.s32 v19, v1;
	[tilespmem:$0x940] =	vst v58  }
0xc8: {  	v60 =	vadd.s32 v20, v1;
	[tilespmem:$0x9C0] =	vst v59  }
0xc9: {  	v61 =	vadd.s32 v21, v1;
	[tilespmem:$0xA40] =	vst v60  }
0xca: {  	v62 =	vadd.s32 v22, v1;
	[tilespmem:$0xAC0] =	vst v61  }
0xcb: {  	v63 =	vadd.s32 v23, v1;
	[tilespmem:$0xB40] =	vst v62  }
0xcc: {  	v35 =	vadd.s32 v24, v1;
	[tilespmem:$0xBC0] =	vst v63  }
0xcd: {  	v36 =	vadd.s32 v25, v1;
	[tilespmem:$0xC40] =	vst v35  }
0xce: {  	v37 =	vadd.s32 v26, v1;
	[tilespmem:$0xCC0] =	vst v36  }
0xcf: {  	v38 =	vadd.s32 v27, v1;
	[tilespmem:$0xD40] =	vst v37  }
0xd0: {  	v39 =	vadd.s32 v28, v1;
	[tilespmem:$0xDC0] =	vst v38  }
0xd1: {  	[tilespmem:$0xE40] =	vst v39;
	v40 =	vadd.s32 v29, v1  }
0xd2: {  	v2 =	vld [tilespmem:$0x50];
	v41 =	vadd.s32 v30, v1;
	[tilespmem:$0xEC0] =	vst v40  }
0xd3: {  	v42 =	vadd.s32 v31, v1;
	[tilespmem:$0xF40] =	vst v41  }
0xd4: {  	v43 =	vadd.s32 v32, v1;
	[tilespmem:$0xFC0] =	vst v42  }
0xd5: {  	v44 =	vadd.s32 v33, v1;
	[tilespmem:$0x1040] =	vst v43  }
0xd6: {  	v45 =	vadd.s32 v34, v1;
	[tilespmem:$0x10C0] =	vst v44  }
0xd7: {  	[tilespmem:$0x1140] =	vst v45;
	v46 =	vadd.s32 v3, v2  }
0xd8: {  	v47 =	vadd.s32 v4, v2;
	[tilespmem:$0x1D0] =	vst v46  }
0xd9: {  	v48 =	vadd.s32 v5, v2;
	[tilespmem:$0x250] =	vst v47  }
0xda: {  	v49 =	vadd.s32 v6, v2;
	[tilespmem:$0x2D0] =	vst v48  }
0xdb: {  	v50 =	vadd.s32 v7, v2;
	[tilespmem:$0x350] =	vst v49  }
0xdc: {  	v51 =	vadd.s32 v8, v2;
	[tilespmem:$0x3D0] =	vst v50  }
0xdd: {  	v52 =	vadd.s32 v9, v2;
	[tilespmem:$0x450] =	vst v51  }
0xde: {  	v53 =	vadd.s32 v10, v2;
	[tilespmem:$0x4D0] =	vst v52  }
0xdf: {  	v54 =	vadd.s32 v11, v2;
	[tilespmem:$0x550] =	vst v53  }
0xe0: {  	v55 =	vadd.s32 v12, v2;
	[tilespmem:$0x5D0] =	vst v54  }
0xe1: {  	v56 =	vadd.s32 v13, v2;
	[tilespmem:$0x650] =	vst v55  }
0xe2: {  	v57 =	vadd.s32 v14, v2;
	[tilespmem:$0x6D0] =	vst v56  }
0xe3: {  	v58 =	vadd.s32 v15, v2;
	[tilespmem:$0x750] =	vst v57  }
0xe4: {  	v59 =	vadd.s32 v16, v2;
	[tilespmem:$0x7D0] =	vst v58  }
0xe5: {  	v60 =	vadd.s32 v17, v2;
	[tilespmem:$0x850] =	vst v59  }
0xe6: {  	v61 =	vadd.s32 v18, v2;
	[tilespmem:$0x8D0] =	vst v60  }
0xe7: {  	v62 =	vadd.s32 v19, v2;
	[tilespmem:$0x950] =	vst v61  }
0xe8: {  	v63 =	vadd.s32 v20, v2;
	[tilespmem:$0x9D0] =	vst v62  }
0xe9: {  	v35 =	vadd.s32 v21, v2;
	[tilespmem:$0xA50] =	vst v63  }
0xea: {  	v36 =	vadd.s32 v22, v2;
	[tilespmem:$0xAD0] =	vst v35  }
0xeb: {  	v37 =	vadd.s32 v23, v2;
	[tilespmem:$0xB50] =	vst v36  }
0xec: {  	v38 =	vadd.s32 v24, v2;
	[tilespmem:$0xBD0] =	vst v37  }
0xed: {  	v39 =	vadd.s32 v25, v2;
	[tilespmem:$0xC50] =	vst v38  }
0xee: {  	v40 =	vadd.s32 v26, v2;
	[tilespmem:$0xCD0] =	vst v39  }
0xef: {  	v41 =	vadd.s32 v27, v2;
	[tilespmem:$0xD50] =	vst v40  }
0xf0: {  	v42 =	vadd.s32 v28, v2;
	[tilespmem:$0xDD0] =	vst v41  }
0xf1: {  	v43 =	vadd.s32 v29, v2;
	[tilespmem:$0xE50] =	vst v42  }
0xf2: {  	v1 =	vld [tilespmem:$0x60];
	v44 =	vadd.s32 v30, v2;
	[tilespmem:$0xED0] =	vst v43  }
0xf3: {  	v45 =	vadd.s32 v31, v2;
	[tilespmem:$0xF50] =	vst v44  }
0xf4: {  	[tilespmem:$0xFD0] =	vst v45;
	v46 =	vadd.s32 v32, v2  }
0xf5: {  	v47 =	vadd.s32 v33, v2;
	[tilespmem:$0x1050] =	vst v46  }
0xf6: {  	v48 =	vadd.s32 v34, v2;
	[tilespmem:$0x10D0] =	vst v47  }
0xf7: {  	v49 =	vadd.s32 v3, v1;
	[tilespmem:$0x1150] =	vst v48  }
0xf8: {  	v50 =	vadd.s32 v4, v1;
	[tilespmem:$0x1E0] =	vst v49  }
0xf9: {  	v51 =	vadd.s32 v5, v1;
	[tilespmem:$0x260] =	vst v50  }
0xfa: {  	v52 =	vadd.s32 v6, v1;
	[tilespmem:$0x2E0] =	vst v51  }
0xfb: {  	v53 =	vadd.s32 v7, v1;
	[tilespmem:$0x360] =	vst v52  }
0xfc: {  	v54 =	vadd.s32 v8, v1;
	[tilespmem:$0x3E0] =	vst v53  }
0xfd: {  	v55 =	vadd.s32 v9, v1;
	[tilespmem:$0x460] =	vst v54  }
0xfe: {  	v56 =	vadd.s32 v10, v1;
	[tilespmem:$0x4E0] =	vst v55  }
0xff: {  	v57 =	vadd.s32 v11, v1;
	[tilespmem:$0x560] =	vst v56  }
0x100: {  	v58 =	vadd.s32 v12, v1;
	[tilespmem:$0x5E0] =	vst v57  }
0x101: {  	v59 =	vadd.s32 v13, v1;
	[tilespmem:$0x660] =	vst v58  }
0x102: {  	v60 =	vadd.s32 v14, v1;
	[tilespmem:$0x6E0] =	vst v59  }
0x103: {  	v61 =	vadd.s32 v15, v1;
	[tilespmem:$0x760] =	vst v60  }
0x104: {  	v62 =	vadd.s32 v16, v1;
	[tilespmem:$0x7E0] =	vst v61  }
0x105: {  	v63 =	vadd.s32 v17, v1;
	[tilespmem:$0x860] =	vst v62  }
0x106: {  	v35 =	vadd.s32 v18, v1;
	[tilespmem:$0x8E0] =	vst v63  }
0x107: {  	v36 =	vadd.s32 v19, v1;
	[tilespmem:$0x960] =	vst v35  }
0x108: {  	v37 =	vadd.s32 v20, v1;
	[tilespmem:$0x9E0] =	vst v36  }
0x109: {  	v38 =	vadd.s32 v21, v1;
	[tilespmem:$0xA60] =	vst v37  }
0x10a: {  	v39 =	vadd.s32 v22, v1;
	[tilespmem:$0xAE0] =	vst v38  }
0x10b: {  	v40 =	vadd.s32 v23, v1;
	[tilespmem:$0xB60] =	vst v39  }
0x10c: {  	v41 =	vadd.s32 v24, v1;
	[tilespmem:$0xBE0] =	vst v40  }
0x10d: {  	v42 =	vadd.s32 v25, v1;
	[tilespmem:$0xC60] =	vst v41  }
0x10e: {  	v43 =	vadd.s32 v26, v1;
	[tilespmem:$0xCE0] =	vst v42  }
0x10f: {  	v44 =	vadd.s32 v27, v1;
	[tilespmem:$0xD60] =	vst v43  }
0x110: {  	v45 =	vadd.s32 v28, v1;
	[tilespmem:$0xDE0] =	vst v44  }
0x111: {  	[tilespmem:$0xE60] =	vst v45;
	v46 =	vadd.s32 v29, v1  }
0x112: {  	v47 =	vadd.s32 v30, v1;
	[tilespmem:$0xEE0] =	vst v46;
	v48 =	vld [tilespmem:$0x70]  }
0x113: {  	v49 =	vadd.s32 v31, v1;
	[tilespmem:$0xF60] =	vst v47  }
0x114: {  	v50 =	vadd.s32 v32, v1;
	[tilespmem:$0xFE0] =	vst v49  }
0x115: {  	v51 =	vadd.s32 v33, v1;
	[tilespmem:$0x1060] =	vst v50  }
0x116: {  	v52 =	vadd.s32 v34, v1;
	[tilespmem:$0x10E0] =	vst v51  }
0x117: {  	[tilespmem:$0x1160] =	vst v52;
	v53 =	vadd.s32 v3, v48  }
0x118: {  	v54 =	vadd.s32 v4, v48;
	[tilespmem:$0x1F0] =	vst v53  }
0x119: {  	v55 =	vadd.s32 v5, v48;
	[tilespmem:$0x270] =	vst v54  }
0x11a: {  	v56 =	vadd.s32 v6, v48;
	[tilespmem:$0x2F0] =	vst v55  }
0x11b: {  	v57 =	vadd.s32 v7, v48;
	[tilespmem:$0x370] =	vst v56  }
0x11c: {  	v58 =	vadd.s32 v8, v48;
	[tilespmem:$0x3F0] =	vst v57  }
0x11d: {  	v59 =	vadd.s32 v9, v48;
	[tilespmem:$0x470] =	vst v58  }
0x11e: {  	v60 =	vadd.s32 v10, v48;
	[tilespmem:$0x4F0] =	vst v59  }
0x11f: {  	v61 =	vadd.s32 v11, v48;
	[tilespmem:$0x570] =	vst v60  }
0x120: {  	v62 =	vadd.s32 v12, v48;
	[tilespmem:$0x5F0] =	vst v61  }
0x121: {  	v63 =	vadd.s32 v13, v48;
	[tilespmem:$0x670] =	vst v62  }
0x122: {  	v4 =	vadd.s32 v14, v48;
	[tilespmem:$0x6F0] =	vst v63  }
0x123: {  	v5 =	vadd.s32 v15, v48;
	[tilespmem:$0x770] =	vst v4  }
0x124: {  	v6 =	vadd.s32 v16, v48;
	[tilespmem:$0x7F0] =	vst v5  }
0x125: {  	v7 =	vadd.s32 v17, v48;
	[tilespmem:$0x870] =	vst v6  }
0x126: {  	v8 =	vadd.s32 v18, v48;
	[tilespmem:$0x8F0] =	vst v7  }
0x127: {  	v9 =	vadd.s32 v19, v48;
	[tilespmem:$0x970] =	vst v8  }
0x128: {  	v10 =	vadd.s32 v20, v48;
	[tilespmem:$0x9F0] =	vst v9  }
0x129: {  	v11 =	vadd.s32 v21, v48;
	[tilespmem:$0xA70] =	vst v10  }
0x12a: {  	v12 =	vadd.s32 v22, v48;
	[tilespmem:$0xAF0] =	vst v11  }
0x12b: {  	v13 =	vadd.s32 v23, v48;
	[tilespmem:$0xB70] =	vst v12  }
0x12c: {  	v14 =	vadd.s32 v24, v48;
	[tilespmem:$0xBF0] =	vst v13  }
0x12d: {  	v15 =	vadd.s32 v25, v48;
	[tilespmem:$0xC70] =	vst v14  }
0x12e: {  	v16 =	vadd.s32 v26, v48;
	[tilespmem:$0xCF0] =	vst v15  }
0x12f: {  	v17 =	vadd.s32 v27, v48;
	[tilespmem:$0xD70] =	vst v16  }
0x130: {  	v18 =	vadd.s32 v28, v48;
	[tilespmem:$0xDF0] =	vst v17  }
0x131: {  	v19 =	vadd.s32 v29, v48;
	[tilespmem:$0xE70] =	vst v18  }
0x132: {  	v20 =	vadd.s32 v30, v48;
	[tilespmem:$0xEF0] =	vst v19  }
0x133: {  	v21 =	vadd.s32 v31, v48;
	[tilespmem:$0xF70] =	vst v20  }
0x134: {  	v22 =	vadd.s32 v32, v48;
	[tilespmem:$0xFF0] =	vst v21  }
0x135: {  	v23 =	vadd.s32 v33, v48;
	[tilespmem:$0x1070] =	vst v22  }
0x136: {  	v24 =	vadd.s32 v34, v48;
	[tilespmem:$0x10F0] =	vst v23  }
0x137: {  	[tilespmem:$0x1170] =	vst v24  }
0x138: {  	[tilespmem:s14], [sflag:$0x1] =	stream.indirect.gather [hbm4b:s5+s12], $0x1, s13, s12, $0xb8;
	[tilespmem:$0x2200] =	vst v63  }
0x139: {  	_ =	swait.ge [sflag:s15], $0x1000  }
0x13a: {  	[sflag:s15] =	ssyncset.done $0x0  }
0x13b: {  	[sflag:s15] =	ssyncadd.s32 $0xFFFFF000  }
0x13c: {  	v0 =	vld [tilespmem:$0x1540];
	_ =	sdelay $0x4  }
0x13d: {  	[tilespmem:$0x1FAF0] =	vst v0;
	v0 =	vld [tilespmem:$0x1550];
	_ =	sdelay $0x4  }
0x13e: {  	[tilespmem:$0x1FB20] =	vst v0;
	v0 =	vld [tilespmem:$0x1560];
	_ =	sdelay $0x4  }
0x13f: {  	[tilespmem:$0x1FB70] =	vst v0;
	v0 =	vld [tilespmem:$0x1570];
	_ =	sdelay $0x4  }
0x140: {  	[tilespmem:$0x1FBB0] =	vst v0;
	v0 =	vld [tilespmem:$0x1580];
	_ =	sdelay $0x4  }
0x141: {  	[tilespmem:$0x1FB00] =	vst v0;
	v0 =	vld [tilespmem:$0x1590];
	_ =	sdelay $0x4  }
0x142: {  	[tilespmem:$0x1FB10] =	vst v0;
	v0 =	vld [tilespmem:$0x15A0];
	_ =	sdelay $0x4  }
0x143: {  	[tilespmem:$0x1FB40] =	vst v0;
	v0 =	vld [tilespmem:$0x15B0];
	_ =	sdelay $0x4  }
0x144: {  	[tilespmem:$0x1FB80] =	vst v0;
	v0 =	vld [tilespmem:$0x15C0];
	_ =	sdelay $0x4  }
0x145: {  	[tilespmem:$0x1FBA0] =	vst v0;
	v0 =	vld [tilespmem:$0x15D0];
	_ =	sdelay $0x4  }
0x146: {  	[tilespmem:$0x1FBF0] =	vst v0;
	v0 =	vld [tilespmem:$0x15E0];
	_ =	sdelay $0x1  }
0x147: {  	v25 =	vld [tilespmem:$0x100]  }
0x148: {  	v40 =	vld [tilespmem:$0x80]  }
0x149: {  	v39 =	vld [tilespmem:$0x90]  }
0x14a: {  	[tilespmem:$0x1FC20] =	vst v0;
	v0 =	vld [tilespmem:$0x15F0]  }
0x14b: {  	v38 =	vld [tilespmem:$0xA0]  }
0x14c: {  	v37 =	vld [tilespmem:$0xB0]  }
0x14d: {  	v36 =	vld [tilespmem:$0xC0]  }
0x14e: {  	v35 =	vld [tilespmem:$0xD0]  }
0x14f: {  	[tilespmem:$0x1FC60] =	vst v0;
	v0 =	vld [tilespmem:$0x1600]  }
0x150: {  	v34 =	vld [tilespmem:$0xE0]  }
0x151: {  	v33 =	vld [tilespmem:$0xF0]  }
0x152: {  	v48 =	vld [tilespmem:$0x1180]  }
0x153: {  	v50 =	vld [tilespmem:$0x1190]  }
0x154: {  	[tilespmem:$0x1FB50] =	vst v0;
	v0 =	vld [tilespmem:$0x1610]  }
0x155: {  	v52 =	vld [tilespmem:$0x11A0]  }
0x156: {  	v56 =	vld [tilespmem:$0x11B0]  }
0x157: {  	v60 =	vld [tilespmem:$0x11C0]  }
0x158: {  	v61 =	vld [tilespmem:$0x11D0]  }
0x159: {  	[tilespmem:$0x1FB60] =	vst v0;
	v0 =	vld [tilespmem:$0x1620]  }
0x15a: {  	v15 =	vld [tilespmem:$0x11E0]  }
0x15b: {  	v31 =	vld [tilespmem:$0x11F0]  }
0x15c: {  	v59 =	vld [tilespmem:$0x1200]  }
0x15d: {  	v2 =	vld [tilespmem:$0x1210]  }
0x15e: {  	[tilespmem:$0x1FB90] =	vst v0;
	v0 =	vld [tilespmem:$0x1630]  }
0x15f: {  	v3 =	vld [tilespmem:$0x1220]  }
0x160: {  	v6 =	vld [tilespmem:$0x1230]  }
0x161: {  	v8 =	vld [tilespmem:$0x1240]  }
0x162: {  	v12 =	vld [tilespmem:$0x1250]  }
0x163: {  	[tilespmem:$0x1FBC0] =	vst v0;
	v0 =	vld [tilespmem:$0x1640]  }
0x164: {  	v21 =	vld [tilespmem:$0x1260]  }
0x165: {  	v24 =	vld [tilespmem:$0x1270]  }
0x166: {  	v4 =	vld [tilespmem:$0x1280]  }
0x167: {  	v5 =	vld [tilespmem:$0x1290]  }
0x168: {  	[tilespmem:$0x1FC00] =	vst v0;
	v0 =	vld [tilespmem:$0x1650]  }
0x169: {  	v7 =	vld [tilespmem:$0x12A0]  }
0x16a: {  	v11 =	vld [tilespmem:$0x12B0]  }
0x16b: {  	v14 =	vld [tilespmem:$0x12C0]  }
0x16c: {  	v17 =	vld [tilespmem:$0x12D0]  }
0x16d: {  	[tilespmem:$0x1FC30] =	vst v0;
	v0 =	vld [tilespmem:$0x1660]  }
0x16e: {  	v30 =	vld [tilespmem:$0x12E0]  }
0x16f: {  	v32 =	vld [tilespmem:$0x12F0]  }
0x170: {  	v9 =	vld [tilespmem:$0x1300]  }
0x171: {  	v10 =	vld [tilespmem:$0x1310]  }
0x172: {  	[tilespmem:$0x1FC70] =	vst v0;
	v0 =	vld [tilespmem:$0x1670]  }
0x173: {  	v13 =	vld [tilespmem:$0x1320]  }
0x174: {  	v16 =	vld [tilespmem:$0x1330]  }
0x175: {  	v20 =	vld [tilespmem:$0x1340]  }
0x176: {  	v28 =	vld [tilespmem:$0x1350]  }
0x177: {  	[tilespmem:$0x1FCA0] =	vst v0;
	v0 =	vld [tilespmem:$0x1680]  }
0x178: {  	v41 =	vld [tilespmem:$0x1360]  }
0x179: {  	v49 =	vld [tilespmem:$0x1370]  }
0x17a: {  	v18 =	vld [tilespmem:$0x1380]  }
0x17b: {  	v19 =	vld [tilespmem:$0x1390]  }
0x17c: {  	[tilespmem:$0x1FBD0] =	vst v0;
	v0 =	vld [tilespmem:$0x1690]  }
0x17d: {  	v54 =	vld [tilespmem:$0x13A0]  }
0x17e: {  	v27 =	vld [tilespmem:$0x13B0]  }
0x17f: {  	v43 =	vld [tilespmem:$0x13C0]  }
0x180: {  	v53 =	vld [tilespmem:$0x13D0]  }
0x181: {  	[tilespmem:$0x1FBE0] =	vst v0;
	v0 =	vld [tilespmem:$0x16A0]  }
0x182: {  	v62 =	vld [tilespmem:$0x13E0]  }
0x183: {  	v26 =	vld [tilespmem:$0x13F0]  }
0x184: {  	v22 =	vld [tilespmem:$0x1400]  }
0x185: {  	v23 =	vld [tilespmem:$0x1410]  }
0x186: {  	[tilespmem:$0x1FC10] =	vst v0;
	v0 =	vld [tilespmem:$0x16B0]  }
0x187: {  	v42 =	vld [tilespmem:$0x1430]  }
0x188: {  	v45 =	vld [tilespmem:$0x1440]  }
0x189: {  	v57 =	vld [tilespmem:$0x1450]  }
0x18a: {  	v29 =	vld [tilespmem:$0x1460]  }
0x18b: {  	[tilespmem:$0x1FC40] =	vst v0;
	v0 =	vld [tilespmem:$0x16C0]  }
0x18c: {  	v44 =	vld [tilespmem:$0x1470]  }
0x18d: {  	v51 =	vld [tilespmem:$0x14B0]  }
0x18e: {  	v58 =	vld [tilespmem:$0x14C0]  }
0x18f: {  	v46 =	vld [tilespmem:$0x14D0]  }
0x190: {  	[tilespmem:$0x1FC50] =	vst v0;
	v0 =	vld [tilespmem:$0x16D0]  }
0x191: {  	v47 =	vld [tilespmem:$0x14E0]  }
0x192: {  	v55 =	vld [tilespmem:$0x14F0]  }
0x193: {  	v63 =	vld [tilespmem:$0x1530]  }
0x194: {  	[tilespmem:$0x1FDF0] =	vst v25;
	v25 =	vld [tilespmem:$0x1420]  }
0x195: {  	[tilespmem:$0x1FC80] =	vst v0;
	v0 =	vld [tilespmem:$0x16E0]  }
0x196: {  	[tilespmem:$0x1FAB0] =	vst v29;
	v29 =	vld [tilespmem:$0x1480]  }
0x197: {  	[tilespmem:$0x1FAA0] =	vst v26;
	v26 =	vld [tilespmem:$0x1490]  }
0x198: {  	[tilespmem:$0x1FAD0] =	vst v44;
	v44 =	vld [tilespmem:$0x14A0]  }
0x199: {  	[tilespmem:$0x1FAC0] =	vst v46;
	v46 =	vld [tilespmem:$0x1500]  }
0x19a: {  	v1 =	vmul.f32 v59, v40;
	v2 =	vmul.f32 v2, v39;
	[tilespmem:$0x1FCB0] =	vst v0;
	v0 =	vld [tilespmem:$0x16F0]  }
0x19b: {  	[tilespmem:$0x1FAE0] =	vst v47;
	v47 =	vld [tilespmem:$0x1510]  }
0x19c: {  	[tilespmem:$0x1FB30] =	vst v55;
	v55 =	vld [tilespmem:$0x1520];
	v1 =	vadd.f32 v2, v1;
	v2 =	vmul.f32 v3, v38  }
0x19d: {  	v48 =	vmul.f32 v48, v40;
	v50 =	vmul.f32 v50, v39;
	v59 =	vld [tilespmem:$0x1720]  }
0x19e: {  	v3 =	vmul.f32 v60, v36;
	v60 =	vld [tilespmem:$0x1740];
	v1 =	vadd.f32 v2, v1;
	v2 =	vmul.f32 v6, v37  }
0x19f: {  	v50 =	vadd.f32 v50, v48;
	v48 =	vld [tilespmem:$0x1710];
	[tilespmem:$0x1FCE0] =	vst v0;
	v0 =	vmul.f32 v52, v38  }
0x1a0: {  	v1 =	vadd.f32 v2, v1;
	v2 =	vmul.f32 v61, v35;
	v61 =	vld [tilespmem:$0x1770]  }
0x1a1: {  	v6 =	vld [tilespmem:$0x1890];
	v0 =	vadd.f32 v0, v50;
	v50 =	vmul.f32 v56, v37  }
0x1a2: {  	v56 =	vld [tilespmem:$0x1730]  }
0x1a3: {  	[tilespmem:$0x1FCC0] =	vst v60;
	v60 =	vmul.f32 v5, v39;
	v5 =	vld [tilespmem:$0x1900];
	v0 =	vadd.f32 v50, v0  }
0x1a4: {  	v50 =	vld [tilespmem:$0x1760]  }
0x1a5: {  	[tilespmem:$0x1FD20] =	vst v61;
	v61 =	vld [tilespmem:$0x17A0];
	v0 =	vadd.f32 v3, v0;
	v3 =	vmul.f32 v4, v40  }
0x1a6: {  	v4 =	vmul.f32 v12, v35;
	v12 =	vmul.f32 v11, v37;
	v11 =	vld [tilespmem:$0x17C0]  }
0x1a7: {  	[tilespmem:$0x1FC90] =	vst v56;
	v56 =	vld [tilespmem:$0x1750]  }
0x1a8: {  	v52 =	vld [tilespmem:$0x1700]  }
0x1a9: {  	v3 =	vadd.f32 v60, v3;
	v60 =	vld [tilespmem:$0x1780];
	[tilespmem:$0x1FCF0] =	vst v50;
	v50 =	vmul.f32 v7, v38  }
0x1aa: {  	v13 =	vmul.f32 v13, v38;
	v25 =	vmul.f32 v25, v38;
	v7 =	vld [tilespmem:$0x1880]  }
0x1ab: {  	v3 =	vadd.f32 v50, v3;
	v50 =	vmul.f32 v10, v39;
	v10 =	vmul.f32 v14, v36;
	[tilespmem:$0x1FD10] =	vst v11;
	v14 =	vld [tilespmem:$0x17D0]  }
0x1ac: {  	v11 =	vmul.f32 v30, v34;
	v30 =	vld [tilespmem:$0x1820];
	[tilespmem:$0x1FCD0] =	vst v56;
	v56 =	vmul.f32 v8, v36  }
0x1ad: {  	v8 =	vmul.f32 v15, v34;
	v15 =	vmul.f32 v9, v40;
	v9 =	vld [tilespmem:$0x17B0]  }
0x1ae: {  	v0 =	vadd.f32 v2, v0;
	v3 =	vadd.f32 v12, v3;
	v12 =	vmul.f32 v31, v33;
	v31 =	vld [tilespmem:$0x17E0]  }
0x1af: {  	v1 =	vadd.f32 v56, v1;
	v56 =	vld [tilespmem:$0x1790];
	v2 =	vadd.f32 v50, v15;
	v15 =	vmul.f32 v21, v34  }
0x1b0: {  	v0 =	vadd.f32 v8, v0;
	v21 =	vmul.f32 v17, v35;
	v17 =	vmul.f32 v54, v38;
	v54 =	vld [tilespmem:$0x1850]  }
0x1b1: {  	v8 =	vmul.f32 v16, v37;
	v16 =	vmul.f32 v32, v33;
	v32 =	vld [tilespmem:$0x1870]  }
0x1b2: {  	v1 =	vadd.f32 v4, v1;
	v0 =	vadd.f32 v12, v0;
	v12 =	vmul.f32 v20, v36;
	v20 =	vld [tilespmem:$0x1810]  }
0x1b3: {  	v3 =	vadd.f32 v10, v3;
	[tilespmem:$0x1FD40] =	vst v14;
	v14 =	vmul.f32 v19, v39;
	v19 =	vmul.f32 v23, v39;
	v23 =	vld [tilespmem:$0x1860]  }
0x1b4: {  	v10 =	vmul.f32 v24, v33;
	v50 =	vadd.f32 v13, v2;
	[tilespmem:$0x1FD00] =	vst v9;
	v9 =	vld [tilespmem:$0x17F0];
	v1 =	vadd.f32 v15, v1  }
0x1b5: {  	v13 =	vmul.f32 v18, v40;
	v18 =	vmul.f32 v22, v40;
	v3 =	vadd.f32 v21, v3;
	[tilespmem:$0x1FD60] =	vst v31;
	v31 =	vld [tilespmem:$0x1800]  }
0x1b6: {  	[tilespmem:$0x1FD30] =	vst v0;
	v0 =	vadd.f32 v8, v50;
	v15 =	vmul.f32 v28, v35;
	v28 =	vld [tilespmem:$0x1830];
	v1 =	vadd.f32 v10, v1  }
0x1b7: {  	v22 =	vmul.f32 v27, v37;
	v50 =	vld [tilespmem:$0x1840];
	v24 =	vadd.f32 v19, v18;
	v2 =	vadd.f32 v11, v3;
	[tilespmem:$0x1FD90] =	vst v32  }
0x1b8: {  	v32 =	vmul.f32 v51, v37;
	v51 =	vmul.f32 v47, v39;
	v47 =	vld [tilespmem:$0x1FAD0];
	[tilespmem:$0x1FD50] =	vst v1;
	v1 =	vadd.f32 v14, v13  }
0x1b9: {  	v21 =	vmul.f32 v41, v34;
	v11 =	vld [tilespmem:$0x1940];
	v0 =	vadd.f32 v12, v0;
	v3 =	vadd.f32 v25, v24  }
0x1ba: {  	v24 =	vmul.f32 v44, v38;
	v44 =	vld [tilespmem:$0x18F0];
	v27 =	vadd.f32 v16, v2;
	v1 =	vadd.f32 v17, v1  }
0x1bb: {  	v10 =	vld [tilespmem:$0x1930];
	v16 =	vmul.f32 v29, v40;
	v0 =	vadd.f32 v15, v0;
	v17 =	vmul.f32 v26, v39  }
0x1bc: {  	v41 =	vmul.f32 v43, v36;
	v29 =	vld [tilespmem:$0x18C0];
	v1 =	vadd.f32 v22, v1  }
0x1bd: {  	v43 =	vmul.f32 v49, v33;
	[tilespmem:$0x1FD80] =	vst v23;
	v2 =	vld [tilespmem:$0x1910];
	v0 =	vadd.f32 v21, v0;
	v23 =	vadd.f32 v17, v16  }
0x1be: {  	v49 =	vmul.f32 v42, v37;
	v18 =	vmul.f32 v53, v35;
	v13 =	vld [tilespmem:$0x18A0];
	v1 =	vadd.f32 v41, v1  }
0x1bf: {  	v19 =	vmul.f32 v45, v36;
	[tilespmem:$0x1FD70] =	vst v9;
	v9 =	vld [tilespmem:$0x18D0];
	v14 =	vadd.f32 v43, v0;
	v0 =	vadd.f32 v24, v23  }
0x1c0: {  	v25 =	vmul.f32 v62, v34;
	v3 =	vadd.f32 v49, v3;
	v21 =	vld [tilespmem:$0x18B0];
	v1 =	vadd.f32 v18, v1  }
0x1c1: {  	v26 =	vmul.f32 v57, v35;
	v57 =	vadd.f32 v32, v0;
	v32 =	vld [tilespmem:$0x1FAC0]  }
0x1c2: {  	v49 =	vmul.f32 v46, v40;
	v3 =	vadd.f32 v19, v3;
	v8 =	vadd.f32 v25, v1;
	v25 =	vld [tilespmem:$0x1FAB0]  }
0x1c3: {  	v58 =	vmul.f32 v58, v36;
	v19 =	vld [tilespmem:$0x1FAA0]  }
0x1c4: {  	v62 =	vadd.f32 v51, v49;
	v53 =	vadd.f32 v26, v3;
	v3 =	vld [tilespmem:$0x1920];
	v23 =	vmul.f32 v55, v38  }
0x1c5: {  	v16 =	vld [tilespmem:$0x1950]  }
0x1c6: {  	v43 =	vadd.f32 v23, v62;
	v62 =	vld [tilespmem:$0x1FB00];
	v24 =	vadd.f32 v58, v57;
	v42 =	vmul.f32 v32, v35  }
0x1c7: {  	v18 =	vld [tilespmem:$0x1FB10];
	v26 =	vmul.f32 v25, v34  }
0x1c8: {  	v46 =	vadd.f32 v42, v24;
	v42 =	vld [tilespmem:$0x1FB40]  }
0x1c9: {  	v5 =	vmul.f32 v5, v40;
	v2 =	vmul.f32 v2, v39;
	v15 =	vadd.f32 v26, v53;
	v53 =	vld [tilespmem:$0x1FAE0]  }
0x1ca: {  	v41 =	vld [tilespmem:$0x18E0]  }
0x1cb: {  	v45 =	vmul.f32 v63, v37;
	v49 =	vmul.f32 v47, v33;
	v2 =	vadd.f32 v2, v5;
	v5 =	vld [tilespmem:$0x1BA0]  }
0x1cc: {  	v57 =	vld [tilespmem:$0x1FAF0];
	v63 =	vmul.f32 v62, v40;
	v24 =	vmul.f32 v18, v39  }
0x1cd: {  	v51 =	vadd.f32 v45, v43;
	v32 =	vld [tilespmem:$0x1FB30];
	v12 =	vadd.f32 v49, v15  }
0x1ce: {  	v15 =	vadd.f32 v24, v63;
	v43 =	vmul.f32 v42, v38;
	v55 =	vmul.f32 v53, v34;
	v53 =	vld [tilespmem:$0x1FB50]  }
0x1cf: {  	v25 =	vld [tilespmem:$0x1FB20]  }
0x1d0: {  	v15 =	vadd.f32 v43, v15;
	v43 =	vld [tilespmem:$0x1FB80]  }
0x1d1: {  	v62 =	vld [tilespmem:$0x1FB60]  }
0x1d2: {  	v18 =	vmul.f32 v32, v33;
	v32 =	vld [tilespmem:$0x1FB70]  }
0x1d3: {  	v58 =	vmul.f32 v57, v36;
	v17 =	vadd.f32 v55, v46;
	v55 =	vmul.f32 v53, v40;
	v53 =	vld [tilespmem:$0x1FB90]  }
0x1d4: {  	v22 =	vmul.f32 v19, v33;
	v23 =	vld [tilespmem:$0x1A00]  }
0x1d5: {  	v19 =	vadd.f32 v58, v51;
	v26 =	vmul.f32 v25, v35;
	v47 =	vmul.f32 v43, v37;
	v43 =	vld [tilespmem:$0x1FBC0]  }
0x1d6: {  	v45 =	vld [tilespmem:$0x1970];
	v63 =	vmul.f32 v62, v39  }
0x1d7: {  	v62 =	vld [tilespmem:$0x1FBA0];
	v19 =	vadd.f32 v26, v19;
	v42 =	vmul.f32 v32, v34  }
0x1d8: {  	v32 =	vld [tilespmem:$0x19C0];
	v51 =	vadd.f32 v63, v55;
	v55 =	vmul.f32 v53, v38  }
0x1d9: {  	v19 =	vadd.f32 v42, v19;
	v42 =	vld [tilespmem:$0x1FBB0];
	v18 =	vadd.f32 v18, v17  }
0x1da: {  	v15 =	vadd.f32 v47, v15;
	v47 =	vmul.f32 v43, v37;
	v53 =	vld [tilespmem:$0x1FBD0];
	v17 =	vadd.f32 v55, v51  }
0x1db: {  	v51 =	vld [tilespmem:$0x19D0]  }
0x1dc: {  	v17 =	vadd.f32 v47, v17;
	v47 =	vld [tilespmem:$0x1FC00]  }
0x1dd: {  	[tilespmem:$0x1FDA0] =	vst v32;
	v32 =	vld [tilespmem:$0x19E0]  }
0x1de: {  	v4 =	vadd.f32 v22, v8;
	v8 =	vld [tilespmem:$0x1960]  }
0x1df: {  	v55 =	vmul.f32 v53, v40;
	v53 =	vld [tilespmem:$0x19F0]  }
0x1e0: {  	v63 =	vmul.f32 v62, v36;
	v62 =	vld [tilespmem:$0x1FBE0]  }
0x1e1: {  	v22 =	vmul.f32 v42, v33;
	v42 =	vld [tilespmem:$0x1FBF0];
	[tilespmem:$0x1FDB0] =	vst v51;
	v51 =	vmul.f32 v47, v36  }
0x1e2: {  	[tilespmem:$0x1FDC0] =	vst v32;
	v32 =	vld [tilespmem:$0x1FC10]  }
0x1e3: {  	v17 =	vadd.f32 v51, v17;
	v51 =	vld [tilespmem:$0x1FC30]  }
0x1e4: {  	[tilespmem:$0x1FDD0] =	vst v53;
	v53 =	vld [tilespmem:$0x1FC40]  }
0x1e5: {  	v57 =	vld [tilespmem:$0x19A0];
	v15 =	vadd.f32 v63, v15;
	v63 =	vmul.f32 v62, v39  }
0x1e6: {  	v58 =	vld [tilespmem:$0x19B0];
	v43 =	vmul.f32 v42, v35  }
0x1e7: {  	v62 =	vmul.f32 v52, v40;
	v52 =	vld [tilespmem:$0x1FC50];
	v42 =	vmul.f32 v32, v38;
	v55 =	vadd.f32 v63, v55  }
0x1e8: {  	v24 =	vadd.f32 v43, v15;
	v43 =	vld [tilespmem:$0x1FC20];
	v25 =	vmul.f32 v51, v35;
	v51 =	vmul.f32 v48, v39  }
0x1e9: {  	v22 =	vadd.f32 v22, v19;
	v19 =	vadd.f32 v42, v55;
	v55 =	vmul.f32 v53, v37;
	v53 =	vld [tilespmem:$0x1FC60]  }
0x1ea: {  	v32 =	vadd.f32 v51, v62;
	v51 =	vld [tilespmem:$0x1FC70]  }
0x1eb: {  	v62 =	vmul.f32 v59, v38;
	v59 =	vld [tilespmem:$0x1FC90]  }
0x1ec: {  	v49 =	vld [tilespmem:$0x1980]  }
0x1ed: {  	v46 =	vld [tilespmem:$0x1990];
	v19 =	vadd.f32 v55, v19;
	v17 =	vadd.f32 v25, v17;
	v25 =	vmul.f32 v52, v36  }
0x1ee: {  	v15 =	vld [tilespmem:$0x1A20]  }
0x1ef: {  	v63 =	vld [tilespmem:$0x1A10];
	v47 =	vmul.f32 v43, v34;
	v19 =	vadd.f32 v25, v19;
	v25 =	vmul.f32 v51, v34  }
0x1f0: {  	v43 =	vmul.f32 v53, v33;
	v53 =	vld [tilespmem:$0x1A60];
	v32 =	vadd.f32 v62, v32;
	v62 =	vmul.f32 v59, v37  }
0x1f1: {  	v25 =	vadd.f32 v25, v17;
	v17 =	vld [tilespmem:$0x1FCA0]  }
0x1f2: {  	v32 =	vadd.f32 v62, v32;
	v62 =	vld [tilespmem:$0x1FCC0]  }
0x1f3: {  	v42 =	vld [tilespmem:$0x1A30]  }
0x1f4: {  	v52 =	vld [tilespmem:$0x1FC80]  }
0x1f5: {  	v26 =	vadd.f32 v47, v24;
	v47 =	vld [tilespmem:$0x1A50]  }
0x1f6: {  	[tilespmem:$0x1FDE0] =	vst v53;
	v53 =	vld [tilespmem:$0x1FCB0];
	v24 =	vmul.f32 v17, v33  }
0x1f7: {  	v48 =	vld [tilespmem:$0x1AA0];
	v1 =	vmul.f32 v62, v36  }
0x1f8: {  	v62 =	vadd.f32 v24, v25;
	v25 =	vmul.f32 v60, v40;
	v60 =	vmul.f32 v56, v39;
	v56 =	vld [tilespmem:$0x1FCD0]  }
0x1f9: {  	v55 =	vld [tilespmem:$0x1A40];
	v51 =	vmul.f32 v52, v35  }
0x1fa: {  	v32 =	vadd.f32 v1, v32;
	v1 =	vmul.f32 v61, v38;
	v61 =	vld [tilespmem:$0x1FCF0]  }
0x1fb: {  	v26 =	vadd.f32 v43, v26;
	v43 =	vld [tilespmem:$0x1A70];
	v19 =	vadd.f32 v51, v19;
	v52 =	vmul.f32 v53, v34  }
0x1fc: {  	v59 =	vld [tilespmem:$0x1A80]  }
0x1fd: {  	v19 =	vadd.f32 v52, v19;
	v25 =	vadd.f32 v60, v25;
	v60 =	vld [tilespmem:$0x1FCE0];
	v52 =	vmul.f32 v56, v35  }
0x1fe: {  	v17 =	vld [tilespmem:$0x1A90]  }
0x1ff: {  	v53 =	vmul.f32 v61, v34;
	v52 =	vadd.f32 v52, v32;
	v32 =	vld [tilespmem:$0x1FD00]  }
0x200: {  	v24 =	vld [tilespmem:$0x1AB0]  }
0x201: {  	v20 =	vmul.f32 v20, v39;
	v52 =	vadd.f32 v53, v52;
	v53 =	vld [tilespmem:$0x1FD10]  }
0x202: {  	v56 =	vld [tilespmem:$0x1AC0];
	v51 =	vmul.f32 v60, v33;
	v60 =	vmul.f32 v31, v40  }
0x203: {  	v25 =	vadd.f32 v1, v25;
	v31 =	vld [tilespmem:$0x1AD0]  }
0x204: {  	v20 =	vadd.f32 v20, v60;
	v60 =	vmul.f32 v30, v38;
	v30 =	vld [tilespmem:$0x1AF0];
	v0 =	vmul.f32 v32, v37  }
0x205: {  	v51 =	vadd.f32 v51, v19;
	v19 =	vld [tilespmem:$0x1B00]  }
0x206: {  	v0 =	vadd.f32 v0, v25;
	v61 =	vmul.f32 v53, v36;
	v53 =	vadd.f32 v60, v20;
	v60 =	vld [tilespmem:$0x1FD20]  }
0x207: {  	v28 =	vmul.f32 v28, v37;
	v20 =	vld [tilespmem:$0x1B10]  }
0x208: {  	v25 =	vadd.f32 v61, v0;
	v61 =	vld [tilespmem:$0x1FD30]  }
0x209: {  	v50 =	vmul.f32 v50, v36;
	v53 =	vadd.f32 v28, v53;
	v28 =	vld [tilespmem:$0x1FD40]  }
0x20a: {  	v32 =	vld [tilespmem:$0x1AE0]  }
0x20b: {  	v50 =	vadd.f32 v50, v53;
	v53 =	vld [tilespmem:$0x1FD60]  }
0x20c: {  	v6 =	vmul.f32 v6, v39;
	v19 =	vmul.f32 v19, v40;
	v0 =	vld [tilespmem:$0x1B30]  }
0x20d: {  	v1 =	vmul.f32 v60, v33;
	v60 =	vld [tilespmem:$0x1B20];
	v20 =	vmul.f32 v20, v39  }
0x20e: {  	v7 =	vmul.f32 v7, v40;
	(xrf2) =	vadd.scan.msk.f32 $0xffff, v61;
	v61 =	vmul.f32 v28, v35;
	v28 =	vld [tilespmem:$0x1FD50]  }
0x20f: {  	v52 =	vadd.f32 v1, v52;
	v19 =	vadd.f32 v20, v19;
	v20 =	vld [tilespmem:$0x1DB0]  }
0x210: {  	v1 =	vadd.f32 v6, v7;
	v6 =	vmul.f32 v13, v38;
	v13 =	vmul.f32 v53, v34;
	v53 =	vld [tilespmem:$0x1B50]  }
0x211: {  	v7 =	vadd.f32 v61, v25;
	v25 =	vld [tilespmem:$0x1B80]  }
0x212: {  	v61 =	vmul.f32 v21, v37;
	v21 =	vmul.f32 v29, v36;
	v29 =	vld [tilespmem:$0x1FD70]  }
0x213: {  	v1 =	vadd.f32 v6, v1;
	v6 =	vld [tilespmem:$0x1B90]  }
0x214: {  	(xrf2) =	vadd.scan.msk.f32 $0xffff, v28;
	v28 =	vld [tilespmem:$0x1B40]  }
0x215: {  	(xrf2) =	vadd.scan.msk.f32 $0xffff, v27;
	v27 =	vld [tilespmem:$0x1B60]  }
0x216: {  	v54 =	vmul.f32 v54, v35;
	(xrf2) =	vadd.scan.msk.f32 $0xffff, v14;
	v14 =	vld [tilespmem:$0x1BF0]  }
0x217: {  	v3 =	vmul.f32 v3, v38;
	(xrf2) =	vadd.scan.msk.f32 $0xffff, v4;
	v4 =	vadd.f32 v13, v7;
	v13 =	vld [tilespmem:$0x1B70]  }
0x218: {  	v25 =	vmul.f32 v25, v40;
	v6 =	vmul.f32 v6, v39;
	v7 =	vadd.f32 v54, v50;
	v54 =	vld [tilespmem:$0x1FD80]  }
0x219: {  	v1 =	vadd.f32 v61, v1;
	v50 =	vmul.f32 v29, v33;
	v29 =	vmul.f32 v9, v35;
	v9 =	vld [tilespmem:$0x1BB0]  }
0x21a: {  	v2 =	vadd.f32 v3, v2;
	(xrf2) =	vadd.scan.msk.f32 $0xffff, v12;
	v12 =	vld [tilespmem:$0x1C00]  }
0x21b: {  	v1 =	vadd.f32 v21, v1;
	v6 =	vadd.f32 v6, v25;
	v25 =	vld [tilespmem:$0x1DE0]  }
0x21c: {  	v5 =	vmul.f32 v5, v38;
	(xrf2) =	vadd.scan.msk.f32 $0xffff, v18;
	v21 =	vadd.f32 v50, v4;
	v50 =	vmul.f32 v10, v37;
	v4 =	vld [tilespmem:$0x1BD0]  }
0x21d: {  	(xrf2) =	vadd.scan.msk.f32 $0xffff, v22;
	v61 =	vmul.f32 v54, v34;
	v54 =	vadd.f32 v29, v1;
	v29 =	vld [tilespmem:$0x1FD90]  }
0x21e: {  	v11 =	vmul.f32 v11, v36;
	v5 =	vadd.f32 v5, v6;
	v6 =	vld [tilespmem:$0x1E40];
	(xrf2) =	vadd.scan.msk.f32 $0xffff, v26;
	v3 =	vadd.f32 v50, v2  }
0x21f: {  	v16 =	vmul.f32 v16, v35;
	v8 =	vmul.f32 v8, v34;
	v26 =	vld [tilespmem:$0x1C10]  }
0x220: {  	v2 =	vld [tilespmem:$0x1BE0];
	(xrf2) =	vadd.scan.msk.f32 $0xffff, v62;
	v62, _, _ =	vpop (xrf2);
	v3 =	vadd.f32 v11, v3;
	v7 =	vadd.f32 v61, v7;
	v61 =	vmul.f32 v41, v34  }
0x221: {  	v1 =	vld [tilespmem:$0x1BC0];
	(xrf2) =	vadd.scan.msk.f32 $0xffff, v51;
	v51 =	vmul.f32 v44, v33;
	v12 =	vmul.f32 v12, v40;
	v50, _, _ =	vpop (xrf2)  }
0x222: {  	(xrf2) =	vadd.scan.msk.f32 $0xffff, v52;
	v3 =	vadd.f32 v16, v3;
	v16 =	vld [tilespmem:$0x1C40];
	v10 =	vadd.f32 v61, v54;
	v54, _, _ =	vpop (xrf2);
	v41 =	vmul.f32 v29, v33  }
0x223: {  	v22 =	vbroadcast v50, $0xF;
	v61 =	vbroadcast v62, $0xF;
	(xrf2) =	vadd.scan.msk.f32 $0xffff, v21;
	v21 =	vld [tilespmem:$0x1C30];
	v62, _, _ =	vpop (xrf2)  }
0x224: {  	v26 =	vmul.f32 v26, v39;
	v29 =	vld [tilespmem:$0x1C90];
	v44, _, _ =	vpop (xrf2);
	v7 =	vadd.f32 v41, v7;
	v41 =	vbroadcast v54, $0xF  }
0x225: {  	v10 =	vadd.f32 v51, v10;
	v11 =	vsel vm0, v61, v22;
	v50 =	vbroadcast v62, $0xF;
	v22 =	vld [tilespmem:$0x1C20];
	v51, _, _ =	vpop (xrf2)  }
0x226: {  	v12 =	vadd.f32 v26, v12;
	v26 =	vld [tilespmem:$0x1EA0];
	v52 =	vbroadcast v44, $0xF;
	v54, _, _ =	vpop (xrf2);
	v11 =	vsel vm1, v11, v41;
	(xrf2) =	vadd.scan.msk.f32 $0xffff, v7  }
0x227: {  	v3 =	vadd.f32 v8, v3;
	v62 =	vbroadcast v51, $0xF;
	v44, _, _ =	vpop (xrf2);
	v61 =	vsel vm2, v11, v50;
	(xrf2) =	vadd.scan.msk.f32 $0xffff, v10;
	v10 =	vld [tilespmem:$0x1C50]  }
0x228: {  	v50 =	vbroadcast v54, $0xF;
	v51, _, _ =	vpop (xrf2);
	v7 =	vsel vm3, v61, v52;
	v52 =	vmul.f32 v45, v33;
	v45 =	vld [tilespmem:$0x1C80]  }
0x229: {  	v18 =	vbroadcast v51, $0xF;
	v51 =	vmul.f32 v49, v40;
	v49 =	vld [tilespmem:$0x1CA0];
	v7 =	vsel vm4, v7, v62  }
0x22a: {  	v54 =	vbroadcast v44, $0xF;
	v22 =	vmul.f32 v22, v38;
	v8 =	vsel vm5, v7, v50;
	v7 =	vld [tilespmem:$0x1C60]  }
0x22b: {  	v21 =	vmul.f32 v21, v37;
	v61, _, _ =	vpop (xrf2);
	v41 =	vadd.f32 v52, v3;
	v3 =	vld [tilespmem:$0x1C70];
	v52 =	vmul.f32 v46, v39  }
0x22c: {  	v12 =	vadd.f32 v22, v12;
	v22 =	vld [tilespmem:$0x1E50];
	v8 =	vsel vm6, v8, v54;
	v62 =	vbroadcast v61, $0xF  }
0x22d: {  	v50, _, _ =	vpop (xrf2);
	v8 =	vsel vm7, v8, v18;
	(xrf2) =	vadd.scan.msk.f32 $0xffff, v41;
	v18 =	vadd.f32 v52, v51;
	v52 =	vmul.f32 v57, v38;
	v41 =	vld [tilespmem:$0x1CB0]  }
0x22e: {  	v61 =	vbroadcast v50, $0xF;
	v12 =	vadd.f32 v21, v12;
	v21 =	vld [tilespmem:$0x1E70]  }
0x22f: {  	v8 =	vsel vm8, v8, v62;
	v44 =	vadd.f32 v52, v18;
	v18 =	vld [tilespmem:$0x1CC0]  }
0x230: {  	v16 =	vmul.f32 v16, v36;
	v54, _, _ =	vpop (xrf2);
	v8 =	vsel vm9, v8, v61;
	v61 =	vmul.f32 v23, v40;
	v23 =	vld [tilespmem:$0x1CE0]  }
0x231: {  	v57 =	vmul.f32 v58, v37;
	v46 =	vbroadcast v54, $0xF;
	v52 =	vld [tilespmem:$0x1D10];
	v62, _, _ =	vpop (xrf2)  }
0x232: {  	v10 =	vmul.f32 v10, v35;
	v12 =	vadd.f32 v16, v12;
	v16 =	vld [tilespmem:$0x1E90];
	v54 =	vbroadcast v62, $0xF  }
0x233: {  	v8 =	vsel vm10, v8, v46;
	v62 =	vmul.f32 v63, v39;
	v44 =	vadd.f32 v57, v44;
	v57 =	vld [tilespmem:$0x1FDA0]  }
0x234: {  	v7 =	vmul.f32 v7, v34;
	v11 =	vsel vm11, v8, v54;
	v8 =	vld [tilespmem:$0x1CD0]  }
0x235: {  	v58, _, _ =	vpop (xrf2);
	v10 =	vadd.f32 v10, v12;
	v51 =	vadd.f32 v62, v61;
	v61 =	vmul.f32 v15, v38;
	v15 =	vld [tilespmem:$0x1CF0]  }
0x236: {  	v50 =	vbroadcast v58, $0xF;
	v62 =	vld [tilespmem:$0x1FDB0]  }
0x237: {  	v7 =	vadd.f32 v7, v10;
	v10 =	vld [tilespmem:$0x1EE0]  }
0x238: {  	v42 =	vmul.f32 v42, v37;
	v63, _, _ =	vpop (xrf2);
	v11 =	vsel vm12, v11, v50;
	v50 =	vld [tilespmem:$0x1D00]  }
0x239: {  	v47 =	vmul.f32 v47, v35;
	v54 =	vbroadcast v63, $0xF;
	v51 =	vadd.f32 v61, v51;
	v61 =	vld [tilespmem:$0x1FDC0]  }
0x23a: {  	v43 =	vmul.f32 v43, v33;
	v58 =	vmul.f32 v57, v36;
	v57 =	vld [tilespmem:$0x1D20]  }
0x23b: {  	v24 =	vmul.f32 v24, v37;
	v11 =	vsel vm13, v11, v54;
	v42 =	vadd.f32 v42, v51;
	v51 =	vld [tilespmem:$0x1D50]  }
0x23c: {  	v63, _, _ =	vpop (xrf2);
	v44 =	vadd.f32 v58, v44;
	v46 =	vmul.f32 v62, v35;
	v62 =	vmul.f32 v55, v36;
	v55 =	vld [tilespmem:$0x1D30]  }
0x23d: {  	v31 =	vmul.f32 v31, v35;
	v54 =	vmul.f32 v17, v39;
	v17 =	vsel vm14, v11, v63;
	v11 =	vld [tilespmem:$0x1D70]  }
0x23e: {  	v44 =	vadd.f32 v46, v44;
	v46 =	vmul.f32 v59, v40;
	v58 =	vmul.f32 v61, v34;
	v61 =	vld [tilespmem:$0x1FDD0]  }
0x23f: {  	v30 =	vmul.f32 v30, v33;
	v32 =	vmul.f32 v32, v34;
	v42 =	vadd.f32 v62, v42;
	v62 =	vld [tilespmem:$0x1FDE0]  }
0x240: {  	v0 =	vmul.f32 v0, v37;
	v59 =	vmul.f32 v48, v38;
	v48 =	vld [tilespmem:$0x1D40];
	v63 =	vadd.f32 v54, v46  }
0x241: {  	v28 =	vmul.f32 v28, v36;
	v27 =	vmul.f32 v27, v34;
	v44 =	vadd.f32 v58, v44;
	v58 =	vld [tilespmem:$0x1D60]  }
0x242: {  	v14 =	vmul.f32 v14, v33;
	v46 =	vadd.f32 v59, v63;
	v59 =	vmul.f32 v29, v39;
	v29 =	vld [tilespmem:$0x1ED0]  }
0x243: {  	v47 =	vadd.f32 v47, v42;
	v54 =	vmul.f32 v61, v33;
	v61 =	vmul.f32 v56, v36;
	v56 =	vld [tilespmem:$0x1D80]  }
0x244: {  	v63 =	vmul.f32 v62, v34;
	v62 =	vmul.f32 v60, v38;
	v24 =	vadd.f32 v24, v46;
	v46 =	vld [tilespmem:$0x1DA0]  }
0x245: {  	v13 =	vmul.f32 v13, v33;
	v25 =	vmul.f32 v25, v34;
	v42 =	vadd.f32 v54, v44;
	v44 =	vld [tilespmem:$0x1D90]  }
0x246: {  	v47 =	vadd.f32 v63, v47;
	v19 =	vadd.f32 v62, v19;
	v54 =	vld [tilespmem:$0x1DD0];
	v63 =	vmul.f32 v53, v35  }
0x247: {  	v53 =	vmul.f32 v45, v40;
	v45 =	vmul.f32 v18, v36;
	v18 =	vld [tilespmem:$0x1EC0];
	v24 =	vadd.f32 v61, v24  }
0x248: {  	v19 =	vadd.f32 v0, v19;
	v0 =	vadd.f32 v43, v47;
	v43 =	vmul.f32 v9, v37;
	v9 =	vld [tilespmem:$0x1E00]  }
0x249: {  	v4 =	vmul.f32 v4, v35;
	v3 =	vmul.f32 v3, v33;
	v24 =	vadd.f32 v31, v24;
	v31 =	vld [tilespmem:$0x1DC0]  }
0x24a: {  	v62 =	vmul.f32 v41, v37;
	v41 =	vmul.f32 v52, v39;
	v19 =	vadd.f32 v28, v19;
	v28 =	vld [tilespmem:$0x1E10]  }
0x24b: {  	v47 =	vmul.f32 v1, v36;
	v5 =	vadd.f32 v43, v5;
	v43 =	vld [tilespmem:$0x1E20];
	v24 =	vadd.f32 v32, v24  }
0x24c: {  	v32 =	vld [tilespmem:$0x1DF0];
	v52 =	vmul.f32 v44, v39;
	v19 =	vadd.f32 v63, v19;
	v63 =	vmul.f32 v50, v40  }
0x24d: {  	v44 =	vld [tilespmem:$0x1F00];
	v5 =	vadd.f32 v47, v5;
	v47 =	vmul.f32 v57, v38;
	v50 =	vmul.f32 v56, v40  }
0x24e: {  	v56 =	vmul.f32 v46, v38;
	v57 =	vmul.f32 v51, v35;
	v51 =	vld [tilespmem:$0x1FA0]  }
0x24f: {  	v46 =	vmul.f32 v54, v35;
	v54 =	vmul.f32 v22, v35;
	v22 =	vld [tilespmem:$0x1FD0]  }
0x250: {  	v6 =	vmul.f32 v6, v36;
	v21 =	vmul.f32 v21, v33;
	v1 =	vadd.f32 v30, v24;
	v24 =	vld [tilespmem:$0x1E30]  }
0x251: {  	v23 =	vmul.f32 v23, v34;
	v16 =	vmul.f32 v16, v39;
	v3 =	vadd.f32 v3, v7;
	v30 =	vld [tilespmem:$0x1EB0]  }
0x252: {  	v8 =	vmul.f32 v8, v35;
	v15 =	vmul.f32 v15, v33;
	v19 =	vadd.f32 v27, v19;
	v27 =	vld [tilespmem:$0x1E60]  }
0x253: {  	v10 =	vmul.f32 v10, v34;
	v60 =	vmul.f32 v2, v34;
	v12 =	vadd.f32 v41, v63;
	v41 =	vld [tilespmem:$0x1F20]  }
0x254: {  	v4 =	vadd.f32 v4, v5;
	v5 =	vadd.f32 v59, v53;
	v59 =	vmul.f32 v20, v37;
	v20 =	vld [tilespmem:$0x1F40]  }
0x255: {  	v61 =	vmul.f32 v49, v38;
	v49 =	vmul.f32 v55, v37;
	v55 =	vadd.f32 v52, v50;
	v52 =	vld [tilespmem:$0x1FB0]  }
0x256: {  	v11 =	vmul.f32 v11, v33;
	v9 =	vmul.f32 v9, v40;
	v2 =	vadd.f32 v13, v19;
	v19 =	vld [tilespmem:$0x1E80]  }
0x257: {  	v53 =	vmul.f32 v48, v36;
	v4 =	vadd.f32 v60, v4;
	v60 =	vmul.f32 v28, v39;
	v28 =	vld [tilespmem:$0x1F50]  }
0x258: {  	v63 =	vmul.f32 v43, v38;
	v5 =	vadd.f32 v61, v5;
	v12 =	vadd.f32 v47, v12;
	v47 =	vld [tilespmem:$0x1F80]  }
0x259: {  	v7 =	vadd.f32 v56, v55;
	v61 =	vmul.f32 v58, v34;
	v55 =	vmul.f32 v32, v33;
	v32 =	vld [tilespmem:$0x1FF0]  }
0x25a: {  	v22 =	vmul.f32 v22, v35;
	v5 =	vadd.f32 v62, v5;
	v4 =	vadd.f32 v14, v4;
	v14 =	vld [tilespmem:$0x1EF0]  }
0x25b: {  	v12 =	vadd.f32 v49, v12;
	v62 =	vmul.f32 v31, v36;
	v31 =	vld [tilespmem:$0x1F60];
	v48 =	vmul.f32 v24, v37  }
0x25c: {  	v7 =	vadd.f32 v59, v7;
	v49 =	vld [tilespmem:$0x1F90];
	v56 =	vmul.f32 v30, v37;
	v59 =	vmul.f32 v18, v36  }
0x25d: {  	v9 =	vadd.f32 v60, v9;
	v60 =	vld [tilespmem:$0x2000];
	v27 =	vmul.f32 v27, v34;
	v20 =	vmul.f32 v20, v36  }
0x25e: {  	v30 =	vld [tilespmem:$0x2130];
	v13 =	vmul.f32 v52, v37;
	v5 =	vadd.f32 v45, v5;
	v12 =	vadd.f32 v53, v12  }
0x25f: {  	v52 =	vld [tilespmem:$0x2090];
	v7 =	vadd.f32 v62, v7;
	v9 =	vadd.f32 v63, v9;
	v53 =	vmul.f32 v26, v38  }
0x260: {  	v45 =	vld [tilespmem:$0x1F10];
	v63 =	vmul.f32 v29, v35;
	v50 =	vmul.f32 v19, v40;
	v5 =	vadd.f32 v8, v5  }
0x261: {  	v62 =	vld [tilespmem:$0x2010];
	v19 =	vmul.f32 v51, v38;
	v12 =	vadd.f32 v57, v12;
	v7 =	vadd.f32 v46, v7  }
0x262: {  	v9 =	vadd.f32 v48, v9;
	v57 =	vmul.f32 v44, v40;
	v44 =	vld [tilespmem:$0x2030];
	v48 =	vmul.f32 v28, v35  }
0x263: {  	v46 =	vld [tilespmem:$0x2040];
	v8 =	vadd.f32 v16, v50;
	v24 =	vmul.f32 v49, v39;
	v14 =	vmul.f32 v14, v33  }
0x264: {  	v50 =	vmul.f32 v60, v40;
	v5 =	vadd.f32 v23, v5;
	v23 =	vld [tilespmem:$0x1F30];
	v12 =	vadd.f32 v61, v12  }
0x265: {  	v16 =	vld [tilespmem:$0x1FC0];
	v7 =	vadd.f32 v25, v7;
	v6 =	vadd.f32 v6, v9;
	v58 =	vmul.f32 v45, v39  }
0x266: {  	v49 =	vld [tilespmem:$0x2080];
	v61 =	vmul.f32 v41, v38;
	v8 =	vadd.f32 v53, v8;
	v45 =	vmul.f32 v47, v40  }
0x267: {  	v60 =	vld [tilespmem:$0x20B0];
	v51 =	vmul.f32 v62, v39;
	v5 =	vadd.f32 v15, v5;
	v9 =	vadd.f32 v58, v57  }
0x268: {  	v41 =	vld [tilespmem:$0x2020];
	v53 =	vmul.f32 v31, v34;
	v11 =	vadd.f32 v11, v12;
	v6 =	vadd.f32 v54, v6  }
0x269: {  	v47 =	vld [tilespmem:$0x2050];
	v7 =	vadd.f32 v55, v7;
	v9 =	vadd.f32 v61, v9;
	v23 =	vmul.f32 v23, v37  }
0x26a: {  	v62 =	vmul.f32 v52, v39;
	v15 =	vld [tilespmem:$0x1F70];
	v8 =	vadd.f32 v56, v8;
	v12 =	vadd.f32 v24, v45  }
0x26b: {  	v55 =	vld [tilespmem:$0x20A0];
	v28 =	vmul.f32 v46, v36;
	v6 =	vadd.f32 v27, v6;
	v9 =	vadd.f32 v23, v9  }
0x26c: {  	v57 =	vld [tilespmem:$0x2100];
	v54 =	vmul.f32 v16, v36;
	v43 =	vmul.f32 v60, v37;
	v8 =	vadd.f32 v59, v8  }
0x26d: {  	v26 =	vld [tilespmem:$0x1FE0];
	v12 =	vadd.f32 v19, v12;
	v56 =	vmul.f32 v41, v38;
	v9 =	vadd.f32 v20, v9  }
0x26e: {  	v58 =	vld [tilespmem:$0x2110];
	v59 =	vmul.f32 v44, v37;
	v61 =	vmul.f32 v49, v40;
	v6 =	vadd.f32 v21, v6  }
0x26f: {  	(xrf2) =	vadd.scan.msk.f32 $0xffff, v42;
	v29 =	vld [tilespmem:$0x20C0];
	v42 =	vmul.f32 v47, v35;
	v8 =	vadd.f32 v63, v8;
	v9 =	vadd.f32 v48, v9  }
0x270: {  	v41 =	vld [tilespmem:$0x20D0];
	v12 =	vadd.f32 v13, v12;
	v15 =	vmul.f32 v15, v33;
	v16 =	vmul.f32 v55, v38  }
0x271: {  	v63 =	vld [tilespmem:$0x2120];
	v18 =	vmul.f32 v57, v40;
	v8 =	vadd.f32 v10, v8;
	v9 =	vadd.f32 v53, v9  }
0x272: {  	v44 =	vld [tilespmem:$0x2140];
	v40 =	vmul.f32 v26, v34;
	v10 =	vadd.f32 v51, v50;
	v12 =	vadd.f32 v54, v12  }
0x273: {  	(xrf2) =	vadd.scan.msk.f32 $0xffff, v0;
	v21 =	vld [tilespmem:$0x2060];
	v13 =	vmul.f32 v58, v39;
	v9 =	vadd.f32 v15, v9;
	v15 =	vadd.f32 v62, v61  }
0x274: {  	(xrf2) =	vadd.scan.msk.f32 $0xffff, v1;
	v55 =	vld [tilespmem:$0x20F0];
	v50 =	vmul.f32 v29, v36;
	v54 =	vmul.f32 v30, v37;
	v10 =	vadd.f32 v56, v10  }
0x275: {  	v20 =	vld [tilespmem:$0x2070];
	v46 =	vadd.f32 v13, v18;
	v57 =	vmul.f32 v41, v35;
	v15 =	vadd.f32 v16, v15  }
0x276: {  	(xrf2) =	vadd.scan.msk.f32 $0xffff, v2;
	v8 =	vadd.f32 v14, v8;
	v48 =	vld [tilespmem:$0x20E0];
	v47 =	vmul.f32 v63, v38;
	v10 =	vadd.f32 v59, v10  }
0x277: {  	(xrf2) =	vadd.scan.msk.f32 $0xffff, v4;
	v51 =	vld [tilespmem:$0x2150];
	v60 =	vmul.f32 v44, v36;
	v12 =	vadd.f32 v22, v12;
	v49 =	vadd.f32 v43, v15  }
0x278: {  	(xrf2) =	vadd.scan.msk.f32 $0xffff, v3;
	v58 =	vld [tilespmem:$0x2160];
	v56 =	vmul.f32 v21, v34;
	v52 =	vadd.f32 v47, v46;
	v31 =	vadd.f32 v28, v10  }
0x279: {  	(xrf2) =	vadd.scan.msk.f32 $0xffff, v5;
	v21 =	vmul.f32 v55, v33;
	v45 =	vadd.f32 v40, v12;
	v1 =	vadd.f32 v50, v49  }
0x27a: {  	(xrf2) =	vadd.scan.msk.f32 $0xffff, v11;
	v53 =	vld [tilespmem:$0x1FDF0];
	v59 =	vmul.f32 v32, v33;
	v3 =	vadd.f32 v54, v52;
	v0 =	vadd.f32 v42, v31  }
0x27b: {  	(xrf2) =	vadd.scan.msk.f32 $0xffff, v7;
	v63 =	vmul.f32 v20, v33;
	v62 =	vld [tilespmem:$0x2170];
	v61 =	vmul.f32 v48, v34;
	v1 =	vadd.f32 v57, v1  }
0x27c: {  	(xrf2) =	vadd.scan.msk.f32 $0xffff, v6;
	v19 =	vmul.f32 v51, v35;
	v20, _, _ =	vpop (xrf2);
	v3 =	vadd.f32 v60, v3;
	v0 =	vadd.f32 v56, v0  }
0x27d: {  	v23 =	vmul.f32 v58, v34;
	(xrf2) =	vadd.scan.msk.f32 $0xffff, v8;
	v2 =	vadd.f32 v59, v45;
	v22, _, _ =	vpop (xrf2);
	v1 =	vadd.f32 v61, v1  }
0x27e: {  	v25 =	vbroadcast v20, $0xF;
	v24, _, _ =	vpop (xrf2);
	(xrf2) =	vadd.scan.msk.f32 $0xffff, v9;
	v3 =	vadd.f32 v19, v3;
	v0 =	vadd.f32 v63, v0  }
0x27f: {  	v26 =	vbroadcast v22, $0xF;
	v30 =	vbroadcast v24, $0xF;
	(xrf2) =	vadd.scan.msk.f32 $0xffff, v2;
	v1 =	vadd.f32 v21, v1  }
0x280: {  	v27, _, _ =	vpop (xrf2);
	v10 =	vbroadcast v53, $0x0;
	v29 =	vmul.f32 v62, v33;
	v28 =	vadd.f32 v23, v3;
	(xrf2) =	vadd.scan.msk.f32 $0xffff, v0  }
0x281: {  	v32, _, _ =	vpop (xrf2);
	v34 =	vbroadcast v27, $0xF;
	v38 =	vbroadcast v53, $0x1;
	v33 =	vsel vm0, v25, v26;
	(xrf2) =	vadd.scan.msk.f32 $0xffff, v1  }
0x282: {  	v35, _, _ =	vpop (xrf2);
	v36 =	vbroadcast v32, $0xF;
	v0 =	vadd.f32 v29, v28;
	v1 =	vsel vm1, v33, v30  }
0x283: {  	v31 =	vmul.f32 v17, v10;
	v37, _, _ =	vpop (xrf2);
	v39 =	vbroadcast v35, $0xF;
	v1 =	vsel vm2, v1, v34  }
0x284: {  	v40, _, _ =	vpop (xrf2);
	v42 =	vbroadcast v37, $0xF;
	(xrf2) =	vadd.scan.msk.f32 $0xffff, v0;
	v41 =	vsel vm3, v1, v36  }
0x285: {  	v43, _, _ =	vpop (xrf2);
	v44 =	vsub.f32 v38, v31;
	v45 =	vbroadcast v40, $0xF;
	v0 =	vsel vm4, v41, v39  }
0x286: {  	v46, _, _ =	vpop (xrf2);
	v47 =	vbroadcast v43, $0xF;
	v0 =	vsel vm5, v0, v42  }
0x287: {  	v48, _, _ =	vpop (xrf2);
	v5 =	vadd.f32 $0.0e+00, v44;
	v49 =	vbroadcast v46, $0xF;
	v0 =	vsel vm6, v0, v45  }
0x288: {  	v51 =	vbroadcast v48, $0xF;
	v50, _, _ =	vpop (xrf2);
	v0 =	vsel vm7, v0, v47  }
0x289: {  	v5 =	vmul.f32 $1.442695020e+00, v5;
	v52, _, _ =	vpop (xrf2);
	v53 =	vbroadcast v50, $0xF;
	v0 =	vsel vm8, v0, v49  }
0x28a: {  	v55 =	vbroadcast v52, $0xF;
	v54, _, _ =	vpop (xrf2);
	v0 =	vsel vm9, v0, v51  }
0x28b: {  	(erf) = vpow2.f32 v5;
	v57 =	vbroadcast v54, $0xF;
	v0 =	vsel vm10, v0, v53;
	v56, _, _ =	vpop (xrf2)  }
0x28c: {  	v0 =	vsel vm11, v0, v55;
	v58 =	vbroadcast v56, $0xF  }
0x28d: {  	v0 =	vsel vm12, v0, v57  }
0x28e: {  	v59, _, _ =	vpop (xrf2);
	v0 =	vsel vm13, v0, v58  }
0x28f: {  	v0 =	vsel vm14, v0, v59  }
0x290: {  	v0 =	vmul.f32 v0, v10;
	_ =	sdelay $0x1  }
0x291: {  	v0 =	vsub.f32 v38, v0;
	_ =	sdelay $0x1  }
0x292: {  	v60 =	vpop (erf);
	v0 =	vadd.f32 $0.0e+00, v0  }
0x293: {  	v1 =	vadd.f32 $1.000000000e+00, v60  }
0x294: {  	v0 =	vmul.f32 $1.442695020e+00, v0  }
0x295: {  	(erf) = vrcp.f32 v1  }
0x296: {  	(erf) = vpow2.f32 v0;
	_ =	sdelay $0x7  }
0x297: {  	v61 =	vpop (erf)  }
0x298: {  	v62 =	vpop (erf)  }
0x299: {  	v1 =	vadd.f32 $1.000000000e+00, v62;
	_ =	sdelay $0x1  }
0x29a: {  	(erf) = vrcp.f32 v1;
	_ =	sdelay $0x8  }
0x29b: {  	p0 =	sne.s32 s8, $0x1;
	[tilespmem:$0x2180] =	vst v61;
	v63 =	vpop (erf)  }
.Ltmp0:
0x29c: {  	[tilespmem:$0x2190] =	vst v63;
	(pc) =	sbr.rel @p0 .LBB2_1-.Ltmp0, $4  }
0x29d: {  	[hbm4b:s7+s1] =	stream.linear.scatter [tilespmem:s16], [sflag:$0x2], $0x20, $0x38;
	[tilespmem:$0x2200] =	vst v63  }
0x29e: {  	_ =	swait.ge [sflag:s9], $0x20  }
0x29f: {  	[sflag:s9] =	ssyncset.done $0x0  }
0x2a0: {  	s8 =	sadd.s32 $0xFFFFFFFF, s8;
	[sflag:s9] =	ssyncadd.s32 $0xFFFFFFE0  }
0x2a1: {  	_ =	sfence.sel $0x180000  }
0x2a2: {  	[bflag:$0x0] =	sbarrier.arrive $0xFFFF  }
0x2a3: {  	p0 =	sne.s32 s0, $0x0;
	_ =	strace $0x90000047  }
0x2a4: {  	s0 =	sadd.s32 @!p0 $0x100000, s4;
	[bflag:$0x2] =	sbarrier.arrive $0xFFFF  }
0x2a5: {  	[sflag:s0] =	ssyncadd.tile.s32 @!p0 $0x1;
	_ =	shalt  }
.Lfunc_end2:
_tile_overlayer_lowered:
.L_overlay_start_2:
0x2a6: {  	(tag) =	ssettag $0x2  }
0x2a7: {  	s0 =	rddreg [dreg:$0x0];
	s2 =	stileid.u32  }
0x2a8: {  	s1 =	rddreg [dreg:$0x1];
	p0 =	sne.s32 s2, $0x0  }
0x2a9: {  	s3 =	rddreg [dreg:$0x2];
	[bflag:$0x3] =	sbarrier.arrive $0xFFFF;
	s2 =	simm.s32 @!p0 $0x1C02  }
0x2aa: {  	[timem:s3], [sflag:s2] =	dma.local @!p0 [hbm:s0], s1  }
0x2ab: {  	s0 =	simm.s32 @!p0 $0x2  }
0x2ac: {  	_ =	swait.ge @!p0 [sflag:s0], s1  }
0x2ad: {  	s1 =	ssub.s32 @!p0 $0x0, s1;
	[sflag:s0] =	ssyncset.done @!p0 $0x0  }
0x2ae: {  	[sflag:s0] =	ssyncadd.s32 @!p0 s1  }
0x2af: {  	[bflag:$0x3] =	sbarrier.arrive $0xFFFF  }
0x2b0: {  	_ =	shalt  }

</sc_bundles>
